<compile_context>
chip_gen: v7x
topology: tpu7x:2x2x1
jax: 0.10.2.dev20260603
libtpu: 0.0.44.dev20260713+nightly
codegen_flags: <defaults>
</compile_context>

<pallas_src>
import functools

import jax
import jax.numpy as jnp
from jax import lax
from jax.experimental import pallas as pl
from jax.experimental.pallas import tpu as pltpu
from jax.experimental.pallas import tpu_sc as plsc

R_C = 6.0
K_MAX = 8
N_TYPES = 4
N_DESC = 16
E = 800000

CH = 1280
ECH = CH // 128
NCHUNK = E // CH
NW = 32
GROUPS = CH // 16

KW = K_MAX // 2
TBL_STRIDE = N_TYPES * N_TYPES * N_DESC * KW + 1
TBL_WORDS = 16 * TBL_STRIDE
TBL_SLICE = TBL_WORDS - (N_DESC // 2 - 1) * K_MAX

_mesh = plsc.VectorSubcoreMesh(core_axis_name="c", subcore_axis_name="s")


@functools.partial(
    pl.kernel,
    out_type=jax.ShapeDtypeStruct((2, E // 128, 8, 128), jnp.float32),
    mesh=_mesh,
    scratch_types=[
        pltpu.VMEM((2, CH), jnp.float32),
        pltpu.VMEM((2, CH), jnp.int32),
        pltpu.VMEM((2, CH), jnp.int32),
        pltpu.VMEM((TBL_WORDS,), jnp.float32),
        pltpu.VMEM((2, 2, ECH, 8, 128), jnp.float32),
        pltpu.SemaphoreType.DMA,
        pltpu.SemaphoreType.DMA,
        pltpu.SemaphoreType.DMA,
        pltpu.SemaphoreType.DMA,
    ],
    compiler_params=pltpu.CompilerParams(
        needs_layout_passes=False, use_tc_tiling_on_sc=False),
)
def _sc_kernel(r_hbm, ti_hbm, tj_hbm, ct_hbm, out_hbm,
               r_v, ti_v, tj_v, ct_v, out_v,
               sin0, sin1, sout0, sout1):
    wid = lax.axis_index("c") * 16 + lax.axis_index("s")
    pltpu.sync_copy(ct_hbm, ct_v)
    n_extra = NCHUNK - (NCHUNK // NW) * NW
    n = jnp.where(wid < n_extra, NCHUNK // NW + 1, NCHUNK // NW)
    niter = NCHUNK // NW + 1
    lanes = lax.iota(jnp.int32, 16)
    sin = (sin0, sin1)
    sout = (sout0, sout1)

    def in_copies(c, b):
        base = (c * NW + wid) * CH
        return [
            pltpu.make_async_copy(r_hbm.at[pl.ds(base, CH)], r_v.at[b], sin[b]),
            pltpu.make_async_copy(ti_hbm.at[pl.ds(base, CH)], ti_v.at[b], sin[b]),
            pltpu.make_async_copy(tj_hbm.at[pl.ds(base, CH)], tj_v.at[b], sin[b]),
        ]

    def out_copy(c, b):
        cb = (c * NW + wid) * ECH
        return pltpu.make_async_copy(
            out_v.at[b], out_hbm.at[:, pl.ds(cb, ECH)], sout[b])

    @pl.when(n > 0)
    def _():
        for cp in in_copies(0, 0):
            cp.start()

    def compute_chunk(b):
        @plsc.parallel_loop(0, GROUPS, 1, unroll=4)
        def group_body(g):
            e0 = pl.multiple_of(g * 16, 16)
            echunk = g // 8
            el0 = pl.multiple_of((g % 8) * 16, 16)
            r = r_v[b, pl.ds(e0, 16)]
            ti = ti_v[b, pl.ds(e0, 16)]
            tj = tj_v[b, pl.ds(e0, 16)]
            t = r * (jnp.pi / R_C)
            t2 = t * t
            cosv = 1.0 + t2 * (-0.5 + t2 * (1.0 / 24.0 + t2 * (
                -1.0 / 720.0 + t2 * (1.0 / 40320.0))))
            fc = jnp.where(r < R_C, 0.5 * cosv + 0.5, 0.0)
            half = 0.5 * fc
            u = r * (1.0 / R_C) - 1.0
            x = 2.0 * u * u - 1.0
            two_x = x + x
            f = [fc, (x + 1.0) * half]
            cur, prev = x, jnp.ones_like(x)
            for _ in range(2, K_MAX):
                cur, prev = two_x * cur - prev, cur
                f.append((cur + 1.0) * half)
            gbase = lanes * TBL_STRIDE + (ti * N_TYPES + tj) * (N_DESC * KW)
            gk = [gbase + j for j in range(2 * KW)]
            accs = []
            for d in range(N_DESC):
                sl = ct_v.at[pl.ds((d // 2) * (2 * KW), TBL_SLICE)]
                terms = []
                for k2 in range(KW):
                    wv = plsc.load_gather(sl, [gk[(d % 2) * KW + k2]])
                    ca, cb = plsc.unpack(
                        plsc.bitcast(wv, jnp.bfloat16),
                        format=plsc.PackFormat.INTERLEAVED)
                    terms.append(f[2 * k2] * ca)
                    terms.append(f[2 * k2 + 1] * cb)
                while len(terms) > 1:
                    terms = [terms[i] + terms[i + 1]
                             for i in range(0, len(terms), 2)]
                accs.append(terms[0])
            for d in range(N_DESC):
                out_v[b, d // 8, echunk, d % 8, pl.ds(el0, 16)] = accs[d]

    def pipe_body(i, carry):
        for b in (0, 1):
            c = i * 2 + b

            @pl.when(c < n)
            def _():
                for cp in in_copies(c, b):
                    cp.wait()

                @pl.when(c + 1 < n)
                def _():
                    for cp in in_copies(c + 1, 1 - b):
                        cp.start()

                @pl.when(c >= 2)
                def _():
                    out_copy(c - 2, b).wait()

                compute_chunk(b)
                out_copy(c, b).start()
        return carry

    lax.fori_loop(0, (niter + 1) // 2, pipe_body, 0)

    @pl.when(n % 2 == 0)
    def _():
        out_copy(n - 2, 0).wait()
        out_copy(n - 1, 1).wait()

    @pl.when(n % 2 == 1)
    def _():
        out_copy(n - 2, 1).wait()
        out_copy(n - 1, 0).wait()


@jax.jit
def kernel(r_ij, type_i, type_j, c_table):
    c_bf = c_table.reshape(-1).astype(jnp.bfloat16)
    c_u16 = jax.lax.bitcast_convert_type(c_bf, jnp.uint16)
    words = (c_u16[0::2].astype(jnp.uint32)
             | (c_u16[1::2].astype(jnp.uint32) << 16))
    wf = jax.lax.bitcast_convert_type(words, jnp.float32)
    c_rep = jnp.tile(jnp.pad(wf, (0, 1)), 16)
    out4 = _sc_kernel(r_ij, type_i, type_j, c_rep)
    return out4.transpose(1, 3, 0, 2).reshape(E, N_DESC)

# --- scband reference (transcript-rebuilt; emitter-appended) ---
"""Pipeline reference for scband-radial-descriptor-14869176778800 (READ-ONLY COPY).

The authoritative reference and input builder live on the scoring server;
editing this copy changes nothing except your own understanding.
"""

import jax, jax.numpy as jnp
import numpy as np

R_C = 6.0
K_MAX = 8
N_TYPES = 4
N_DESC = 16
E = 800000


def chebyshev_basis(r, r_c, k_max):
    fc = jnp.where(r < r_c, 0.5 * jnp.cos(jnp.pi * r / r_c) + 0.5, jnp.zeros_like(r))
    x = 2.0 * (r / r_c - 1.0) ** 2 - 1.0
    half_fc = 0.5 * fc
    fn = [jnp.ones_like(x)]
    if k_max > 1:
        fn.append(x)
        for _ in range(2, k_max):
            fn.append(2 * x * fn[-1] - fn[-2])
    fn = jnp.stack(fn, axis=-1)
    fn = (fn + 1.0) * half_fc[..., None]
    return fn


def setup_inputs(seed: int = 0) -> dict:
    key = jax.random.key(seed)
    k1, k2, k3, k4 = jax.random.split(key, 4)
    r_ij = jax.random.uniform(k1, (E,), dtype=jnp.float32)
    type_i = jax.random.randint(k2, (E,), 0, N_TYPES, dtype=jnp.int32)
    type_j = jax.random.randint(k3, (E,), 0, N_TYPES, dtype=jnp.int32)
    c_table = jax.random.normal(k4, (N_TYPES, N_TYPES, N_DESC, K_MAX), dtype=jnp.float32)
    return {"r_ij": r_ij, "type_i": type_i, "type_j": type_j, "c_table": c_table}


def reference(r_ij, type_i, type_j, c_table):
    f = chebyshev_basis(r_ij, R_C, K_MAX)              # [E, k_max]
    c = c_table[type_i, type_j]                        # gather -> [E, n_desc, k_max]
    g = jnp.sum(c * f[:, None, :], axis=-1)            # [E, n_desc]
    return g

if __name__ == "__main__":
    import jax
    _d = setup_inputs()
    print(jax.jit(kernel)(*tuple(_d.values())))

</pallas_src>

<mosaic_0001>
#map = affine_map<(d0, d1) -> (0)>
#map1 = affine_map<(d0, d1) -> (0, 0, 0, 0)>
module attributes {stable_mosaic.version = 14 : i64} {
  func.func @_sc_kernel(%arg0: i32, %arg1: i32, %arg2: memref<800000xf32, #tpu.memory_space<hbm>>, %arg3: memref<800000xi32, #tpu.memory_space<hbm>>, %arg4: memref<800000xi32, #tpu.memory_space<hbm>>, %arg5: memref<16400xf32, #tpu.memory_space<hbm>>, %arg6: memref<2x6250x8x128xf32, #tpu.memory_space<hbm>>, %arg7: memref<2x1280xf32, #tpu.memory_space<vmem>>, %arg8: memref<2x1280xi32, #tpu.memory_space<vmem>>, %arg9: memref<2x1280xi32, #tpu.memory_space<vmem>>, %arg10: memref<16400xf32, #tpu.memory_space<vmem>>, %arg11: memref<2x2x10x8x128xf32, #tpu.memory_space<vmem>>, %arg12: memref<!tpu.dma_semaphore, #tpu.memory_space<semaphore_mem>>, %arg13: memref<!tpu.dma_semaphore, #tpu.memory_space<semaphore_mem>>, %arg14: memref<!tpu.dma_semaphore, #tpu.memory_space<semaphore_mem>>, %arg15: memref<!tpu.dma_semaphore, #tpu.memory_space<semaphore_mem>>) attributes {dimension_semantics = [#tpu.dimension_semantics<core_parallel>, #tpu.dimension_semantics<subcore_parallel>], iteration_bounds = array<i64: 2, 16>, scalar_prefetch = 0 : i64, scratch_operands = 9 : i64, tpu.core_type = #tpu.core_type<sc_vector_subcore>, window_params = [{transform_indices = #map}, {transform_indices = #map}, {transform_indices = #map}, {transform_indices = #map}, {transform_indices = #map1}]} {
    %mul3A = arith.constant 16 : i32
    %mul3A_0 = arith.muli %arg0, %mul3A : i32
    %add3A = arith.addi %mul3A_0, %arg1 : i32
    "tpu.region"() ({
      %run_scoped3A = tpu.sem_alloc : memref<!tpu.dma_semaphore, #tpu.memory_space<semaphore_mem>>
      tpu.enqueue_dma source(%arg5 : memref<16400xf32, #tpu.memory_space<hbm>>) target(%arg10 : memref<16400xf32, #tpu.memory_space<vmem>>) target_semaphore(%run_scoped3A : memref<!tpu.dma_semaphore, #tpu.memory_space<semaphore_mem>>)
      tpu.wait_dma2 semaphore(%run_scoped3A : memref<!tpu.dma_semaphore, #tpu.memory_space<semaphore_mem>>) src(%arg5 : memref<16400xf32, #tpu.memory_space<hbm>>) dst(%arg10 : memref<16400xf32, #tpu.memory_space<vmem>>)
      tpu.yield
    }) : () -> ()
    %lt3A = arith.constant 17 : i32
    %lt3A_1 = arith.cmpi slt, %add3A, %lt3A : i32
    %jit3A = arith.constant 20 : i32
    %jit3A_2 = arith.constant 19 : i32
    %select_n3A = arith.select %lt3A_1, %jit3A, %jit3A_2 : i32
    %iota3A = tpu.iota {dimensions = array<i32: 0>} : vector<16xi32>
    %gt3A = arith.constant 0 : i32
    %gt3A_3 = arith.cmpi sgt, %select_n3A, %gt3A : i32
    %convert_element_type3A = arith.extui %gt3A_3 : i1 to i32
    %cond3A = arith.constant 0 : i32
    %cond3A_4 = arith.cmpi ne, %convert_element_type3A, %cond3A : i32
    scf.if %cond3A_4 {
      %add3A_48 = arith.constant 0 : i32
      %add3A_49 = arith.addi %add3A_48, %add3A : i32
      %mul3A_50 = arith.constant 1280 : i32
      %mul3A_51 = arith.muli %add3A_49, %mul3A_50 : i32
      %dma_start3A = arith.constant 0 : i32
      %dma_start3A_52 = arith.constant 0 : i32
      %dma_start3A_53 = tpu.memref_slice %arg7[%dma_start3A, %dma_start3A_52] : memref<2x1280xf32, #tpu.memory_space<vmem>> -> memref<1x1280xf32, #tpu.memory_space<vmem>>
      %dma_start3A_54 = tpu.memref_squeeze %dma_start3A_53 : memref<1x1280xf32, #tpu.memory_space<vmem>> -> memref<1280xf32, #tpu.memory_space<vmem>>
      %dma_start3A_55 = tpu.memref_slice %arg2[%mul3A_51] : memref<800000xf32, #tpu.memory_space<hbm>> -> memref<1280xf32, #tpu.memory_space<hbm>>
      %dma_start3A_56 = arith.constant 0 : i32
      %dma_start3A_57 = tpu.memref_slice %arg7[%dma_start3A, %dma_start3A_56] : memref<2x1280xf32, #tpu.memory_space<vmem>> -> memref<1x1280xf32, #tpu.memory_space<vmem>>
      %dma_start3A_58 = tpu.memref_squeeze %dma_start3A_57 : memref<1x1280xf32, #tpu.memory_space<vmem>> -> memref<1280xf32, #tpu.memory_space<vmem>>
      %dma_start3A_59 = tpu.memref_slice %arg2[%mul3A_51] : memref<800000xf32, #tpu.memory_space<hbm>> -> memref<1280xf32, #tpu.memory_space<hbm>>
      tpu.enqueue_dma source(%dma_start3A_59 : memref<1280xf32, #tpu.memory_space<hbm>>) target(%dma_start3A_58 : memref<1280xf32, #tpu.memory_space<vmem>>) target_semaphore(%arg12 : memref<!tpu.dma_semaphore, #tpu.memory_space<semaphore_mem>>)
      %dma_start3A_60 = arith.constant 0 : i32
      %dma_start3A_61 = arith.constant 0 : i32
      %dma_start3A_62 = tpu.memref_slice %arg8[%dma_start3A_60, %dma_start3A_61] : memref<2x1280xi32, #tpu.memory_space<vmem>> -> memref<1x1280xi32, #tpu.memory_space<vmem>>
      %dma_start3A_63 = tpu.memref_squeeze %dma_start3A_62 : memref<1x1280xi32, #tpu.memory_space<vmem>> -> memref<1280xi32, #tpu.memory_space<vmem>>
      %dma_start3A_64 = tpu.memref_slice %arg3[%mul3A_51] : memref<800000xi32, #tpu.memory_space<hbm>> -> memref<1280xi32, #tpu.memory_space<hbm>>
      %dma_start3A_65 = arith.constant 0 : i32
      %dma_start3A_66 = tpu.memref_slice %arg8[%dma_start3A_60, %dma_start3A_65] : memref<2x1280xi32, #tpu.memory_space<vmem>> -> memref<1x1280xi32, #tpu.memory_space<vmem>>
      %dma_start3A_67 = tpu.memref_squeeze %dma_start3A_66 : memref<1x1280xi32, #tpu.memory_space<vmem>> -> memref<1280xi32, #tpu.memory_space<vmem>>
      %dma_start3A_68 = tpu.memref_slice %arg3[%mul3A_51] : memref<800000xi32, #tpu.memory_space<hbm>> -> memref<1280xi32, #tpu.memory_space<hbm>>
      tpu.enqueue_dma source(%dma_start3A_68 : memref<1280xi32, #tpu.memory_space<hbm>>) target(%dma_start3A_67 : memref<1280xi32, #tpu.memory_space<vmem>>) target_semaphore(%arg12 : memref<!tpu.dma_semaphore, #tpu.memory_space<semaphore_mem>>)
      %dma_start3A_69 = arith.constant 0 : i32
      %dma_start3A_70 = arith.constant 0 : i32
      %dma_start3A_71 = tpu.memref_slice %arg9[%dma_start3A_69, %dma_start3A_70] : memref<2x1280xi32, #tpu.memory_space<vmem>> -> memref<1x1280xi32, #tpu.memory_space<vmem>>
      %dma_start3A_72 = tpu.memref_squeeze %dma_start3A_71 : memref<1x1280xi32, #tpu.memory_space<vmem>> -> memref<1280xi32, #tpu.memory_space<vmem>>
      %dma_start3A_73 = tpu.memref_slice %arg4[%mul3A_51] : memref<800000xi32, #tpu.memory_space<hbm>> -> memref<1280xi32, #tpu.memory_space<hbm>>
      %dma_start3A_74 = arith.constant 0 : i32
      %dma_start3A_75 = tpu.memref_slice %arg9[%dma_start3A_69, %dma_start3A_74] : memref<2x1280xi32, #tpu.memory_space<vmem>> -> memref<1x1280xi32, #tpu.memory_space<vmem>>
      %dma_start3A_76 = tpu.memref_squeeze %dma_start3A_75 : memref<1x1280xi32, #tpu.memory_space<vmem>> -> memref<1280xi32, #tpu.memory_space<vmem>>
      %dma_start3A_77 = tpu.memref_slice %arg4[%mul3A_51] : memref<800000xi32, #tpu.memory_space<hbm>> -> memref<1280xi32, #tpu.memory_space<hbm>>
      tpu.enqueue_dma source(%dma_start3A_77 : memref<1280xi32, #tpu.memory_space<hbm>>) target(%dma_start3A_76 : memref<1280xi32, #tpu.memory_space<vmem>>) target_semaphore(%arg12 : memref<!tpu.dma_semaphore, #tpu.memory_space<semaphore_mem>>)
    } else {
    }
    %scan3A = arith.constant 0 : i32
    %scan3A_5 = arith.constant 0 : i32
    %scan3A_6 = arith.constant 10 : i32
    %scan3A_7 = arith.addi %scan3A_5, %scan3A_6 : i32
    %scan3A_8 = arith.constant 1 : i32
    scf.for %scan3A_48 = %scan3A_5 to %scan3A_7 step %scan3A_8  : i32 {
      %mul3A_49 = arith.constant 2 : i32
      %mul3A_50 = arith.muli %scan3A_48, %mul3A_49 : i32
      %add3A_51 = arith.constant 0 : i32
      %add3A_52 = arith.addi %mul3A_50, %add3A_51 : i32
      %lt3A_53 = arith.cmpi slt, %add3A_52, %select_n3A : i32
      %convert_element_type3A_54 = arith.extui %lt3A_53 : i1 to i32
      %cond3A_55 = arith.constant 0 : i32
      %cond3A_56 = arith.cmpi ne, %convert_element_type3A_54, %cond3A_55 : i32
      scf.if %cond3A_56 {
        %mul3A_65 = arith.constant 32 : i32
        %mul3A_66 = arith.muli %add3A_52, %mul3A_65 : i32
        %add3A_67 = arith.addi %mul3A_66, %add3A : i32
        %mul3A_68 = arith.constant 1280 : i32
        %mul3A_69 = arith.muli %add3A_67, %mul3A_68 : i32
        %dma_wait3A = arith.constant 0 : i32
        %dma_wait3A_70 = arith.constant 0 : i32
        %dma_wait3A_71 = tpu.memref_slice %arg7[%dma_wait3A, %dma_wait3A_70] : memref<2x1280xf32, #tpu.memory_space<vmem>> -> memref<1x1280xf32, #tpu.memory_space<vmem>>
        %dma_wait3A_72 = tpu.memref_squeeze %dma_wait3A_71 : memref<1x1280xf32, #tpu.memory_space<vmem>> -> memref<1280xf32, #tpu.memory_space<vmem>>
        %dma_wait3A_73 = tpu.memref_slice %arg2[%mul3A_69] : memref<800000xf32, #tpu.memory_space<hbm>> -> memref<1280xf32, #tpu.memory_space<hbm>>
        %dma_wait3A_74 = arith.constant 0 : i32
        %dma_wait3A_75 = tpu.memref_slice %arg7[%dma_wait3A, %dma_wait3A_74] : memref<2x1280xf32, #tpu.memory_space<vmem>> -> memref<1x1280xf32, #tpu.memory_space<vmem>>
        %dma_wait3A_76 = tpu.memref_squeeze %dma_wait3A_75 : memref<1x1280xf32, #tpu.memory_space<vmem>> -> memref<1280xf32, #tpu.memory_space<vmem>>
        %dma_wait3A_77 = tpu.memref_slice %arg2[%mul3A_69] : memref<800000xf32, #tpu.memory_space<hbm>> -> memref<1280xf32, #tpu.memory_space<hbm>>
        tpu.wait_dma2 semaphore(%arg12 : memref<!tpu.dma_semaphore, #tpu.memory_space<semaphore_mem>>) src(%dma_wait3A_77 : memref<1280xf32, #tpu.memory_space<hbm>>) dst(%dma_wait3A_76 : memref<1280xf32, #tpu.memory_space<vmem>>)
        %dma_wait3A_78 = arith.constant 0 : i32
        %dma_wait3A_79 = arith.constant 0 : i32
        %dma_wait3A_80 = tpu.memref_slice %arg8[%dma_wait3A_78, %dma_wait3A_79] : memref<2x1280xi32, #tpu.memory_space<vmem>> -> memref<1x1280xi32, #tpu.memory_space<vmem>>
        %dma_wait3A_81 = tpu.memref_squeeze %dma_wait3A_80 : memref<1x1280xi32, #tpu.memory_space<vmem>> -> memref<1280xi32, #tpu.memory_space<vmem>>
        %dma_wait3A_82 = tpu.memref_slice %arg3[%mul3A_69] : memref<800000xi32, #tpu.memory_space<hbm>> -> memref<1280xi32, #tpu.memory_space<hbm>>
        %dma_wait3A_83 = arith.constant 0 : i32
        %dma_wait3A_84 = tpu.memref_slice %arg8[%dma_wait3A_78, %dma_wait3A_83] : memref<2x1280xi32, #tpu.memory_space<vmem>> -> memref<1x1280xi32, #tpu.memory_space<vmem>>
        %dma_wait3A_85 = tpu.memref_squeeze %dma_wait3A_84 : memref<1x1280xi32, #tpu.memory_space<vmem>> -> memref<1280xi32, #tpu.memory_space<vmem>>
        %dma_wait3A_86 = tpu.memref_slice %arg3[%mul3A_69] : memref<800000xi32, #tpu.memory_space<hbm>> -> memref<1280xi32, #tpu.memory_space<hbm>>
        tpu.wait_dma2 semaphore(%arg12 : memref<!tpu.dma_semaphore, #tpu.memory_space<semaphore_mem>>) src(%dma_wait3A_86 : memref<1280xi32, #tpu.memory_space<hbm>>) dst(%dma_wait3A_85 : memref<1280xi32, #tpu.memory_space<vmem>>)
        %dma_wait3A_87 = arith.constant 0 : i32
        %dma_wait3A_88 = arith.constant 0 : i32
        %dma_wait3A_89 = tpu.memref_slice %arg9[%dma_wait3A_87, %dma_wait3A_88] : memref<2x1280xi32, #tpu.memory_space<vmem>> -> memref<1x1280xi32, #tpu.memory_space<vmem>>
        %dma_wait3A_90 = tpu.memref_squeeze %dma_wait3A_89 : memref<1x1280xi32, #tpu.memory_space<vmem>> -> memref<1280xi32, #tpu.memory_space<vmem>>
        %dma_wait3A_91 = tpu.memref_slice %arg4[%mul3A_69] : memref<800000xi32, #tpu.memory_space<hbm>> -> memref<1280xi32, #tpu.memory_space<hbm>>
        %dma_wait3A_92 = arith.constant 0 : i32
        %dma_wait3A_93 = tpu.memref_slice %arg9[%dma_wait3A_87, %dma_wait3A_92] : memref<2x1280xi32, #tpu.memory_space<vmem>> -> memref<1x1280xi32, #tpu.memory_space<vmem>>
        %dma_wait3A_94 = tpu.memref_squeeze %dma_wait3A_93 : memref<1x1280xi32, #tpu.memory_space<vmem>> -> memref<1280xi32, #tpu.memory_space<vmem>>
        %dma_wait3A_95 = tpu.memref_slice %arg4[%mul3A_69] : memref<800000xi32, #tpu.memory_space<hbm>> -> memref<1280xi32, #tpu.memory_space<hbm>>
        tpu.wait_dma2 semaphore(%arg12 : memref<!tpu.dma_semaphore, #tpu.memory_space<semaphore_mem>>) src(%dma_wait3A_95 : memref<1280xi32, #tpu.memory_space<hbm>>) dst(%dma_wait3A_94 : memref<1280xi32, #tpu.memory_space<vmem>>)
        %add3A_96 = arith.constant 1 : i32
        %add3A_97 = arith.addi %add3A_52, %add3A_96 : i32
        %lt3A_98 = arith.cmpi slt, %add3A_97, %select_n3A : i32
        %convert_element_type3A_99 = arith.extui %lt3A_98 : i1 to i32
        %cond3A_100 = arith.constant 0 : i32
        %cond3A_101 = arith.cmpi ne, %convert_element_type3A_99, %cond3A_100 : i32
        scf.if %cond3A_101 {
          %add3A_133 = arith.constant 1 : i32
          %add3A_134 = arith.addi %add3A_52, %add3A_133 : i32
          %mul3A_135 = arith.constant 32 : i32
          %mul3A_136 = arith.muli %add3A_134, %mul3A_135 : i32
          %add3A_137 = arith.addi %mul3A_136, %add3A : i32
          %mul3A_138 = arith.constant 1280 : i32
          %mul3A_139 = arith.muli %add3A_137, %mul3A_138 : i32
          %dma_start3A_140 = arith.constant 1 : i32
          %dma_start3A_141 = arith.constant 0 : i32
          %dma_start3A_142 = tpu.memref_slice %arg7[%dma_start3A_140, %dma_start3A_141] : memref<2x1280xf32, #tpu.memory_space<vmem>> -> memref<1x1280xf32, #tpu.memory_space<vmem>>
          %dma_start3A_143 = tpu.memref_squeeze %dma_start3A_142 : memref<1x1280xf32, #tpu.memory_space<vmem>> -> memref<1280xf32, #tpu.memory_space<vmem>>
          %dma_start3A_144 = tpu.memref_slice %arg2[%mul3A_139] : memref<800000xf32, #tpu.memory_space<hbm>> -> memref<1280xf32, #tpu.memory_space<hbm>>
          %dma_start3A_145 = arith.constant 0 : i32
          %dma_start3A_146 = tpu.memref_slice %arg7[%dma_start3A_140, %dma_start3A_145] : memref<2x1280xf32, #tpu.memory_space<vmem>> -> memref<1x1280xf32, #tpu.memory_space<vmem>>
          %dma_start3A_147 = tpu.memref_squeeze %dma_start3A_146 : memref<1x1280xf32, #tpu.memory_space<vmem>> -> memref<1280xf32, #tpu.memory_space<vmem>>
          %dma_start3A_148 = tpu.memref_slice %arg2[%mul3A_139] : memref<800000xf32, #tpu.memory_space<hbm>> -> memref<1280xf32, #tpu.memory_space<hbm>>
          tpu.enqueue_dma source(%dma_start3A_148 : memref<1280xf32, #tpu.memory_space<hbm>>) target(%dma_start3A_147 : memref<1280xf32, #tpu.memory_space<vmem>>) target_semaphore(%arg13 : memref<!tpu.dma_semaphore, #tpu.memory_space<semaphore_mem>>)
          %dma_start3A_149 = arith.constant 1 : i32
          %dma_start3A_150 = arith.constant 0 : i32
          %dma_start3A_151 = tpu.memref_slice %arg8[%dma_start3A_149, %dma_start3A_150] : memref<2x1280xi32, #tpu.memory_space<vmem>> -> memref<1x1280xi32, #tpu.memory_space<vmem>>
          %dma_start3A_152 = tpu.memref_squeeze %dma_start3A_151 : memref<1x1280xi32, #tpu.memory_space<vmem>> -> memref<1280xi32, #tpu.memory_space<vmem>>
          %dma_start3A_153 = tpu.memref_slice %arg3[%mul3A_139] : memref<800000xi32, #tpu.memory_space<hbm>> -> memref<1280xi32, #tpu.memory_space<hbm>>
          %dma_start3A_154 = arith.constant 0 : i32
          %dma_start3A_155 = tpu.memref_slice %arg8[%dma_start3A_149, %dma_start3A_154] : memref<2x1280xi32, #tpu.memory_space<vmem>> -> memref<1x1280xi32, #tpu.memory_space<vmem>>
          %dma_start3A_156 = tpu.memref_squeeze %dma_start3A_155 : memref<1x1280xi32, #tpu.memory_space<vmem>> -> memref<1280xi32, #tpu.memory_space<vmem>>
          %dma_start3A_157 = tpu.memref_slice %arg3[%mul3A_139] : memref<800000xi32, #tpu.memory_space<hbm>> -> memref<1280xi32, #tpu.memory_space<hbm>>
          tpu.enqueue_dma source(%dma_start3A_157 : memref<1280xi32, #tpu.memory_space<hbm>>) target(%dma_start3A_156 : memref<1280xi32, #tpu.memory_space<vmem>>) target_semaphore(%arg13 : memref<!tpu.dma_semaphore, #tpu.memory_space<semaphore_mem>>)
          %dma_start3A_158 = arith.constant 1 : i32
          %dma_start3A_159 = arith.constant 0 : i32
          %dma_start3A_160 = tpu.memref_slice %arg9[%dma_start3A_158, %dma_start3A_159] : memref<2x1280xi32, #tpu.memory_space<vmem>> -> memref<1x1280xi32, #tpu.memory_space<vmem>>
          %dma_start3A_161 = tpu.memref_squeeze %dma_start3A_160 : memref<1x1280xi32, #tpu.memory_space<vmem>> -> memref<1280xi32, #tpu.memory_space<vmem>>
          %dma_start3A_162 = tpu.memref_slice %arg4[%mul3A_139] : memref<800000xi32, #tpu.memory_space<hbm>> -> memref<1280xi32, #tpu.memory_space<hbm>>
          %dma_start3A_163 = arith.constant 0 : i32
          %dma_start3A_164 = tpu.memref_slice %arg9[%dma_start3A_158, %dma_start3A_163] : memref<2x1280xi32, #tpu.memory_space<vmem>> -> memref<1x1280xi32, #tpu.memory_space<vmem>>
          %dma_start3A_165 = tpu.memref_squeeze %dma_start3A_164 : memref<1x1280xi32, #tpu.memory_space<vmem>> -> memref<1280xi32, #tpu.memory_space<vmem>>
          %dma_start3A_166 = tpu.memref_slice %arg4[%mul3A_139] : memref<800000xi32, #tpu.memory_space<hbm>> -> memref<1280xi32, #tpu.memory_space<hbm>>
          tpu.enqueue_dma source(%dma_start3A_166 : memref<1280xi32, #tpu.memory_space<hbm>>) target(%dma_start3A_165 : memref<1280xi32, #tpu.memory_space<vmem>>) target_semaphore(%arg13 : memref<!tpu.dma_semaphore, #tpu.memory_space<semaphore_mem>>)
        } else {
        }
        %ge3A = arith.constant 2 : i32
        %ge3A_102 = arith.cmpi sge, %add3A_52, %ge3A : i32
        %convert_element_type3A_103 = arith.extui %ge3A_102 : i1 to i32
        %cond3A_104 = arith.constant 0 : i32
        %cond3A_105 = arith.cmpi ne, %convert_element_type3A_103, %cond3A_104 : i32
        scf.if %cond3A_105 {
          %sub3A = arith.constant 2 : i32
          %sub3A_133 = arith.subi %add3A_52, %sub3A : i32
          %mul3A_134 = arith.constant 32 : i32
          %mul3A_135 = arith.muli %sub3A_133, %mul3A_134 : i32
          %add3A_136 = arith.addi %mul3A_135, %add3A : i32
          %mul3A_137 = arith.constant 10 : i32
          %mul3A_138 = arith.muli %add3A_136, %mul3A_137 : i32
          %dma_wait3A_139 = arith.constant 0 : i32
          %dma_wait3A_140 = arith.constant 0 : i32
          %dma_wait3A_141 = arith.constant 0 : i32
          %dma_wait3A_142 = arith.constant 0 : i32
          %dma_wait3A_143 = arith.constant 0 : i32
          %dma_wait3A_144 = tpu.memref_slice %arg11[%dma_wait3A_139, %dma_wait3A_140, %dma_wait3A_141, %dma_wait3A_142, %dma_wait3A_143] : memref<2x2x10x8x128xf32, #tpu.memory_space<vmem>> -> memref<1x2x10x8x128xf32, #tpu.memory_space<vmem>>
          %dma_wait3A_145 = tpu.memref_squeeze %dma_wait3A_144 : memref<1x2x10x8x128xf32, #tpu.memory_space<vmem>> -> memref<2x10x8x128xf32, #tpu.memory_space<vmem>>
          %dma_wait3A_146 = arith.constant 0 : i32
          %dma_wait3A_147 = arith.constant 0 : i32
          %dma_wait3A_148 = arith.constant 0 : i32
          %dma_wait3A_149 = tpu.memref_slice %arg6[%dma_wait3A_146, %mul3A_138, %dma_wait3A_147, %dma_wait3A_148] : memref<2x6250x8x128xf32, #tpu.memory_space<hbm>> -> memref<2x10x8x128xf32, #tpu.memory_space<hbm>>
          %dma_wait3A_150 = arith.constant 0 : i32
          %dma_wait3A_151 = arith.constant 0 : i32
          %dma_wait3A_152 = arith.constant 0 : i32
          %dma_wait3A_153 = tpu.memref_slice %arg6[%dma_wait3A_150, %mul3A_138, %dma_wait3A_151, %dma_wait3A_152] : memref<2x6250x8x128xf32, #tpu.memory_space<hbm>> -> memref<2x10x8x128xf32, #tpu.memory_space<hbm>>
          %dma_wait3A_154 = arith.constant 0 : i32
          %dma_wait3A_155 = arith.constant 0 : i32
          %dma_wait3A_156 = arith.constant 0 : i32
          %dma_wait3A_157 = arith.constant 0 : i32
          %dma_wait3A_158 = tpu.memref_slice %arg11[%dma_wait3A_139, %dma_wait3A_154, %dma_wait3A_155, %dma_wait3A_156, %dma_wait3A_157] : memref<2x2x10x8x128xf32, #tpu.memory_space<vmem>> -> memref<1x2x10x8x128xf32, #tpu.memory_space<vmem>>
          %dma_wait3A_159 = tpu.memref_squeeze %dma_wait3A_158 : memref<1x2x10x8x128xf32, #tpu.memory_space<vmem>> -> memref<2x10x8x128xf32, #tpu.memory_space<vmem>>
          tpu.wait_dma2 semaphore(%arg14 : memref<!tpu.dma_semaphore, #tpu.memory_space<semaphore_mem>>) src(%dma_wait3A_159 : memref<2x10x8x128xf32, #tpu.memory_space<vmem>>) dst(%dma_wait3A_153 : memref<2x10x8x128xf32, #tpu.memory_space<hbm>>)
        } else {
        }
        %parallel_loop3A = arith.constant 0 : i32
        %parallel_loop3A_106 = arith.constant 80 : i32
        %parallel_loop3A_107 = arith.constant 1 : i32
        scf.for %parallel_loop3A_133 = %parallel_loop3A to %parallel_loop3A_106 step %parallel_loop3A_107  : i32 {
          %parallel_loop3A_134 = arith.constant 16 : i32
          %parallel_loop3A_135 = arith.muli %parallel_loop3A_133, %parallel_loop3A_134 : i32
          %parallel_loop3A_136 = tpu.assume_multiple %parallel_loop3A_135, 16 : i32
          %parallel_loop3A_137 = arith.constant 8 : i32
          %parallel_loop3A_138 = arith.divsi %parallel_loop3A_133, %parallel_loop3A_137 : i32
          %parallel_loop3A_139 = arith.constant 0 : i32
          %parallel_loop3A_140 = arith.cmpi sgt, %parallel_loop3A_133, %parallel_loop3A_139 : i32
          %parallel_loop3A_141 = arith.extui %parallel_loop3A_140 : i1 to i32
          %parallel_loop3A_142 = arith.constant 0 : i32
          %parallel_loop3A_143 = arith.cmpi slt, %parallel_loop3A_133, %parallel_loop3A_142 : i32
          %parallel_loop3A_144 = arith.extui %parallel_loop3A_143 : i1 to i32
          %parallel_loop3A_145 = arith.subi %parallel_loop3A_141, %parallel_loop3A_144 : i32
          %parallel_loop3A_146 = arith.constant 0 : i32
          %parallel_loop3A_147 = arith.cmpi sgt, %parallel_loop3A_137, %parallel_loop3A_146 : i32
          %parallel_loop3A_148 = arith.extui %parallel_loop3A_147 : i1 to i32
          %parallel_loop3A_149 = arith.constant 0 : i32
          %parallel_loop3A_150 = arith.cmpi slt, %parallel_loop3A_137, %parallel_loop3A_149 : i32
          %parallel_loop3A_151 = arith.extui %parallel_loop3A_150 : i1 to i32
          %parallel_loop3A_152 = arith.subi %parallel_loop3A_148, %parallel_loop3A_151 : i32
          %parallel_loop3A_153 = arith.cmpi ne, %parallel_loop3A_145, %parallel_loop3A_152 : i32
          %parallel_loop3A_154 = arith.remsi %parallel_loop3A_133, %parallel_loop3A_137 : i32
          %parallel_loop3A_155 = arith.constant 0 : i32
          %parallel_loop3A_156 = arith.cmpi ne, %parallel_loop3A_154, %parallel_loop3A_155 : i32
          %parallel_loop3A_157 = arith.andi %parallel_loop3A_153, %parallel_loop3A_156 : i1
          %parallel_loop3A_158 = arith.constant 1 : i32
          %parallel_loop3A_159 = arith.subi %parallel_loop3A_138, %parallel_loop3A_158 : i32
          %parallel_loop3A_160 = arith.select %parallel_loop3A_157, %parallel_loop3A_159, %parallel_loop3A_138 : i32
          %parallel_loop3A_161 = arith.constant 8 : i32
          %parallel_loop3A_162 = arith.constant 0 : i32
          %parallel_loop3A_163 = arith.cmpi eq, %parallel_loop3A_161, %parallel_loop3A_162 : i32
          %parallel_loop3A_164 = arith.constant 1 : i32
          %parallel_loop3A_165 = arith.select %parallel_loop3A_163, %parallel_loop3A_164, %parallel_loop3A_161 : i32
          %parallel_loop3A_166 = arith.remsi %parallel_loop3A_133, %parallel_loop3A_165 : i32
          %parallel_loop3A_167 = arith.constant 0 : i32
          %parallel_loop3A_168 = arith.cmpi ne, %parallel_loop3A_166, %parallel_loop3A_167 : i32
          %parallel_loop3A_169 = arith.constant 0 : i32
          %parallel_loop3A_170 = arith.cmpi slt, %parallel_loop3A_166, %parallel_loop3A_169 : i32
          %parallel_loop3A_171 = arith.constant 0 : i32
          %parallel_loop3A_172 = arith.cmpi slt, %parallel_loop3A_165, %parallel_loop3A_171 : i32
          %parallel_loop3A_173 = arith.xori %parallel_loop3A_170, %parallel_loop3A_172 : i1
          %parallel_loop3A_174 = arith.andi %parallel_loop3A_173, %parallel_loop3A_168 : i1
          %parallel_loop3A_175 = arith.addi %parallel_loop3A_166, %parallel_loop3A_165 : i32
          %parallel_loop3A_176 = arith.select %parallel_loop3A_174, %parallel_loop3A_175, %parallel_loop3A_166 : i32
          %parallel_loop3A_177 = arith.constant 16 : i32
          %parallel_loop3A_178 = arith.muli %parallel_loop3A_176, %parallel_loop3A_177 : i32
          %parallel_loop3A_179 = tpu.assume_multiple %parallel_loop3A_178, 16 : i32
          %parallel_loop3A_180 = arith.constant 0 : i32
          %parallel_loop3A_181 = arith.index_cast %parallel_loop3A_180 : i32 to index
          %parallel_loop3A_182 = arith.index_cast %parallel_loop3A_136 : i32 to index
          %parallel_loop3A_183 = tpu.vector_load %arg7[%parallel_loop3A_181, %parallel_loop3A_182] {strides = array<i32>} : memref<2x1280xf32, #tpu.memory_space<vmem>>, vector<16xf32>,
          %parallel_loop3A_184 = arith.constant 0 : i32
          %parallel_loop3A_185 = arith.index_cast %parallel_loop3A_184 : i32 to index
          %parallel_loop3A_186 = arith.index_cast %parallel_loop3A_136 : i32 to index
          %parallel_loop3A_187 = tpu.vector_load %arg8[%parallel_loop3A_185, %parallel_loop3A_186] {strides = array<i32>} : memref<2x1280xi32, #tpu.memory_space<vmem>>, vector<16xi32>,
          %parallel_loop3A_188 = arith.constant 0 : i32
          %parallel_loop3A_189 = arith.index_cast %parallel_loop3A_188 : i32 to index
          %parallel_loop3A_190 = arith.index_cast %parallel_loop3A_136 : i32 to index
          %parallel_loop3A_191 = tpu.vector_load %arg9[%parallel_loop3A_189, %parallel_loop3A_190] {strides = array<i32>} : memref<2x1280xi32, #tpu.memory_space<vmem>>, vector<16xi32>,
          %parallel_loop3A_192 = arith.constant 0.52359879 : f32
          %parallel_loop3A_193 = vector.broadcast %parallel_loop3A_192 : f32 to vector<16xf32>
          %parallel_loop3A_194 = arith.mulf %parallel_loop3A_183, %parallel_loop3A_193 : vector<16xf32>
          %parallel_loop3A_195 = arith.mulf %parallel_loop3A_194, %parallel_loop3A_194 : vector<16xf32>
          %parallel_loop3A_196 = arith.constant 2.48015876E-5 : f32
          %parallel_loop3A_197 = vector.broadcast %parallel_loop3A_196 : f32 to vector<16xf32>
          %parallel_loop3A_198 = arith.mulf %parallel_loop3A_195, %parallel_loop3A_197 : vector<16xf32>
          %parallel_loop3A_199 = arith.constant -0.00138888892 : f32
          %parallel_loop3A_200 = vector.broadcast %parallel_loop3A_199 : f32 to vector<16xf32>
          %parallel_loop3A_201 = arith.addf %parallel_loop3A_200, %parallel_loop3A_198 : vector<16xf32>
          %parallel_loop3A_202 = arith.mulf %parallel_loop3A_195, %parallel_loop3A_201 : vector<16xf32>
          %parallel_loop3A_203 = arith.constant 0.0416666679 : f32
          %parallel_loop3A_204 = vector.broadcast %parallel_loop3A_203 : f32 to vector<16xf32>
          %parallel_loop3A_205 = arith.addf %parallel_loop3A_204, %parallel_loop3A_202 : vector<16xf32>
          %parallel_loop3A_206 = arith.mulf %parallel_loop3A_195, %parallel_loop3A_205 : vector<16xf32>
          %parallel_loop3A_207 = arith.constant -5.000000e-01 : f32
          %parallel_loop3A_208 = vector.broadcast %parallel_loop3A_207 : f32 to vector<16xf32>
          %parallel_loop3A_209 = arith.addf %parallel_loop3A_208, %parallel_loop3A_206 : vector<16xf32>
          %parallel_loop3A_210 = arith.mulf %parallel_loop3A_195, %parallel_loop3A_209 : vector<16xf32>
          %parallel_loop3A_211 = arith.constant 1.000000e+00 : f32
          %parallel_loop3A_212 = vector.broadcast %parallel_loop3A_211 : f32 to vector<16xf32>
          %parallel_loop3A_213 = arith.addf %parallel_loop3A_212, %parallel_loop3A_210 : vector<16xf32>
          %parallel_loop3A_214 = arith.constant 6.000000e+00 : f32
          %parallel_loop3A_215 = vector.broadcast %parallel_loop3A_214 : f32 to vector<16xf32>
          %parallel_loop3A_216 = arith.cmpf olt, %parallel_loop3A_183, %parallel_loop3A_215 : vector<16xf32>
          %parallel_loop3A_217 = arith.constant 5.000000e-01 : f32
          %parallel_loop3A_218 = vector.broadcast %parallel_loop3A_217 : f32 to vector<16xf32>
          %parallel_loop3A_219 = arith.mulf %parallel_loop3A_218, %parallel_loop3A_213 : vector<16xf32>
          %parallel_loop3A_220 = arith.constant 5.000000e-01 : f32
          %parallel_loop3A_221 = vector.broadcast %parallel_loop3A_220 : f32 to vector<16xf32>
          %parallel_loop3A_222 = arith.addf %parallel_loop3A_219, %parallel_loop3A_221 : vector<16xf32>
          %parallel_loop3A_223 = arith.constant 0.000000e+00 : f32
          %parallel_loop3A_224 = vector.broadcast %parallel_loop3A_223 : f32 to vector<16xf32>
          %parallel_loop3A_225 = arith.select %parallel_loop3A_216, %parallel_loop3A_222, %parallel_loop3A_224 : vector<16xi1>, vector<16xf32>
          %parallel_loop3A_226 = arith.constant 5.000000e-01 : f32
          %parallel_loop3A_227 = vector.broadcast %parallel_loop3A_226 : f32 to vector<16xf32>
          %parallel_loop3A_228 = arith.mulf %parallel_loop3A_227, %parallel_loop3A_225 : vector<16xf32>
          %parallel_loop3A_229 = arith.constant 0.166666672 : f32
          %parallel_loop3A_230 = vector.broadcast %parallel_loop3A_229 : f32 to vector<16xf32>
          %parallel_loop3A_231 = arith.mulf %parallel_loop3A_183, %parallel_loop3A_230 : vector<16xf32>
          %parallel_loop3A_232 = arith.constant 1.000000e+00 : f32
          %parallel_loop3A_233 = vector.broadcast %parallel_loop3A_232 : f32 to vector<16xf32>
          %parallel_loop3A_234 = arith.subf %parallel_loop3A_231, %parallel_loop3A_233 : vector<16xf32>
          %parallel_loop3A_235 = arith.constant 2.000000e+00 : f32
          %parallel_loop3A_236 = vector.broadcast %parallel_loop3A_235 : f32 to vector<16xf32>
          %parallel_loop3A_237 = arith.mulf %parallel_loop3A_236, %parallel_loop3A_234 : vector<16xf32>
          %parallel_loop3A_238 = arith.mulf %parallel_loop3A_237, %parallel_loop3A_234 : vector<16xf32>
          %parallel_loop3A_239 = arith.constant 1.000000e+00 : f32
          %parallel_loop3A_240 = vector.broadcast %parallel_loop3A_239 : f32 to vector<16xf32>
          %parallel_loop3A_241 = arith.subf %parallel_loop3A_238, %parallel_loop3A_240 : vector<16xf32>
          %parallel_loop3A_242 = arith.addf %parallel_loop3A_241, %parallel_loop3A_241 : vector<16xf32>
          %parallel_loop3A_243 = arith.constant 1.000000e+00 : f32
          %parallel_loop3A_244 = vector.broadcast %parallel_loop3A_243 : f32 to vector<16xf32>
          %parallel_loop3A_245 = arith.addf %parallel_loop3A_241, %parallel_loop3A_244 : vector<16xf32>
          %parallel_loop3A_246 = arith.mulf %parallel_loop3A_245, %parallel_loop3A_228 : vector<16xf32>
          %parallel_loop3A_247 = arith.constant 1.000000e+00 : f32
          %parallel_loop3A_248 = vector.broadcast %parallel_loop3A_247 : f32 to vector<16xf32>
          %parallel_loop3A_249 = arith.mulf %parallel_loop3A_242, %parallel_loop3A_241 : vector<16xf32>
          %parallel_loop3A_250 = arith.subf %parallel_loop3A_249, %parallel_loop3A_248 : vector<16xf32>
          %parallel_loop3A_251 = arith.constant 1.000000e+00 : f32
          %parallel_loop3A_252 = vector.broadcast %parallel_loop3A_251 : f32 to vector<16xf32>
          %parallel_loop3A_253 = arith.addf %parallel_loop3A_250, %parallel_loop3A_252 : vector<16xf32>
          %parallel_loop3A_254 = arith.mulf %parallel_loop3A_253, %parallel_loop3A_228 : vector<16xf32>
          %parallel_loop3A_255 = arith.mulf %parallel_loop3A_242, %parallel_loop3A_250 : vector<16xf32>
          %parallel_loop3A_256 = arith.subf %parallel_loop3A_255, %parallel_loop3A_241 : vector<16xf32>
          %parallel_loop3A_257 = arith.constant 1.000000e+00 : f32
          %parallel_loop3A_258 = vector.broadcast %parallel_loop3A_257 : f32 to vector<16xf32>
          %parallel_loop3A_259 = arith.addf %parallel_loop3A_256, %parallel_loop3A_258 : vector<16xf32>
          %parallel_loop3A_260 = arith.mulf %parallel_loop3A_259, %parallel_loop3A_228 : vector<16xf32>
          %parallel_loop3A_261 = arith.mulf %parallel_loop3A_242, %parallel_loop3A_256 : vector<16xf32>
          %parallel_loop3A_262 = arith.subf %parallel_loop3A_261, %parallel_loop3A_250 : vector<16xf32>
          %parallel_loop3A_263 = arith.constant 1.000000e+00 : f32
          %parallel_loop3A_264 = vector.broadcast %parallel_loop3A_263 : f32 to vector<16xf32>
          %parallel_loop3A_265 = arith.addf %parallel_loop3A_262, %parallel_loop3A_264 : vector<16xf32>
          %parallel_loop3A_266 = arith.mulf %parallel_loop3A_265, %parallel_loop3A_228 : vector<16xf32>
          %parallel_loop3A_267 = arith.mulf %parallel_loop3A_242, %parallel_loop3A_262 : vector<16xf32>
          %parallel_loop3A_268 = arith.subf %parallel_loop3A_267, %parallel_loop3A_256 : vector<16xf32>
          %parallel_loop3A_269 = arith.constant 1.000000e+00 : f32
          %parallel_loop3A_270 = vector.broadcast %parallel_loop3A_269 : f32 to vector<16xf32>
          %parallel_loop3A_271 = arith.addf %parallel_loop3A_268, %parallel_loop3A_270 : vector<16xf32>
          %parallel_loop3A_272 = arith.mulf %parallel_loop3A_271, %parallel_loop3A_228 : vector<16xf32>
          %parallel_loop3A_273 = arith.mulf %parallel_loop3A_242, %parallel_loop3A_268 : vector<16xf32>
          %parallel_loop3A_274 = arith.subf %parallel_loop3A_273, %parallel_loop3A_262 : vector<16xf32>
          %parallel_loop3A_275 = arith.constant 1.000000e+00 : f32
          %parallel_loop3A_276 = vector.broadcast %parallel_loop3A_275 : f32 to vector<16xf32>
          %parallel_loop3A_277 = arith.addf %parallel_loop3A_274, %parallel_loop3A_276 : vector<16xf32>
          %parallel_loop3A_278 = arith.mulf %parallel_loop3A_277, %parallel_loop3A_228 : vector<16xf32>
          %parallel_loop3A_279 = arith.mulf %parallel_loop3A_242, %parallel_loop3A_274 : vector<16xf32>
          %parallel_loop3A_280 = arith.subf %parallel_loop3A_279, %parallel_loop3A_268 : vector<16xf32>
          %parallel_loop3A_281 = arith.constant 1.000000e+00 : f32
          %parallel_loop3A_282 = vector.broadcast %parallel_loop3A_281 : f32 to vector<16xf32>
          %parallel_loop3A_283 = arith.addf %parallel_loop3A_280, %parallel_loop3A_282 : vector<16xf32>
          %parallel_loop3A_284 = arith.mulf %parallel_loop3A_283, %parallel_loop3A_228 : vector<16xf32>
          %parallel_loop3A_285 = arith.constant 1025 : i32
          %parallel_loop3A_286 = vector.broadcast %parallel_loop3A_285 : i32 to vector<16xi32>
          %parallel_loop3A_287 = arith.muli %iota3A, %parallel_loop3A_286 : vector<16xi32>
          %parallel_loop3A_288 = arith.constant 4 : i32
          %parallel_loop3A_289 = vector.broadcast %parallel_loop3A_288 : i32 to vector<16xi32>
          %parallel_loop3A_290 = arith.muli %parallel_loop3A_187, %parallel_loop3A_289 : vector<16xi32>
          %parallel_loop3A_291 = arith.addi %parallel_loop3A_290, %parallel_loop3A_191 : vector<16xi32>
          %parallel_loop3A_292 = arith.constant 64 : i32
          %parallel_loop3A_293 = vector.broadcast %parallel_loop3A_292 : i32 to vector<16xi32>
          %parallel_loop3A_294 = arith.muli %parallel_loop3A_291, %parallel_loop3A_293 : vector<16xi32>
          %parallel_loop3A_295 = arith.addi %parallel_loop3A_287, %parallel_loop3A_294 : vector<16xi32>
          %parallel_loop3A_296 = arith.constant 0 : i32
          %parallel_loop3A_297 = vector.broadcast %parallel_loop3A_296 : i32 to vector<16xi32>
          %parallel_loop3A_298 = arith.addi %parallel_loop3A_295, %parallel_loop3A_297 : vector<16xi32>
          %parallel_loop3A_299 = arith.constant 1 : i32
          %parallel_loop3A_300 = vector.broadcast %parallel_loop3A_299 : i32 to vector<16xi32>
          %parallel_loop3A_301 = arith.addi %parallel_loop3A_295, %parallel_loop3A_300 : vector<16xi32>
          %parallel_loop3A_302 = arith.constant 2 : i32
          %parallel_loop3A_303 = vector.broadcast %parallel_loop3A_302 : i32 to vector<16xi32>
          %parallel_loop3A_304 = arith.addi %parallel_loop3A_295, %parallel_loop3A_303 : vector<16xi32>
          %parallel_loop3A_305 = arith.constant 3 : i32
          %parallel_loop3A_306 = vector.broadcast %parallel_loop3A_305 : i32 to vector<16xi32>
          %parallel_loop3A_307 = arith.addi %parallel_loop3A_295, %parallel_loop3A_306 : vector<16xi32>
          %parallel_loop3A_308 = arith.constant 4 : i32
          %parallel_loop3A_309 = vector.broadcast %parallel_loop3A_308 : i32 to vector<16xi32>
          %parallel_loop3A_310 = arith.addi %parallel_loop3A_295, %parallel_loop3A_309 : vector<16xi32>
          %parallel_loop3A_311 = arith.constant 5 : i32
          %parallel_loop3A_312 = vector.broadcast %parallel_loop3A_311 : i32 to vector<16xi32>
          %parallel_loop3A_313 = arith.addi %parallel_loop3A_295, %parallel_loop3A_312 : vector<16xi32>
          %parallel_loop3A_314 = arith.constant 6 : i32
          %parallel_loop3A_315 = vector.broadcast %parallel_loop3A_314 : i32 to vector<16xi32>
          %parallel_loop3A_316 = arith.addi %parallel_loop3A_295, %parallel_loop3A_315 : vector<16xi32>
          %parallel_loop3A_317 = arith.constant 7 : i32
          %parallel_loop3A_318 = vector.broadcast %parallel_loop3A_317 : i32 to vector<16xi32>
          %parallel_loop3A_319 = arith.addi %parallel_loop3A_295, %parallel_loop3A_318 : vector<16xi32>
          %parallel_loop3A_320 = arith.constant 0 : i32
          %parallel_loop3A_321 = tpu.memref_slice %arg10[%parallel_loop3A_320] : memref<16400xf32, #tpu.memory_space<vmem>> -> memref<16344xf32, #tpu.memory_space<vmem>>
          %parallel_loop3A_322 = tpu.vector_load_idx %parallel_loop3A_321[%parallel_loop3A_298] : memref<16344xf32, #tpu.memory_space<vmem>>[vector<16xi32>], vector<16xf32>,
          %parallel_loop3A_323 = vector.bitcast %parallel_loop3A_322 : vector<16xf32> to vector<32xbf16>
          %parallel_loop3A_324 = tpu.unpack_subelements %parallel_loop3A_323, 0 {pack_format = #tpu.pack_format<interleaved>} : vector<32xbf16> -> vector<16xf32>
          %parallel_loop3A_325 = tpu.unpack_subelements %parallel_loop3A_323, 1 {pack_format = #tpu.pack_format<interleaved>} : vector<32xbf16> -> vector<16xf32>
          %parallel_loop3A_326 = arith.mulf %parallel_loop3A_225, %parallel_loop3A_324 : vector<16xf32>
          %parallel_loop3A_327 = arith.mulf %parallel_loop3A_246, %parallel_loop3A_325 : vector<16xf32>
          %parallel_loop3A_328 = arith.constant 0 : i32
          %parallel_loop3A_329 = tpu.memref_slice %arg10[%parallel_loop3A_328] : memref<16400xf32, #tpu.memory_space<vmem>> -> memref<16344xf32, #tpu.memory_space<vmem>>
          %parallel_loop3A_330 = tpu.vector_load_idx %parallel_loop3A_329[%parallel_loop3A_301] : memref<16344xf32, #tpu.memory_space<vmem>>[vector<16xi32>], vector<16xf32>,
          %parallel_loop3A_331 = vector.bitcast %parallel_loop3A_330 : vector<16xf32> to vector<32xbf16>
          %parallel_loop3A_332 = tpu.unpack_subelements %parallel_loop3A_331, 0 {pack_format = #tpu.pack_format<interleaved>} : vector<32xbf16> -> vector<16xf32>
          %parallel_loop3A_333 = tpu.unpack_subelements %parallel_loop3A_331, 1 {pack_format = #tpu.pack_format<interleaved>} : vector<32xbf16> -> vector<16xf32>
          %parallel_loop3A_334 = arith.mulf %parallel_loop3A_254, %parallel_loop3A_332 : vector<16xf32>
          %parallel_loop3A_335 = arith.mulf %parallel_loop3A_260, %parallel_loop3A_333 : vector<16xf32>
          %parallel_loop3A_336 = arith.constant 0 : i32
          %parallel_loop3A_337 = tpu.memref_slice %arg10[%parallel_loop3A_336] : memref<16400xf32, #tpu.memory_space<vmem>> -> memref<16344xf32, #tpu.memory_space<vmem>>
          %parallel_loop3A_338 = tpu.vector_load_idx %parallel_loop3A_337[%parallel_loop3A_304] : memref<16344xf32, #tpu.memory_space<vmem>>[vector<16xi32>], vector<16xf32>,
          %parallel_loop3A_339 = vector.bitcast %parallel_loop3A_338 : vector<16xf32> to vector<32xbf16>
          %parallel_loop3A_340 = tpu.unpack_subelements %parallel_loop3A_339, 0 {pack_format = #tpu.pack_format<interleaved>} : vector<32xbf16> -> vector<16xf32>
          %parallel_loop3A_341 = tpu.unpack_subelements %parallel_loop3A_339, 1 {pack_format = #tpu.pack_format<interleaved>} : vector<32xbf16> -> vector<16xf32>
          %parallel_loop3A_342 = arith.mulf %parallel_loop3A_266, %parallel_loop3A_340 : vector<16xf32>
          %parallel_loop3A_343 = arith.mulf %parallel_loop3A_272, %parallel_loop3A_341 : vector<16xf32>
          %parallel_loop3A_344 = arith.constant 0 : i32
          %parallel_loop3A_345 = tpu.memref_slice %arg10[%parallel_loop3A_344] : memref<16400xf32, #tpu.memory_space<vmem>> -> memref<16344xf32, #tpu.memory_space<vmem>>
          %parallel_loop3A_346 = tpu.vector_load_idx %parallel_loop3A_345[%parallel_loop3A_307] : memref<16344xf32, #tpu.memory_space<vmem>>[vector<16xi32>], vector<16xf32>,
          %parallel_loop3A_347 = vector.bitcast %parallel_loop3A_346 : vector<16xf32> to vector<32xbf16>
          %parallel_loop3A_348 = tpu.unpack_subelements %parallel_loop3A_347, 0 {pack_format = #tpu.pack_format<interleaved>} : vector<32xbf16> -> vector<16xf32>
          %parallel_loop3A_349 = tpu.unpack_subelements %parallel_loop3A_347, 1 {pack_format = #tpu.pack_format<interleaved>} : vector<32xbf16> -> vector<16xf32>
          %parallel_loop3A_350 = arith.mulf %parallel_loop3A_278, %parallel_loop3A_348 : vector<16xf32>
          %parallel_loop3A_351 = arith.mulf %parallel_loop3A_284, %parallel_loop3A_349 : vector<16xf32>
          %parallel_loop3A_352 = arith.addf %parallel_loop3A_326, %parallel_loop3A_327 : vector<16xf32>
          %parallel_loop3A_353 = arith.addf %parallel_loop3A_334, %parallel_loop3A_335 : vector<16xf32>
          %parallel_loop3A_354 = arith.addf %parallel_loop3A_342, %parallel_loop3A_343 : vector<16xf32>
          %parallel_loop3A_355 = arith.addf %parallel_loop3A_350, %parallel_loop3A_351 : vector<16xf32>
          %parallel_loop3A_356 = arith.addf %parallel_loop3A_352, %parallel_loop3A_353 : vector<16xf32>
          %parallel_loop3A_357 = arith.addf %parallel_loop3A_354, %parallel_loop3A_355 : vector<16xf32>
          %parallel_loop3A_358 = arith.addf %parallel_loop3A_356, %parallel_loop3A_357 : vector<16xf32>
          %parallel_loop3A_359 = arith.constant 0 : i32
          %parallel_loop3A_360 = tpu.memref_slice %arg10[%parallel_loop3A_359] : memref<16400xf32, #tpu.memory_space<vmem>> -> memref<16344xf32, #tpu.memory_space<vmem>>
          %parallel_loop3A_361 = tpu.vector_load_idx %parallel_loop3A_360[%parallel_loop3A_310] : memref<16344xf32, #tpu.memory_space<vmem>>[vector<16xi32>], vector<16xf32>,
          %parallel_loop3A_362 = vector.bitcast %parallel_loop3A_361 : vector<16xf32> to vector<32xbf16>
          %parallel_loop3A_363 = tpu.unpack_subelements %parallel_loop3A_362, 0 {pack_format = #tpu.pack_format<interleaved>} : vector<32xbf16> -> vector<16xf32>
          %parallel_loop3A_364 = tpu.unpack_subelements %parallel_loop3A_362, 1 {pack_format = #tpu.pack_format<interleaved>} : vector<32xbf16> -> vector<16xf32>
          %parallel_loop3A_365 = arith.mulf %parallel_loop3A_225, %parallel_loop3A_363 : vector<16xf32>
          %parallel_loop3A_366 = arith.mulf %parallel_loop3A_246, %parallel_loop3A_364 : vector<16xf32>
          %parallel_loop3A_367 = arith.constant 0 : i32
          %parallel_loop3A_368 = tpu.memref_slice %arg10[%parallel_loop3A_367] : memref<16400xf32, #tpu.memory_space<vmem>> -> memref<16344xf32, #tpu.memory_space<vmem>>
          %parallel_loop3A_369 = tpu.vector_load_idx %parallel_loop3A_368[%parallel_loop3A_313] : memref<16344xf32, #tpu.memory_space<vmem>>[vector<16xi32>], vector<16xf32>,
          %parallel_loop3A_370 = vector.bitcast %parallel_loop3A_369 : vector<16xf32> to vector<32xbf16>
          %parallel_loop3A_371 = tpu.unpack_subelements %parallel_loop3A_370, 0 {pack_format = #tpu.pack_format<interleaved>} : vector<32xbf16> -> vector<16xf32>
          %parallel_loop3A_372 = tpu.unpack_subelements %parallel_loop3A_370, 1 {pack_format = #tpu.pack_format<interleaved>} : vector<32xbf16> -> vector<16xf32>
          %parallel_loop3A_373 = arith.mulf %parallel_loop3A_254, %parallel_loop3A_371 : vector<16xf32>
          %parallel_loop3A_374 = arith.mulf %parallel_loop3A_260, %parallel_loop3A_372 : vector<16xf32>
          %parallel_loop3A_375 = arith.constant 0 : i32
          %parallel_loop3A_376 = tpu.memref_slice %arg10[%parallel_loop3A_375] : memref<16400xf32, #tpu.memory_space<vmem>> -> memref<16344xf32, #tpu.memory_space<vmem>>
          %parallel_loop3A_377 = tpu.vector_load_idx %parallel_loop3A_376[%parallel_loop3A_316] : memref<16344xf32, #tpu.memory_space<vmem>>[vector<16xi32>], vector<16xf32>,
          %parallel_loop3A_378 = vector.bitcast %parallel_loop3A_377 : vector<16xf32> to vector<32xbf16>
          %parallel_loop3A_379 = tpu.unpack_subelements %parallel_loop3A_378, 0 {pack_format = #tpu.pack_format<interleaved>} : vector<32xbf16> -> vector<16xf32>
          %parallel_loop3A_380 = tpu.unpack_subelements %parallel_loop3A_378, 1 {pack_format = #tpu.pack_format<interleaved>} : vector<32xbf16> -> vector<16xf32>
          %parallel_loop3A_381 = arith.mulf %parallel_loop3A_266, %parallel_loop3A_379 : vector<16xf32>
          %parallel_loop3A_382 = arith.mulf %parallel_loop3A_272, %parallel_loop3A_380 : vector<16xf32>
          %parallel_loop3A_383 = arith.constant 0 : i32
          %parallel_loop3A_384 = tpu.memref_slice %arg10[%parallel_loop3A_383] : memref<16400xf32, #tpu.memory_space<vmem>> -> memref<16344xf32, #tpu.memory_space<vmem>>
          %parallel_loop3A_385 = tpu.vector_load_idx %parallel_loop3A_384[%parallel_loop3A_319] : memref<16344xf32, #tpu.memory_space<vmem>>[vector<16xi32>], vector<16xf32>,
          %parallel_loop3A_386 = vector.bitcast %parallel_loop3A_385 : vector<16xf32> to vector<32xbf16>
          %parallel_loop3A_387 = tpu.unpack_subelements %parallel_loop3A_386, 0 {pack_format = #tpu.pack_format<interleaved>} : vector<32xbf16> -> vector<16xf32>
          %parallel_loop3A_388 = tpu.unpack_subelements %parallel_loop3A_386, 1 {pack_format = #tpu.pack_format<interleaved>} : vector<32xbf16> -> vector<16xf32>
          %parallel_loop3A_389 = arith.mulf %parallel_loop3A_278, %parallel_loop3A_387 : vector<16xf32>
          %parallel_loop3A_390 = arith.mulf %parallel_loop3A_284, %parallel_loop3A_388 : vector<16xf32>
          %parallel_loop3A_391 = arith.addf %parallel_loop3A_365, %parallel_loop3A_366 : vector<16xf32>
          %parallel_loop3A_392 = arith.addf %parallel_loop3A_373, %parallel_loop3A_374 : vector<16xf32>
          %parallel_loop3A_393 = arith.addf %parallel_loop3A_381, %parallel_loop3A_382 : vector<16xf32>
          %parallel_loop3A_394 = arith.addf %parallel_loop3A_389, %parallel_loop3A_390 : vector<16xf32>
          %parallel_loop3A_395 = arith.addf %parallel_loop3A_391, %parallel_loop3A_392 : vector<16xf32>
          %parallel_loop3A_396 = arith.addf %parallel_loop3A_393, %parallel_loop3A_394 : vector<16xf32>
          %parallel_loop3A_397 = arith.addf %parallel_loop3A_395, %parallel_loop3A_396 : vector<16xf32>
          %parallel_loop3A_398 = arith.constant 8 : i32
          %parallel_loop3A_399 = tpu.memref_slice %arg10[%parallel_loop3A_398] : memref<16400xf32, #tpu.memory_space<vmem>> -> memref<16344xf32, #tpu.memory_space<vmem>>
          %parallel_loop3A_400 = tpu.vector_load_idx %parallel_loop3A_399[%parallel_loop3A_298] : memref<16344xf32, #tpu.memory_space<vmem>>[vector<16xi32>], vector<16xf32>,
          %parallel_loop3A_401 = vector.bitcast %parallel_loop3A_400 : vector<16xf32> to vector<32xbf16>
          %parallel_loop3A_402 = tpu.unpack_subelements %parallel_loop3A_401, 0 {pack_format = #tpu.pack_format<interleaved>} : vector<32xbf16> -> vector<16xf32>
          %parallel_loop3A_403 = tpu.unpack_subelements %parallel_loop3A_401, 1 {pack_format = #tpu.pack_format<interleaved>} : vector<32xbf16> -> vector<16xf32>
          %parallel_loop3A_404 = arith.mulf %parallel_loop3A_225, %parallel_loop3A_402 : vector<16xf32>
          %parallel_loop3A_405 = arith.mulf %parallel_loop3A_246, %parallel_loop3A_403 : vector<16xf32>
          %parallel_loop3A_406 = arith.constant 8 : i32
          %parallel_loop3A_407 = tpu.memref_slice %arg10[%parallel_loop3A_406] : memref<16400xf32, #tpu.memory_space<vmem>> -> memref<16344xf32, #tpu.memory_space<vmem>>
          %parallel_loop3A_408 = tpu.vector_load_idx %parallel_loop3A_407[%parallel_loop3A_301] : memref<16344xf32, #tpu.memory_space<vmem>>[vector<16xi32>], vector<16xf32>,
          %parallel_loop3A_409 = vector.bitcast %parallel_loop3A_408 : vector<16xf32> to vector<32xbf16>
          %parallel_loop3A_410 = tpu.unpack_subelements %parallel_loop3A_409, 0 {pack_format = #tpu.pack_format<interleaved>} : vector<32xbf16> -> vector<16xf32>
          %parallel_loop3A_411 = tpu.unpack_subelements %parallel_loop3A_409, 1 {pack_format = #tpu.pack_format<interleaved>} : vector<32xbf16> -> vector<16xf32>
          %parallel_loop3A_412 = arith.mulf %parallel_loop3A_254, %parallel_loop3A_410 : vector<16xf32>
          %parallel_loop3A_413 = arith.mulf %parallel_loop3A_260, %parallel_loop3A_411 : vector<16xf32>
          %parallel_loop3A_414 = arith.constant 8 : i32
          %parallel_loop3A_415 = tpu.memref_slice %arg10[%parallel_loop3A_414] : memref<16400xf32, #tpu.memory_space<vmem>> -> memref<16344xf32, #tpu.memory_space<vmem>>
          %parallel_loop3A_416 = tpu.vector_load_idx %parallel_loop3A_415[%parallel_loop3A_304] : memref<16344xf32, #tpu.memory_space<vmem>>[vector<16xi32>], vector<16xf32>,
          %parallel_loop3A_417 = vector.bitcast %parallel_loop3A_416 : vector<16xf32> to vector<32xbf16>
          %parallel_loop3A_418 = tpu.unpack_subelements %parallel_loop3A_417, 0 {pack_format = #tpu.pack_format<interleaved>} : vector<32xbf16> -> vector<16xf32>
          %parallel_loop3A_419 = tpu.unpack_subelements %parallel_loop3A_417, 1 {pack_format = #tpu.pack_format<interleaved>} : vector<32xbf16> -> vector<16xf32>
          %parallel_loop3A_420 = arith.mulf %parallel_loop3A_266, %parallel_loop3A_418 : vector<16xf32>
          %parallel_loop3A_421 = arith.mulf %parallel_loop3A_272, %parallel_loop3A_419 : vector<16xf32>
          %parallel_loop3A_422 = arith.constant 8 : i32
          %parallel_loop3A_423 = tpu.memref_slice %arg10[%parallel_loop3A_422] : memref<16400xf32, #tpu.memory_space<vmem>> -> memref<16344xf32, #tpu.memory_space<vmem>>
          %parallel_loop3A_424 = tpu.vector_load_idx %parallel_loop3A_423[%parallel_loop3A_307] : memref<16344xf32, #tpu.memory_space<vmem>>[vector<16xi32>], vector<16xf32>,
          %parallel_loop3A_425 = vector.bitcast %parallel_loop3A_424 : vector<16xf32> to vector<32xbf16>
          %parallel_loop3A_426 = tpu.unpack_subelements %parallel_loop3A_425, 0 {pack_format = #tpu.pack_format<interleaved>} : vector<32xbf16> -> vector<16xf32>
          %parallel_loop3A_427 = tpu.unpack_subelements %parallel_loop3A_425, 1 {pack_format = #tpu.pack_format<interleaved>} : vector<32xbf16> -> vector<16xf32>
          %parallel_loop3A_428 = arith.mulf %parallel_loop3A_278, %parallel_loop3A_426 : vector<16xf32>
          %parallel_loop3A_429 = arith.mulf %parallel_loop3A_284, %parallel_loop3A_427 : vector<16xf32>
          %parallel_loop3A_430 = arith.addf %parallel_loop3A_404, %parallel_loop3A_405 : vector<16xf32>
          %parallel_loop3A_431 = arith.addf %parallel_loop3A_412, %parallel_loop3A_413 : vector<16xf32>
          %parallel_loop3A_432 = arith.addf %parallel_loop3A_420, %parallel_loop3A_421 : vector<16xf32>
          %parallel_loop3A_433 = arith.addf %parallel_loop3A_428, %parallel_loop3A_429 : vector<16xf32>
          %parallel_loop3A_434 = arith.addf %parallel_loop3A_430, %parallel_loop3A_431 : vector<16xf32>
          %parallel_loop3A_435 = arith.addf %parallel_loop3A_432, %parallel_loop3A_433 : vector<16xf32>
          %parallel_loop3A_436 = arith.addf %parallel_loop3A_434, %parallel_loop3A_435 : vector<16xf32>
          %parallel_loop3A_437 = arith.constant 8 : i32
          %parallel_loop3A_438 = tpu.memref_slice %arg10[%parallel_loop3A_437] : memref<16400xf32, #tpu.memory_space<vmem>> -> memref<16344xf32, #tpu.memory_space<vmem>>
          %parallel_loop3A_439 = tpu.vector_load_idx %parallel_loop3A_438[%parallel_loop3A_310] : memref<16344xf32, #tpu.memory_space<vmem>>[vector<16xi32>], vector<16xf32>,
          %parallel_loop3A_440 = vector.bitcast %parallel_loop3A_439 : vector<16xf32> to vector<32xbf16>
          %parallel_loop3A_441 = tpu.unpack_subelements %parallel_loop3A_440, 0 {pack_format = #tpu.pack_format<interleaved>} : vector<32xbf16> -> vector<16xf32>
          %parallel_loop3A_442 = tpu.unpack_subelements %parallel_loop3A_440, 1 {pack_format = #tpu.pack_format<interleaved>} : vector<32xbf16> -> vector<16xf32>
          %parallel_loop3A_443 = arith.mulf %parallel_loop3A_225, %parallel_loop3A_441 : vector<16xf32>
          %parallel_loop3A_444 = arith.mulf %parallel_loop3A_246, %parallel_loop3A_442 : vector<16xf32>
          %parallel_loop3A_445 = arith.constant 8 : i32
          %parallel_loop3A_446 = tpu.memref_slice %arg10[%parallel_loop3A_445] : memref<16400xf32, #tpu.memory_space<vmem>> -> memref<16344xf32, #tpu.memory_space<vmem>>
          %parallel_loop3A_447 = tpu.vector_load_idx %parallel_loop3A_446[%parallel_loop3A_313] : memref<16344xf32, #tpu.memory_space<vmem>>[vector<16xi32>], vector<16xf32>,
          %parallel_loop3A_448 = vector.bitcast %parallel_loop3A_447 : vector<16xf32> to vector<32xbf16>
          %parallel_loop3A_449 = tpu.unpack_subelements %parallel_loop3A_448, 0 {pack_format = #tpu.pack_format<interleaved>} : vector<32xbf16> -> vector<16xf32>
          %parallel_loop3A_450 = tpu.unpack_subelements %parallel_loop3A_448, 1 {pack_format = #tpu.pack_format<interleaved>} : vector<32xbf16> -> vector<16xf32>
          %parallel_loop3A_451 = arith.mulf %parallel_loop3A_254, %parallel_loop3A_449 : vector<16xf32>
          %parallel_loop3A_452 = arith.mulf %parallel_loop3A_260, %parallel_loop3A_450 : vector<16xf32>
          %parallel_loop3A_453 = arith.constant 8 : i32
          %parallel_loop3A_454 = tpu.memref_slice %arg10[%parallel_loop3A_453] : memref<16400xf32, #tpu.memory_space<vmem>> -> memref<16344xf32, #tpu.memory_space<vmem>>
          %parallel_loop3A_455 = tpu.vector_load_idx %parallel_loop3A_454[%parallel_loop3A_316] : memref<16344xf32, #tpu.memory_space<vmem>>[vector<16xi32>], vector<16xf32>,
          %parallel_loop3A_456 = vector.bitcast %parallel_loop3A_455 : vector<16xf32> to vector<32xbf16>
          %parallel_loop3A_457 = tpu.unpack_subelements %parallel_loop3A_456, 0 {pack_format = #tpu.pack_format<interleaved>} : vector<32xbf16> -> vector<16xf32>
          %parallel_loop3A_458 = tpu.unpack_subelements %parallel_loop3A_456, 1 {pack_format = #tpu.pack_format<interleaved>} : vector<32xbf16> -> vector<16xf32>
          %parallel_loop3A_459 = arith.mulf %parallel_loop3A_266, %parallel_loop3A_457 : vector<16xf32>
          %parallel_loop3A_460 = arith.mulf %parallel_loop3A_272, %parallel_loop3A_458 : vector<16xf32>
          %parallel_loop3A_461 = arith.constant 8 : i32
          %parallel_loop3A_462 = tpu.memref_slice %arg10[%parallel_loop3A_461] : memref<16400xf32, #tpu.memory_space<vmem>> -> memref<16344xf32, #tpu.memory_space<vmem>>
          %parallel_loop3A_463 = tpu.vector_load_idx %parallel_loop3A_462[%parallel_loop3A_319] : memref<16344xf32, #tpu.memory_space<vmem>>[vector<16xi32>], vector<16xf32>,
          %parallel_loop3A_464 = vector.bitcast %parallel_loop3A_463 : vector<16xf32> to vector<32xbf16>
          %parallel_loop3A_465 = tpu.unpack_subelements %parallel_loop3A_464, 0 {pack_format = #tpu.pack_format<interleaved>} : vector<32xbf16> -> vector<16xf32>
          %parallel_loop3A_466 = tpu.unpack_subelements %parallel_loop3A_464, 1 {pack_format = #tpu.pack_format<interleaved>} : vector<32xbf16> -> vector<16xf32>
          %parallel_loop3A_467 = arith.mulf %parallel_loop3A_278, %parallel_loop3A_465 : vector<16xf32>
          %parallel_loop3A_468 = arith.mulf %parallel_loop3A_284, %parallel_loop3A_466 : vector<16xf32>
          %parallel_loop3A_469 = arith.addf %parallel_loop3A_443, %parallel_loop3A_444 : vector<16xf32>
          %parallel_loop3A_470 = arith.addf %parallel_loop3A_451, %parallel_loop3A_452 : vector<16xf32>
          %parallel_loop3A_471 = arith.addf %parallel_loop3A_459, %parallel_loop3A_460 : vector<16xf32>
          %parallel_loop3A_472 = arith.addf %parallel_loop3A_467, %parallel_loop3A_468 : vector<16xf32>
          %parallel_loop3A_473 = arith.addf %parallel_loop3A_469, %parallel_loop3A_470 : vector<16xf32>
          %parallel_loop3A_474 = arith.addf %parallel_loop3A_471, %parallel_loop3A_472 : vector<16xf32>
          %parallel_loop3A_475 = arith.addf %parallel_loop3A_473, %parallel_loop3A_474 : vector<16xf32>
          %parallel_loop3A_476 = arith.constant 16 : i32
          %parallel_loop3A_477 = tpu.memref_slice %arg10[%parallel_loop3A_476] : memref<16400xf32, #tpu.memory_space<vmem>> -> memref<16344xf32, #tpu.memory_space<vmem>>
          %parallel_loop3A_478 = tpu.vector_load_idx %parallel_loop3A_477[%parallel_loop3A_298] : memref<16344xf32, #tpu.memory_space<vmem>>[vector<16xi32>], vector<16xf32>,
          %parallel_loop3A_479 = vector.bitcast %parallel_loop3A_478 : vector<16xf32> to vector<32xbf16>
          %parallel_loop3A_480 = tpu.unpack_subelements %parallel_loop3A_479, 0 {pack_format = #tpu.pack_format<interleaved>} : vector<32xbf16> -> vector<16xf32>
          %parallel_loop3A_481 = tpu.unpack_subelements %parallel_loop3A_479, 1 {pack_format = #tpu.pack_format<interleaved>} : vector<32xbf16> -> vector<16xf32>
          %parallel_loop3A_482 = arith.mulf %parallel_loop3A_225, %parallel_loop3A_480 : vector<16xf32>
          %parallel_loop3A_483 = arith.mulf %parallel_loop3A_246, %parallel_loop3A_481 : vector<16xf32>
          %parallel_loop3A_484 = arith.constant 16 : i32
          %parallel_loop3A_485 = tpu.memref_slice %arg10[%parallel_loop3A_484] : memref<16400xf32, #tpu.memory_space<vmem>> -> memref<16344xf32, #tpu.memory_space<vmem>>
          %parallel_loop3A_486 = tpu.vector_load_idx %parallel_loop3A_485[%parallel_loop3A_301] : memref<16344xf32, #tpu.memory_space<vmem>>[vector<16xi32>], vector<16xf32>,
          %parallel_loop3A_487 = vector.bitcast %parallel_loop3A_486 : vector<16xf32> to vector<32xbf16>
          %parallel_loop3A_488 = tpu.unpack_subelements %parallel_loop3A_487, 0 {pack_format = #tpu.pack_format<interleaved>} : vector<32xbf16> -> vector<16xf32>
          %parallel_loop3A_489 = tpu.unpack_subelements %parallel_loop3A_487, 1 {pack_format = #tpu.pack_format<interleaved>} : vector<32xbf16> -> vector<16xf32>
          %parallel_loop3A_490 = arith.mulf %parallel_loop3A_254, %parallel_loop3A_488 : vector<16xf32>
          %parallel_loop3A_491 = arith.mulf %parallel_loop3A_260, %parallel_loop3A_489 : vector<16xf32>
          %parallel_loop3A_492 = arith.constant 16 : i32
          %parallel_loop3A_493 = tpu.memref_slice %arg10[%parallel_loop3A_492] : memref<16400xf32, #tpu.memory_space<vmem>> -> memref<16344xf32, #tpu.memory_space<vmem>>
          %parallel_loop3A_494 = tpu.vector_load_idx %parallel_loop3A_493[%parallel_loop3A_304] : memref<16344xf32, #tpu.memory_space<vmem>>[vector<16xi32>], vector<16xf32>,
          %parallel_loop3A_495 = vector.bitcast %parallel_loop3A_494 : vector<16xf32> to vector<32xbf16>
          %parallel_loop3A_496 = tpu.unpack_subelements %parallel_loop3A_495, 0 {pack_format = #tpu.pack_format<interleaved>} : vector<32xbf16> -> vector<16xf32>
          %parallel_loop3A_497 = tpu.unpack_subelements %parallel_loop3A_495, 1 {pack_format = #tpu.pack_format<interleaved>} : vector<32xbf16> -> vector<16xf32>
          %parallel_loop3A_498 = arith.mulf %parallel_loop3A_266, %parallel_loop3A_496 : vector<16xf32>
          %parallel_loop3A_499 = arith.mulf %parallel_loop3A_272, %parallel_loop3A_497 : vector<16xf32>
          %parallel_loop3A_500 = arith.constant 16 : i32
          %parallel_loop3A_501 = tpu.memref_slice %arg10[%parallel_loop3A_500] : memref<16400xf32, #tpu.memory_space<vmem>> -> memref<16344xf32, #tpu.memory_space<vmem>>
          %parallel_loop3A_502 = tpu.vector_load_idx %parallel_loop3A_501[%parallel_loop3A_307] : memref<16344xf32, #tpu.memory_space<vmem>>[vector<16xi32>], vector<16xf32>,
          %parallel_loop3A_503 = vector.bitcast %parallel_loop3A_502 : vector<16xf32> to vector<32xbf16>
          %parallel_loop3A_504 = tpu.unpack_subelements %parallel_loop3A_503, 0 {pack_format = #tpu.pack_format<interleaved>} : vector<32xbf16> -> vector<16xf32>
          %parallel_loop3A_505 = tpu.unpack_subelements %parallel_loop3A_503, 1 {pack_format = #tpu.pack_format<interleaved>} : vector<32xbf16> -> vector<16xf32>
          %parallel_loop3A_506 = arith.mulf %parallel_loop3A_278, %parallel_loop3A_504 : vector<16xf32>
          %parallel_loop3A_507 = arith.mulf %parallel_loop3A_284, %parallel_loop3A_505 : vector<16xf32>
          %parallel_loop3A_508 = arith.addf %parallel_loop3A_482, %parallel_loop3A_483 : vector<16xf32>
          %parallel_loop3A_509 = arith.addf %parallel_loop3A_490, %parallel_loop3A_491 : vector<16xf32>
          %parallel_loop3A_510 = arith.addf %parallel_loop3A_498, %parallel_loop3A_499 : vector<16xf32>
          %parallel_loop3A_511 = arith.addf %parallel_loop3A_506, %parallel_loop3A_507 : vector<16xf32>
          %parallel_loop3A_512 = arith.addf %parallel_loop3A_508, %parallel_loop3A_509 : vector<16xf32>
          %parallel_loop3A_513 = arith.addf %parallel_loop3A_510, %parallel_loop3A_511 : vector<16xf32>
          %parallel_loop3A_514 = arith.addf %parallel_loop3A_512, %parallel_loop3A_513 : vector<16xf32>
          %parallel_loop3A_515 = arith.constant 16 : i32
          %parallel_loop3A_516 = tpu.memref_slice %arg10[%parallel_loop3A_515] : memref<16400xf32, #tpu.memory_space<vmem>> -> memref<16344xf32, #tpu.memory_space<vmem>>
          %parallel_loop3A_517 = tpu.vector_load_idx %parallel_loop3A_516[%parallel_loop3A_310] : memref<16344xf32, #tpu.memory_space<vmem>>[vector<16xi32>], vector<16xf32>,
          %parallel_loop3A_518 = vector.bitcast %parallel_loop3A_517 : vector<16xf32> to vector<32xbf16>
          %parallel_loop3A_519 = tpu.unpack_subelements %parallel_loop3A_518, 0 {pack_format = #tpu.pack_format<interleaved>} : vector<32xbf16> -> vector<16xf32>
          %parallel_loop3A_520 = tpu.unpack_subelements %parallel_loop3A_518, 1 {pack_format = #tpu.pack_format<interleaved>} : vector<32xbf16> -> vector<16xf32>
          %parallel_loop3A_521 = arith.mulf %parallel_loop3A_225, %parallel_loop3A_519 : vector<16xf32>
          %parallel_loop3A_522 = arith.mulf %parallel_loop3A_246, %parallel_loop3A_520 : vector<16xf32>
          %parallel_loop3A_523 = arith.constant 16 : i32
          %parallel_loop3A_524 = tpu.memref_slice %arg10[%parallel_loop3A_523] : memref<16400xf32, #tpu.memory_space<vmem>> -> memref<16344xf32, #tpu.memory_space<vmem>>
          %parallel_loop3A_525 = tpu.vector_load_idx %parallel_loop3A_524[%parallel_loop3A_313] : memref<16344xf32, #tpu.memory_space<vmem>>[vector<16xi32>], vector<16xf32>,
          %parallel_loop3A_526 = vector.bitcast %parallel_loop3A_525 : vector<16xf32> to vector<32xbf16>
          %parallel_loop3A_527 = tpu.unpack_subelements %parallel_loop3A_526, 0 {pack_format = #tpu.pack_format<interleaved>} : vector<32xbf16> -> vector<16xf32>
          %parallel_loop3A_528 = tpu.unpack_subelements %parallel_loop3A_526, 1 {pack_format = #tpu.pack_format<interleaved>} : vector<32xbf16> -> vector<16xf32>
          %parallel_loop3A_529 = arith.mulf %parallel_loop3A_254, %parallel_loop3A_527 : vector<16xf32>
          %parallel_loop3A_530 = arith.mulf %parallel_loop3A_260, %parallel_loop3A_528 : vector<16xf32>
          %parallel_loop3A_531 = arith.constant 16 : i32
          %parallel_loop3A_532 = tpu.memref_slice %arg10[%parallel_loop3A_531] : memref<16400xf32, #tpu.memory_space<vmem>> -> memref<16344xf32, #tpu.memory_space<vmem>>
          %parallel_loop3A_533 = tpu.vector_load_idx %parallel_loop3A_532[%parallel_loop3A_316] : memref<16344xf32, #tpu.memory_space<vmem>>[vector<16xi32>], vector<16xf32>,
          %parallel_loop3A_534 = vector.bitcast %parallel_loop3A_533 : vector<16xf32> to vector<32xbf16>
          %parallel_loop3A_535 = tpu.unpack_subelements %parallel_loop3A_534, 0 {pack_format = #tpu.pack_format<interleaved>} : vector<32xbf16> -> vector<16xf32>
          %parallel_loop3A_536 = tpu.unpack_subelements %parallel_loop3A_534, 1 {pack_format = #tpu.pack_format<interleaved>} : vector<32xbf16> -> vector<16xf32>
          %parallel_loop3A_537 = arith.mulf %parallel_loop3A_266, %parallel_loop3A_535 : vector<16xf32>
          %parallel_loop3A_538 = arith.mulf %parallel_loop3A_272, %parallel_loop3A_536 : vector<16xf32>
          %parallel_loop3A_539 = arith.constant 16 : i32
          %parallel_loop3A_540 = tpu.memref_slice %arg10[%parallel_loop3A_539] : memref<16400xf32, #tpu.memory_space<vmem>> -> memref<16344xf32, #tpu.memory_space<vmem>>
          %parallel_loop3A_541 = tpu.vector_load_idx %parallel_loop3A_540[%parallel_loop3A_319] : memref<16344xf32, #tpu.memory_space<vmem>>[vector<16xi32>], vector<16xf32>,
          %parallel_loop3A_542 = vector.bitcast %parallel_loop3A_541 : vector<16xf32> to vector<32xbf16>
          %parallel_loop3A_543 = tpu.unpack_subelements %parallel_loop3A_542, 0 {pack_format = #tpu.pack_format<interleaved>} : vector<32xbf16> -> vector<16xf32>
          %parallel_loop3A_544 = tpu.unpack_subelements %parallel_loop3A_542, 1 {pack_format = #tpu.pack_format<interleaved>} : vector<32xbf16> -> vector<16xf32>
          %parallel_loop3A_545 = arith.mulf %parallel_loop3A_278, %parallel_loop3A_543 : vector<16xf32>
          %parallel_loop3A_546 = arith.mulf %parallel_loop3A_284, %parallel_loop3A_544 : vector<16xf32>
          %parallel_loop3A_547 = arith.addf %parallel_loop3A_521, %parallel_loop3A_522 : vector<16xf32>
          %parallel_loop3A_548 = arith.addf %parallel_loop3A_529, %parallel_loop3A_530 : vector<16xf32>
          %parallel_loop3A_549 = arith.addf %parallel_loop3A_537, %parallel_loop3A_538 : vector<16xf32>
          %parallel_loop3A_550 = arith.addf %parallel_loop3A_545, %parallel_loop3A_546 : vector<16xf32>
          %parallel_loop3A_551 = arith.addf %parallel_loop3A_547, %parallel_loop3A_548 : vector<16xf32>
          %parallel_loop3A_552 = arith.addf %parallel_loop3A_549, %parallel_loop3A_550 : vector<16xf32>
          %parallel_loop3A_553 = arith.addf %parallel_loop3A_551, %parallel_loop3A_552 : vector<16xf32>
          %parallel_loop3A_554 = arith.constant 24 : i32
          %parallel_loop3A_555 = tpu.memref_slice %arg10[%parallel_loop3A_554] : memref<16400xf32, #tpu.memory_space<vmem>> -> memref<16344xf32, #tpu.memory_space<vmem>>
          %parallel_loop3A_556 = tpu.vector_load_idx %parallel_loop3A_555[%parallel_loop3A_298] : memref<16344xf32, #tpu.memory_space<vmem>>[vector<16xi32>], vector<16xf32>,
          %parallel_loop3A_557 = vector.bitcast %parallel_loop3A_556 : vector<16xf32> to vector<32xbf16>
          %parallel_loop3A_558 = tpu.unpack_subelements %parallel_loop3A_557, 0 {pack_format = #tpu.pack_format<interleaved>} : vector<32xbf16> -> vector<16xf32>
          %parallel_loop3A_559 = tpu.unpack_subelements %parallel_loop3A_557, 1 {pack_format = #tpu.pack_format<interleaved>} : vector<32xbf16> -> vector<16xf32>
          %parallel_loop3A_560 = arith.mulf %parallel_loop3A_225, %parallel_loop3A_558 : vector<16xf32>
          %parallel_loop3A_561 = arith.mulf %parallel_loop3A_246, %parallel_loop3A_559 : vector<16xf32>
          %parallel_loop3A_562 = arith.constant 24 : i32
          %parallel_loop3A_563 = tpu.memref_slice %arg10[%parallel_loop3A_562] : memref<16400xf32, #tpu.memory_space<vmem>> -> memref<16344xf32, #tpu.memory_space<vmem>>
          %parallel_loop3A_564 = tpu.vector_load_idx %parallel_loop3A_563[%parallel_loop3A_301] : memref<16344xf32, #tpu.memory_space<vmem>>[vector<16xi32>], vector<16xf32>,
          %parallel_loop3A_565 = vector.bitcast %parallel_loop3A_564 : vector<16xf32> to vector<32xbf16>
          %parallel_loop3A_566 = tpu.unpack_subelements %parallel_loop3A_565, 0 {pack_format = #tpu.pack_format<interleaved>} : vector<32xbf16> -> vector<16xf32>
          %parallel_loop3A_567 = tpu.unpack_subelements %parallel_loop3A_565, 1 {pack_format = #tpu.pack_format<interleaved>} : vector<32xbf16> -> vector<16xf32>
          %parallel_loop3A_568 = arith.mulf %parallel_loop3A_254, %parallel_loop3A_566 : vector<16xf32>
          %parallel_loop3A_569 = arith.mulf %parallel_loop3A_260, %parallel_loop3A_567 : vector<16xf32>
          %parallel_loop3A_570 = arith.constant 24 : i32
          %parallel_loop3A_571 = tpu.memref_slice %arg10[%parallel_loop3A_570] : memref<16400xf32, #tpu.memory_space<vmem>> -> memref<16344xf32, #tpu.memory_space<vmem>>
          %parallel_loop3A_572 = tpu.vector_load_idx %parallel_loop3A_571[%parallel_loop3A_304] : memref<16344xf32, #tpu.memory_space<vmem>>[vector<16xi32>], vector<16xf32>,
          %parallel_loop3A_573 = vector.bitcast %parallel_loop3A_572 : vector<16xf32> to vector<32xbf16>
          %parallel_loop3A_574 = tpu.unpack_subelements %parallel_loop3A_573, 0 {pack_format = #tpu.pack_format<interleaved>} : vector<32xbf16> -> vector<16xf32>
          %parallel_loop3A_575 = tpu.unpack_subelements %parallel_loop3A_573, 1 {pack_format = #tpu.pack_format<interleaved>} : vector<32xbf16> -> vector<16xf32>
          %parallel_loop3A_576 = arith.mulf %parallel_loop3A_266, %parallel_loop3A_574 : vector<16xf32>
          %parallel_loop3A_577 = arith.mulf %parallel_loop3A_272, %parallel_loop3A_575 : vector<16xf32>
          %parallel_loop3A_578 = arith.constant 24 : i32
          %parallel_loop3A_579 = tpu.memref_slice %arg10[%parallel_loop3A_578] : memref<16400xf32, #tpu.memory_space<vmem>> -> memref<16344xf32, #tpu.memory_space<vmem>>
          %parallel_loop3A_580 = tpu.vector_load_idx %parallel_loop3A_579[%parallel_loop3A_307] : memref<16344xf32, #tpu.memory_space<vmem>>[vector<16xi32>], vector<16xf32>,
          %parallel_loop3A_581 = vector.bitcast %parallel_loop3A_580 : vector<16xf32> to vector<32xbf16>
          %parallel_loop3A_582 = tpu.unpack_subelements %parallel_loop3A_581, 0 {pack_format = #tpu.pack_format<interleaved>} : vector<32xbf16> -> vector<16xf32>
          %parallel_loop3A_583 = tpu.unpack_subelements %parallel_loop3A_581, 1 {pack_format = #tpu.pack_format<interleaved>} : vector<32xbf16> -> vector<16xf32>
          %parallel_loop3A_584 = arith.mulf %parallel_loop3A_278, %parallel_loop3A_582 : vector<16xf32>
          %parallel_loop3A_585 = arith.mulf %parallel_loop3A_284, %parallel_loop3A_583 : vector<16xf32>
          %parallel_loop3A_586 = arith.addf %parallel_loop3A_560, %parallel_loop3A_561 : vector<16xf32>
          %parallel_loop3A_587 = arith.addf %parallel_loop3A_568, %parallel_loop3A_569 : vector<16xf32>
          %parallel_loop3A_588 = arith.addf %parallel_loop3A_576, %parallel_loop3A_577 : vector<16xf32>
          %parallel_loop3A_589 = arith.addf %parallel_loop3A_584, %parallel_loop3A_585 : vector<16xf32>
          %parallel_loop3A_590 = arith.addf %parallel_loop3A_586, %parallel_loop3A_587 : vector<16xf32>
          %parallel_loop3A_591 = arith.addf %parallel_loop3A_588, %parallel_loop3A_589 : vector<16xf32>
          %parallel_loop3A_592 = arith.addf %parallel_loop3A_590, %parallel_loop3A_591 : vector<16xf32>
          %parallel_loop3A_593 = arith.constant 24 : i32
          %parallel_loop3A_594 = tpu.memref_slice %arg10[%parallel_loop3A_593] : memref<16400xf32, #tpu.memory_space<vmem>> -> memref<16344xf32, #tpu.memory_space<vmem>>
          %parallel_loop3A_595 = tpu.vector_load_idx %parallel_loop3A_594[%parallel_loop3A_310] : memref<16344xf32, #tpu.memory_space<vmem>>[vector<16xi32>], vector<16xf32>,
          %parallel_loop3A_596 = vector.bitcast %parallel_loop3A_595 : vector<16xf32> to vector<32xbf16>
          %parallel_loop3A_597 = tpu.unpack_subelements %parallel_loop3A_596, 0 {pack_format = #tpu.pack_format<interleaved>} : vector<32xbf16> -> vector<16xf32>
          %parallel_loop3A_598 = tpu.unpack_subelements %parallel_loop3A_596, 1 {pack_format = #tpu.pack_format<interleaved>} : vector<32xbf16> -> vector<16xf32>
          %parallel_loop3A_599 = arith.mulf %parallel_loop3A_225, %parallel_loop3A_597 : vector<16xf32>
          %parallel_loop3A_600 = arith.mulf %parallel_loop3A_246, %parallel_loop3A_598 : vector<16xf32>
          %parallel_loop3A_601 = arith.constant 24 : i32
          %parallel_loop3A_602 = tpu.memref_slice %arg10[%parallel_loop3A_601] : memref<16400xf32, #tpu.memory_space<vmem>> -> memref<16344xf32, #tpu.memory_space<vmem>>
          %parallel_loop3A_603 = tpu.vector_load_idx %parallel_loop3A_602[%parallel_loop3A_313] : memref<16344xf32, #tpu.memory_space<vmem>>[vector<16xi32>], vector<16xf32>,
          %parallel_loop3A_604 = vector.bitcast %parallel_loop3A_603 : vector<16xf32> to vector<32xbf16>
          %parallel_loop3A_605 = tpu.unpack_subelements %parallel_loop3A_604, 0 {pack_format = #tpu.pack_format<interleaved>} : vector<32xbf16> -> vector<16xf32>
          %parallel_loop3A_606 = tpu.unpack_subelements %parallel_loop3A_604, 1 {pack_format = #tpu.pack_format<interleaved>} : vector<32xbf16> -> vector<16xf32>
          %parallel_loop3A_607 = arith.mulf %parallel_loop3A_254, %parallel_loop3A_605 : vector<16xf32>
          %parallel_loop3A_608 = arith.mulf %parallel_loop3A_260, %parallel_loop3A_606 : vector<16xf32>
          %parallel_loop3A_609 = arith.constant 24 : i32
          %parallel_loop3A_610 = tpu.memref_slice %arg10[%parallel_loop3A_609] : memref<16400xf32, #tpu.memory_space<vmem>> -> memref<16344xf32, #tpu.memory_space<vmem>>
          %parallel_loop3A_611 = tpu.vector_load_idx %parallel_loop3A_610[%parallel_loop3A_316] : memref<16344xf32, #tpu.memory_space<vmem>>[vector<16xi32>], vector<16xf32>,
          %parallel_loop3A_612 = vector.bitcast %parallel_loop3A_611 : vector<16xf32> to vector<32xbf16>
          %parallel_loop3A_613 = tpu.unpack_subelements %parallel_loop3A_612, 0 {pack_format = #tpu.pack_format<interleaved>} : vector<32xbf16> -> vector<16xf32>
          %parallel_loop3A_614 = tpu.unpack_subelements %parallel_loop3A_612, 1 {pack_format = #tpu.pack_format<interleaved>} : vector<32xbf16> -> vector<16xf32>
          %parallel_loop3A_615 = arith.mulf %parallel_loop3A_266, %parallel_loop3A_613 : vector<16xf32>
          %parallel_loop3A_616 = arith.mulf %parallel_loop3A_272, %parallel_loop3A_614 : vector<16xf32>
          %parallel_loop3A_617 = arith.constant 24 : i32
          %parallel_loop3A_618 = tpu.memref_slice %arg10[%parallel_loop3A_617] : memref<16400xf32, #tpu.memory_space<vmem>> -> memref<16344xf32, #tpu.memory_space<vmem>>
          %parallel_loop3A_619 = tpu.vector_load_idx %parallel_loop3A_618[%parallel_loop3A_319] : memref<16344xf32, #tpu.memory_space<vmem>>[vector<16xi32>], vector<16xf32>,
          %parallel_loop3A_620 = vector.bitcast %parallel_loop3A_619 : vector<16xf32> to vector<32xbf16>
          %parallel_loop3A_621 = tpu.unpack_subelements %parallel_loop3A_620, 0 {pack_format = #tpu.pack_format<interleaved>} : vector<32xbf16> -> vector<16xf32>
          %parallel_loop3A_622 = tpu.unpack_subelements %parallel_loop3A_620, 1 {pack_format = #tpu.pack_format<interleaved>} : vector<32xbf16> -> vector<16xf32>
          %parallel_loop3A_623 = arith.mulf %parallel_loop3A_278, %parallel_loop3A_621 : vector<16xf32>
          %parallel_loop3A_624 = arith.mulf %parallel_loop3A_284, %parallel_loop3A_622 : vector<16xf32>
          %parallel_loop3A_625 = arith.addf %parallel_loop3A_599, %parallel_loop3A_600 : vector<16xf32>
          %parallel_loop3A_626 = arith.addf %parallel_loop3A_607, %parallel_loop3A_608 : vector<16xf32>
          %parallel_loop3A_627 = arith.addf %parallel_loop3A_615, %parallel_loop3A_616 : vector<16xf32>
          %parallel_loop3A_628 = arith.addf %parallel_loop3A_623, %parallel_loop3A_624 : vector<16xf32>
          %parallel_loop3A_629 = arith.addf %parallel_loop3A_625, %parallel_loop3A_626 : vector<16xf32>
          %parallel_loop3A_630 = arith.addf %parallel_loop3A_627, %parallel_loop3A_628 : vector<16xf32>
          %parallel_loop3A_631 = arith.addf %parallel_loop3A_629, %parallel_loop3A_630 : vector<16xf32>
          %parallel_loop3A_632 = arith.constant 32 : i32
          %parallel_loop3A_633 = tpu.memref_slice %arg10[%parallel_loop3A_632] : memref<16400xf32, #tpu.memory_space<vmem>> -> memref<16344xf32, #tpu.memory_space<vmem>>
          %parallel_loop3A_634 = tpu.vector_load_idx %parallel_loop3A_633[%parallel_loop3A_298] : memref<16344xf32, #tpu.memory_space<vmem>>[vector<16xi32>], vector<16xf32>,
          %parallel_loop3A_635 = vector.bitcast %parallel_loop3A_634 : vector<16xf32> to vector<32xbf16>
          %parallel_loop3A_636 = tpu.unpack_subelements %parallel_loop3A_635, 0 {pack_format = #tpu.pack_format<interleaved>} : vector<32xbf16> -> vector<16xf32>
          %parallel_loop3A_637 = tpu.unpack_subelements %parallel_loop3A_635, 1 {pack_format = #tpu.pack_format<interleaved>} : vector<32xbf16> -> vector<16xf32>
          %parallel_loop3A_638 = arith.mulf %parallel_loop3A_225, %parallel_loop3A_636 : vector<16xf32>
          %parallel_loop3A_639 = arith.mulf %parallel_loop3A_246, %parallel_loop3A_637 : vector<16xf32>
          %parallel_loop3A_640 = arith.constant 32 : i32
          %parallel_loop3A_641 = tpu.memref_slice %arg10[%parallel_loop3A_640] : memref<16400xf32, #tpu.memory_space<vmem>> -> memref<16344xf32, #tpu.memory_space<vmem>>
          %parallel_loop3A_642 = tpu.vector_load_idx %parallel_loop3A_641[%parallel_loop3A_301] : memref<16344xf32, #tpu.memory_space<vmem>>[vector<16xi32>], vector<16xf32>,
          %parallel_loop3A_643 = vector.bitcast %parallel_loop3A_642 : vector<16xf32> to vector<32xbf16>
          %parallel_loop3A_644 = tpu.unpack_subelements %parallel_loop3A_643, 0 {pack_format = #tpu.pack_format<interleaved>} : vector<32xbf16> -> vector<16xf32>
          %parallel_loop3A_645 = tpu.unpack_subelements %parallel_loop3A_643, 1 {pack_format = #tpu.pack_format<interleaved>} : vector<32xbf16> -> vector<16xf32>
          %parallel_loop3A_646 = arith.mulf %parallel_loop3A_254, %parallel_loop3A_644 : vector<16xf32>
          %parallel_loop3A_647 = arith.mulf %parallel_loop3A_260, %parallel_loop3A_645 : vector<16xf32>
          %parallel_loop3A_648 = arith.constant 32 : i32
          %parallel_loop3A_649 = tpu.memref_slice %arg10[%parallel_loop3A_648] : memref<16400xf32, #tpu.memory_space<vmem>> -> memref<16344xf32, #tpu.memory_space<vmem>>
          %parallel_loop3A_650 = tpu.vector_load_idx %parallel_loop3A_649[%parallel_loop3A_304] : memref<16344xf32, #tpu.memory_space<vmem>>[vector<16xi32>], vector<16xf32>,
          %parallel_loop3A_651 = vector.bitcast %parallel_loop3A_650 : vector<16xf32> to vector<32xbf16>
          %parallel_loop3A_652 = tpu.unpack_subelements %parallel_loop3A_651, 0 {pack_format = #tpu.pack_format<interleaved>} : vector<32xbf16> -> vector<16xf32>
          %parallel_loop3A_653 = tpu.unpack_subelements %parallel_loop3A_651, 1 {pack_format = #tpu.pack_format<interleaved>} : vector<32xbf16> -> vector<16xf32>
          %parallel_loop3A_654 = arith.mulf %parallel_loop3A_266, %parallel_loop3A_652 : vector<16xf32>
          %parallel_loop3A_655 = arith.mulf %parallel_loop3A_272, %parallel_loop3A_653 : vector<16xf32>
          %parallel_loop3A_656 = arith.constant 32 : i32
          %parallel_loop3A_657 = tpu.memref_slice %arg10[%parallel_loop3A_656] : memref<16400xf32, #tpu.memory_space<vmem>> -> memref<16344xf32, #tpu.memory_space<vmem>>
          %parallel_loop3A_658 = tpu.vector_load_idx %parallel_loop3A_657[%parallel_loop3A_307] : memref<16344xf32, #tpu.memory_space<vmem>>[vector<16xi32>], vector<16xf32>,
          %parallel_loop3A_659 = vector.bitcast %parallel_loop3A_658 : vector<16xf32> to vector<32xbf16>
          %parallel_loop3A_660 = tpu.unpack_subelements %parallel_loop3A_659, 0 {pack_format = #tpu.pack_format<interleaved>} : vector<32xbf16> -> vector<16xf32>
          %parallel_loop3A_661 = tpu.unpack_subelements %parallel_loop3A_659, 1 {pack_format = #tpu.pack_format<interleaved>} : vector<32xbf16> -> vector<16xf32>
          %parallel_loop3A_662 = arith.mulf %parallel_loop3A_278, %parallel_loop3A_660 : vector<16xf32>
          %parallel_loop3A_663 = arith.mulf %parallel_loop3A_284, %parallel_loop3A_661 : vector<16xf32>
          %parallel_loop3A_664 = arith.addf %parallel_loop3A_638, %parallel_loop3A_639 : vector<16xf32>
          %parallel_loop3A_665 = arith.addf %parallel_loop3A_646, %parallel_loop3A_647 : vector<16xf32>
          %parallel_loop3A_666 = arith.addf %parallel_loop3A_654, %parallel_loop3A_655 : vector<16xf32>
          %parallel_loop3A_667 = arith.addf %parallel_loop3A_662, %parallel_loop3A_663 : vector<16xf32>
          %parallel_loop3A_668 = arith.addf %parallel_loop3A_664, %parallel_loop3A_665 : vector<16xf32>
          %parallel_loop3A_669 = arith.addf %parallel_loop3A_666, %parallel_loop3A_667 : vector<16xf32>
          %parallel_loop3A_670 = arith.addf %parallel_loop3A_668, %parallel_loop3A_669 : vector<16xf32>
          %parallel_loop3A_671 = arith.constant 32 : i32
          %parallel_loop3A_672 = tpu.memref_slice %arg10[%parallel_loop3A_671] : memref<16400xf32, #tpu.memory_space<vmem>> -> memref<16344xf32, #tpu.memory_space<vmem>>
          %parallel_loop3A_673 = tpu.vector_load_idx %parallel_loop3A_672[%parallel_loop3A_310] : memref<16344xf32, #tpu.memory_space<vmem>>[vector<16xi32>], vector<16xf32>,
          %parallel_loop3A_674 = vector.bitcast %parallel_loop3A_673 : vector<16xf32> to vector<32xbf16>
          %parallel_loop3A_675 = tpu.unpack_subelements %parallel_loop3A_674, 0 {pack_format = #tpu.pack_format<interleaved>} : vector<32xbf16> -> vector<16xf32>
          %parallel_loop3A_676 = tpu.unpack_subelements %parallel_loop3A_674, 1 {pack_format = #tpu.pack_format<interleaved>} : vector<32xbf16> -> vector<16xf32>
          %parallel_loop3A_677 = arith.mulf %parallel_loop3A_225, %parallel_loop3A_675 : vector<16xf32>
          %parallel_loop3A_678 = arith.mulf %parallel_loop3A_246, %parallel_loop3A_676 : vector<16xf32>
          %parallel_loop3A_679 = arith.constant 32 : i32
          %parallel_loop3A_680 = tpu.memref_slice %arg10[%parallel_loop3A_679] : memref<16400xf32, #tpu.memory_space<vmem>> -> memref<16344xf32, #tpu.memory_space<vmem>>
          %parallel_loop3A_681 = tpu.vector_load_idx %parallel_loop3A_680[%parallel_loop3A_313] : memref<16344xf32, #tpu.memory_space<vmem>>[vector<16xi32>], vector<16xf32>,
          %parallel_loop3A_682 = vector.bitcast %parallel_loop3A_681 : vector<16xf32> to vector<32xbf16>
          %parallel_loop3A_683 = tpu.unpack_subelements %parallel_loop3A_682, 0 {pack_format = #tpu.pack_format<interleaved>} : vector<32xbf16> -> vector<16xf32>
          %parallel_loop3A_684 = tpu.unpack_subelements %parallel_loop3A_682, 1 {pack_format = #tpu.pack_format<interleaved>} : vector<32xbf16> -> vector<16xf32>
          %parallel_loop3A_685 = arith.mulf %parallel_loop3A_254, %parallel_loop3A_683 : vector<16xf32>
          %parallel_loop3A_686 = arith.mulf %parallel_loop3A_260, %parallel_loop3A_684 : vector<16xf32>
          %parallel_loop3A_687 = arith.constant 32 : i32
          %parallel_loop3A_688 = tpu.memref_slice %arg10[%parallel_loop3A_687] : memref<16400xf32, #tpu.memory_space<vmem>> -> memref<16344xf32, #tpu.memory_space<vmem>>
          %parallel_loop3A_689 = tpu.vector_load_idx %parallel_loop3A_688[%parallel_loop3A_316] : memref<16344xf32, #tpu.memory_space<vmem>>[vector<16xi32>], vector<16xf32>,
          %parallel_loop3A_690 = vector.bitcast %parallel_loop3A_689 : vector<16xf32> to vector<32xbf16>
          %parallel_loop3A_691 = tpu.unpack_subelements %parallel_loop3A_690, 0 {pack_format = #tpu.pack_format<interleaved>} : vector<32xbf16> -> vector<16xf32>
          %parallel_loop3A_692 = tpu.unpack_subelements %parallel_loop3A_690, 1 {pack_format = #tpu.pack_format<interleaved>} : vector<32xbf16> -> vector<16xf32>
          %parallel_loop3A_693 = arith.mulf %parallel_loop3A_266, %parallel_loop3A_691 : vector<16xf32>
          %parallel_loop3A_694 = arith.mulf %parallel_loop3A_272, %parallel_loop3A_692 : vector<16xf32>
          %parallel_loop3A_695 = arith.constant 32 : i32
          %parallel_loop3A_696 = tpu.memref_slice %arg10[%parallel_loop3A_695] : memref<16400xf32, #tpu.memory_space<vmem>> -> memref<16344xf32, #tpu.memory_space<vmem>>
          %parallel_loop3A_697 = tpu.vector_load_idx %parallel_loop3A_696[%parallel_loop3A_319] : memref<16344xf32, #tpu.memory_space<vmem>>[vector<16xi32>], vector<16xf32>,
          %parallel_loop3A_698 = vector.bitcast %parallel_loop3A_697 : vector<16xf32> to vector<32xbf16>
          %parallel_loop3A_699 = tpu.unpack_subelements %parallel_loop3A_698, 0 {pack_format = #tpu.pack_format<interleaved>} : vector<32xbf16> -> vector<16xf32>
          %parallel_loop3A_700 = tpu.unpack_subelements %parallel_loop3A_698, 1 {pack_format = #tpu.pack_format<interleaved>} : vector<32xbf16> -> vector<16xf32>
          %parallel_loop3A_701 = arith.mulf %parallel_loop3A_278, %parallel_loop3A_699 : vector<16xf32>
          %parallel_loop3A_702 = arith.mulf %parallel_loop3A_284, %parallel_loop3A_700 : vector<16xf32>
          %parallel_loop3A_703 = arith.addf %parallel_loop3A_677, %parallel_loop3A_678 : vector<16xf32>
          %parallel_loop3A_704 = arith.addf %parallel_loop3A_685, %parallel_loop3A_686 : vector<16xf32>
          %parallel_loop3A_705 = arith.addf %parallel_loop3A_693, %parallel_loop3A_694 : vector<16xf32>
          %parallel_loop3A_706 = arith.addf %parallel_loop3A_701, %parallel_loop3A_702 : vector<16xf32>
          %parallel_loop3A_707 = arith.addf %parallel_loop3A_703, %parallel_loop3A_704 : vector<16xf32>
          %parallel_loop3A_708 = arith.addf %parallel_loop3A_705, %parallel_loop3A_706 : vector<16xf32>
          %parallel_loop3A_709 = arith.addf %parallel_loop3A_707, %parallel_loop3A_708 : vector<16xf32>
          %parallel_loop3A_710 = arith.constant 40 : i32
          %parallel_loop3A_711 = tpu.memref_slice %arg10[%parallel_loop3A_710] : memref<16400xf32, #tpu.memory_space<vmem>> -> memref<16344xf32, #tpu.memory_space<vmem>>
          %parallel_loop3A_712 = tpu.vector_load_idx %parallel_loop3A_711[%parallel_loop3A_298] : memref<16344xf32, #tpu.memory_space<vmem>>[vector<16xi32>], vector<16xf32>,
          %parallel_loop3A_713 = vector.bitcast %parallel_loop3A_712 : vector<16xf32> to vector<32xbf16>
          %parallel_loop3A_714 = tpu.unpack_subelements %parallel_loop3A_713, 0 {pack_format = #tpu.pack_format<interleaved>} : vector<32xbf16> -> vector<16xf32>
          %parallel_loop3A_715 = tpu.unpack_subelements %parallel_loop3A_713, 1 {pack_format = #tpu.pack_format<interleaved>} : vector<32xbf16> -> vector<16xf32>
          %parallel_loop3A_716 = arith.mulf %parallel_loop3A_225, %parallel_loop3A_714 : vector<16xf32>
          %parallel_loop3A_717 = arith.mulf %parallel_loop3A_246, %parallel_loop3A_715 : vector<16xf32>
          %parallel_loop3A_718 = arith.constant 40 : i32
          %parallel_loop3A_719 = tpu.memref_slice %arg10[%parallel_loop3A_718] : memref<16400xf32, #tpu.memory_space<vmem>> -> memref<16344xf32, #tpu.memory_space<vmem>>
          %parallel_loop3A_720 = tpu.vector_load_idx %parallel_loop3A_719[%parallel_loop3A_301] : memref<16344xf32, #tpu.memory_space<vmem>>[vector<16xi32>], vector<16xf32>,
          %parallel_loop3A_721 = vector.bitcast %parallel_loop3A_720 : vector<16xf32> to vector<32xbf16>
          %parallel_loop3A_722 = tpu.unpack_subelements %parallel_loop3A_721, 0 {pack_format = #tpu.pack_format<interleaved>} : vector<32xbf16> -> vector<16xf32>
          %parallel_loop3A_723 = tpu.unpack_subelements %parallel_loop3A_721, 1 {pack_format = #tpu.pack_format<interleaved>} : vector<32xbf16> -> vector<16xf32>
          %parallel_loop3A_724 = arith.mulf %parallel_loop3A_254, %parallel_loop3A_722 : vector<16xf32>
          %parallel_loop3A_725 = arith.mulf %parallel_loop3A_260, %parallel_loop3A_723 : vector<16xf32>
          %parallel_loop3A_726 = arith.constant 40 : i32
          %parallel_loop3A_727 = tpu.memref_slice %arg10[%parallel_loop3A_726] : memref<16400xf32, #tpu.memory_space<vmem>> -> memref<16344xf32, #tpu.memory_space<vmem>>
          %parallel_loop3A_728 = tpu.vector_load_idx %parallel_loop3A_727[%parallel_loop3A_304] : memref<16344xf32, #tpu.memory_space<vmem>>[vector<16xi32>], vector<16xf32>,
          %parallel_loop3A_729 = vector.bitcast %parallel_loop3A_728 : vector<16xf32> to vector<32xbf16>
          %parallel_loop3A_730 = tpu.unpack_subelements %parallel_loop3A_729, 0 {pack_format = #tpu.pack_format<interleaved>} : vector<32xbf16> -> vector<16xf32>
          %parallel_loop3A_731 = tpu.unpack_subelements %parallel_loop3A_729, 1 {pack_format = #tpu.pack_format<interleaved>} : vector<32xbf16> -> vector<16xf32>
          %parallel_loop3A_732 = arith.mulf %parallel_loop3A_266, %parallel_loop3A_730 : vector<16xf32>
          %parallel_loop3A_733 = arith.mulf %parallel_loop3A_272, %parallel_loop3A_731 : vector<16xf32>
          %parallel_loop3A_734 = arith.constant 40 : i32
          %parallel_loop3A_735 = tpu.memref_slice %arg10[%parallel_loop3A_734] : memref<16400xf32, #tpu.memory_space<vmem>> -> memref<16344xf32, #tpu.memory_space<vmem>>
          %parallel_loop3A_736 = tpu.vector_load_idx %parallel_loop3A_735[%parallel_loop3A_307] : memref<16344xf32, #tpu.memory_space<vmem>>[vector<16xi32>], vector<16xf32>,
          %parallel_loop3A_737 = vector.bitcast %parallel_loop3A_736 : vector<16xf32> to vector<32xbf16>
          %parallel_loop3A_738 = tpu.unpack_subelements %parallel_loop3A_737, 0 {pack_format = #tpu.pack_format<interleaved>} : vector<32xbf16> -> vector<16xf32>
          %parallel_loop3A_739 = tpu.unpack_subelements %parallel_loop3A_737, 1 {pack_format = #tpu.pack_format<interleaved>} : vector<32xbf16> -> vector<16xf32>
          %parallel_loop3A_740 = arith.mulf %parallel_loop3A_278, %parallel_loop3A_738 : vector<16xf32>
          %parallel_loop3A_741 = arith.mulf %parallel_loop3A_284, %parallel_loop3A_739 : vector<16xf32>
          %parallel_loop3A_742 = arith.addf %parallel_loop3A_716, %parallel_loop3A_717 : vector<16xf32>
          %parallel_loop3A_743 = arith.addf %parallel_loop3A_724, %parallel_loop3A_725 : vector<16xf32>
          %parallel_loop3A_744 = arith.addf %parallel_loop3A_732, %parallel_loop3A_733 : vector<16xf32>
          %parallel_loop3A_745 = arith.addf %parallel_loop3A_740, %parallel_loop3A_741 : vector<16xf32>
          %parallel_loop3A_746 = arith.addf %parallel_loop3A_742, %parallel_loop3A_743 : vector<16xf32>
          %parallel_loop3A_747 = arith.addf %parallel_loop3A_744, %parallel_loop3A_745 : vector<16xf32>
          %parallel_loop3A_748 = arith.addf %parallel_loop3A_746, %parallel_loop3A_747 : vector<16xf32>
          %parallel_loop3A_749 = arith.constant 40 : i32
          %parallel_loop3A_750 = tpu.memref_slice %arg10[%parallel_loop3A_749] : memref<16400xf32, #tpu.memory_space<vmem>> -> memref<16344xf32, #tpu.memory_space<vmem>>
          %parallel_loop3A_751 = tpu.vector_load_idx %parallel_loop3A_750[%parallel_loop3A_310] : memref<16344xf32, #tpu.memory_space<vmem>>[vector<16xi32>], vector<16xf32>,
          %parallel_loop3A_752 = vector.bitcast %parallel_loop3A_751 : vector<16xf32> to vector<32xbf16>
          %parallel_loop3A_753 = tpu.unpack_subelements %parallel_loop3A_752, 0 {pack_format = #tpu.pack_format<interleaved>} : vector<32xbf16> -> vector<16xf32>
          %parallel_loop3A_754 = tpu.unpack_subelements %parallel_loop3A_752, 1 {pack_format = #tpu.pack_format<interleaved>} : vector<32xbf16> -> vector<16xf32>
          %parallel_loop3A_755 = arith.mulf %parallel_loop3A_225, %parallel_loop3A_753 : vector<16xf32>
          %parallel_loop3A_756 = arith.mulf %parallel_loop3A_246, %parallel_loop3A_754 : vector<16xf32>
          %parallel_loop3A_757 = arith.constant 40 : i32
          %parallel_loop3A_758 = tpu.memref_slice %arg10[%parallel_loop3A_757] : memref<16400xf32, #tpu.memory_space<vmem>> -> memref<16344xf32, #tpu.memory_space<vmem>>
          %parallel_loop3A_759 = tpu.vector_load_idx %parallel_loop3A_758[%parallel_loop3A_313] : memref<16344xf32, #tpu.memory_space<vmem>>[vector<16xi32>], vector<16xf32>,
          %parallel_loop3A_760 = vector.bitcast %parallel_loop3A_759 : vector<16xf32> to vector<32xbf16>
          %parallel_loop3A_761 = tpu.unpack_subelements %parallel_loop3A_760, 0 {pack_format = #tpu.pack_format<interleaved>} : vector<32xbf16> -> vector<16xf32>
          %parallel_loop3A_762 = tpu.unpack_subelements %parallel_loop3A_760, 1 {pack_format = #tpu.pack_format<interleaved>} : vector<32xbf16> -> vector<16xf32>
          %parallel_loop3A_763 = arith.mulf %parallel_loop3A_254, %parallel_loop3A_761 : vector<16xf32>
          %parallel_loop3A_764 = arith.mulf %parallel_loop3A_260, %parallel_loop3A_762 : vector<16xf32>
          %parallel_loop3A_765 = arith.constant 40 : i32
          %parallel_loop3A_766 = tpu.memref_slice %arg10[%parallel_loop3A_765] : memref<16400xf32, #tpu.memory_space<vmem>> -> memref<16344xf32, #tpu.memory_space<vmem>>
          %parallel_loop3A_767 = tpu.vector_load_idx %parallel_loop3A_766[%parallel_loop3A_316] : memref<16344xf32, #tpu.memory_space<vmem>>[vector<16xi32>], vector<16xf32>,
          %parallel_loop3A_768 = vector.bitcast %parallel_loop3A_767 : vector<16xf32> to vector<32xbf16>
          %parallel_loop3A_769 = tpu.unpack_subelements %parallel_loop3A_768, 0 {pack_format = #tpu.pack_format<interleaved>} : vector<32xbf16> -> vector<16xf32>
          %parallel_loop3A_770 = tpu.unpack_subelements %parallel_loop3A_768, 1 {pack_format = #tpu.pack_format<interleaved>} : vector<32xbf16> -> vector<16xf32>
          %parallel_loop3A_771 = arith.mulf %parallel_loop3A_266, %parallel_loop3A_769 : vector<16xf32>
          %parallel_loop3A_772 = arith.mulf %parallel_loop3A_272, %parallel_loop3A_770 : vector<16xf32>
          %parallel_loop3A_773 = arith.constant 40 : i32
          %parallel_loop3A_774 = tpu.memref_slice %arg10[%parallel_loop3A_773] : memref<16400xf32, #tpu.memory_space<vmem>> -> memref<16344xf32, #tpu.memory_space<vmem>>
          %parallel_loop3A_775 = tpu.vector_load_idx %parallel_loop3A_774[%parallel_loop3A_319] : memref<16344xf32, #tpu.memory_space<vmem>>[vector<16xi32>], vector<16xf32>,
          %parallel_loop3A_776 = vector.bitcast %parallel_loop3A_775 : vector<16xf32> to vector<32xbf16>
          %parallel_loop3A_777 = tpu.unpack_subelements %parallel_loop3A_776, 0 {pack_format = #tpu.pack_format<interleaved>} : vector<32xbf16> -> vector<16xf32>
          %parallel_loop3A_778 = tpu.unpack_subelements %parallel_loop3A_776, 1 {pack_format = #tpu.pack_format<interleaved>} : vector<32xbf16> -> vector<16xf32>
          %parallel_loop3A_779 = arith.mulf %parallel_loop3A_278, %parallel_loop3A_777 : vector<16xf32>
          %parallel_loop3A_780 = arith.mulf %parallel_loop3A_284, %parallel_loop3A_778 : vector<16xf32>
          %parallel_loop3A_781 = arith.addf %parallel_loop3A_755, %parallel_loop3A_756 : vector<16xf32>
          %parallel_loop3A_782 = arith.addf %parallel_loop3A_763, %parallel_loop3A_764 : vector<16xf32>
          %parallel_loop3A_783 = arith.addf %parallel_loop3A_771, %parallel_loop3A_772 : vector<16xf32>
          %parallel_loop3A_784 = arith.addf %parallel_loop3A_779, %parallel_loop3A_780 : vector<16xf32>
          %parallel_loop3A_785 = arith.addf %parallel_loop3A_781, %parallel_loop3A_782 : vector<16xf32>
          %parallel_loop3A_786 = arith.addf %parallel_loop3A_783, %parallel_loop3A_784 : vector<16xf32>
          %parallel_loop3A_787 = arith.addf %parallel_loop3A_785, %parallel_loop3A_786 : vector<16xf32>
          %parallel_loop3A_788 = arith.constant 48 : i32
          %parallel_loop3A_789 = tpu.memref_slice %arg10[%parallel_loop3A_788] : memref<16400xf32, #tpu.memory_space<vmem>> -> memref<16344xf32, #tpu.memory_space<vmem>>
          %parallel_loop3A_790 = tpu.vector_load_idx %parallel_loop3A_789[%parallel_loop3A_298] : memref<16344xf32, #tpu.memory_space<vmem>>[vector<16xi32>], vector<16xf32>,
          %parallel_loop3A_791 = vector.bitcast %parallel_loop3A_790 : vector<16xf32> to vector<32xbf16>
          %parallel_loop3A_792 = tpu.unpack_subelements %parallel_loop3A_791, 0 {pack_format = #tpu.pack_format<interleaved>} : vector<32xbf16> -> vector<16xf32>
          %parallel_loop3A_793 = tpu.unpack_subelements %parallel_loop3A_791, 1 {pack_format = #tpu.pack_format<interleaved>} : vector<32xbf16> -> vector<16xf32>
          %parallel_loop3A_794 = arith.mulf %parallel_loop3A_225, %parallel_loop3A_792 : vector<16xf32>
          %parallel_loop3A_795 = arith.mulf %parallel_loop3A_246, %parallel_loop3A_793 : vector<16xf32>
          %parallel_loop3A_796 = arith.constant 48 : i32
          %parallel_loop3A_797 = tpu.memref_slice %arg10[%parallel_loop3A_796] : memref<16400xf32, #tpu.memory_space<vmem>> -> memref<16344xf32, #tpu.memory_space<vmem>>
          %parallel_loop3A_798 = tpu.vector_load_idx %parallel_loop3A_797[%parallel_loop3A_301] : memref<16344xf32, #tpu.memory_space<vmem>>[vector<16xi32>], vector<16xf32>,
          %parallel_loop3A_799 = vector.bitcast %parallel_loop3A_798 : vector<16xf32> to vector<32xbf16>
          %parallel_loop3A_800 = tpu.unpack_subelements %parallel_loop3A_799, 0 {pack_format = #tpu.pack_format<interleaved>} : vector<32xbf16> -> vector<16xf32>
          %parallel_loop3A_801 = tpu.unpack_subelements %parallel_loop3A_799, 1 {pack_format = #tpu.pack_format<interleaved>} : vector<32xbf16> -> vector<16xf32>
          %parallel_loop3A_802 = arith.mulf %parallel_loop3A_254, %parallel_loop3A_800 : vector<16xf32>
          %parallel_loop3A_803 = arith.mulf %parallel_loop3A_260, %parallel_loop3A_801 : vector<16xf32>
          %parallel_loop3A_804 = arith.constant 48 : i32
          %parallel_loop3A_805 = tpu.memref_slice %arg10[%parallel_loop3A_804] : memref<16400xf32, #tpu.memory_space<vmem>> -> memref<16344xf32, #tpu.memory_space<vmem>>
          %parallel_loop3A_806 = tpu.vector_load_idx %parallel_loop3A_805[%parallel_loop3A_304] : memref<16344xf32, #tpu.memory_space<vmem>>[vector<16xi32>], vector<16xf32>,
          %parallel_loop3A_807 = vector.bitcast %parallel_loop3A_806 : vector<16xf32> to vector<32xbf16>
          %parallel_loop3A_808 = tpu.unpack_subelements %parallel_loop3A_807, 0 {pack_format = #tpu.pack_format<interleaved>} : vector<32xbf16> -> vector<16xf32>
          %parallel_loop3A_809 = tpu.unpack_subelements %parallel_loop3A_807, 1 {pack_format = #tpu.pack_format<interleaved>} : vector<32xbf16> -> vector<16xf32>
          %parallel_loop3A_810 = arith.mulf %parallel_loop3A_266, %parallel_loop3A_808 : vector<16xf32>
          %parallel_loop3A_811 = arith.mulf %parallel_loop3A_272, %parallel_loop3A_809 : vector<16xf32>
          %parallel_loop3A_812 = arith.constant 48 : i32
          %parallel_loop3A_813 = tpu.memref_slice %arg10[%parallel_loop3A_812] : memref<16400xf32, #tpu.memory_space<vmem>> -> memref<16344xf32, #tpu.memory_space<vmem>>
          %parallel_loop3A_814 = tpu.vector_load_idx %parallel_loop3A_813[%parallel_loop3A_307] : memref<16344xf32, #tpu.memory_space<vmem>>[vector<16xi32>], vector<16xf32>,
          %parallel_loop3A_815 = vector.bitcast %parallel_loop3A_814 : vector<16xf32> to vector<32xbf16>
          %parallel_loop3A_816 = tpu.unpack_subelements %parallel_loop3A_815, 0 {pack_format = #tpu.pack_format<interleaved>} : vector<32xbf16> -> vector<16xf32>
          %parallel_loop3A_817 = tpu.unpack_subelements %parallel_loop3A_815, 1 {pack_format = #tpu.pack_format<interleaved>} : vector<32xbf16> -> vector<16xf32>
          %parallel_loop3A_818 = arith.mulf %parallel_loop3A_278, %parallel_loop3A_816 : vector<16xf32>
          %parallel_loop3A_819 = arith.mulf %parallel_loop3A_284, %parallel_loop3A_817 : vector<16xf32>
          %parallel_loop3A_820 = arith.addf %parallel_loop3A_794, %parallel_loop3A_795 : vector<16xf32>
          %parallel_loop3A_821 = arith.addf %parallel_loop3A_802, %parallel_loop3A_803 : vector<16xf32>
          %parallel_loop3A_822 = arith.addf %parallel_loop3A_810, %parallel_loop3A_811 : vector<16xf32>
          %parallel_loop3A_823 = arith.addf %parallel_loop3A_818, %parallel_loop3A_819 : vector<16xf32>
          %parallel_loop3A_824 = arith.addf %parallel_loop3A_820, %parallel_loop3A_821 : vector<16xf32>
          %parallel_loop3A_825 = arith.addf %parallel_loop3A_822, %parallel_loop3A_823 : vector<16xf32>
          %parallel_loop3A_826 = arith.addf %parallel_loop3A_824, %parallel_loop3A_825 : vector<16xf32>
          %parallel_loop3A_827 = arith.constant 48 : i32
          %parallel_loop3A_828 = tpu.memref_slice %arg10[%parallel_loop3A_827] : memref<16400xf32, #tpu.memory_space<vmem>> -> memref<16344xf32, #tpu.memory_space<vmem>>
          %parallel_loop3A_829 = tpu.vector_load_idx %parallel_loop3A_828[%parallel_loop3A_310] : memref<16344xf32, #tpu.memory_space<vmem>>[vector<16xi32>], vector<16xf32>,
          %parallel_loop3A_830 = vector.bitcast %parallel_loop3A_829 : vector<16xf32> to vector<32xbf16>
          %parallel_loop3A_831 = tpu.unpack_subelements %parallel_loop3A_830, 0 {pack_format = #tpu.pack_format<interleaved>} : vector<32xbf16> -> vector<16xf32>
          %parallel_loop3A_832 = tpu.unpack_subelements %parallel_loop3A_830, 1 {pack_format = #tpu.pack_format<interleaved>} : vector<32xbf16> -> vector<16xf32>
          %parallel_loop3A_833 = arith.mulf %parallel_loop3A_225, %parallel_loop3A_831 : vector<16xf32>
          %parallel_loop3A_834 = arith.mulf %parallel_loop3A_246, %parallel_loop3A_832 : vector<16xf32>
          %parallel_loop3A_835 = arith.constant 48 : i32
          %parallel_loop3A_836 = tpu.memref_slice %arg10[%parallel_loop3A_835] : memref<16400xf32, #tpu.memory_space<vmem>> -> memref<16344xf32, #tpu.memory_space<vmem>>
          %parallel_loop3A_837 = tpu.vector_load_idx %parallel_loop3A_836[%parallel_loop3A_313] : memref<16344xf32, #tpu.memory_space<vmem>>[vector<16xi32>], vector<16xf32>,
          %parallel_loop3A_838 = vector.bitcast %parallel_loop3A_837 : vector<16xf32> to vector<32xbf16>
          %parallel_loop3A_839 = tpu.unpack_subelements %parallel_loop3A_838, 0 {pack_format = #tpu.pack_format<interleaved>} : vector<32xbf16> -> vector<16xf32>
          %parallel_loop3A_840 = tpu.unpack_subelements %parallel_loop3A_838, 1 {pack_format = #tpu.pack_format<interleaved>} : vector<32xbf16> -> vector<16xf32>
          %parallel_loop3A_841 = arith.mulf %parallel_loop3A_254, %parallel_loop3A_839 : vector<16xf32>
          %parallel_loop3A_842 = arith.mulf %parallel_loop3A_260, %parallel_loop3A_840 : vector<16xf32>
          %parallel_loop3A_843 = arith.constant 48 : i32
          %parallel_loop3A_844 = tpu.memref_slice %arg10[%parallel_loop3A_843] : memref<16400xf32, #tpu.memory_space<vmem>> -> memref<16344xf32, #tpu.memory_space<vmem>>
          %parallel_loop3A_845 = tpu.vector_load_idx %parallel_loop3A_844[%parallel_loop3A_316] : memref<16344xf32, #tpu.memory_space<vmem>>[vector<16xi32>], vector<16xf32>,
          %parallel_loop3A_846 = vector.bitcast %parallel_loop3A_845 : vector<16xf32> to vector<32xbf16>
          %parallel_loop3A_847 = tpu.unpack_subelements %parallel_loop3A_846, 0 {pack_format = #tpu.pack_format<interleaved>} : vector<32xbf16> -> vector<16xf32>
          %parallel_loop3A_848 = tpu.unpack_subelements %parallel_loop3A_846, 1 {pack_format = #tpu.pack_format<interleaved>} : vector<32xbf16> -> vector<16xf32>
          %parallel_loop3A_849 = arith.mulf %parallel_loop3A_266, %parallel_loop3A_847 : vector<16xf32>
          %parallel_loop3A_850 = arith.mulf %parallel_loop3A_272, %parallel_loop3A_848 : vector<16xf32>
          %parallel_loop3A_851 = arith.constant 48 : i32
          %parallel_loop3A_852 = tpu.memref_slice %arg10[%parallel_loop3A_851] : memref<16400xf32, #tpu.memory_space<vmem>> -> memref<16344xf32, #tpu.memory_space<vmem>>
          %parallel_loop3A_853 = tpu.vector_load_idx %parallel_loop3A_852[%parallel_loop3A_319] : memref<16344xf32, #tpu.memory_space<vmem>>[vector<16xi32>], vector<16xf32>,
          %parallel_loop3A_854 = vector.bitcast %parallel_loop3A_853 : vector<16xf32> to vector<32xbf16>
          %parallel_loop3A_855 = tpu.unpack_subelements %parallel_loop3A_854, 0 {pack_format = #tpu.pack_format<interleaved>} : vector<32xbf16> -> vector<16xf32>
          %parallel_loop3A_856 = tpu.unpack_subelements %parallel_loop3A_854, 1 {pack_format = #tpu.pack_format<interleaved>} : vector<32xbf16> -> vector<16xf32>
          %parallel_loop3A_857 = arith.mulf %parallel_loop3A_278, %parallel_loop3A_855 : vector<16xf32>
          %parallel_loop3A_858 = arith.mulf %parallel_loop3A_284, %parallel_loop3A_856 : vector<16xf32>
          %parallel_loop3A_859 = arith.addf %parallel_loop3A_833, %parallel_loop3A_834 : vector<16xf32>
          %parallel_loop3A_860 = arith.addf %parallel_loop3A_841, %parallel_loop3A_842 : vector<16xf32>
          %parallel_loop3A_861 = arith.addf %parallel_loop3A_849, %parallel_loop3A_850 : vector<16xf32>
          %parallel_loop3A_862 = arith.addf %parallel_loop3A_857, %parallel_loop3A_858 : vector<16xf32>
          %parallel_loop3A_863 = arith.addf %parallel_loop3A_859, %parallel_loop3A_860 : vector<16xf32>
          %parallel_loop3A_864 = arith.addf %parallel_loop3A_861, %parallel_loop3A_862 : vector<16xf32>
          %parallel_loop3A_865 = arith.addf %parallel_loop3A_863, %parallel_loop3A_864 : vector<16xf32>
          %parallel_loop3A_866 = arith.constant 56 : i32
          %parallel_loop3A_867 = tpu.memref_slice %arg10[%parallel_loop3A_866] : memref<16400xf32, #tpu.memory_space<vmem>> -> memref<16344xf32, #tpu.memory_space<vmem>>
          %parallel_loop3A_868 = tpu.vector_load_idx %parallel_loop3A_867[%parallel_loop3A_298] : memref<16344xf32, #tpu.memory_space<vmem>>[vector<16xi32>], vector<16xf32>,
          %parallel_loop3A_869 = vector.bitcast %parallel_loop3A_868 : vector<16xf32> to vector<32xbf16>
          %parallel_loop3A_870 = tpu.unpack_subelements %parallel_loop3A_869, 0 {pack_format = #tpu.pack_format<interleaved>} : vector<32xbf16> -> vector<16xf32>
          %parallel_loop3A_871 = tpu.unpack_subelements %parallel_loop3A_869, 1 {pack_format = #tpu.pack_format<interleaved>} : vector<32xbf16> -> vector<16xf32>
          %parallel_loop3A_872 = arith.mulf %parallel_loop3A_225, %parallel_loop3A_870 : vector<16xf32>
          %parallel_loop3A_873 = arith.mulf %parallel_loop3A_246, %parallel_loop3A_871 : vector<16xf32>
          %parallel_loop3A_874 = arith.constant 56 : i32
          %parallel_loop3A_875 = tpu.memref_slice %arg10[%parallel_loop3A_874] : memref<16400xf32, #tpu.memory_space<vmem>> -> memref<16344xf32, #tpu.memory_space<vmem>>
          %parallel_loop3A_876 = tpu.vector_load_idx %parallel_loop3A_875[%parallel_loop3A_301] : memref<16344xf32, #tpu.memory_space<vmem>>[vector<16xi32>], vector<16xf32>,
          %parallel_loop3A_877 = vector.bitcast %parallel_loop3A_876 : vector<16xf32> to vector<32xbf16>
          %parallel_loop3A_878 = tpu.unpack_subelements %parallel_loop3A_877, 0 {pack_format = #tpu.pack_format<interleaved>} : vector<32xbf16> -> vector<16xf32>
          %parallel_loop3A_879 = tpu.unpack_subelements %parallel_loop3A_877, 1 {pack_format = #tpu.pack_format<interleaved>} : vector<32xbf16> -> vector<16xf32>
          %parallel_loop3A_880 = arith.mulf %parallel_loop3A_254, %parallel_loop3A_878 : vector<16xf32>
          %parallel_loop3A_881 = arith.mulf %parallel_loop3A_260, %parallel_loop3A_879 : vector<16xf32>
          %parallel_loop3A_882 = arith.constant 56 : i32
          %parallel_loop3A_883 = tpu.memref_slice %arg10[%parallel_loop3A_882] : memref<16400xf32, #tpu.memory_space<vmem>> -> memref<16344xf32, #tpu.memory_space<vmem>>
          %parallel_loop3A_884 = tpu.vector_load_idx %parallel_loop3A_883[%parallel_loop3A_304] : memref<16344xf32, #tpu.memory_space<vmem>>[vector<16xi32>], vector<16xf32>,
          %parallel_loop3A_885 = vector.bitcast %parallel_loop3A_884 : vector<16xf32> to vector<32xbf16>
          %parallel_loop3A_886 = tpu.unpack_subelements %parallel_loop3A_885, 0 {pack_format = #tpu.pack_format<interleaved>} : vector<32xbf16> -> vector<16xf32>
          %parallel_loop3A_887 = tpu.unpack_subelements %parallel_loop3A_885, 1 {pack_format = #tpu.pack_format<interleaved>} : vector<32xbf16> -> vector<16xf32>
          %parallel_loop3A_888 = arith.mulf %parallel_loop3A_266, %parallel_loop3A_886 : vector<16xf32>
          %parallel_loop3A_889 = arith.mulf %parallel_loop3A_272, %parallel_loop3A_887 : vector<16xf32>
          %parallel_loop3A_890 = arith.constant 56 : i32
          %parallel_loop3A_891 = tpu.memref_slice %arg10[%parallel_loop3A_890] : memref<16400xf32, #tpu.memory_space<vmem>> -> memref<16344xf32, #tpu.memory_space<vmem>>
          %parallel_loop3A_892 = tpu.vector_load_idx %parallel_loop3A_891[%parallel_loop3A_307] : memref<16344xf32, #tpu.memory_space<vmem>>[vector<16xi32>], vector<16xf32>,
          %parallel_loop3A_893 = vector.bitcast %parallel_loop3A_892 : vector<16xf32> to vector<32xbf16>
          %parallel_loop3A_894 = tpu.unpack_subelements %parallel_loop3A_893, 0 {pack_format = #tpu.pack_format<interleaved>} : vector<32xbf16> -> vector<16xf32>
          %parallel_loop3A_895 = tpu.unpack_subelements %parallel_loop3A_893, 1 {pack_format = #tpu.pack_format<interleaved>} : vector<32xbf16> -> vector<16xf32>
          %parallel_loop3A_896 = arith.mulf %parallel_loop3A_278, %parallel_loop3A_894 : vector<16xf32>
          %parallel_loop3A_897 = arith.mulf %parallel_loop3A_284, %parallel_loop3A_895 : vector<16xf32>
          %parallel_loop3A_898 = arith.addf %parallel_loop3A_872, %parallel_loop3A_873 : vector<16xf32>
          %parallel_loop3A_899 = arith.addf %parallel_loop3A_880, %parallel_loop3A_881 : vector<16xf32>
          %parallel_loop3A_900 = arith.addf %parallel_loop3A_888, %parallel_loop3A_889 : vector<16xf32>
          %parallel_loop3A_901 = arith.addf %parallel_loop3A_896, %parallel_loop3A_897 : vector<16xf32>
          %parallel_loop3A_902 = arith.addf %parallel_loop3A_898, %parallel_loop3A_899 : vector<16xf32>
          %parallel_loop3A_903 = arith.addf %parallel_loop3A_900, %parallel_loop3A_901 : vector<16xf32>
          %parallel_loop3A_904 = arith.addf %parallel_loop3A_902, %parallel_loop3A_903 : vector<16xf32>
          %parallel_loop3A_905 = arith.constant 56 : i32
          %parallel_loop3A_906 = tpu.memref_slice %arg10[%parallel_loop3A_905] : memref<16400xf32, #tpu.memory_space<vmem>> -> memref<16344xf32, #tpu.memory_space<vmem>>
          %parallel_loop3A_907 = tpu.vector_load_idx %parallel_loop3A_906[%parallel_loop3A_310] : memref<16344xf32, #tpu.memory_space<vmem>>[vector<16xi32>], vector<16xf32>,
          %parallel_loop3A_908 = vector.bitcast %parallel_loop3A_907 : vector<16xf32> to vector<32xbf16>
          %parallel_loop3A_909 = tpu.unpack_subelements %parallel_loop3A_908, 0 {pack_format = #tpu.pack_format<interleaved>} : vector<32xbf16> -> vector<16xf32>
          %parallel_loop3A_910 = tpu.unpack_subelements %parallel_loop3A_908, 1 {pack_format = #tpu.pack_format<interleaved>} : vector<32xbf16> -> vector<16xf32>
          %parallel_loop3A_911 = arith.mulf %parallel_loop3A_225, %parallel_loop3A_909 : vector<16xf32>
          %parallel_loop3A_912 = arith.mulf %parallel_loop3A_246, %parallel_loop3A_910 : vector<16xf32>
          %parallel_loop3A_913 = arith.constant 56 : i32
          %parallel_loop3A_914 = tpu.memref_slice %arg10[%parallel_loop3A_913] : memref<16400xf32, #tpu.memory_space<vmem>> -> memref<16344xf32, #tpu.memory_space<vmem>>
          %parallel_loop3A_915 = tpu.vector_load_idx %parallel_loop3A_914[%parallel_loop3A_313] : memref<16344xf32, #tpu.memory_space<vmem>>[vector<16xi32>], vector<16xf32>,
          %parallel_loop3A_916 = vector.bitcast %parallel_loop3A_915 : vector<16xf32> to vector<32xbf16>
          %parallel_loop3A_917 = tpu.unpack_subelements %parallel_loop3A_916, 0 {pack_format = #tpu.pack_format<interleaved>} : vector<32xbf16> -> vector<16xf32>
          %parallel_loop3A_918 = tpu.unpack_subelements %parallel_loop3A_916, 1 {pack_format = #tpu.pack_format<interleaved>} : vector<32xbf16> -> vector<16xf32>
          %parallel_loop3A_919 = arith.mulf %parallel_loop3A_254, %parallel_loop3A_917 : vector<16xf32>
          %parallel_loop3A_920 = arith.mulf %parallel_loop3A_260, %parallel_loop3A_918 : vector<16xf32>
          %parallel_loop3A_921 = arith.constant 56 : i32
          %parallel_loop3A_922 = tpu.memref_slice %arg10[%parallel_loop3A_921] : memref<16400xf32, #tpu.memory_space<vmem>> -> memref<16344xf32, #tpu.memory_space<vmem>>
          %parallel_loop3A_923 = tpu.vector_load_idx %parallel_loop3A_922[%parallel_loop3A_316] : memref<16344xf32, #tpu.memory_space<vmem>>[vector<16xi32>], vector<16xf32>,
          %parallel_loop3A_924 = vector.bitcast %parallel_loop3A_923 : vector<16xf32> to vector<32xbf16>
          %parallel_loop3A_925 = tpu.unpack_subelements %parallel_loop3A_924, 0 {pack_format = #tpu.pack_format<interleaved>} : vector<32xbf16> -> vector<16xf32>
          %parallel_loop3A_926 = tpu.unpack_subelements %parallel_loop3A_924, 1 {pack_format = #tpu.pack_format<interleaved>} : vector<32xbf16> -> vector<16xf32>
          %parallel_loop3A_927 = arith.mulf %parallel_loop3A_266, %parallel_loop3A_925 : vector<16xf32>
          %parallel_loop3A_928 = arith.mulf %parallel_loop3A_272, %parallel_loop3A_926 : vector<16xf32>
          %parallel_loop3A_929 = arith.constant 56 : i32
          %parallel_loop3A_930 = tpu.memref_slice %arg10[%parallel_loop3A_929] : memref<16400xf32, #tpu.memory_space<vmem>> -> memref<16344xf32, #tpu.memory_space<vmem>>
          %parallel_loop3A_931 = tpu.vector_load_idx %parallel_loop3A_930[%parallel_loop3A_319] : memref<16344xf32, #tpu.memory_space<vmem>>[vector<16xi32>], vector<16xf32>,
          %parallel_loop3A_932 = vector.bitcast %parallel_loop3A_931 : vector<16xf32> to vector<32xbf16>
          %parallel_loop3A_933 = tpu.unpack_subelements %parallel_loop3A_932, 0 {pack_format = #tpu.pack_format<interleaved>} : vector<32xbf16> -> vector<16xf32>
          %parallel_loop3A_934 = tpu.unpack_subelements %parallel_loop3A_932, 1 {pack_format = #tpu.pack_format<interleaved>} : vector<32xbf16> -> vector<16xf32>
          %parallel_loop3A_935 = arith.mulf %parallel_loop3A_278, %parallel_loop3A_933 : vector<16xf32>
          %parallel_loop3A_936 = arith.mulf %parallel_loop3A_284, %parallel_loop3A_934 : vector<16xf32>
          %parallel_loop3A_937 = arith.addf %parallel_loop3A_911, %parallel_loop3A_912 : vector<16xf32>
          %parallel_loop3A_938 = arith.addf %parallel_loop3A_919, %parallel_loop3A_920 : vector<16xf32>
          %parallel_loop3A_939 = arith.addf %parallel_loop3A_927, %parallel_loop3A_928 : vector<16xf32>
          %parallel_loop3A_940 = arith.addf %parallel_loop3A_935, %parallel_loop3A_936 : vector<16xf32>
          %parallel_loop3A_941 = arith.addf %parallel_loop3A_937, %parallel_loop3A_938 : vector<16xf32>
          %parallel_loop3A_942 = arith.addf %parallel_loop3A_939, %parallel_loop3A_940 : vector<16xf32>
          %parallel_loop3A_943 = arith.addf %parallel_loop3A_941, %parallel_loop3A_942 : vector<16xf32>
          %parallel_loop3A_944 = arith.constant 0 : i32
          %parallel_loop3A_945 = arith.constant 0 : i32
          %parallel_loop3A_946 = arith.constant 0 : i32
          %parallel_loop3A_947 = arith.index_cast %parallel_loop3A_944 : i32 to index
          %parallel_loop3A_948 = arith.index_cast %parallel_loop3A_945 : i32 to index
          %parallel_loop3A_949 = arith.index_cast %parallel_loop3A_160 : i32 to index
          %parallel_loop3A_950 = arith.index_cast %parallel_loop3A_946 : i32 to index
          %parallel_loop3A_951 = arith.index_cast %parallel_loop3A_179 : i32 to index
          %parallel_loop3A_952 = tpu.vector_load %arg11[%parallel_loop3A_947, %parallel_loop3A_948, %parallel_loop3A_949, %parallel_loop3A_950, %parallel_loop3A_951] {strides = array<i32>} : memref<2x2x10x8x128xf32, #tpu.memory_space<vmem>>, vector<16xf32>,
          tpu.vector_store %arg11[%parallel_loop3A_947, %parallel_loop3A_948, %parallel_loop3A_949, %parallel_loop3A_950, %parallel_loop3A_951], %parallel_loop3A_358 {strides = array<i32>} : memref<2x2x10x8x128xf32, #tpu.memory_space<vmem>>, vector<16xf32>,
          %parallel_loop3A_953 = arith.constant 0 : i32
          %parallel_loop3A_954 = arith.constant 0 : i32
          %parallel_loop3A_955 = arith.constant 1 : i32
          %parallel_loop3A_956 = arith.index_cast %parallel_loop3A_953 : i32 to index
          %parallel_loop3A_957 = arith.index_cast %parallel_loop3A_954 : i32 to index
          %parallel_loop3A_958 = arith.index_cast %parallel_loop3A_160 : i32 to index
          %parallel_loop3A_959 = arith.index_cast %parallel_loop3A_955 : i32 to index
          %parallel_loop3A_960 = arith.index_cast %parallel_loop3A_179 : i32 to index
          %parallel_loop3A_961 = tpu.vector_load %arg11[%parallel_loop3A_956, %parallel_loop3A_957, %parallel_loop3A_958, %parallel_loop3A_959, %parallel_loop3A_960] {strides = array<i32>} : memref<2x2x10x8x128xf32, #tpu.memory_space<vmem>>, vector<16xf32>,
          tpu.vector_store %arg11[%parallel_loop3A_956, %parallel_loop3A_957, %parallel_loop3A_958, %parallel_loop3A_959, %parallel_loop3A_960], %parallel_loop3A_397 {strides = array<i32>} : memref<2x2x10x8x128xf32, #tpu.memory_space<vmem>>, vector<16xf32>,
          %parallel_loop3A_962 = arith.constant 0 : i32
          %parallel_loop3A_963 = arith.constant 0 : i32
          %parallel_loop3A_964 = arith.constant 2 : i32
          %parallel_loop3A_965 = arith.index_cast %parallel_loop3A_962 : i32 to index
          %parallel_loop3A_966 = arith.index_cast %parallel_loop3A_963 : i32 to index
          %parallel_loop3A_967 = arith.index_cast %parallel_loop3A_160 : i32 to index
          %parallel_loop3A_968 = arith.index_cast %parallel_loop3A_964 : i32 to index
          %parallel_loop3A_969 = arith.index_cast %parallel_loop3A_179 : i32 to index
          %parallel_loop3A_970 = tpu.vector_load %arg11[%parallel_loop3A_965, %parallel_loop3A_966, %parallel_loop3A_967, %parallel_loop3A_968, %parallel_loop3A_969] {strides = array<i32>} : memref<2x2x10x8x128xf32, #tpu.memory_space<vmem>>, vector<16xf32>,
          tpu.vector_store %arg11[%parallel_loop3A_965, %parallel_loop3A_966, %parallel_loop3A_967, %parallel_loop3A_968, %parallel_loop3A_969], %parallel_loop3A_436 {strides = array<i32>} : memref<2x2x10x8x128xf32, #tpu.memory_space<vmem>>, vector<16xf32>,
          %parallel_loop3A_971 = arith.constant 0 : i32
          %parallel_loop3A_972 = arith.constant 0 : i32
          %parallel_loop3A_973 = arith.constant 3 : i32
          %parallel_loop3A_974 = arith.index_cast %parallel_loop3A_971 : i32 to index
          %parallel_loop3A_975 = arith.index_cast %parallel_loop3A_972 : i32 to index
          %parallel_loop3A_976 = arith.index_cast %parallel_loop3A_160 : i32 to index
          %parallel_loop3A_977 = arith.index_cast %parallel_loop3A_973 : i32 to index
          %parallel_loop3A_978 = arith.index_cast %parallel_loop3A_179 : i32 to index
          %parallel_loop3A_979 = tpu.vector_load %arg11[%parallel_loop3A_974, %parallel_loop3A_975, %parallel_loop3A_976, %parallel_loop3A_977, %parallel_loop3A_978] {strides = array<i32>} : memref<2x2x10x8x128xf32, #tpu.memory_space<vmem>>, vector<16xf32>,
          tpu.vector_store %arg11[%parallel_loop3A_974, %parallel_loop3A_975, %parallel_loop3A_976, %parallel_loop3A_977, %parallel_loop3A_978], %parallel_loop3A_475 {strides = array<i32>} : memref<2x2x10x8x128xf32, #tpu.memory_space<vmem>>, vector<16xf32>,
          %parallel_loop3A_980 = arith.constant 0 : i32
          %parallel_loop3A_981 = arith.constant 0 : i32
          %parallel_loop3A_982 = arith.constant 4 : i32
          %parallel_loop3A_983 = arith.index_cast %parallel_loop3A_980 : i32 to index
          %parallel_loop3A_984 = arith.index_cast %parallel_loop3A_981 : i32 to index
          %parallel_loop3A_985 = arith.index_cast %parallel_loop3A_160 : i32 to index
          %parallel_loop3A_986 = arith.index_cast %parallel_loop3A_982 : i32 to index
          %parallel_loop3A_987 = arith.index_cast %parallel_loop3A_179 : i32 to index
          %parallel_loop3A_988 = tpu.vector_load %arg11[%parallel_loop3A_983, %parallel_loop3A_984, %parallel_loop3A_985, %parallel_loop3A_986, %parallel_loop3A_987] {strides = array<i32>} : memref<2x2x10x8x128xf32, #tpu.memory_space<vmem>>, vector<16xf32>,
          tpu.vector_store %arg11[%parallel_loop3A_983, %parallel_loop3A_984, %parallel_loop3A_985, %parallel_loop3A_986, %parallel_loop3A_987], %parallel_loop3A_514 {strides = array<i32>} : memref<2x2x10x8x128xf32, #tpu.memory_space<vmem>>, vector<16xf32>,
          %parallel_loop3A_989 = arith.constant 0 : i32
          %parallel_loop3A_990 = arith.constant 0 : i32
          %parallel_loop3A_991 = arith.constant 5 : i32
          %parallel_loop3A_992 = arith.index_cast %parallel_loop3A_989 : i32 to index
          %parallel_loop3A_993 = arith.index_cast %parallel_loop3A_990 : i32 to index
          %parallel_loop3A_994 = arith.index_cast %parallel_loop3A_160 : i32 to index
          %parallel_loop3A_995 = arith.index_cast %parallel_loop3A_991 : i32 to index
          %parallel_loop3A_996 = arith.index_cast %parallel_loop3A_179 : i32 to index
          %parallel_loop3A_997 = tpu.vector_load %arg11[%parallel_loop3A_992, %parallel_loop3A_993, %parallel_loop3A_994, %parallel_loop3A_995, %parallel_loop3A_996] {strides = array<i32>} : memref<2x2x10x8x128xf32, #tpu.memory_space<vmem>>, vector<16xf32>,
          tpu.vector_store %arg11[%parallel_loop3A_992, %parallel_loop3A_993, %parallel_loop3A_994, %parallel_loop3A_995, %parallel_loop3A_996], %parallel_loop3A_553 {strides = array<i32>} : memref<2x2x10x8x128xf32, #tpu.memory_space<vmem>>, vector<16xf32>,
          %parallel_loop3A_998 = arith.constant 0 : i32
          %parallel_loop3A_999 = arith.constant 0 : i32
          %parallel_loop3A_1000 = arith.constant 6 : i32
          %parallel_loop3A_1001 = arith.index_cast %parallel_loop3A_998 : i32 to index
          %parallel_loop3A_1002 = arith.index_cast %parallel_loop3A_999 : i32 to index
          %parallel_loop3A_1003 = arith.index_cast %parallel_loop3A_160 : i32 to index
          %parallel_loop3A_1004 = arith.index_cast %parallel_loop3A_1000 : i32 to index
          %parallel_loop3A_1005 = arith.index_cast %parallel_loop3A_179 : i32 to index
          %parallel_loop3A_1006 = tpu.vector_load %arg11[%parallel_loop3A_1001, %parallel_loop3A_1002, %parallel_loop3A_1003, %parallel_loop3A_1004, %parallel_loop3A_1005] {strides = array<i32>} : memref<2x2x10x8x128xf32, #tpu.memory_space<vmem>>, vector<16xf32>,
          tpu.vector_store %arg11[%parallel_loop3A_1001, %parallel_loop3A_1002, %parallel_loop3A_1003, %parallel_loop3A_1004, %parallel_loop3A_1005], %parallel_loop3A_592 {strides = array<i32>} : memref<2x2x10x8x128xf32, #tpu.memory_space<vmem>>, vector<16xf32>,
          %parallel_loop3A_1007 = arith.constant 0 : i32
          %parallel_loop3A_1008 = arith.constant 0 : i32
          %parallel_loop3A_1009 = arith.constant 7 : i32
          %parallel_loop3A_1010 = arith.index_cast %parallel_loop3A_1007 : i32 to index
          %parallel_loop3A_1011 = arith.index_cast %parallel_loop3A_1008 : i32 to index
          %parallel_loop3A_1012 = arith.index_cast %parallel_loop3A_160 : i32 to index
          %parallel_loop3A_1013 = arith.index_cast %parallel_loop3A_1009 : i32 to index
          %parallel_loop3A_1014 = arith.index_cast %parallel_loop3A_179 : i32 to index
          %parallel_loop3A_1015 = tpu.vector_load %arg11[%parallel_loop3A_1010, %parallel_loop3A_1011, %parallel_loop3A_1012, %parallel_loop3A_1013, %parallel_loop3A_1014] {strides = array<i32>} : memref<2x2x10x8x128xf32, #tpu.memory_space<vmem>>, vector<16xf32>,
          tpu.vector_store %arg11[%parallel_loop3A_1010, %parallel_loop3A_1011, %parallel_loop3A_1012, %parallel_loop3A_1013, %parallel_loop3A_1014], %parallel_loop3A_631 {strides = array<i32>} : memref<2x2x10x8x128xf32, #tpu.memory_space<vmem>>, vector<16xf32>,
          %parallel_loop3A_1016 = arith.constant 0 : i32
          %parallel_loop3A_1017 = arith.constant 1 : i32
          %parallel_loop3A_1018 = arith.constant 0 : i32
          %parallel_loop3A_1019 = arith.index_cast %parallel_loop3A_1016 : i32 to index
          %parallel_loop3A_1020 = arith.index_cast %parallel_loop3A_1017 : i32 to index
          %parallel_loop3A_1021 = arith.index_cast %parallel_loop3A_160 : i32 to index
          %parallel_loop3A_1022 = arith.index_cast %parallel_loop3A_1018 : i32 to index
          %parallel_loop3A_1023 = arith.index_cast %parallel_loop3A_179 : i32 to index
          %parallel_loop3A_1024 = tpu.vector_load %arg11[%parallel_loop3A_1019, %parallel_loop3A_1020, %parallel_loop3A_1021, %parallel_loop3A_1022, %parallel_loop3A_1023] {strides = array<i32>} : memref<2x2x10x8x128xf32, #tpu.memory_space<vmem>>, vector<16xf32>,
          tpu.vector_store %arg11[%parallel_loop3A_1019, %parallel_loop3A_1020, %parallel_loop3A_1021, %parallel_loop3A_1022, %parallel_loop3A_1023], %parallel_loop3A_670 {strides = array<i32>} : memref<2x2x10x8x128xf32, #tpu.memory_space<vmem>>, vector<16xf32>,
          %parallel_loop3A_1025 = arith.constant 0 : i32
          %parallel_loop3A_1026 = arith.constant 1 : i32
          %parallel_loop3A_1027 = arith.constant 1 : i32
          %parallel_loop3A_1028 = arith.index_cast %parallel_loop3A_1025 : i32 to index
          %parallel_loop3A_1029 = arith.index_cast %parallel_loop3A_1026 : i32 to index
          %parallel_loop3A_1030 = arith.index_cast %parallel_loop3A_160 : i32 to index
          %parallel_loop3A_1031 = arith.index_cast %parallel_loop3A_1027 : i32 to index
          %parallel_loop3A_1032 = arith.index_cast %parallel_loop3A_179 : i32 to index
          %parallel_loop3A_1033 = tpu.vector_load %arg11[%parallel_loop3A_1028, %parallel_loop3A_1029, %parallel_loop3A_1030, %parallel_loop3A_1031, %parallel_loop3A_1032] {strides = array<i32>} : memref<2x2x10x8x128xf32, #tpu.memory_space<vmem>>, vector<16xf32>,
          tpu.vector_store %arg11[%parallel_loop3A_1028, %parallel_loop3A_1029, %parallel_loop3A_1030, %parallel_loop3A_1031, %parallel_loop3A_1032], %parallel_loop3A_709 {strides = array<i32>} : memref<2x2x10x8x128xf32, #tpu.memory_space<vmem>>, vector<16xf32>,
          %parallel_loop3A_1034 = arith.constant 0 : i32
          %parallel_loop3A_1035 = arith.constant 1 : i32
          %parallel_loop3A_1036 = arith.constant 2 : i32
          %parallel_loop3A_1037 = arith.index_cast %parallel_loop3A_1034 : i32 to index
          %parallel_loop3A_1038 = arith.index_cast %parallel_loop3A_1035 : i32 to index
          %parallel_loop3A_1039 = arith.index_cast %parallel_loop3A_160 : i32 to index
          %parallel_loop3A_1040 = arith.index_cast %parallel_loop3A_1036 : i32 to index
          %parallel_loop3A_1041 = arith.index_cast %parallel_loop3A_179 : i32 to index
          %parallel_loop3A_1042 = tpu.vector_load %arg11[%parallel_loop3A_1037, %parallel_loop3A_1038, %parallel_loop3A_1039, %parallel_loop3A_1040, %parallel_loop3A_1041] {strides = array<i32>} : memref<2x2x10x8x128xf32, #tpu.memory_space<vmem>>, vector<16xf32>,
          tpu.vector_store %arg11[%parallel_loop3A_1037, %parallel_loop3A_1038, %parallel_loop3A_1039, %parallel_loop3A_1040, %parallel_loop3A_1041], %parallel_loop3A_748 {strides = array<i32>} : memref<2x2x10x8x128xf32, #tpu.memory_space<vmem>>, vector<16xf32>,
          %parallel_loop3A_1043 = arith.constant 0 : i32
          %parallel_loop3A_1044 = arith.constant 1 : i32
          %parallel_loop3A_1045 = arith.constant 3 : i32
          %parallel_loop3A_1046 = arith.index_cast %parallel_loop3A_1043 : i32 to index
          %parallel_loop3A_1047 = arith.index_cast %parallel_loop3A_1044 : i32 to index
          %parallel_loop3A_1048 = arith.index_cast %parallel_loop3A_160 : i32 to index
          %parallel_loop3A_1049 = arith.index_cast %parallel_loop3A_1045 : i32 to index
          %parallel_loop3A_1050 = arith.index_cast %parallel_loop3A_179 : i32 to index
          %parallel_loop3A_1051 = tpu.vector_load %arg11[%parallel_loop3A_1046, %parallel_loop3A_1047, %parallel_loop3A_1048, %parallel_loop3A_1049, %parallel_loop3A_1050] {strides = array<i32>} : memref<2x2x10x8x128xf32, #tpu.memory_space<vmem>>, vector<16xf32>,
          tpu.vector_store %arg11[%parallel_loop3A_1046, %parallel_loop3A_1047, %parallel_loop3A_1048, %parallel_loop3A_1049, %parallel_loop3A_1050], %parallel_loop3A_787 {strides = array<i32>} : memref<2x2x10x8x128xf32, #tpu.memory_space<vmem>>, vector<16xf32>,
          %parallel_loop3A_1052 = arith.constant 0 : i32
          %parallel_loop3A_1053 = arith.constant 1 : i32
          %parallel_loop3A_1054 = arith.constant 4 : i32
          %parallel_loop3A_1055 = arith.index_cast %parallel_loop3A_1052 : i32 to index
          %parallel_loop3A_1056 = arith.index_cast %parallel_loop3A_1053 : i32 to index
          %parallel_loop3A_1057 = arith.index_cast %parallel_loop3A_160 : i32 to index
          %parallel_loop3A_1058 = arith.index_cast %parallel_loop3A_1054 : i32 to index
          %parallel_loop3A_1059 = arith.index_cast %parallel_loop3A_179 : i32 to index
          %parallel_loop3A_1060 = tpu.vector_load %arg11[%parallel_loop3A_1055, %parallel_loop3A_1056, %parallel_loop3A_1057, %parallel_loop3A_1058, %parallel_loop3A_1059] {strides = array<i32>} : memref<2x2x10x8x128xf32, #tpu.memory_space<vmem>>, vector<16xf32>,
          tpu.vector_store %arg11[%parallel_loop3A_1055, %parallel_loop3A_1056, %parallel_loop3A_1057, %parallel_loop3A_1058, %parallel_loop3A_1059], %parallel_loop3A_826 {strides = array<i32>} : memref<2x2x10x8x128xf32, #tpu.memory_space<vmem>>, vector<16xf32>,
          %parallel_loop3A_1061 = arith.constant 0 : i32
          %parallel_loop3A_1062 = arith.constant 1 : i32
          %parallel_loop3A_1063 = arith.constant 5 : i32
          %parallel_loop3A_1064 = arith.index_cast %parallel_loop3A_1061 : i32 to index
          %parallel_loop3A_1065 = arith.index_cast %parallel_loop3A_1062 : i32 to index
          %parallel_loop3A_1066 = arith.index_cast %parallel_loop3A_160 : i32 to index
          %parallel_loop3A_1067 = arith.index_cast %parallel_loop3A_1063 : i32 to index
          %parallel_loop3A_1068 = arith.index_cast %parallel_loop3A_179 : i32 to index
          %parallel_loop3A_1069 = tpu.vector_load %arg11[%parallel_loop3A_1064, %parallel_loop3A_1065, %parallel_loop3A_1066, %parallel_loop3A_1067, %parallel_loop3A_1068] {strides = array<i32>} : memref<2x2x10x8x128xf32, #tpu.memory_space<vmem>>, vector<16xf32>,
          tpu.vector_store %arg11[%parallel_loop3A_1064, %parallel_loop3A_1065, %parallel_loop3A_1066, %parallel_loop3A_1067, %parallel_loop3A_1068], %parallel_loop3A_865 {strides = array<i32>} : memref<2x2x10x8x128xf32, #tpu.memory_space<vmem>>, vector<16xf32>,
          %parallel_loop3A_1070 = arith.constant 0 : i32
          %parallel_loop3A_1071 = arith.constant 1 : i32
          %parallel_loop3A_1072 = arith.constant 6 : i32
          %parallel_loop3A_1073 = arith.index_cast %parallel_loop3A_1070 : i32 to index
          %parallel_loop3A_1074 = arith.index_cast %parallel_loop3A_1071 : i32 to index
          %parallel_loop3A_1075 = arith.index_cast %parallel_loop3A_160 : i32 to index
          %parallel_loop3A_1076 = arith.index_cast %parallel_loop3A_1072 : i32 to index
          %parallel_loop3A_1077 = arith.index_cast %parallel_loop3A_179 : i32 to index
          %parallel_loop3A_1078 = tpu.vector_load %arg11[%parallel_loop3A_1073, %parallel_loop3A_1074, %parallel_loop3A_1075, %parallel_loop3A_1076, %parallel_loop3A_1077] {strides = array<i32>} : memref<2x2x10x8x128xf32, #tpu.memory_space<vmem>>, vector<16xf32>,
          tpu.vector_store %arg11[%parallel_loop3A_1073, %parallel_loop3A_1074, %parallel_loop3A_1075, %parallel_loop3A_1076, %parallel_loop3A_1077], %parallel_loop3A_904 {strides = array<i32>} : memref<2x2x10x8x128xf32, #tpu.memory_space<vmem>>, vector<16xf32>,
          %parallel_loop3A_1079 = arith.constant 0 : i32
          %parallel_loop3A_1080 = arith.constant 1 : i32
          %parallel_loop3A_1081 = arith.constant 7 : i32
          %parallel_loop3A_1082 = arith.index_cast %parallel_loop3A_1079 : i32 to index
          %parallel_loop3A_1083 = arith.index_cast %parallel_loop3A_1080 : i32 to index
          %parallel_loop3A_1084 = arith.index_cast %parallel_loop3A_160 : i32 to index
          %parallel_loop3A_1085 = arith.index_cast %parallel_loop3A_1081 : i32 to index
          %parallel_loop3A_1086 = arith.index_cast %parallel_loop3A_179 : i32 to index
          %parallel_loop3A_1087 = tpu.vector_load %arg11[%parallel_loop3A_1082, %parallel_loop3A_1083, %parallel_loop3A_1084, %parallel_loop3A_1085, %parallel_loop3A_1086] {strides = array<i32>} : memref<2x2x10x8x128xf32, #tpu.memory_space<vmem>>, vector<16xf32>,
          tpu.vector_store %arg11[%parallel_loop3A_1082, %parallel_loop3A_1083, %parallel_loop3A_1084, %parallel_loop3A_1085, %parallel_loop3A_1086], %parallel_loop3A_943 {strides = array<i32>} : memref<2x2x10x8x128xf32, #tpu.memory_space<vmem>>, vector<16xf32>,
        } {sc.loop_unroll_factor = 4 : i64, sc.parallel_access}
        %mul3A_108 = arith.constant 32 : i32
        %mul3A_109 = arith.muli %add3A_52, %mul3A_108 : i32
        %add3A_110 = arith.addi %mul3A_109, %add3A : i32
        %mul3A_111 = arith.constant 10 : i32
        %mul3A_112 = arith.muli %add3A_110, %mul3A_111 : i32
        %dma_start3A = arith.constant 0 : i32
        %dma_start3A_113 = arith.constant 0 : i32
        %dma_start3A_114 = arith.constant 0 : i32
        %dma_start3A_115 = arith.constant 0 : i32
        %dma_start3A_116 = arith.constant 0 : i32
        %dma_start3A_117 = tpu.memref_slice %arg11[%dma_start3A, %dma_start3A_113, %dma_start3A_114, %dma_start3A_115, %dma_start3A_116] : memref<2x2x10x8x128xf32, #tpu.memory_space<vmem>> -> memref<1x2x10x8x128xf32, #tpu.memory_space<vmem>>
        %dma_start3A_118 = tpu.memref_squeeze %dma_start3A_117 : memref<1x2x10x8x128xf32, #tpu.memory_space<vmem>> -> memref<2x10x8x128xf32, #tpu.memory_space<vmem>>
        %dma_start3A_119 = arith.constant 0 : i32
        %dma_start3A_120 = arith.constant 0 : i32
        %dma_start3A_121 = arith.constant 0 : i32
        %dma_start3A_122 = tpu.memref_slice %arg6[%dma_start3A_119, %mul3A_112, %dma_start3A_120, %dma_start3A_121] : memref<2x6250x8x128xf32, #tpu.memory_space<hbm>> -> memref<2x10x8x128xf32, #tpu.memory_space<hbm>>
        %dma_start3A_123 = arith.constant 0 : i32
        %dma_start3A_124 = arith.constant 0 : i32
        %dma_start3A_125 = arith.constant 0 : i32
        %dma_start3A_126 = tpu.memref_slice %arg6[%dma_start3A_123, %mul3A_112, %dma_start3A_124, %dma_start3A_125] : memref<2x6250x8x128xf32, #tpu.memory_space<hbm>> -> memref<2x10x8x128xf32, #tpu.memory_space<hbm>>
        %dma_start3A_127 = arith.constant 0 : i32
        %dma_start3A_128 = arith.constant 0 : i32
        %dma_start3A_129 = arith.constant 0 : i32
        %dma_start3A_130 = arith.constant 0 : i32
        %dma_start3A_131 = tpu.memref_slice %arg11[%dma_start3A, %dma_start3A_127, %dma_start3A_128, %dma_start3A_129, %dma_start3A_130] : memref<2x2x10x8x128xf32, #tpu.memory_space<vmem>> -> memref<1x2x10x8x128xf32, #tpu.memory_space<vmem>>
        %dma_start3A_132 = tpu.memref_squeeze %dma_start3A_131 : memref<1x2x10x8x128xf32, #tpu.memory_space<vmem>> -> memref<2x10x8x128xf32, #tpu.memory_space<vmem>>
        tpu.enqueue_dma source(%dma_start3A_132 : memref<2x10x8x128xf32, #tpu.memory_space<vmem>>) target(%dma_start3A_126 : memref<2x10x8x128xf32, #tpu.memory_space<hbm>>) target_semaphore(%arg14 : memref<!tpu.dma_semaphore, #tpu.memory_space<semaphore_mem>>)
      } else {
      }
      %mul3A_57 = arith.constant 2 : i32
      %mul3A_58 = arith.muli %scan3A_48, %mul3A_57 : i32
      %add3A_59 = arith.constant 1 : i32
      %add3A_60 = arith.addi %mul3A_58, %add3A_59 : i32
      %lt3A_61 = arith.cmpi slt, %add3A_60, %select_n3A : i32
      %convert_element_type3A_62 = arith.extui %lt3A_61 : i1 to i32
      %cond3A_63 = arith.constant 0 : i32
      %cond3A_64 = arith.cmpi ne, %convert_element_type3A_62, %cond3A_63 : i32
      scf.if %cond3A_64 {
        %mul3A_65 = arith.constant 32 : i32
        %mul3A_66 = arith.muli %add3A_60, %mul3A_65 : i32
        %add3A_67 = arith.addi %mul3A_66, %add3A : i32
        %mul3A_68 = arith.constant 1280 : i32
        %mul3A_69 = arith.muli %add3A_67, %mul3A_68 : i32
        %dma_wait3A = arith.constant 1 : i32
        %dma_wait3A_70 = arith.constant 0 : i32
        %dma_wait3A_71 = tpu.memref_slice %arg7[%dma_wait3A, %dma_wait3A_70] : memref<2x1280xf32, #tpu.memory_space<vmem>> -> memref<1x1280xf32, #tpu.memory_space<vmem>>
        %dma_wait3A_72 = tpu.memref_squeeze %dma_wait3A_71 : memref<1x1280xf32, #tpu.memory_space<vmem>> -> memref<1280xf32, #tpu.memory_space<vmem>>
        %dma_wait3A_73 = tpu.memref_slice %arg2[%mul3A_69] : memref<800000xf32, #tpu.memory_space<hbm>> -> memref<1280xf32, #tpu.memory_space<hbm>>
        %dma_wait3A_74 = arith.constant 0 : i32
        %dma_wait3A_75 = tpu.memref_slice %arg7[%dma_wait3A, %dma_wait3A_74] : memref<2x1280xf32, #tpu.memory_space<vmem>> -> memref<1x1280xf32, #tpu.memory_space<vmem>>
        %dma_wait3A_76 = tpu.memref_squeeze %dma_wait3A_75 : memref<1x1280xf32, #tpu.memory_space<vmem>> -> memref<1280xf32, #tpu.memory_space<vmem>>
        %dma_wait3A_77 = tpu.memref_slice %arg2[%mul3A_69] : memref<800000xf32, #tpu.memory_space<hbm>> -> memref<1280xf32, #tpu.memory_space<hbm>>
        tpu.wait_dma2 semaphore(%arg13 : memref<!tpu.dma_semaphore, #tpu.memory_space<semaphore_mem>>) src(%dma_wait3A_77 : memref<1280xf32, #tpu.memory_space<hbm>>) dst(%dma_wait3A_76 : memref<1280xf32, #tpu.memory_space<vmem>>)
        %dma_wait3A_78 = arith.constant 1 : i32
        %dma_wait3A_79 = arith.constant 0 : i32
        %dma_wait3A_80 = tpu.memref_slice %arg8[%dma_wait3A_78, %dma_wait3A_79] : memref<2x1280xi32, #tpu.memory_space<vmem>> -> memref<1x1280xi32, #tpu.memory_space<vmem>>
        %dma_wait3A_81 = tpu.memref_squeeze %dma_wait3A_80 : memref<1x1280xi32, #tpu.memory_space<vmem>> -> memref<1280xi32, #tpu.memory_space<vmem>>
        %dma_wait3A_82 = tpu.memref_slice %arg3[%mul3A_69] : memref<800000xi32, #tpu.memory_space<hbm>> -> memref<1280xi32, #tpu.memory_space<hbm>>
        %dma_wait3A_83 = arith.constant 0 : i32
        %dma_wait3A_84 = tpu.memref_slice %arg8[%dma_wait3A_78, %dma_wait3A_83] : memref<2x1280xi32, #tpu.memory_space<vmem>> -> memref<1x1280xi32, #tpu.memory_space<vmem>>
        %dma_wait3A_85 = tpu.memref_squeeze %dma_wait3A_84 : memref<1x1280xi32, #tpu.memory_space<vmem>> -> memref<1280xi32, #tpu.memory_space<vmem>>
        %dma_wait3A_86 = tpu.memref_slice %arg3[%mul3A_69] : memref<800000xi32, #tpu.memory_space<hbm>> -> memref<1280xi32, #tpu.memory_space<hbm>>
        tpu.wait_dma2 semaphore(%arg13 : memref<!tpu.dma_semaphore, #tpu.memory_space<semaphore_mem>>) src(%dma_wait3A_86 : memref<1280xi32, #tpu.memory_space<hbm>>) dst(%dma_wait3A_85 : memref<1280xi32, #tpu.memory_space<vmem>>)
        %dma_wait3A_87 = arith.constant 1 : i32
        %dma_wait3A_88 = arith.constant 0 : i32
        %dma_wait3A_89 = tpu.memref_slice %arg9[%dma_wait3A_87, %dma_wait3A_88] : memref<2x1280xi32, #tpu.memory_space<vmem>> -> memref<1x1280xi32, #tpu.memory_space<vmem>>
        %dma_wait3A_90 = tpu.memref_squeeze %dma_wait3A_89 : memref<1x1280xi32, #tpu.memory_space<vmem>> -> memref<1280xi32, #tpu.memory_space<vmem>>
        %dma_wait3A_91 = tpu.memref_slice %arg4[%mul3A_69] : memref<800000xi32, #tpu.memory_space<hbm>> -> memref<1280xi32, #tpu.memory_space<hbm>>
        %dma_wait3A_92 = arith.constant 0 : i32
        %dma_wait3A_93 = tpu.memref_slice %arg9[%dma_wait3A_87, %dma_wait3A_92] : memref<2x1280xi32, #tpu.memory_space<vmem>> -> memref<1x1280xi32, #tpu.memory_space<vmem>>
        %dma_wait3A_94 = tpu.memref_squeeze %dma_wait3A_93 : memref<1x1280xi32, #tpu.memory_space<vmem>> -> memref<1280xi32, #tpu.memory_space<vmem>>
        %dma_wait3A_95 = tpu.memref_slice %arg4[%mul3A_69] : memref<800000xi32, #tpu.memory_space<hbm>> -> memref<1280xi32, #tpu.memory_space<hbm>>
        tpu.wait_dma2 semaphore(%arg13 : memref<!tpu.dma_semaphore, #tpu.memory_space<semaphore_mem>>) src(%dma_wait3A_95 : memref<1280xi32, #tpu.memory_space<hbm>>) dst(%dma_wait3A_94 : memref<1280xi32, #tpu.memory_space<vmem>>)
        %add3A_96 = arith.constant 1 : i32
        %add3A_97 = arith.addi %add3A_60, %add3A_96 : i32
        %lt3A_98 = arith.cmpi slt, %add3A_97, %select_n3A : i32
        %convert_element_type3A_99 = arith.extui %lt3A_98 : i1 to i32
        %cond3A_100 = arith.constant 0 : i32
        %cond3A_101 = arith.cmpi ne, %convert_element_type3A_99, %cond3A_100 : i32
        scf.if %cond3A_101 {
          %add3A_133 = arith.constant 1 : i32
          %add3A_134 = arith.addi %add3A_60, %add3A_133 : i32
          %mul3A_135 = arith.constant 32 : i32
          %mul3A_136 = arith.muli %add3A_134, %mul3A_135 : i32
          %add3A_137 = arith.addi %mul3A_136, %add3A : i32
          %mul3A_138 = arith.constant 1280 : i32
          %mul3A_139 = arith.muli %add3A_137, %mul3A_138 : i32
          %dma_start3A_140 = arith.constant 0 : i32
          %dma_start3A_141 = arith.constant 0 : i32
          %dma_start3A_142 = tpu.memref_slice %arg7[%dma_start3A_140, %dma_start3A_141] : memref<2x1280xf32, #tpu.memory_space<vmem>> -> memref<1x1280xf32, #tpu.memory_space<vmem>>
          %dma_start3A_143 = tpu.memref_squeeze %dma_start3A_142 : memref<1x1280xf32, #tpu.memory_space<vmem>> -> memref<1280xf32, #tpu.memory_space<vmem>>
          %dma_start3A_144 = tpu.memref_slice %arg2[%mul3A_139] : memref<800000xf32, #tpu.memory_space<hbm>> -> memref<1280xf32, #tpu.memory_space<hbm>>
          %dma_start3A_145 = arith.constant 0 : i32
          %dma_start3A_146 = tpu.memref_slice %arg7[%dma_start3A_140, %dma_start3A_145] : memref<2x1280xf32, #tpu.memory_space<vmem>> -> memref<1x1280xf32, #tpu.memory_space<vmem>>
          %dma_start3A_147 = tpu.memref_squeeze %dma_start3A_146 : memref<1x1280xf32, #tpu.memory_space<vmem>> -> memref<1280xf32, #tpu.memory_space<vmem>>
          %dma_start3A_148 = tpu.memref_slice %arg2[%mul3A_139] : memref<800000xf32, #tpu.memory_space<hbm>> -> memref<1280xf32, #tpu.memory_space<hbm>>
          tpu.enqueue_dma source(%dma_start3A_148 : memref<1280xf32, #tpu.memory_space<hbm>>) target(%dma_start3A_147 : memref<1280xf32, #tpu.memory_space<vmem>>) target_semaphore(%arg12 : memref<!tpu.dma_semaphore, #tpu.memory_space<semaphore_mem>>)
          %dma_start3A_149 = arith.constant 0 : i32
          %dma_start3A_150 = arith.constant 0 : i32
          %dma_start3A_151 = tpu.memref_slice %arg8[%dma_start3A_149, %dma_start3A_150] : memref<2x1280xi32, #tpu.memory_space<vmem>> -> memref<1x1280xi32, #tpu.memory_space<vmem>>
          %dma_start3A_152 = tpu.memref_squeeze %dma_start3A_151 : memref<1x1280xi32, #tpu.memory_space<vmem>> -> memref<1280xi32, #tpu.memory_space<vmem>>
          %dma_start3A_153 = tpu.memref_slice %arg3[%mul3A_139] : memref<800000xi32, #tpu.memory_space<hbm>> -> memref<1280xi32, #tpu.memory_space<hbm>>
          %dma_start3A_154 = arith.constant 0 : i32
          %dma_start3A_155 = tpu.memref_slice %arg8[%dma_start3A_149, %dma_start3A_154] : memref<2x1280xi32, #tpu.memory_space<vmem>> -> memref<1x1280xi32, #tpu.memory_space<vmem>>
          %dma_start3A_156 = tpu.memref_squeeze %dma_start3A_155 : memref<1x1280xi32, #tpu.memory_space<vmem>> -> memref<1280xi32, #tpu.memory_space<vmem>>
          %dma_start3A_157 = tpu.memref_slice %arg3[%mul3A_139] : memref<800000xi32, #tpu.memory_space<hbm>> -> memref<1280xi32, #tpu.memory_space<hbm>>
          tpu.enqueue_dma source(%dma_start3A_157 : memref<1280xi32, #tpu.memory_space<hbm>>) target(%dma_start3A_156 : memref<1280xi32, #tpu.memory_space<vmem>>) target_semaphore(%arg12 : memref<!tpu.dma_semaphore, #tpu.memory_space<semaphore_mem>>)
          %dma_start3A_158 = arith.constant 0 : i32
          %dma_start3A_159 = arith.constant 0 : i32
          %dma_start3A_160 = tpu.memref_slice %arg9[%dma_start3A_158, %dma_start3A_159] : memref<2x1280xi32, #tpu.memory_space<vmem>> -> memref<1x1280xi32, #tpu.memory_space<vmem>>
          %dma_start3A_161 = tpu.memref_squeeze %dma_start3A_160 : memref<1x1280xi32, #tpu.memory_space<vmem>> -> memref<1280xi32, #tpu.memory_space<vmem>>
          %dma_start3A_162 = tpu.memref_slice %arg4[%mul3A_139] : memref<800000xi32, #tpu.memory_space<hbm>> -> memref<1280xi32, #tpu.memory_space<hbm>>
          %dma_start3A_163 = arith.constant 0 : i32
          %dma_start3A_164 = tpu.memref_slice %arg9[%dma_start3A_158, %dma_start3A_163] : memref<2x1280xi32, #tpu.memory_space<vmem>> -> memref<1x1280xi32, #tpu.memory_space<vmem>>
          %dma_start3A_165 = tpu.memref_squeeze %dma_start3A_164 : memref<1x1280xi32, #tpu.memory_space<vmem>> -> memref<1280xi32, #tpu.memory_space<vmem>>
          %dma_start3A_166 = tpu.memref_slice %arg4[%mul3A_139] : memref<800000xi32, #tpu.memory_space<hbm>> -> memref<1280xi32, #tpu.memory_space<hbm>>
          tpu.enqueue_dma source(%dma_start3A_166 : memref<1280xi32, #tpu.memory_space<hbm>>) target(%dma_start3A_165 : memref<1280xi32, #tpu.memory_space<vmem>>) target_semaphore(%arg12 : memref<!tpu.dma_semaphore, #tpu.memory_space<semaphore_mem>>)
        } else {
        }
        %ge3A = arith.constant 2 : i32
        %ge3A_102 = arith.cmpi sge, %add3A_60, %ge3A : i32
        %convert_element_type3A_103 = arith.extui %ge3A_102 : i1 to i32
        %cond3A_104 = arith.constant 0 : i32
        %cond3A_105 = arith.cmpi ne, %convert_element_type3A_103, %cond3A_104 : i32
        scf.if %cond3A_105 {
          %sub3A = arith.constant 2 : i32
          %sub3A_133 = arith.subi %add3A_60, %sub3A : i32
          %mul3A_134 = arith.constant 32 : i32
          %mul3A_135 = arith.muli %sub3A_133, %mul3A_134 : i32
          %add3A_136 = arith.addi %mul3A_135, %add3A : i32
          %mul3A_137 = arith.constant 10 : i32
          %mul3A_138 = arith.muli %add3A_136, %mul3A_137 : i32
          %dma_wait3A_139 = arith.constant 1 : i32
          %dma_wait3A_140 = arith.constant 0 : i32
          %dma_wait3A_141 = arith.constant 0 : i32
          %dma_wait3A_142 = arith.constant 0 : i32
          %dma_wait3A_143 = arith.constant 0 : i32
          %dma_wait3A_144 = tpu.memref_slice %arg11[%dma_wait3A_139, %dma_wait3A_140, %dma_wait3A_141, %dma_wait3A_142, %dma_wait3A_143] : memref<2x2x10x8x128xf32, #tpu.memory_space<vmem>> -> memref<1x2x10x8x128xf32, #tpu.memory_space<vmem>>
          %dma_wait3A_145 = tpu.memref_squeeze %dma_wait3A_144 : memref<1x2x10x8x128xf32, #tpu.memory_space<vmem>> -> memref<2x10x8x128xf32, #tpu.memory_space<vmem>>
          %dma_wait3A_146 = arith.constant 0 : i32
          %dma_wait3A_147 = arith.constant 0 : i32
          %dma_wait3A_148 = arith.constant 0 : i32
          %dma_wait3A_149 = tpu.memref_slice %arg6[%dma_wait3A_146, %mul3A_138, %dma_wait3A_147, %dma_wait3A_148] : memref<2x6250x8x128xf32, #tpu.memory_space<hbm>> -> memref<2x10x8x128xf32, #tpu.memory_space<hbm>>
          %dma_wait3A_150 = arith.constant 0 : i32
          %dma_wait3A_151 = arith.constant 0 : i32
          %dma_wait3A_152 = arith.constant 0 : i32
          %dma_wait3A_153 = tpu.memref_slice %arg6[%dma_wait3A_150, %mul3A_138, %dma_wait3A_151, %dma_wait3A_152] : memref<2x6250x8x128xf32, #tpu.memory_space<hbm>> -> memref<2x10x8x128xf32, #tpu.memory_space<hbm>>
          %dma_wait3A_154 = arith.constant 0 : i32
          %dma_wait3A_155 = arith.constant 0 : i32
          %dma_wait3A_156 = arith.constant 0 : i32
          %dma_wait3A_157 = arith.constant 0 : i32
          %dma_wait3A_158 = tpu.memref_slice %arg11[%dma_wait3A_139, %dma_wait3A_154, %dma_wait3A_155, %dma_wait3A_156, %dma_wait3A_157] : memref<2x2x10x8x128xf32, #tpu.memory_space<vmem>> -> memref<1x2x10x8x128xf32, #tpu.memory_space<vmem>>
          %dma_wait3A_159 = tpu.memref_squeeze %dma_wait3A_158 : memref<1x2x10x8x128xf32, #tpu.memory_space<vmem>> -> memref<2x10x8x128xf32, #tpu.memory_space<vmem>>
          tpu.wait_dma2 semaphore(%arg15 : memref<!tpu.dma_semaphore, #tpu.memory_space<semaphore_mem>>) src(%dma_wait3A_159 : memref<2x10x8x128xf32, #tpu.memory_space<vmem>>) dst(%dma_wait3A_153 : memref<2x10x8x128xf32, #tpu.memory_space<hbm>>)
        } else {
        }
        %parallel_loop3A = arith.constant 0 : i32
        %parallel_loop3A_106 = arith.constant 80 : i32
        %parallel_loop3A_107 = arith.constant 1 : i32
        scf.for %parallel_loop3A_133 = %parallel_loop3A to %parallel_loop3A_106 step %parallel_loop3A_107  : i32 {
          %parallel_loop3A_134 = arith.constant 16 : i32
          %parallel_loop3A_135 = arith.muli %parallel_loop3A_133, %parallel_loop3A_134 : i32
          %parallel_loop3A_136 = tpu.assume_multiple %parallel_loop3A_135, 16 : i32
          %parallel_loop3A_137 = arith.constant 8 : i32
          %parallel_loop3A_138 = arith.divsi %parallel_loop3A_133, %parallel_loop3A_137 : i32
          %parallel_loop3A_139 = arith.constant 0 : i32
          %parallel_loop3A_140 = arith.cmpi sgt, %parallel_loop3A_133, %parallel_loop3A_139 : i32
          %parallel_loop3A_141 = arith.extui %parallel_loop3A_140 : i1 to i32
          %parallel_loop3A_142 = arith.constant 0 : i32
          %parallel_loop3A_143 = arith.cmpi slt, %parallel_loop3A_133, %parallel_loop3A_142 : i32
          %parallel_loop3A_144 = arith.extui %parallel_loop3A_143 : i1 to i32
          %parallel_loop3A_145 = arith.subi %parallel_loop3A_141, %parallel_loop3A_144 : i32
          %parallel_loop3A_146 = arith.constant 0 : i32
          %parallel_loop3A_147 = arith.cmpi sgt, %parallel_loop3A_137, %parallel_loop3A_146 : i32
          %parallel_loop3A_148 = arith.extui %parallel_loop3A_147 : i1 to i32
          %parallel_loop3A_149 = arith.constant 0 : i32
          %parallel_loop3A_150 = arith.cmpi slt, %parallel_loop3A_137, %parallel_loop3A_149 : i32
          %parallel_loop3A_151 = arith.extui %parallel_loop3A_150 : i1 to i32
          %parallel_loop3A_152 = arith.subi %parallel_loop3A_148, %parallel_loop3A_151 : i32
          %parallel_loop3A_153 = arith.cmpi ne, %parallel_loop3A_145, %parallel_loop3A_152 : i32
          %parallel_loop3A_154 = arith.remsi %parallel_loop3A_133, %parallel_loop3A_137 : i32
          %parallel_loop3A_155 = arith.constant 0 : i32
          %parallel_loop3A_156 = arith.cmpi ne, %parallel_loop3A_154, %parallel_loop3A_155 : i32
          %parallel_loop3A_157 = arith.andi %parallel_loop3A_153, %parallel_loop3A_156 : i1
          %parallel_loop3A_158 = arith.constant 1 : i32
          %parallel_loop3A_159 = arith.subi %parallel_loop3A_138, %parallel_loop3A_158 : i32
          %parallel_loop3A_160 = arith.select %parallel_loop3A_157, %parallel_loop3A_159, %parallel_loop3A_138 : i32
          %parallel_loop3A_161 = arith.constant 8 : i32
          %parallel_loop3A_162 = arith.constant 0 : i32
          %parallel_loop3A_163 = arith.cmpi eq, %parallel_loop3A_161, %parallel_loop3A_162 : i32
          %parallel_loop3A_164 = arith.constant 1 : i32
          %parallel_loop3A_165 = arith.select %parallel_loop3A_163, %parallel_loop3A_164, %parallel_loop3A_161 : i32
          %parallel_loop3A_166 = arith.remsi %parallel_loop3A_133, %parallel_loop3A_165 : i32
          %parallel_loop3A_167 = arith.constant 0 : i32
          %parallel_loop3A_168 = arith.cmpi ne, %parallel_loop3A_166, %parallel_loop3A_167 : i32
          %parallel_loop3A_169 = arith.constant 0 : i32
          %parallel_loop3A_170 = arith.cmpi slt, %parallel_loop3A_166, %parallel_loop3A_169 : i32
          %parallel_loop3A_171 = arith.constant 0 : i32
          %parallel_loop3A_172 = arith.cmpi slt, %parallel_loop3A_165, %parallel_loop3A_171 : i32
          %parallel_loop3A_173 = arith.xori %parallel_loop3A_170, %parallel_loop3A_172 : i1
          %parallel_loop3A_174 = arith.andi %parallel_loop3A_173, %parallel_loop3A_168 : i1
          %parallel_loop3A_175 = arith.addi %parallel_loop3A_166, %parallel_loop3A_165 : i32
          %parallel_loop3A_176 = arith.select %parallel_loop3A_174, %parallel_loop3A_175, %parallel_loop3A_166 : i32
          %parallel_loop3A_177 = arith.constant 16 : i32
          %parallel_loop3A_178 = arith.muli %parallel_loop3A_176, %parallel_loop3A_177 : i32
          %parallel_loop3A_179 = tpu.assume_multiple %parallel_loop3A_178, 16 : i32
          %parallel_loop3A_180 = arith.constant 1 : i32
          %parallel_loop3A_181 = arith.index_cast %parallel_loop3A_180 : i32 to index
          %parallel_loop3A_182 = arith.index_cast %parallel_loop3A_136 : i32 to index
          %parallel_loop3A_183 = tpu.vector_load %arg7[%parallel_loop3A_181, %parallel_loop3A_182] {strides = array<i32>} : memref<2x1280xf32, #tpu.memory_space<vmem>>, vector<16xf32>,
          %parallel_loop3A_184 = arith.constant 1 : i32
          %parallel_loop3A_185 = arith.index_cast %parallel_loop3A_184 : i32 to index
          %parallel_loop3A_186 = arith.index_cast %parallel_loop3A_136 : i32 to index
          %parallel_loop3A_187 = tpu.vector_load %arg8[%parallel_loop3A_185, %parallel_loop3A_186] {strides = array<i32>} : memref<2x1280xi32, #tpu.memory_space<vmem>>, vector<16xi32>,
          %parallel_loop3A_188 = arith.constant 1 : i32
          %parallel_loop3A_189 = arith.index_cast %parallel_loop3A_188 : i32 to index
          %parallel_loop3A_190 = arith.index_cast %parallel_loop3A_136 : i32 to index
          %parallel_loop3A_191 = tpu.vector_load %arg9[%parallel_loop3A_189, %parallel_loop3A_190] {strides = array<i32>} : memref<2x1280xi32, #tpu.memory_space<vmem>>, vector<16xi32>,
          %parallel_loop3A_192 = arith.constant 0.52359879 : f32
          %parallel_loop3A_193 = vector.broadcast %parallel_loop3A_192 : f32 to vector<16xf32>
          %parallel_loop3A_194 = arith.mulf %parallel_loop3A_183, %parallel_loop3A_193 : vector<16xf32>
          %parallel_loop3A_195 = arith.mulf %parallel_loop3A_194, %parallel_loop3A_194 : vector<16xf32>
          %parallel_loop3A_196 = arith.constant 2.48015876E-5 : f32
          %parallel_loop3A_197 = vector.broadcast %parallel_loop3A_196 : f32 to vector<16xf32>
          %parallel_loop3A_198 = arith.mulf %parallel_loop3A_195, %parallel_loop3A_197 : vector<16xf32>
          %parallel_loop3A_199 = arith.constant -0.00138888892 : f32
          %parallel_loop3A_200 = vector.broadcast %parallel_loop3A_199 : f32 to vector<16xf32>
          %parallel_loop3A_201 = arith.addf %parallel_loop3A_200, %parallel_loop3A_198 : vector<16xf32>
          %parallel_loop3A_202 = arith.mulf %parallel_loop3A_195, %parallel_loop3A_201 : vector<16xf32>
          %parallel_loop3A_203 = arith.constant 0.0416666679 : f32
          %parallel_loop3A_204 = vector.broadcast %parallel_loop3A_203 : f32 to vector<16xf32>
          %parallel_loop3A_205 = arith.addf %parallel_loop3A_204, %parallel_loop3A_202 : vector<16xf32>
          %parallel_loop3A_206 = arith.mulf %parallel_loop3A_195, %parallel_loop3A_205 : vector<16xf32>
          %parallel_loop3A_207 = arith.constant -5.000000e-01 : f32
          %parallel_loop3A_208 = vector.broadcast %parallel_loop3A_207 : f32 to vector<16xf32>
          %parallel_loop3A_209 = arith.addf %parallel_loop3A_208, %parallel_loop3A_206 : vector<16xf32>
          %parallel_loop3A_210 = arith.mulf %parallel_loop3A_195, %parallel_loop3A_209 : vector<16xf32>
          %parallel_loop3A_211 = arith.constant 1.000000e+00 : f32
          %parallel_loop3A_212 = vector.broadcast %parallel_loop3A_211 : f32 to vector<16xf32>
          %parallel_loop3A_213 = arith.addf %parallel_loop3A_212, %parallel_loop3A_210 : vector<16xf32>
          %parallel_loop3A_214 = arith.constant 6.000000e+00 : f32
          %parallel_loop3A_215 = vector.broadcast %parallel_loop3A_214 : f32 to vector<16xf32>
          %parallel_loop3A_216 = arith.cmpf olt, %parallel_loop3A_183, %parallel_loop3A_215 : vector<16xf32>
          %parallel_loop3A_217 = arith.constant 5.000000e-01 : f32
          %parallel_loop3A_218 = vector.broadcast %parallel_loop3A_217 : f32 to vector<16xf32>
          %parallel_loop3A_219 = arith.mulf %parallel_loop3A_218, %parallel_loop3A_213 : vector<16xf32>
          %parallel_loop3A_220 = arith.constant 5.000000e-01 : f32
          %parallel_loop3A_221 = vector.broadcast %parallel_loop3A_220 : f32 to vector<16xf32>
          %parallel_loop3A_222 = arith.addf %parallel_loop3A_219, %parallel_loop3A_221 : vector<16xf32>
          %parallel_loop3A_223 = arith.constant 0.000000e+00 : f32
          %parallel_loop3A_224 = vector.broadcast %parallel_loop3A_223 : f32 to vector<16xf32>
          %parallel_loop3A_225 = arith.select %parallel_loop3A_216, %parallel_loop3A_222, %parallel_loop3A_224 : vector<16xi1>, vector<16xf32>
          %parallel_loop3A_226 = arith.constant 5.000000e-01 : f32
          %parallel_loop3A_227 = vector.broadcast %parallel_loop3A_226 : f32 to vector<16xf32>
          %parallel_loop3A_228 = arith.mulf %parallel_loop3A_227, %parallel_loop3A_225 : vector<16xf32>
          %parallel_loop3A_229 = arith.constant 0.166666672 : f32
          %parallel_loop3A_230 = vector.broadcast %parallel_loop3A_229 : f32 to vector<16xf32>
          %parallel_loop3A_231 = arith.mulf %parallel_loop3A_183, %parallel_loop3A_230 : vector<16xf32>
          %parallel_loop3A_232 = arith.constant 1.000000e+00 : f32
          %parallel_loop3A_233 = vector.broadcast %parallel_loop3A_232 : f32 to vector<16xf32>
          %parallel_loop3A_234 = arith.subf %parallel_loop3A_231, %parallel_loop3A_233 : vector<16xf32>
          %parallel_loop3A_235 = arith.constant 2.000000e+00 : f32
          %parallel_loop3A_236 = vector.broadcast %parallel_loop3A_235 : f32 to vector<16xf32>
          %parallel_loop3A_237 = arith.mulf %parallel_loop3A_236, %parallel_loop3A_234 : vector<16xf32>
          %parallel_loop3A_238 = arith.mulf %parallel_loop3A_237, %parallel_loop3A_234 : vector<16xf32>
          %parallel_loop3A_239 = arith.constant 1.000000e+00 : f32
          %parallel_loop3A_240 = vector.broadcast %parallel_loop3A_239 : f32 to vector<16xf32>
          %parallel_loop3A_241 = arith.subf %parallel_loop3A_238, %parallel_loop3A_240 : vector<16xf32>
          %parallel_loop3A_242 = arith.addf %parallel_loop3A_241, %parallel_loop3A_241 : vector<16xf32>
          %parallel_loop3A_243 = arith.constant 1.000000e+00 : f32
          %parallel_loop3A_244 = vector.broadcast %parallel_loop3A_243 : f32 to vector<16xf32>
          %parallel_loop3A_245 = arith.addf %parallel_loop3A_241, %parallel_loop3A_244 : vector<16xf32>
          %parallel_loop3A_246 = arith.mulf %parallel_loop3A_245, %parallel_loop3A_228 : vector<16xf32>
          %parallel_loop3A_247 = arith.constant 1.000000e+00 : f32
          %parallel_loop3A_248 = vector.broadcast %parallel_loop3A_247 : f32 to vector<16xf32>
          %parallel_loop3A_249 = arith.mulf %parallel_loop3A_242, %parallel_loop3A_241 : vector<16xf32>
          %parallel_loop3A_250 = arith.subf %parallel_loop3A_249, %parallel_loop3A_248 : vector<16xf32>
          %parallel_loop3A_251 = arith.constant 1.000000e+00 : f32
          %parallel_loop3A_252 = vector.broadcast %parallel_loop3A_251 : f32 to vector<16xf32>
          %parallel_loop3A_253 = arith.addf %parallel_loop3A_250, %parallel_loop3A_252 : vector<16xf32>
          %parallel_loop3A_254 = arith.mulf %parallel_loop3A_253, %parallel_loop3A_228 : vector<16xf32>
          %parallel_loop3A_255 = arith.mulf %parallel_loop3A_242, %parallel_loop3A_250 : vector<16xf32>
          %parallel_loop3A_256 = arith.subf %parallel_loop3A_255, %parallel_loop3A_241 : vector<16xf32>
          %parallel_loop3A_257 = arith.constant 1.000000e+00 : f32
          %parallel_loop3A_258 = vector.broadcast %parallel_loop3A_257 : f32 to vector<16xf32>
          %parallel_loop3A_259 = arith.addf %parallel_loop3A_256, %parallel_loop3A_258 : vector<16xf32>
          %parallel_loop3A_260 = arith.mulf %parallel_loop3A_259, %parallel_loop3A_228 : vector<16xf32>
          %parallel_loop3A_261 = arith.mulf %parallel_loop3A_242, %parallel_loop3A_256 : vector<16xf32>
          %parallel_loop3A_262 = arith.subf %parallel_loop3A_261, %parallel_loop3A_250 : vector<16xf32>
          %parallel_loop3A_263 = arith.constant 1.000000e+00 : f32
          %parallel_loop3A_264 = vector.broadcast %parallel_loop3A_263 : f32 to vector<16xf32>
          %parallel_loop3A_265 = arith.addf %parallel_loop3A_262, %parallel_loop3A_264 : vector<16xf32>
          %parallel_loop3A_266 = arith.mulf %parallel_loop3A_265, %parallel_loop3A_228 : vector<16xf32>
          %parallel_loop3A_267 = arith.mulf %parallel_loop3A_242, %parallel_loop3A_262 : vector<16xf32>
          %parallel_loop3A_268 = arith.subf %parallel_loop3A_267, %parallel_loop3A_256 : vector<16xf32>
          %parallel_loop3A_269 = arith.constant 1.000000e+00 : f32
          %parallel_loop3A_270 = vector.broadcast %parallel_loop3A_269 : f32 to vector<16xf32>
          %parallel_loop3A_271 = arith.addf %parallel_loop3A_268, %parallel_loop3A_270 : vector<16xf32>
          %parallel_loop3A_272 = arith.mulf %parallel_loop3A_271, %parallel_loop3A_228 : vector<16xf32>
          %parallel_loop3A_273 = arith.mulf %parallel_loop3A_242, %parallel_loop3A_268 : vector<16xf32>
          %parallel_loop3A_274 = arith.subf %parallel_loop3A_273, %parallel_loop3A_262 : vector<16xf32>
          %parallel_loop3A_275 = arith.constant 1.000000e+00 : f32
          %parallel_loop3A_276 = vector.broadcast %parallel_loop3A_275 : f32 to vector<16xf32>
          %parallel_loop3A_277 = arith.addf %parallel_loop3A_274, %parallel_loop3A_276 : vector<16xf32>
          %parallel_loop3A_278 = arith.mulf %parallel_loop3A_277, %parallel_loop3A_228 : vector<16xf32>
          %parallel_loop3A_279 = arith.mulf %parallel_loop3A_242, %parallel_loop3A_274 : vector<16xf32>
          %parallel_loop3A_280 = arith.subf %parallel_loop3A_279, %parallel_loop3A_268 : vector<16xf32>
          %parallel_loop3A_281 = arith.constant 1.000000e+00 : f32
          %parallel_loop3A_282 = vector.broadcast %parallel_loop3A_281 : f32 to vector<16xf32>
          %parallel_loop3A_283 = arith.addf %parallel_loop3A_280, %parallel_loop3A_282 : vector<16xf32>
          %parallel_loop3A_284 = arith.mulf %parallel_loop3A_283, %parallel_loop3A_228 : vector<16xf32>
          %parallel_loop3A_285 = arith.constant 1025 : i32
          %parallel_loop3A_286 = vector.broadcast %parallel_loop3A_285 : i32 to vector<16xi32>
          %parallel_loop3A_287 = arith.muli %iota3A, %parallel_loop3A_286 : vector<16xi32>
          %parallel_loop3A_288 = arith.constant 4 : i32
          %parallel_loop3A_289 = vector.broadcast %parallel_loop3A_288 : i32 to vector<16xi32>
          %parallel_loop3A_290 = arith.muli %parallel_loop3A_187, %parallel_loop3A_289 : vector<16xi32>
          %parallel_loop3A_291 = arith.addi %parallel_loop3A_290, %parallel_loop3A_191 : vector<16xi32>
          %parallel_loop3A_292 = arith.constant 64 : i32
          %parallel_loop3A_293 = vector.broadcast %parallel_loop3A_292 : i32 to vector<16xi32>
          %parallel_loop3A_294 = arith.muli %parallel_loop3A_291, %parallel_loop3A_293 : vector<16xi32>
          %parallel_loop3A_295 = arith.addi %parallel_loop3A_287, %parallel_loop3A_294 : vector<16xi32>
          %parallel_loop3A_296 = arith.constant 0 : i32
          %parallel_loop3A_297 = vector.broadcast %parallel_loop3A_296 : i32 to vector<16xi32>
          %parallel_loop3A_298 = arith.addi %parallel_loop3A_295, %parallel_loop3A_297 : vector<16xi32>
          %parallel_loop3A_299 = arith.constant 1 : i32
          %parallel_loop3A_300 = vector.broadcast %parallel_loop3A_299 : i32 to vector<16xi32>
          %parallel_loop3A_301 = arith.addi %parallel_loop3A_295, %parallel_loop3A_300 : vector<16xi32>
          %parallel_loop3A_302 = arith.constant 2 : i32
          %parallel_loop3A_303 = vector.broadcast %parallel_loop3A_302 : i32 to vector<16xi32>
          %parallel_loop3A_304 = arith.addi %parallel_loop3A_295, %parallel_loop3A_303 : vector<16xi32>
          %parallel_loop3A_305 = arith.constant 3 : i32
          %parallel_loop3A_306 = vector.broadcast %parallel_loop3A_305 : i32 to vector<16xi32>
          %parallel_loop3A_307 = arith.addi %parallel_loop3A_295, %parallel_loop3A_306 : vector<16xi32>
          %parallel_loop3A_308 = arith.constant 4 : i32
          %parallel_loop3A_309 = vector.broadcast %parallel_loop3A_308 : i32 to vector<16xi32>
          %parallel_loop3A_310 = arith.addi %parallel_loop3A_295, %parallel_loop3A_309 : vector<16xi32>
          %parallel_loop3A_311 = arith.constant 5 : i32
          %parallel_loop3A_312 = vector.broadcast %parallel_loop3A_311 : i32 to vector<16xi32>
          %parallel_loop3A_313 = arith.addi %parallel_loop3A_295, %parallel_loop3A_312 : vector<16xi32>
          %parallel_loop3A_314 = arith.constant 6 : i32
          %parallel_loop3A_315 = vector.broadcast %parallel_loop3A_314 : i32 to vector<16xi32>
          %parallel_loop3A_316 = arith.addi %parallel_loop3A_295, %parallel_loop3A_315 : vector<16xi32>
          %parallel_loop3A_317 = arith.constant 7 : i32
          %parallel_loop3A_318 = vector.broadcast %parallel_loop3A_317 : i32 to vector<16xi32>
          %parallel_loop3A_319 = arith.addi %parallel_loop3A_295, %parallel_loop3A_318 : vector<16xi32>
          %parallel_loop3A_320 = arith.constant 0 : i32
          %parallel_loop3A_321 = tpu.memref_slice %arg10[%parallel_loop3A_320] : memref<16400xf32, #tpu.memory_space<vmem>> -> memref<16344xf32, #tpu.memory_space<vmem>>
          %parallel_loop3A_322 = tpu.vector_load_idx %parallel_loop3A_321[%parallel_loop3A_298] : memref<16344xf32, #tpu.memory_space<vmem>>[vector<16xi32>], vector<16xf32>,
          %parallel_loop3A_323 = vector.bitcast %parallel_loop3A_322 : vector<16xf32> to vector<32xbf16>
          %parallel_loop3A_324 = tpu.unpack_subelements %parallel_loop3A_323, 0 {pack_format = #tpu.pack_format<interleaved>} : vector<32xbf16> -> vector<16xf32>
          %parallel_loop3A_325 = tpu.unpack_subelements %parallel_loop3A_323, 1 {pack_format = #tpu.pack_format<interleaved>} : vector<32xbf16> -> vector<16xf32>
          %parallel_loop3A_326 = arith.mulf %parallel_loop3A_225, %parallel_loop3A_324 : vector<16xf32>
          %parallel_loop3A_327 = arith.mulf %parallel_loop3A_246, %parallel_loop3A_325 : vector<16xf32>
          %parallel_loop3A_328 = arith.constant 0 : i32
          %parallel_loop3A_329 = tpu.memref_slice %arg10[%parallel_loop3A_328] : memref<16400xf32, #tpu.memory_space<vmem>> -> memref<16344xf32, #tpu.memory_space<vmem>>
          %parallel_loop3A_330 = tpu.vector_load_idx %parallel_loop3A_329[%parallel_loop3A_301] : memref<16344xf32, #tpu.memory_space<vmem>>[vector<16xi32>], vector<16xf32>,
          %parallel_loop3A_331 = vector.bitcast %parallel_loop3A_330 : vector<16xf32> to vector<32xbf16>
          %parallel_loop3A_332 = tpu.unpack_subelements %parallel_loop3A_331, 0 {pack_format = #tpu.pack_format<interleaved>} : vector<32xbf16> -> vector<16xf32>
          %parallel_loop3A_333 = tpu.unpack_subelements %parallel_loop3A_331, 1 {pack_format = #tpu.pack_format<interleaved>} : vector<32xbf16> -> vector<16xf32>
          %parallel_loop3A_334 = arith.mulf %parallel_loop3A_254, %parallel_loop3A_332 : vector<16xf32>
          %parallel_loop3A_335 = arith.mulf %parallel_loop3A_260, %parallel_loop3A_333 : vector<16xf32>
          %parallel_loop3A_336 = arith.constant 0 : i32
          %parallel_loop3A_337 = tpu.memref_slice %arg10[%parallel_loop3A_336] : memref<16400xf32, #tpu.memory_space<vmem>> -> memref<16344xf32, #tpu.memory_space<vmem>>
          %parallel_loop3A_338 = tpu.vector_load_idx %parallel_loop3A_337[%parallel_loop3A_304] : memref<16344xf32, #tpu.memory_space<vmem>>[vector<16xi32>], vector<16xf32>,
          %parallel_loop3A_339 = vector.bitcast %parallel_loop3A_338 : vector<16xf32> to vector<32xbf16>
          %parallel_loop3A_340 = tpu.unpack_subelements %parallel_loop3A_339, 0 {pack_format = #tpu.pack_format<interleaved>} : vector<32xbf16> -> vector<16xf32>
          %parallel_loop3A_341 = tpu.unpack_subelements %parallel_loop3A_339, 1 {pack_format = #tpu.pack_format<interleaved>} : vector<32xbf16> -> vector<16xf32>
          %parallel_loop3A_342 = arith.mulf %parallel_loop3A_266, %parallel_loop3A_340 : vector<16xf32>
          %parallel_loop3A_343 = arith.mulf %parallel_loop3A_272, %parallel_loop3A_341 : vector<16xf32>
          %parallel_loop3A_344 = arith.constant 0 : i32
          %parallel_loop3A_345 = tpu.memref_slice %arg10[%parallel_loop3A_344] : memref<16400xf32, #tpu.memory_space<vmem>> -> memref<16344xf32, #tpu.memory_space<vmem>>
          %parallel_loop3A_346 = tpu.vector_load_idx %parallel_loop3A_345[%parallel_loop3A_307] : memref<16344xf32, #tpu.memory_space<vmem>>[vector<16xi32>], vector<16xf32>,
          %parallel_loop3A_347 = vector.bitcast %parallel_loop3A_346 : vector<16xf32> to vector<32xbf16>
          %parallel_loop3A_348 = tpu.unpack_subelements %parallel_loop3A_347, 0 {pack_format = #tpu.pack_format<interleaved>} : vector<32xbf16> -> vector<16xf32>
          %parallel_loop3A_349 = tpu.unpack_subelements %parallel_loop3A_347, 1 {pack_format = #tpu.pack_format<interleaved>} : vector<32xbf16> -> vector<16xf32>
          %parallel_loop3A_350 = arith.mulf %parallel_loop3A_278, %parallel_loop3A_348 : vector<16xf32>
          %parallel_loop3A_351 = arith.mulf %parallel_loop3A_284, %parallel_loop3A_349 : vector<16xf32>
          %parallel_loop3A_352 = arith.addf %parallel_loop3A_326, %parallel_loop3A_327 : vector<16xf32>
          %parallel_loop3A_353 = arith.addf %parallel_loop3A_334, %parallel_loop3A_335 : vector<16xf32>
          %parallel_loop3A_354 = arith.addf %parallel_loop3A_342, %parallel_loop3A_343 : vector<16xf32>
          %parallel_loop3A_355 = arith.addf %parallel_loop3A_350, %parallel_loop3A_351 : vector<16xf32>
          %parallel_loop3A_356 = arith.addf %parallel_loop3A_352, %parallel_loop3A_353 : vector<16xf32>
          %parallel_loop3A_357 = arith.addf %parallel_loop3A_354, %parallel_loop3A_355 : vector<16xf32>
          %parallel_loop3A_358 = arith.addf %parallel_loop3A_356, %parallel_loop3A_357 : vector<16xf32>
          %parallel_loop3A_359 = arith.constant 0 : i32
          %parallel_loop3A_360 = tpu.memref_slice %arg10[%parallel_loop3A_359] : memref<16400xf32, #tpu.memory_space<vmem>> -> memref<16344xf32, #tpu.memory_space<vmem>>
          %parallel_loop3A_361 = tpu.vector_load_idx %parallel_loop3A_360[%parallel_loop3A_310] : memref<16344xf32, #tpu.memory_space<vmem>>[vector<16xi32>], vector<16xf32>,
          %parallel_loop3A_362 = vector.bitcast %parallel_loop3A_361 : vector<16xf32> to vector<32xbf16>
          %parallel_loop3A_363 = tpu.unpack_subelements %parallel_loop3A_362, 0 {pack_format = #tpu.pack_format<interleaved>} : vector<32xbf16> -> vector<16xf32>
          %parallel_loop3A_364 = tpu.unpack_subelements %parallel_loop3A_362, 1 {pack_format = #tpu.pack_format<interleaved>} : vector<32xbf16> -> vector<16xf32>
          %parallel_loop3A_365 = arith.mulf %parallel_loop3A_225, %parallel_loop3A_363 : vector<16xf32>
          %parallel_loop3A_366 = arith.mulf %parallel_loop3A_246, %parallel_loop3A_364 : vector<16xf32>
          %parallel_loop3A_367 = arith.constant 0 : i32
          %parallel_loop3A_368 = tpu.memref_slice %arg10[%parallel_loop3A_367] : memref<16400xf32, #tpu.memory_space<vmem>> -> memref<16344xf32, #tpu.memory_space<vmem>>
          %parallel_loop3A_369 = tpu.vector_load_idx %parallel_loop3A_368[%parallel_loop3A_313] : memref<16344xf32, #tpu.memory_space<vmem>>[vector<16xi32>], vector<16xf32>,
          %parallel_loop3A_370 = vector.bitcast %parallel_loop3A_369 : vector<16xf32> to vector<32xbf16>
          %parallel_loop3A_371 = tpu.unpack_subelements %parallel_loop3A_370, 0 {pack_format = #tpu.pack_format<interleaved>} : vector<32xbf16> -> vector<16xf32>
          %parallel_loop3A_372 = tpu.unpack_subelements %parallel_loop3A_370, 1 {pack_format = #tpu.pack_format<interleaved>} : vector<32xbf16> -> vector<16xf32>
          %parallel_loop3A_373 = arith.mulf %parallel_loop3A_254, %parallel_loop3A_371 : vector<16xf32>
          %parallel_loop3A_374 = arith.mulf %parallel_loop3A_260, %parallel_loop3A_372 : vector<16xf32>
          %parallel_loop3A_375 = arith.constant 0 : i32
          %parallel_loop3A_376 = tpu.memref_slice %arg10[%parallel_loop3A_375] : memref<16400xf32, #tpu.memory_space<vmem>> -> memref<16344xf32, #tpu.memory_space<vmem>>
          %parallel_loop3A_377 = tpu.vector_load_idx %parallel_loop3A_376[%parallel_loop3A_316] : memref<16344xf32, #tpu.memory_space<vmem>>[vector<16xi32>], vector<16xf32>,
          %parallel_loop3A_378 = vector.bitcast %parallel_loop3A_377 : vector<16xf32> to vector<32xbf16>
          %parallel_loop3A_379 = tpu.unpack_subelements %parallel_loop3A_378, 0 {pack_format = #tpu.pack_format<interleaved>} : vector<32xbf16> -> vector<16xf32>
          %parallel_loop3A_380 = tpu.unpack_subelements %parallel_loop3A_378, 1 {pack_format = #tpu.pack_format<interleaved>} : vector<32xbf16> -> vector<16xf32>
          %parallel_loop3A_381 = arith.mulf %parallel_loop3A_266, %parallel_loop3A_379 : vector<16xf32>
          %parallel_loop3A_382 = arith.mulf %parallel_loop3A_272, %parallel_loop3A_380 : vector<16xf32>
          %parallel_loop3A_383 = arith.constant 0 : i32
          %parallel_loop3A_384 = tpu.memref_slice %arg10[%parallel_loop3A_383] : memref<16400xf32, #tpu.memory_space<vmem>> -> memref<16344xf32, #tpu.memory_space<vmem>>
          %parallel_loop3A_385 = tpu.vector_load_idx %parallel_loop3A_384[%parallel_loop3A_319] : memref<16344xf32, #tpu.memory_space<vmem>>[vector<16xi32>], vector<16xf32>,
          %parallel_loop3A_386 = vector.bitcast %parallel_loop3A_385 : vector<16xf32> to vector<32xbf16>
          %parallel_loop3A_387 = tpu.unpack_subelements %parallel_loop3A_386, 0 {pack_format = #tpu.pack_format<interleaved>} : vector<32xbf16> -> vector<16xf32>
          %parallel_loop3A_388 = tpu.unpack_subelements %parallel_loop3A_386, 1 {pack_format = #tpu.pack_format<interleaved>} : vector<32xbf16> -> vector<16xf32>
          %parallel_loop3A_389 = arith.mulf %parallel_loop3A_278, %parallel_loop3A_387 : vector<16xf32>
          %parallel_loop3A_390 = arith.mulf %parallel_loop3A_284, %parallel_loop3A_388 : vector<16xf32>
          %parallel_loop3A_391 = arith.addf %parallel_loop3A_365, %parallel_loop3A_366 : vector<16xf32>
          %parallel_loop3A_392 = arith.addf %parallel_loop3A_373, %parallel_loop3A_374 : vector<16xf32>
          %parallel_loop3A_393 = arith.addf %parallel_loop3A_381, %parallel_loop3A_382 : vector<16xf32>
          %parallel_loop3A_394 = arith.addf %parallel_loop3A_389, %parallel_loop3A_390 : vector<16xf32>
          %parallel_loop3A_395 = arith.addf %parallel_loop3A_391, %parallel_loop3A_392 : vector<16xf32>
          %parallel_loop3A_396 = arith.addf %parallel_loop3A_393, %parallel_loop3A_394 : vector<16xf32>
          %parallel_loop3A_397 = arith.addf %parallel_loop3A_395, %parallel_loop3A_396 : vector<16xf32>
          %parallel_loop3A_398 = arith.constant 8 : i32
          %parallel_loop3A_399 = tpu.memref_slice %arg10[%parallel_loop3A_398] : memref<16400xf32, #tpu.memory_space<vmem>> -> memref<16344xf32, #tpu.memory_space<vmem>>
          %parallel_loop3A_400 = tpu.vector_load_idx %parallel_loop3A_399[%parallel_loop3A_298] : memref<16344xf32, #tpu.memory_space<vmem>>[vector<16xi32>], vector<16xf32>,
          %parallel_loop3A_401 = vector.bitcast %parallel_loop3A_400 : vector<16xf32> to vector<32xbf16>
          %parallel_loop3A_402 = tpu.unpack_subelements %parallel_loop3A_401, 0 {pack_format = #tpu.pack_format<interleaved>} : vector<32xbf16> -> vector<16xf32>
          %parallel_loop3A_403 = tpu.unpack_subelements %parallel_loop3A_401, 1 {pack_format = #tpu.pack_format<interleaved>} : vector<32xbf16> -> vector<16xf32>
          %parallel_loop3A_404 = arith.mulf %parallel_loop3A_225, %parallel_loop3A_402 : vector<16xf32>
          %parallel_loop3A_405 = arith.mulf %parallel_loop3A_246, %parallel_loop3A_403 : vector<16xf32>
          %parallel_loop3A_406 = arith.constant 8 : i32
          %parallel_loop3A_407 = tpu.memref_slice %arg10[%parallel_loop3A_406] : memref<16400xf32, #tpu.memory_space<vmem>> -> memref<16344xf32, #tpu.memory_space<vmem>>
          %parallel_loop3A_408 = tpu.vector_load_idx %parallel_loop3A_407[%parallel_loop3A_301] : memref<16344xf32, #tpu.memory_space<vmem>>[vector<16xi32>], vector<16xf32>,
          %parallel_loop3A_409 = vector.bitcast %parallel_loop3A_408 : vector<16xf32> to vector<32xbf16>
          %parallel_loop3A_410 = tpu.unpack_subelements %parallel_loop3A_409, 0 {pack_format = #tpu.pack_format<interleaved>} : vector<32xbf16> -> vector<16xf32>
          %parallel_loop3A_411 = tpu.unpack_subelements %parallel_loop3A_409, 1 {pack_format = #tpu.pack_format<interleaved>} : vector<32xbf16> -> vector<16xf32>
          %parallel_loop3A_412 = arith.mulf %parallel_loop3A_254, %parallel_loop3A_410 : vector<16xf32>
          %parallel_loop3A_413 = arith.mulf %parallel_loop3A_260, %parallel_loop3A_411 : vector<16xf32>
          %parallel_loop3A_414 = arith.constant 8 : i32
          %parallel_loop3A_415 = tpu.memref_slice %arg10[%parallel_loop3A_414] : memref<16400xf32, #tpu.memory_space<vmem>> -> memref<16344xf32, #tpu.memory_space<vmem>>
          %parallel_loop3A_416 = tpu.vector_load_idx %parallel_loop3A_415[%parallel_loop3A_304] : memref<16344xf32, #tpu.memory_space<vmem>>[vector<16xi32>], vector<16xf32>,
          %parallel_loop3A_417 = vector.bitcast %parallel_loop3A_416 : vector<16xf32> to vector<32xbf16>
          %parallel_loop3A_418 = tpu.unpack_subelements %parallel_loop3A_417, 0 {pack_format = #tpu.pack_format<interleaved>} : vector<32xbf16> -> vector<16xf32>
          %parallel_loop3A_419 = tpu.unpack_subelements %parallel_loop3A_417, 1 {pack_format = #tpu.pack_format<interleaved>} : vector<32xbf16> -> vector<16xf32>
          %parallel_loop3A_420 = arith.mulf %parallel_loop3A_266, %parallel_loop3A_418 : vector<16xf32>
          %parallel_loop3A_421 = arith.mulf %parallel_loop3A_272, %parallel_loop3A_419 : vector<16xf32>
          %parallel_loop3A_422 = arith.constant 8 : i32
          %parallel_loop3A_423 = tpu.memref_slice %arg10[%parallel_loop3A_422] : memref<16400xf32, #tpu.memory_space<vmem>> -> memref<16344xf32, #tpu.memory_space<vmem>>
          %parallel_loop3A_424 = tpu.vector_load_idx %parallel_loop3A_423[%parallel_loop3A_307] : memref<16344xf32, #tpu.memory_space<vmem>>[vector<16xi32>], vector<16xf32>,
          %parallel_loop3A_425 = vector.bitcast %parallel_loop3A_424 : vector<16xf32> to vector<32xbf16>
          %parallel_loop3A_426 = tpu.unpack_subelements %parallel_loop3A_425, 0 {pack_format = #tpu.pack_format<interleaved>} : vector<32xbf16> -> vector<16xf32>
          %parallel_loop3A_427 = tpu.unpack_subelements %parallel_loop3A_425, 1 {pack_format = #tpu.pack_format<interleaved>} : vector<32xbf16> -> vector<16xf32>
          %parallel_loop3A_428 = arith.mulf %parallel_loop3A_278, %parallel_loop3A_426 : vector<16xf32>
          %parallel_loop3A_429 = arith.mulf %parallel_loop3A_284, %parallel_loop3A_427 : vector<16xf32>
          %parallel_loop3A_430 = arith.addf %parallel_loop3A_404, %parallel_loop3A_405 : vector<16xf32>
          %parallel_loop3A_431 = arith.addf %parallel_loop3A_412, %parallel_loop3A_413 : vector<16xf32>
          %parallel_loop3A_432 = arith.addf %parallel_loop3A_420, %parallel_loop3A_421 : vector<16xf32>
          %parallel_loop3A_433 = arith.addf %parallel_loop3A_428, %parallel_loop3A_429 : vector<16xf32>
          %parallel_loop3A_434 = arith.addf %parallel_loop3A_430, %parallel_loop3A_431 : vector<16xf32>
          %parallel_loop3A_435 = arith.addf %parallel_loop3A_432, %parallel_loop3A_433 : vector<16xf32>
          %parallel_loop3A_436 = arith.addf %parallel_loop3A_434, %parallel_loop3A_435 : vector<16xf32>
          %parallel_loop3A_437 = arith.constant 8 : i32
          %parallel_loop3A_438 = tpu.memref_slice %arg10[%parallel_loop3A_437] : memref<16400xf32, #tpu.memory_space<vmem>> -> memref<16344xf32, #tpu.memory_space<vmem>>
          %parallel_loop3A_439 = tpu.vector_load_idx %parallel_loop3A_438[%parallel_loop3A_310] : memref<16344xf32, #tpu.memory_space<vmem>>[vector<16xi32>], vector<16xf32>,
          %parallel_loop3A_440 = vector.bitcast %parallel_loop3A_439 : vector<16xf32> to vector<32xbf16>
          %parallel_loop3A_441 = tpu.unpack_subelements %parallel_loop3A_440, 0 {pack_format = #tpu.pack_format<interleaved>} : vector<32xbf16> -> vector<16xf32>
          %parallel_loop3A_442 = tpu.unpack_subelements %parallel_loop3A_440, 1 {pack_format = #tpu.pack_format<interleaved>} : vector<32xbf16> -> vector<16xf32>
          %parallel_loop3A_443 = arith.mulf %parallel_loop3A_225, %parallel_loop3A_441 : vector<16xf32>
          %parallel_loop3A_444 = arith.mulf %parallel_loop3A_246, %parallel_loop3A_442 : vector<16xf32>
          %parallel_loop3A_445 = arith.constant 8 : i32
          %parallel_loop3A_446 = tpu.memref_slice %arg10[%parallel_loop3A_445] : memref<16400xf32, #tpu.memory_space<vmem>> -> memref<16344xf32, #tpu.memory_space<vmem>>
          %parallel_loop3A_447 = tpu.vector_load_idx %parallel_loop3A_446[%parallel_loop3A_313] : memref<16344xf32, #tpu.memory_space<vmem>>[vector<16xi32>], vector<16xf32>,
          %parallel_loop3A_448 = vector.bitcast %parallel_loop3A_447 : vector<16xf32> to vector<32xbf16>
          %parallel_loop3A_449 = tpu.unpack_subelements %parallel_loop3A_448, 0 {pack_format = #tpu.pack_format<interleaved>} : vector<32xbf16> -> vector<16xf32>
          %parallel_loop3A_450 = tpu.unpack_subelements %parallel_loop3A_448, 1 {pack_format = #tpu.pack_format<interleaved>} : vector<32xbf16> -> vector<16xf32>
          %parallel_loop3A_451 = arith.mulf %parallel_loop3A_254, %parallel_loop3A_449 : vector<16xf32>
          %parallel_loop3A_452 = arith.mulf %parallel_loop3A_260, %parallel_loop3A_450 : vector<16xf32>
          %parallel_loop3A_453 = arith.constant 8 : i32
          %parallel_loop3A_454 = tpu.memref_slice %arg10[%parallel_loop3A_453] : memref<16400xf32, #tpu.memory_space<vmem>> -> memref<16344xf32, #tpu.memory_space<vmem>>
          %parallel_loop3A_455 = tpu.vector_load_idx %parallel_loop3A_454[%parallel_loop3A_316] : memref<16344xf32, #tpu.memory_space<vmem>>[vector<16xi32>], vector<16xf32>,
          %parallel_loop3A_456 = vector.bitcast %parallel_loop3A_455 : vector<16xf32> to vector<32xbf16>
          %parallel_loop3A_457 = tpu.unpack_subelements %parallel_loop3A_456, 0 {pack_format = #tpu.pack_format<interleaved>} : vector<32xbf16> -> vector<16xf32>
          %parallel_loop3A_458 = tpu.unpack_subelements %parallel_loop3A_456, 1 {pack_format = #tpu.pack_format<interleaved>} : vector<32xbf16> -> vector<16xf32>
          %parallel_loop3A_459 = arith.mulf %parallel_loop3A_266, %parallel_loop3A_457 : vector<16xf32>
          %parallel_loop3A_460 = arith.mulf %parallel_loop3A_272, %parallel_loop3A_458 : vector<16xf32>
          %parallel_loop3A_461 = arith.constant 8 : i32
          %parallel_loop3A_462 = tpu.memref_slice %arg10[%parallel_loop3A_461] : memref<16400xf32, #tpu.memory_space<vmem>> -> memref<16344xf32, #tpu.memory_space<vmem>>
          %parallel_loop3A_463 = tpu.vector_load_idx %parallel_loop3A_462[%parallel_loop3A_319] : memref<16344xf32, #tpu.memory_space<vmem>>[vector<16xi32>], vector<16xf32>,
          %parallel_loop3A_464 = vector.bitcast %parallel_loop3A_463 : vector<16xf32> to vector<32xbf16>
          %parallel_loop3A_465 = tpu.unpack_subelements %parallel_loop3A_464, 0 {pack_format = #tpu.pack_format<interleaved>} : vector<32xbf16> -> vector<16xf32>
          %parallel_loop3A_466 = tpu.unpack_subelements %parallel_loop3A_464, 1 {pack_format = #tpu.pack_format<interleaved>} : vector<32xbf16> -> vector<16xf32>
          %parallel_loop3A_467 = arith.mulf %parallel_loop3A_278, %parallel_loop3A_465 : vector<16xf32>
          %parallel_loop3A_468 = arith.mulf %parallel_loop3A_284, %parallel_loop3A_466 : vector<16xf32>
          %parallel_loop3A_469 = arith.addf %parallel_loop3A_443, %parallel_loop3A_444 : vector<16xf32>
          %parallel_loop3A_470 = arith.addf %parallel_loop3A_451, %parallel_loop3A_452 : vector<16xf32>
          %parallel_loop3A_471 = arith.addf %parallel_loop3A_459, %parallel_loop3A_460 : vector<16xf32>
          %parallel_loop3A_472 = arith.addf %parallel_loop3A_467, %parallel_loop3A_468 : vector<16xf32>
          %parallel_loop3A_473 = arith.addf %parallel_loop3A_469, %parallel_loop3A_470 : vector<16xf32>
          %parallel_loop3A_474 = arith.addf %parallel_loop3A_471, %parallel_loop3A_472 : vector<16xf32>
          %parallel_loop3A_475 = arith.addf %parallel_loop3A_473, %parallel_loop3A_474 : vector<16xf32>
          %parallel_loop3A_476 = arith.constant 16 : i32
          %parallel_loop3A_477 = tpu.memref_slice %arg10[%parallel_loop3A_476] : memref<16400xf32, #tpu.memory_space<vmem>> -> memref<16344xf32, #tpu.memory_space<vmem>>
          %parallel_loop3A_478 = tpu.vector_load_idx %parallel_loop3A_477[%parallel_loop3A_298] : memref<16344xf32, #tpu.memory_space<vmem>>[vector<16xi32>], vector<16xf32>,
          %parallel_loop3A_479 = vector.bitcast %parallel_loop3A_478 : vector<16xf32> to vector<32xbf16>
          %parallel_loop3A_480 = tpu.unpack_subelements %parallel_loop3A_479, 0 {pack_format = #tpu.pack_format<interleaved>} : vector<32xbf16> -> vector<16xf32>
          %parallel_loop3A_481 = tpu.unpack_subelements %parallel_loop3A_479, 1 {pack_format = #tpu.pack_format<interleaved>} : vector<32xbf16> -> vector<16xf32>
          %parallel_loop3A_482 = arith.mulf %parallel_loop3A_225, %parallel_loop3A_480 : vector<16xf32>
          %parallel_loop3A_483 = arith.mulf %parallel_loop3A_246, %parallel_loop3A_481 : vector<16xf32>
          %parallel_loop3A_484 = arith.constant 16 : i32
          %parallel_loop3A_485 = tpu.memref_slice %arg10[%parallel_loop3A_484] : memref<16400xf32, #tpu.memory_space<vmem>> -> memref<16344xf32, #tpu.memory_space<vmem>>
          %parallel_loop3A_486 = tpu.vector_load_idx %parallel_loop3A_485[%parallel_loop3A_301] : memref<16344xf32, #tpu.memory_space<vmem>>[vector<16xi32>], vector<16xf32>,
          %parallel_loop3A_487 = vector.bitcast %parallel_loop3A_486 : vector<16xf32> to vector<32xbf16>
          %parallel_loop3A_488 = tpu.unpack_subelements %parallel_loop3A_487, 0 {pack_format = #tpu.pack_format<interleaved>} : vector<32xbf16> -> vector<16xf32>
          %parallel_loop3A_489 = tpu.unpack_subelements %parallel_loop3A_487, 1 {pack_format = #tpu.pack_format<interleaved>} : vector<32xbf16> -> vector<16xf32>
          %parallel_loop3A_490 = arith.mulf %parallel_loop3A_254, %parallel_loop3A_488 : vector<16xf32>
          %parallel_loop3A_491 = arith.mulf %parallel_loop3A_260, %parallel_loop3A_489 : vector<16xf32>
          %parallel_loop3A_492 = arith.constant 16 : i32
          %parallel_loop3A_493 = tpu.memref_slice %arg10[%parallel_loop3A_492] : memref<16400xf32, #tpu.memory_space<vmem>> -> memref<16344xf32, #tpu.memory_space<vmem>>
          %parallel_loop3A_494 = tpu.vector_load_idx %parallel_loop3A_493[%parallel_loop3A_304] : memref<16344xf32, #tpu.memory_space<vmem>>[vector<16xi32>], vector<16xf32>,
          %parallel_loop3A_495 = vector.bitcast %parallel_loop3A_494 : vector<16xf32> to vector<32xbf16>
          %parallel_loop3A_496 = tpu.unpack_subelements %parallel_loop3A_495, 0 {pack_format = #tpu.pack_format<interleaved>} : vector<32xbf16> -> vector<16xf32>
          %parallel_loop3A_497 = tpu.unpack_subelements %parallel_loop3A_495, 1 {pack_format = #tpu.pack_format<interleaved>} : vector<32xbf16> -> vector<16xf32>
          %parallel_loop3A_498 = arith.mulf %parallel_loop3A_266, %parallel_loop3A_496 : vector<16xf32>
          %parallel_loop3A_499 = arith.mulf %parallel_loop3A_272, %parallel_loop3A_497 : vector<16xf32>
          %parallel_loop3A_500 = arith.constant 16 : i32
          %parallel_loop3A_501 = tpu.memref_slice %arg10[%parallel_loop3A_500] : memref<16400xf32, #tpu.memory_space<vmem>> -> memref<16344xf32, #tpu.memory_space<vmem>>
          %parallel_loop3A_502 = tpu.vector_load_idx %parallel_loop3A_501[%parallel_loop3A_307] : memref<16344xf32, #tpu.memory_space<vmem>>[vector<16xi32>], vector<16xf32>,
          %parallel_loop3A_503 = vector.bitcast %parallel_loop3A_502 : vector<16xf32> to vector<32xbf16>
          %parallel_loop3A_504 = tpu.unpack_subelements %parallel_loop3A_503, 0 {pack_format = #tpu.pack_format<interleaved>} : vector<32xbf16> -> vector<16xf32>
          %parallel_loop3A_505 = tpu.unpack_subelements %parallel_loop3A_503, 1 {pack_format = #tpu.pack_format<interleaved>} : vector<32xbf16> -> vector<16xf32>
          %parallel_loop3A_506 = arith.mulf %parallel_loop3A_278, %parallel_loop3A_504 : vector<16xf32>
          %parallel_loop3A_507 = arith.mulf %parallel_loop3A_284, %parallel_loop3A_505 : vector<16xf32>
          %parallel_loop3A_508 = arith.addf %parallel_loop3A_482, %parallel_loop3A_483 : vector<16xf32>
          %parallel_loop3A_509 = arith.addf %parallel_loop3A_490, %parallel_loop3A_491 : vector<16xf32>
          %parallel_loop3A_510 = arith.addf %parallel_loop3A_498, %parallel_loop3A_499 : vector<16xf32>
          %parallel_loop3A_511 = arith.addf %parallel_loop3A_506, %parallel_loop3A_507 : vector<16xf32>
          %parallel_loop3A_512 = arith.addf %parallel_loop3A_508, %parallel_loop3A_509 : vector<16xf32>
          %parallel_loop3A_513 = arith.addf %parallel_loop3A_510, %parallel_loop3A_511 : vector<16xf32>
          %parallel_loop3A_514 = arith.addf %parallel_loop3A_512, %parallel_loop3A_513 : vector<16xf32>
          %parallel_loop3A_515 = arith.constant 16 : i32
          %parallel_loop3A_516 = tpu.memref_slice %arg10[%parallel_loop3A_515] : memref<16400xf32, #tpu.memory_space<vmem>> -> memref<16344xf32, #tpu.memory_space<vmem>>
          %parallel_loop3A_517 = tpu.vector_load_idx %parallel_loop3A_516[%parallel_loop3A_310] : memref<16344xf32, #tpu.memory_space<vmem>>[vector<16xi32>], vector<16xf32>,
          %parallel_loop3A_518 = vector.bitcast %parallel_loop3A_517 : vector<16xf32> to vector<32xbf16>
          %parallel_loop3A_519 = tpu.unpack_subelements %parallel_loop3A_518, 0 {pack_format = #tpu.pack_format<interleaved>} : vector<32xbf16> -> vector<16xf32>
          %parallel_loop3A_520 = tpu.unpack_subelements %parallel_loop3A_518, 1 {pack_format = #tpu.pack_format<interleaved>} : vector<32xbf16> -> vector<16xf32>
          %parallel_loop3A_521 = arith.mulf %parallel_loop3A_225, %parallel_loop3A_519 : vector<16xf32>
          %parallel_loop3A_522 = arith.mulf %parallel_loop3A_246, %parallel_loop3A_520 : vector<16xf32>
          %parallel_loop3A_523 = arith.constant 16 : i32
          %parallel_loop3A_524 = tpu.memref_slice %arg10[%parallel_loop3A_523] : memref<16400xf32, #tpu.memory_space<vmem>> -> memref<16344xf32, #tpu.memory_space<vmem>>
          %parallel_loop3A_525 = tpu.vector_load_idx %parallel_loop3A_524[%parallel_loop3A_313] : memref<16344xf32, #tpu.memory_space<vmem>>[vector<16xi32>], vector<16xf32>,
          %parallel_loop3A_526 = vector.bitcast %parallel_loop3A_525 : vector<16xf32> to vector<32xbf16>
          %parallel_loop3A_527 = tpu.unpack_subelements %parallel_loop3A_526, 0 {pack_format = #tpu.pack_format<interleaved>} : vector<32xbf16> -> vector<16xf32>
          %parallel_loop3A_528 = tpu.unpack_subelements %parallel_loop3A_526, 1 {pack_format = #tpu.pack_format<interleaved>} : vector<32xbf16> -> vector<16xf32>
          %parallel_loop3A_529 = arith.mulf %parallel_loop3A_254, %parallel_loop3A_527 : vector<16xf32>
          %parallel_loop3A_530 = arith.mulf %parallel_loop3A_260, %parallel_loop3A_528 : vector<16xf32>
          %parallel_loop3A_531 = arith.constant 16 : i32
          %parallel_loop3A_532 = tpu.memref_slice %arg10[%parallel_loop3A_531] : memref<16400xf32, #tpu.memory_space<vmem>> -> memref<16344xf32, #tpu.memory_space<vmem>>
          %parallel_loop3A_533 = tpu.vector_load_idx %parallel_loop3A_532[%parallel_loop3A_316] : memref<16344xf32, #tpu.memory_space<vmem>>[vector<16xi32>], vector<16xf32>,
          %parallel_loop3A_534 = vector.bitcast %parallel_loop3A_533 : vector<16xf32> to vector<32xbf16>
          %parallel_loop3A_535 = tpu.unpack_subelements %parallel_loop3A_534, 0 {pack_format = #tpu.pack_format<interleaved>} : vector<32xbf16> -> vector<16xf32>
          %parallel_loop3A_536 = tpu.unpack_subelements %parallel_loop3A_534, 1 {pack_format = #tpu.pack_format<interleaved>} : vector<32xbf16> -> vector<16xf32>
          %parallel_loop3A_537 = arith.mulf %parallel_loop3A_266, %parallel_loop3A_535 : vector<16xf32>
          %parallel_loop3A_538 = arith.mulf %parallel_loop3A_272, %parallel_loop3A_536 : vector<16xf32>
          %parallel_loop3A_539 = arith.constant 16 : i32
          %parallel_loop3A_540 = tpu.memref_slice %arg10[%parallel_loop3A_539] : memref<16400xf32, #tpu.memory_space<vmem>> -> memref<16344xf32, #tpu.memory_space<vmem>>
          %parallel_loop3A_541 = tpu.vector_load_idx %parallel_loop3A_540[%parallel_loop3A_319] : memref<16344xf32, #tpu.memory_space<vmem>>[vector<16xi32>], vector<16xf32>,
          %parallel_loop3A_542 = vector.bitcast %parallel_loop3A_541 : vector<16xf32> to vector<32xbf16>
          %parallel_loop3A_543 = tpu.unpack_subelements %parallel_loop3A_542, 0 {pack_format = #tpu.pack_format<interleaved>} : vector<32xbf16> -> vector<16xf32>
          %parallel_loop3A_544 = tpu.unpack_subelements %parallel_loop3A_542, 1 {pack_format = #tpu.pack_format<interleaved>} : vector<32xbf16> -> vector<16xf32>
          %parallel_loop3A_545 = arith.mulf %parallel_loop3A_278, %parallel_loop3A_543 : vector<16xf32>
          %parallel_loop3A_546 = arith.mulf %parallel_loop3A_284, %parallel_loop3A_544 : vector<16xf32>
          %parallel_loop3A_547 = arith.addf %parallel_loop3A_521, %parallel_loop3A_522 : vector<16xf32>
          %parallel_loop3A_548 = arith.addf %parallel_loop3A_529, %parallel_loop3A_530 : vector<16xf32>
          %parallel_loop3A_549 = arith.addf %parallel_loop3A_537, %parallel_loop3A_538 : vector<16xf32>
          %parallel_loop3A_550 = arith.addf %parallel_loop3A_545, %parallel_loop3A_546 : vector<16xf32>
          %parallel_loop3A_551 = arith.addf %parallel_loop3A_547, %parallel_loop3A_548 : vector<16xf32>
          %parallel_loop3A_552 = arith.addf %parallel_loop3A_549, %parallel_loop3A_550 : vector<16xf32>
          %parallel_loop3A_553 = arith.addf %parallel_loop3A_551, %parallel_loop3A_552 : vector<16xf32>
          %parallel_loop3A_554 = arith.constant 24 : i32
          %parallel_loop3A_555 = tpu.memref_slice %arg10[%parallel_loop3A_554] : memref<16400xf32, #tpu.memory_space<vmem>> -> memref<16344xf32, #tpu.memory_space<vmem>>
          %parallel_loop3A_556 = tpu.vector_load_idx %parallel_loop3A_555[%parallel_loop3A_298] : memref<16344xf32, #tpu.memory_space<vmem>>[vector<16xi32>], vector<16xf32>,
          %parallel_loop3A_557 = vector.bitcast %parallel_loop3A_556 : vector<16xf32> to vector<32xbf16>
          %parallel_loop3A_558 = tpu.unpack_subelements %parallel_loop3A_557, 0 {pack_format = #tpu.pack_format<interleaved>} : vector<32xbf16> -> vector<16xf32>
          %parallel_loop3A_559 = tpu.unpack_subelements %parallel_loop3A_557, 1 {pack_format = #tpu.pack_format<interleaved>} : vector<32xbf16> -> vector<16xf32>
          %parallel_loop3A_560 = arith.mulf %parallel_loop3A_225, %parallel_loop3A_558 : vector<16xf32>
          %parallel_loop3A_561 = arith.mulf %parallel_loop3A_246, %parallel_loop3A_559 : vector<16xf32>
          %parallel_loop3A_562 = arith.constant 24 : i32
          %parallel_loop3A_563 = tpu.memref_slice %arg10[%parallel_loop3A_562] : memref<16400xf32, #tpu.memory_space<vmem>> -> memref<16344xf32, #tpu.memory_space<vmem>>
          %parallel_loop3A_564 = tpu.vector_load_idx %parallel_loop3A_563[%parallel_loop3A_301] : memref<16344xf32, #tpu.memory_space<vmem>>[vector<16xi32>], vector<16xf32>,
          %parallel_loop3A_565 = vector.bitcast %parallel_loop3A_564 : vector<16xf32> to vector<32xbf16>
          %parallel_loop3A_566 = tpu.unpack_subelements %parallel_loop3A_565, 0 {pack_format = #tpu.pack_format<interleaved>} : vector<32xbf16> -> vector<16xf32>
          %parallel_loop3A_567 = tpu.unpack_subelements %parallel_loop3A_565, 1 {pack_format = #tpu.pack_format<interleaved>} : vector<32xbf16> -> vector<16xf32>
          %parallel_loop3A_568 = arith.mulf %parallel_loop3A_254, %parallel_loop3A_566 : vector<16xf32>
          %parallel_loop3A_569 = arith.mulf %parallel_loop3A_260, %parallel_loop3A_567 : vector<16xf32>
          %parallel_loop3A_570 = arith.constant 24 : i32
          %parallel_loop3A_571 = tpu.memref_slice %arg10[%parallel_loop3A_570] : memref<16400xf32, #tpu.memory_space<vmem>> -> memref<16344xf32, #tpu.memory_space<vmem>>
          %parallel_loop3A_572 = tpu.vector_load_idx %parallel_loop3A_571[%parallel_loop3A_304] : memref<16344xf32, #tpu.memory_space<vmem>>[vector<16xi32>], vector<16xf32>,
          %parallel_loop3A_573 = vector.bitcast %parallel_loop3A_572 : vector<16xf32> to vector<32xbf16>
          %parallel_loop3A_574 = tpu.unpack_subelements %parallel_loop3A_573, 0 {pack_format = #tpu.pack_format<interleaved>} : vector<32xbf16> -> vector<16xf32>
          %parallel_loop3A_575 = tpu.unpack_subelements %parallel_loop3A_573, 1 {pack_format = #tpu.pack_format<interleaved>} : vector<32xbf16> -> vector<16xf32>
          %parallel_loop3A_576 = arith.mulf %parallel_loop3A_266, %parallel_loop3A_574 : vector<16xf32>
          %parallel_loop3A_577 = arith.mulf %parallel_loop3A_272, %parallel_loop3A_575 : vector<16xf32>
          %parallel_loop3A_578 = arith.constant 24 : i32
          %parallel_loop3A_579 = tpu.memref_slice %arg10[%parallel_loop3A_578] : memref<16400xf32, #tpu.memory_space<vmem>> -> memref<16344xf32, #tpu.memory_space<vmem>>
          %parallel_loop3A_580 = tpu.vector_load_idx %parallel_loop3A_579[%parallel_loop3A_307] : memref<16344xf32, #tpu.memory_space<vmem>>[vector<16xi32>], vector<16xf32>,
          %parallel_loop3A_581 = vector.bitcast %parallel_loop3A_580 : vector<16xf32> to vector<32xbf16>
          %parallel_loop3A_582 = tpu.unpack_subelements %parallel_loop3A_581, 0 {pack_format = #tpu.pack_format<interleaved>} : vector<32xbf16> -> vector<16xf32>
          %parallel_loop3A_583 = tpu.unpack_subelements %parallel_loop3A_581, 1 {pack_format = #tpu.pack_format<interleaved>} : vector<32xbf16> -> vector<16xf32>
          %parallel_loop3A_584 = arith.mulf %parallel_loop3A_278, %parallel_loop3A_582 : vector<16xf32>
          %parallel_loop3A_585 = arith.mulf %parallel_loop3A_284, %parallel_loop3A_583 : vector<16xf32>
          %parallel_loop3A_586 = arith.addf %parallel_loop3A_560, %parallel_loop3A_561 : vector<16xf32>
          %parallel_loop3A_587 = arith.addf %parallel_loop3A_568, %parallel_loop3A_569 : vector<16xf32>
          %parallel_loop3A_588 = arith.addf %parallel_loop3A_576, %parallel_loop3A_577 : vector<16xf32>
          %parallel_loop3A_589 = arith.addf %parallel_loop3A_584, %parallel_loop3A_585 : vector<16xf32>
          %parallel_loop3A_590 = arith.addf %parallel_loop3A_586, %parallel_loop3A_587 : vector<16xf32>
          %parallel_loop3A_591 = arith.addf %parallel_loop3A_588, %parallel_loop3A_589 : vector<16xf32>
          %parallel_loop3A_592 = arith.addf %parallel_loop3A_590, %parallel_loop3A_591 : vector<16xf32>
          %parallel_loop3A_593 = arith.constant 24 : i32
          %parallel_loop3A_594 = tpu.memref_slice %arg10[%parallel_loop3A_593] : memref<16400xf32, #tpu.memory_space<vmem>> -> memref<16344xf32, #tpu.memory_space<vmem>>
          %parallel_loop3A_595 = tpu.vector_load_idx %parallel_loop3A_594[%parallel_loop3A_310] : memref<16344xf32, #tpu.memory_space<vmem>>[vector<16xi32>], vector<16xf32>,
          %parallel_loop3A_596 = vector.bitcast %parallel_loop3A_595 : vector<16xf32> to vector<32xbf16>
          %parallel_loop3A_597 = tpu.unpack_subelements %parallel_loop3A_596, 0 {pack_format = #tpu.pack_format<interleaved>} : vector<32xbf16> -> vector<16xf32>
          %parallel_loop3A_598 = tpu.unpack_subelements %parallel_loop3A_596, 1 {pack_format = #tpu.pack_format<interleaved>} : vector<32xbf16> -> vector<16xf32>
          %parallel_loop3A_599 = arith.mulf %parallel_loop3A_225, %parallel_loop3A_597 : vector<16xf32>
          %parallel_loop3A_600 = arith.mulf %parallel_loop3A_246, %parallel_loop3A_598 : vector<16xf32>
          %parallel_loop3A_601 = arith.constant 24 : i32
          %parallel_loop3A_602 = tpu.memref_slice %arg10[%parallel_loop3A_601] : memref<16400xf32, #tpu.memory_space<vmem>> -> memref<16344xf32, #tpu.memory_space<vmem>>
          %parallel_loop3A_603 = tpu.vector_load_idx %parallel_loop3A_602[%parallel_loop3A_313] : memref<16344xf32, #tpu.memory_space<vmem>>[vector<16xi32>], vector<16xf32>,
          %parallel_loop3A_604 = vector.bitcast %parallel_loop3A_603 : vector<16xf32> to vector<32xbf16>
          %parallel_loop3A_605 = tpu.unpack_subelements %parallel_loop3A_604, 0 {pack_format = #tpu.pack_format<interleaved>} : vector<32xbf16> -> vector<16xf32>
          %parallel_loop3A_606 = tpu.unpack_subelements %parallel_loop3A_604, 1 {pack_format = #tpu.pack_format<interleaved>} : vector<32xbf16> -> vector<16xf32>
          %parallel_loop3A_607 = arith.mulf %parallel_loop3A_254, %parallel_loop3A_605 : vector<16xf32>
          %parallel_loop3A_608 = arith.mulf %parallel_loop3A_260, %parallel_loop3A_606 : vector<16xf32>
          %parallel_loop3A_609 = arith.constant 24 : i32
          %parallel_loop3A_610 = tpu.memref_slice %arg10[%parallel_loop3A_609] : memref<16400xf32, #tpu.memory_space<vmem>> -> memref<16344xf32, #tpu.memory_space<vmem>>
          %parallel_loop3A_611 = tpu.vector_load_idx %parallel_loop3A_610[%parallel_loop3A_316] : memref<16344xf32, #tpu.memory_space<vmem>>[vector<16xi32>], vector<16xf32>,
          %parallel_loop3A_612 = vector.bitcast %parallel_loop3A_611 : vector<16xf32> to vector<32xbf16>
          %parallel_loop3A_613 = tpu.unpack_subelements %parallel_loop3A_612, 0 {pack_format = #tpu.pack_format<interleaved>} : vector<32xbf16> -> vector<16xf32>
          %parallel_loop3A_614 = tpu.unpack_subelements %parallel_loop3A_612, 1 {pack_format = #tpu.pack_format<interleaved>} : vector<32xbf16> -> vector<16xf32>
          %parallel_loop3A_615 = arith.mulf %parallel_loop3A_266, %parallel_loop3A_613 : vector<16xf32>
          %parallel_loop3A_616 = arith.mulf %parallel_loop3A_272, %parallel_loop3A_614 : vector<16xf32>
          %parallel_loop3A_617 = arith.constant 24 : i32
          %parallel_loop3A_618 = tpu.memref_slice %arg10[%parallel_loop3A_617] : memref<16400xf32, #tpu.memory_space<vmem>> -> memref<16344xf32, #tpu.memory_space<vmem>>
          %parallel_loop3A_619 = tpu.vector_load_idx %parallel_loop3A_618[%parallel_loop3A_319] : memref<16344xf32, #tpu.memory_space<vmem>>[vector<16xi32>], vector<16xf32>,
          %parallel_loop3A_620 = vector.bitcast %parallel_loop3A_619 : vector<16xf32> to vector<32xbf16>
          %parallel_loop3A_621 = tpu.unpack_subelements %parallel_loop3A_620, 0 {pack_format = #tpu.pack_format<interleaved>} : vector<32xbf16> -> vector<16xf32>
          %parallel_loop3A_622 = tpu.unpack_subelements %parallel_loop3A_620, 1 {pack_format = #tpu.pack_format<interleaved>} : vector<32xbf16> -> vector<16xf32>
          %parallel_loop3A_623 = arith.mulf %parallel_loop3A_278, %parallel_loop3A_621 : vector<16xf32>
          %parallel_loop3A_624 = arith.mulf %parallel_loop3A_284, %parallel_loop3A_622 : vector<16xf32>
          %parallel_loop3A_625 = arith.addf %parallel_loop3A_599, %parallel_loop3A_600 : vector<16xf32>
          %parallel_loop3A_626 = arith.addf %parallel_loop3A_607, %parallel_loop3A_608 : vector<16xf32>
          %parallel_loop3A_627 = arith.addf %parallel_loop3A_615, %parallel_loop3A_616 : vector<16xf32>
          %parallel_loop3A_628 = arith.addf %parallel_loop3A_623, %parallel_loop3A_624 : vector<16xf32>
          %parallel_loop3A_629 = arith.addf %parallel_loop3A_625, %parallel_loop3A_626 : vector<16xf32>
          %parallel_loop3A_630 = arith.addf %parallel_loop3A_627, %parallel_loop3A_628 : vector<16xf32>
          %parallel_loop3A_631 = arith.addf %parallel_loop3A_629, %parallel_loop3A_630 : vector<16xf32>
          %parallel_loop3A_632 = arith.constant 32 : i32
          %parallel_loop3A_633 = tpu.memref_slice %arg10[%parallel_loop3A_632] : memref<16400xf32, #tpu.memory_space<vmem>> -> memref<16344xf32, #tpu.memory_space<vmem>>
          %parallel_loop3A_634 = tpu.vector_load_idx %parallel_loop3A_633[%parallel_loop3A_298] : memref<16344xf32, #tpu.memory_space<vmem>>[vector<16xi32>], vector<16xf32>,
          %parallel_loop3A_635 = vector.bitcast %parallel_loop3A_634 : vector<16xf32> to vector<32xbf16>
          %parallel_loop3A_636 = tpu.unpack_subelements %parallel_loop3A_635, 0 {pack_format = #tpu.pack_format<interleaved>} : vector<32xbf16> -> vector<16xf32>
          %parallel_loop3A_637 = tpu.unpack_subelements %parallel_loop3A_635, 1 {pack_format = #tpu.pack_format<interleaved>} : vector<32xbf16> -> vector<16xf32>
          %parallel_loop3A_638 = arith.mulf %parallel_loop3A_225, %parallel_loop3A_636 : vector<16xf32>
          %parallel_loop3A_639 = arith.mulf %parallel_loop3A_246, %parallel_loop3A_637 : vector<16xf32>
          %parallel_loop3A_640 = arith.constant 32 : i32
          %parallel_loop3A_641 = tpu.memref_slice %arg10[%parallel_loop3A_640] : memref<16400xf32, #tpu.memory_space<vmem>> -> memref<16344xf32, #tpu.memory_space<vmem>>
          %parallel_loop3A_642 = tpu.vector_load_idx %parallel_loop3A_641[%parallel_loop3A_301] : memref<16344xf32, #tpu.memory_space<vmem>>[vector<16xi32>], vector<16xf32>,
          %parallel_loop3A_643 = vector.bitcast %parallel_loop3A_642 : vector<16xf32> to vector<32xbf16>
          %parallel_loop3A_644 = tpu.unpack_subelements %parallel_loop3A_643, 0 {pack_format = #tpu.pack_format<interleaved>} : vector<32xbf16> -> vector<16xf32>
          %parallel_loop3A_645 = tpu.unpack_subelements %parallel_loop3A_643, 1 {pack_format = #tpu.pack_format<interleaved>} : vector<32xbf16> -> vector<16xf32>
          %parallel_loop3A_646 = arith.mulf %parallel_loop3A_254, %parallel_loop3A_644 : vector<16xf32>
          %parallel_loop3A_647 = arith.mulf %parallel_loop3A_260, %parallel_loop3A_645 : vector<16xf32>
          %parallel_loop3A_648 = arith.constant 32 : i32
          %parallel_loop3A_649 = tpu.memref_slice %arg10[%parallel_loop3A_648] : memref<16400xf32, #tpu.memory_space<vmem>> -> memref<16344xf32, #tpu.memory_space<vmem>>
          %parallel_loop3A_650 = tpu.vector_load_idx %parallel_loop3A_649[%parallel_loop3A_304] : memref<16344xf32, #tpu.memory_space<vmem>>[vector<16xi32>], vector<16xf32>,
          %parallel_loop3A_651 = vector.bitcast %parallel_loop3A_650 : vector<16xf32> to vector<32xbf16>
          %parallel_loop3A_652 = tpu.unpack_subelements %parallel_loop3A_651, 0 {pack_format = #tpu.pack_format<interleaved>} : vector<32xbf16> -> vector<16xf32>
          %parallel_loop3A_653 = tpu.unpack_subelements %parallel_loop3A_651, 1 {pack_format = #tpu.pack_format<interleaved>} : vector<32xbf16> -> vector<16xf32>
          %parallel_loop3A_654 = arith.mulf %parallel_loop3A_266, %parallel_loop3A_652 : vector<16xf32>
          %parallel_loop3A_655 = arith.mulf %parallel_loop3A_272, %parallel_loop3A_653 : vector<16xf32>
          %parallel_loop3A_656 = arith.constant 32 : i32
          %parallel_loop3A_657 = tpu.memref_slice %arg10[%parallel_loop3A_656] : memref<16400xf32, #tpu.memory_space<vmem>> -> memref<16344xf32, #tpu.memory_space<vmem>>
          %parallel_loop3A_658 = tpu.vector_load_idx %parallel_loop3A_657[%parallel_loop3A_307] : memref<16344xf32, #tpu.memory_space<vmem>>[vector<16xi32>], vector<16xf32>,
          %parallel_loop3A_659 = vector.bitcast %parallel_loop3A_658 : vector<16xf32> to vector<32xbf16>
          %parallel_loop3A_660 = tpu.unpack_subelements %parallel_loop3A_659, 0 {pack_format = #tpu.pack_format<interleaved>} : vector<32xbf16> -> vector<16xf32>
          %parallel_loop3A_661 = tpu.unpack_subelements %parallel_loop3A_659, 1 {pack_format = #tpu.pack_format<interleaved>} : vector<32xbf16> -> vector<16xf32>
          %parallel_loop3A_662 = arith.mulf %parallel_loop3A_278, %parallel_loop3A_660 : vector<16xf32>
          %parallel_loop3A_663 = arith.mulf %parallel_loop3A_284, %parallel_loop3A_661 : vector<16xf32>
          %parallel_loop3A_664 = arith.addf %parallel_loop3A_638, %parallel_loop3A_639 : vector<16xf32>
          %parallel_loop3A_665 = arith.addf %parallel_loop3A_646, %parallel_loop3A_647 : vector<16xf32>
          %parallel_loop3A_666 = arith.addf %parallel_loop3A_654, %parallel_loop3A_655 : vector<16xf32>
          %parallel_loop3A_667 = arith.addf %parallel_loop3A_662, %parallel_loop3A_663 : vector<16xf32>
          %parallel_loop3A_668 = arith.addf %parallel_loop3A_664, %parallel_loop3A_665 : vector<16xf32>
          %parallel_loop3A_669 = arith.addf %parallel_loop3A_666, %parallel_loop3A_667 : vector<16xf32>
          %parallel_loop3A_670 = arith.addf %parallel_loop3A_668, %parallel_loop3A_669 : vector<16xf32>
          %parallel_loop3A_671 = arith.constant 32 : i32
          %parallel_loop3A_672 = tpu.memref_slice %arg10[%parallel_loop3A_671] : memref<16400xf32, #tpu.memory_space<vmem>> -> memref<16344xf32, #tpu.memory_space<vmem>>
          %parallel_loop3A_673 = tpu.vector_load_idx %parallel_loop3A_672[%parallel_loop3A_310] : memref<16344xf32, #tpu.memory_space<vmem>>[vector<16xi32>], vector<16xf32>,
          %parallel_loop3A_674 = vector.bitcast %parallel_loop3A_673 : vector<16xf32> to vector<32xbf16>
          %parallel_loop3A_675 = tpu.unpack_subelements %parallel_loop3A_674, 0 {pack_format = #tpu.pack_format<interleaved>} : vector<32xbf16> -> vector<16xf32>
          %parallel_loop3A_676 = tpu.unpack_subelements %parallel_loop3A_674, 1 {pack_format = #tpu.pack_format<interleaved>} : vector<32xbf16> -> vector<16xf32>
          %parallel_loop3A_677 = arith.mulf %parallel_loop3A_225, %parallel_loop3A_675 : vector<16xf32>
          %parallel_loop3A_678 = arith.mulf %parallel_loop3A_246, %parallel_loop3A_676 : vector<16xf32>
          %parallel_loop3A_679 = arith.constant 32 : i32
          %parallel_loop3A_680 = tpu.memref_slice %arg10[%parallel_loop3A_679] : memref<16400xf32, #tpu.memory_space<vmem>> -> memref<16344xf32, #tpu.memory_space<vmem>>
          %parallel_loop3A_681 = tpu.vector_load_idx %parallel_loop3A_680[%parallel_loop3A_313] : memref<16344xf32, #tpu.memory_space<vmem>>[vector<16xi32>], vector<16xf32>,
          %parallel_loop3A_682 = vector.bitcast %parallel_loop3A_681 : vector<16xf32> to vector<32xbf16>
          %parallel_loop3A_683 = tpu.unpack_subelements %parallel_loop3A_682, 0 {pack_format = #tpu.pack_format<interleaved>} : vector<32xbf16> -> vector<16xf32>
          %parallel_loop3A_684 = tpu.unpack_subelements %parallel_loop3A_682, 1 {pack_format = #tpu.pack_format<interleaved>} : vector<32xbf16> -> vector<16xf32>
          %parallel_loop3A_685 = arith.mulf %parallel_loop3A_254, %parallel_loop3A_683 : vector<16xf32>
          %parallel_loop3A_686 = arith.mulf %parallel_loop3A_260, %parallel_loop3A_684 : vector<16xf32>
          %parallel_loop3A_687 = arith.constant 32 : i32
          %parallel_loop3A_688 = tpu.memref_slice %arg10[%parallel_loop3A_687] : memref<16400xf32, #tpu.memory_space<vmem>> -> memref<16344xf32, #tpu.memory_space<vmem>>
          %parallel_loop3A_689 = tpu.vector_load_idx %parallel_loop3A_688[%parallel_loop3A_316] : memref<16344xf32, #tpu.memory_space<vmem>>[vector<16xi32>], vector<16xf32>,
          %parallel_loop3A_690 = vector.bitcast %parallel_loop3A_689 : vector<16xf32> to vector<32xbf16>
          %parallel_loop3A_691 = tpu.unpack_subelements %parallel_loop3A_690, 0 {pack_format = #tpu.pack_format<interleaved>} : vector<32xbf16> -> vector<16xf32>
          %parallel_loop3A_692 = tpu.unpack_subelements %parallel_loop3A_690, 1 {pack_format = #tpu.pack_format<interleaved>} : vector<32xbf16> -> vector<16xf32>
          %parallel_loop3A_693 = arith.mulf %parallel_loop3A_266, %parallel_loop3A_691 : vector<16xf32>
          %parallel_loop3A_694 = arith.mulf %parallel_loop3A_272, %parallel_loop3A_692 : vector<16xf32>
          %parallel_loop3A_695 = arith.constant 32 : i32
          %parallel_loop3A_696 = tpu.memref_slice %arg10[%parallel_loop3A_695] : memref<16400xf32, #tpu.memory_space<vmem>> -> memref<16344xf32, #tpu.memory_space<vmem>>
          %parallel_loop3A_697 = tpu.vector_load_idx %parallel_loop3A_696[%parallel_loop3A_319] : memref<16344xf32, #tpu.memory_space<vmem>>[vector<16xi32>], vector<16xf32>,
          %parallel_loop3A_698 = vector.bitcast %parallel_loop3A_697 : vector<16xf32> to vector<32xbf16>
          %parallel_loop3A_699 = tpu.unpack_subelements %parallel_loop3A_698, 0 {pack_format = #tpu.pack_format<interleaved>} : vector<32xbf16> -> vector<16xf32>
          %parallel_loop3A_700 = tpu.unpack_subelements %parallel_loop3A_698, 1 {pack_format = #tpu.pack_format<interleaved>} : vector<32xbf16> -> vector<16xf32>
          %parallel_loop3A_701 = arith.mulf %parallel_loop3A_278, %parallel_loop3A_699 : vector<16xf32>
          %parallel_loop3A_702 = arith.mulf %parallel_loop3A_284, %parallel_loop3A_700 : vector<16xf32>
          %parallel_loop3A_703 = arith.addf %parallel_loop3A_677, %parallel_loop3A_678 : vector<16xf32>
          %parallel_loop3A_704 = arith.addf %parallel_loop3A_685, %parallel_loop3A_686 : vector<16xf32>
          %parallel_loop3A_705 = arith.addf %parallel_loop3A_693, %parallel_loop3A_694 : vector<16xf32>
          %parallel_loop3A_706 = arith.addf %parallel_loop3A_701, %parallel_loop3A_702 : vector<16xf32>
          %parallel_loop3A_707 = arith.addf %parallel_loop3A_703, %parallel_loop3A_704 : vector<16xf32>
          %parallel_loop3A_708 = arith.addf %parallel_loop3A_705, %parallel_loop3A_706 : vector<16xf32>
          %parallel_loop3A_709 = arith.addf %parallel_loop3A_707, %parallel_loop3A_708 : vector<16xf32>
          %parallel_loop3A_710 = arith.constant 40 : i32
          %parallel_loop3A_711 = tpu.memref_slice %arg10[%parallel_loop3A_710] : memref<16400xf32, #tpu.memory_space<vmem>> -> memref<16344xf32, #tpu.memory_space<vmem>>
          %parallel_loop3A_712 = tpu.vector_load_idx %parallel_loop3A_711[%parallel_loop3A_298] : memref<16344xf32, #tpu.memory_space<vmem>>[vector<16xi32>], vector<16xf32>,
          %parallel_loop3A_713 = vector.bitcast %parallel_loop3A_712 : vector<16xf32> to vector<32xbf16>
          %parallel_loop3A_714 = tpu.unpack_subelements %parallel_loop3A_713, 0 {pack_format = #tpu.pack_format<interleaved>} : vector<32xbf16> -> vector<16xf32>
          %parallel_loop3A_715 = tpu.unpack_subelements %parallel_loop3A_713, 1 {pack_format = #tpu.pack_format<interleaved>} : vector<32xbf16> -> vector<16xf32>
          %parallel_loop3A_716 = arith.mulf %parallel_loop3A_225, %parallel_loop3A_714 : vector<16xf32>
          %parallel_loop3A_717 = arith.mulf %parallel_loop3A_246, %parallel_loop3A_715 : vector<16xf32>
          %parallel_loop3A_718 = arith.constant 40 : i32
          %parallel_loop3A_719 = tpu.memref_slice %arg10[%parallel_loop3A_718] : memref<16400xf32, #tpu.memory_space<vmem>> -> memref<16344xf32, #tpu.memory_space<vmem>>
          %parallel_loop3A_720 = tpu.vector_load_idx %parallel_loop3A_719[%parallel_loop3A_301] : memref<16344xf32, #tpu.memory_space<vmem>>[vector<16xi32>], vector<16xf32>,
          %parallel_loop3A_721 = vector.bitcast %parallel_loop3A_720 : vector<16xf32> to vector<32xbf16>
          %parallel_loop3A_722 = tpu.unpack_subelements %parallel_loop3A_721, 0 {pack_format = #tpu.pack_format<interleaved>} : vector<32xbf16> -> vector<16xf32>
          %parallel_loop3A_723 = tpu.unpack_subelements %parallel_loop3A_721, 1 {pack_format = #tpu.pack_format<interleaved>} : vector<32xbf16> -> vector<16xf32>
          %parallel_loop3A_724 = arith.mulf %parallel_loop3A_254, %parallel_loop3A_722 : vector<16xf32>
          %parallel_loop3A_725 = arith.mulf %parallel_loop3A_260, %parallel_loop3A_723 : vector<16xf32>
          %parallel_loop3A_726 = arith.constant 40 : i32
          %parallel_loop3A_727 = tpu.memref_slice %arg10[%parallel_loop3A_726] : memref<16400xf32, #tpu.memory_space<vmem>> -> memref<16344xf32, #tpu.memory_space<vmem>>
          %parallel_loop3A_728 = tpu.vector_load_idx %parallel_loop3A_727[%parallel_loop3A_304] : memref<16344xf32, #tpu.memory_space<vmem>>[vector<16xi32>], vector<16xf32>,
          %parallel_loop3A_729 = vector.bitcast %parallel_loop3A_728 : vector<16xf32> to vector<32xbf16>
          %parallel_loop3A_730 = tpu.unpack_subelements %parallel_loop3A_729, 0 {pack_format = #tpu.pack_format<interleaved>} : vector<32xbf16> -> vector<16xf32>
          %parallel_loop3A_731 = tpu.unpack_subelements %parallel_loop3A_729, 1 {pack_format = #tpu.pack_format<interleaved>} : vector<32xbf16> -> vector<16xf32>
          %parallel_loop3A_732 = arith.mulf %parallel_loop3A_266, %parallel_loop3A_730 : vector<16xf32>
          %parallel_loop3A_733 = arith.mulf %parallel_loop3A_272, %parallel_loop3A_731 : vector<16xf32>
          %parallel_loop3A_734 = arith.constant 40 : i32
          %parallel_loop3A_735 = tpu.memref_slice %arg10[%parallel_loop3A_734] : memref<16400xf32, #tpu.memory_space<vmem>> -> memref<16344xf32, #tpu.memory_space<vmem>>
          %parallel_loop3A_736 = tpu.vector_load_idx %parallel_loop3A_735[%parallel_loop3A_307] : memref<16344xf32, #tpu.memory_space<vmem>>[vector<16xi32>], vector<16xf32>,
          %parallel_loop3A_737 = vector.bitcast %parallel_loop3A_736 : vector<16xf32> to vector<32xbf16>
          %parallel_loop3A_738 = tpu.unpack_subelements %parallel_loop3A_737, 0 {pack_format = #tpu.pack_format<interleaved>} : vector<32xbf16> -> vector<16xf32>
          %parallel_loop3A_739 = tpu.unpack_subelements %parallel_loop3A_737, 1 {pack_format = #tpu.pack_format<interleaved>} : vector<32xbf16> -> vector<16xf32>
          %parallel_loop3A_740 = arith.mulf %parallel_loop3A_278, %parallel_loop3A_738 : vector<16xf32>
          %parallel_loop3A_741 = arith.mulf %parallel_loop3A_284, %parallel_loop3A_739 : vector<16xf32>
          %parallel_loop3A_742 = arith.addf %parallel_loop3A_716, %parallel_loop3A_717 : vector<16xf32>
          %parallel_loop3A_743 = arith.addf %parallel_loop3A_724, %parallel_loop3A_725 : vector<16xf32>
          %parallel_loop3A_744 = arith.addf %parallel_loop3A_732, %parallel_loop3A_733 : vector<16xf32>
          %parallel_loop3A_745 = arith.addf %parallel_loop3A_740, %parallel_loop3A_741 : vector<16xf32>
          %parallel_loop3A_746 = arith.addf %parallel_loop3A_742, %parallel_loop3A_743 : vector<16xf32>
          %parallel_loop3A_747 = arith.addf %parallel_loop3A_744, %parallel_loop3A_745 : vector<16xf32>
          %parallel_loop3A_748 = arith.addf %parallel_loop3A_746, %parallel_loop3A_747 : vector<16xf32>
          %parallel_loop3A_749 = arith.constant 40 : i32
          %parallel_loop3A_750 = tpu.memref_slice %arg10[%parallel_loop3A_749] : memref<16400xf32, #tpu.memory_space<vmem>> -> memref<16344xf32, #tpu.memory_space<vmem>>
          %parallel_loop3A_751 = tpu.vector_load_idx %parallel_loop3A_750[%parallel_loop3A_310] : memref<16344xf32, #tpu.memory_space<vmem>>[vector<16xi32>], vector<16xf32>,
          %parallel_loop3A_752 = vector.bitcast %parallel_loop3A_751 : vector<16xf32> to vector<32xbf16>
          %parallel_loop3A_753 = tpu.unpack_subelements %parallel_loop3A_752, 0 {pack_format = #tpu.pack_format<interleaved>} : vector<32xbf16> -> vector<16xf32>
          %parallel_loop3A_754 = tpu.unpack_subelements %parallel_loop3A_752, 1 {pack_format = #tpu.pack_format<interleaved>} : vector<32xbf16> -> vector<16xf32>
          %parallel_loop3A_755 = arith.mulf %parallel_loop3A_225, %parallel_loop3A_753 : vector<16xf32>
          %parallel_loop3A_756 = arith.mulf %parallel_loop3A_246, %parallel_loop3A_754 : vector<16xf32>
          %parallel_loop3A_757 = arith.constant 40 : i32
          %parallel_loop3A_758 = tpu.memref_slice %arg10[%parallel_loop3A_757] : memref<16400xf32, #tpu.memory_space<vmem>> -> memref<16344xf32, #tpu.memory_space<vmem>>
          %parallel_loop3A_759 = tpu.vector_load_idx %parallel_loop3A_758[%parallel_loop3A_313] : memref<16344xf32, #tpu.memory_space<vmem>>[vector<16xi32>], vector<16xf32>,
          %parallel_loop3A_760 = vector.bitcast %parallel_loop3A_759 : vector<16xf32> to vector<32xbf16>
          %parallel_loop3A_761 = tpu.unpack_subelements %parallel_loop3A_760, 0 {pack_format = #tpu.pack_format<interleaved>} : vector<32xbf16> -> vector<16xf32>
          %parallel_loop3A_762 = tpu.unpack_subelements %parallel_loop3A_760, 1 {pack_format = #tpu.pack_format<interleaved>} : vector<32xbf16> -> vector<16xf32>
          %parallel_loop3A_763 = arith.mulf %parallel_loop3A_254, %parallel_loop3A_761 : vector<16xf32>
          %parallel_loop3A_764 = arith.mulf %parallel_loop3A_260, %parallel_loop3A_762 : vector<16xf32>
          %parallel_loop3A_765 = arith.constant 40 : i32
          %parallel_loop3A_766 = tpu.memref_slice %arg10[%parallel_loop3A_765] : memref<16400xf32, #tpu.memory_space<vmem>> -> memref<16344xf32, #tpu.memory_space<vmem>>
          %parallel_loop3A_767 = tpu.vector_load_idx %parallel_loop3A_766[%parallel_loop3A_316] : memref<16344xf32, #tpu.memory_space<vmem>>[vector<16xi32>], vector<16xf32>,
          %parallel_loop3A_768 = vector.bitcast %parallel_loop3A_767 : vector<16xf32> to vector<32xbf16>
          %parallel_loop3A_769 = tpu.unpack_subelements %parallel_loop3A_768, 0 {pack_format = #tpu.pack_format<interleaved>} : vector<32xbf16> -> vector<16xf32>
          %parallel_loop3A_770 = tpu.unpack_subelements %parallel_loop3A_768, 1 {pack_format = #tpu.pack_format<interleaved>} : vector<32xbf16> -> vector<16xf32>
          %parallel_loop3A_771 = arith.mulf %parallel_loop3A_266, %parallel_loop3A_769 : vector<16xf32>
          %parallel_loop3A_772 = arith.mulf %parallel_loop3A_272, %parallel_loop3A_770 : vector<16xf32>
          %parallel_loop3A_773 = arith.constant 40 : i32
          %parallel_loop3A_774 = tpu.memref_slice %arg10[%parallel_loop3A_773] : memref<16400xf32, #tpu.memory_space<vmem>> -> memref<16344xf32, #tpu.memory_space<vmem>>
          %parallel_loop3A_775 = tpu.vector_load_idx %parallel_loop3A_774[%parallel_loop3A_319] : memref<16344xf32, #tpu.memory_space<vmem>>[vector<16xi32>], vector<16xf32>,
          %parallel_loop3A_776 = vector.bitcast %parallel_loop3A_775 : vector<16xf32> to vector<32xbf16>
          %parallel_loop3A_777 = tpu.unpack_subelements %parallel_loop3A_776, 0 {pack_format = #tpu.pack_format<interleaved>} : vector<32xbf16> -> vector<16xf32>
          %parallel_loop3A_778 = tpu.unpack_subelements %parallel_loop3A_776, 1 {pack_format = #tpu.pack_format<interleaved>} : vector<32xbf16> -> vector<16xf32>
          %parallel_loop3A_779 = arith.mulf %parallel_loop3A_278, %parallel_loop3A_777 : vector<16xf32>
          %parallel_loop3A_780 = arith.mulf %parallel_loop3A_284, %parallel_loop3A_778 : vector<16xf32>
          %parallel_loop3A_781 = arith.addf %parallel_loop3A_755, %parallel_loop3A_756 : vector<16xf32>
          %parallel_loop3A_782 = arith.addf %parallel_loop3A_763, %parallel_loop3A_764 : vector<16xf32>
          %parallel_loop3A_783 = arith.addf %parallel_loop3A_771, %parallel_loop3A_772 : vector<16xf32>
          %parallel_loop3A_784 = arith.addf %parallel_loop3A_779, %parallel_loop3A_780 : vector<16xf32>
          %parallel_loop3A_785 = arith.addf %parallel_loop3A_781, %parallel_loop3A_782 : vector<16xf32>
          %parallel_loop3A_786 = arith.addf %parallel_loop3A_783, %parallel_loop3A_784 : vector<16xf32>
          %parallel_loop3A_787 = arith.addf %parallel_loop3A_785, %parallel_loop3A_786 : vector<16xf32>
          %parallel_loop3A_788 = arith.constant 48 : i32
          %parallel_loop3A_789 = tpu.memref_slice %arg10[%parallel_loop3A_788] : memref<16400xf32, #tpu.memory_space<vmem>> -> memref<16344xf32, #tpu.memory_space<vmem>>
          %parallel_loop3A_790 = tpu.vector_load_idx %parallel_loop3A_789[%parallel_loop3A_298] : memref<16344xf32, #tpu.memory_space<vmem>>[vector<16xi32>], vector<16xf32>,
          %parallel_loop3A_791 = vector.bitcast %parallel_loop3A_790 : vector<16xf32> to vector<32xbf16>
          %parallel_loop3A_792 = tpu.unpack_subelements %parallel_loop3A_791, 0 {pack_format = #tpu.pack_format<interleaved>} : vector<32xbf16> -> vector<16xf32>
          %parallel_loop3A_793 = tpu.unpack_subelements %parallel_loop3A_791, 1 {pack_format = #tpu.pack_format<interleaved>} : vector<32xbf16> -> vector<16xf32>
          %parallel_loop3A_794 = arith.mulf %parallel_loop3A_225, %parallel_loop3A_792 : vector<16xf32>
          %parallel_loop3A_795 = arith.mulf %parallel_loop3A_246, %parallel_loop3A_793 : vector<16xf32>
          %parallel_loop3A_796 = arith.constant 48 : i32
          %parallel_loop3A_797 = tpu.memref_slice %arg10[%parallel_loop3A_796] : memref<16400xf32, #tpu.memory_space<vmem>> -> memref<16344xf32, #tpu.memory_space<vmem>>
          %parallel_loop3A_798 = tpu.vector_load_idx %parallel_loop3A_797[%parallel_loop3A_301] : memref<16344xf32, #tpu.memory_space<vmem>>[vector<16xi32>], vector<16xf32>,
          %parallel_loop3A_799 = vector.bitcast %parallel_loop3A_798 : vector<16xf32> to vector<32xbf16>
          %parallel_loop3A_800 = tpu.unpack_subelements %parallel_loop3A_799, 0 {pack_format = #tpu.pack_format<interleaved>} : vector<32xbf16> -> vector<16xf32>
          %parallel_loop3A_801 = tpu.unpack_subelements %parallel_loop3A_799, 1 {pack_format = #tpu.pack_format<interleaved>} : vector<32xbf16> -> vector<16xf32>
          %parallel_loop3A_802 = arith.mulf %parallel_loop3A_254, %parallel_loop3A_800 : vector<16xf32>
          %parallel_loop3A_803 = arith.mulf %parallel_loop3A_260, %parallel_loop3A_801 : vector<16xf32>
          %parallel_loop3A_804 = arith.constant 48 : i32
          %parallel_loop3A_805 = tpu.memref_slice %arg10[%parallel_loop3A_804] : memref<16400xf32, #tpu.memory_space<vmem>> -> memref<16344xf32, #tpu.memory_space<vmem>>
          %parallel_loop3A_806 = tpu.vector_load_idx %parallel_loop3A_805[%parallel_loop3A_304] : memref<16344xf32, #tpu.memory_space<vmem>>[vector<16xi32>], vector<16xf32>,
          %parallel_loop3A_807 = vector.bitcast %parallel_loop3A_806 : vector<16xf32> to vector<32xbf16>
          %parallel_loop3A_808 = tpu.unpack_subelements %parallel_loop3A_807, 0 {pack_format = #tpu.pack_format<interleaved>} : vector<32xbf16> -> vector<16xf32>
          %parallel_loop3A_809 = tpu.unpack_subelements %parallel_loop3A_807, 1 {pack_format = #tpu.pack_format<interleaved>} : vector<32xbf16> -> vector<16xf32>
          %parallel_loop3A_810 = arith.mulf %parallel_loop3A_266, %parallel_loop3A_808 : vector<16xf32>
          %parallel_loop3A_811 = arith.mulf %parallel_loop3A_272, %parallel_loop3A_809 : vector<16xf32>
          %parallel_loop3A_812 = arith.constant 48 : i32
          %parallel_loop3A_813 = tpu.memref_slice %arg10[%parallel_loop3A_812] : memref<16400xf32, #tpu.memory_space<vmem>> -> memref<16344xf32, #tpu.memory_space<vmem>>
          %parallel_loop3A_814 = tpu.vector_load_idx %parallel_loop3A_813[%parallel_loop3A_307] : memref<16344xf32, #tpu.memory_space<vmem>>[vector<16xi32>], vector<16xf32>,
          %parallel_loop3A_815 = vector.bitcast %parallel_loop3A_814 : vector<16xf32> to vector<32xbf16>
          %parallel_loop3A_816 = tpu.unpack_subelements %parallel_loop3A_815, 0 {pack_format = #tpu.pack_format<interleaved>} : vector<32xbf16> -> vector<16xf32>
          %parallel_loop3A_817 = tpu.unpack_subelements %parallel_loop3A_815, 1 {pack_format = #tpu.pack_format<interleaved>} : vector<32xbf16> -> vector<16xf32>
          %parallel_loop3A_818 = arith.mulf %parallel_loop3A_278, %parallel_loop3A_816 : vector<16xf32>
          %parallel_loop3A_819 = arith.mulf %parallel_loop3A_284, %parallel_loop3A_817 : vector<16xf32>
          %parallel_loop3A_820 = arith.addf %parallel_loop3A_794, %parallel_loop3A_795 : vector<16xf32>
          %parallel_loop3A_821 = arith.addf %parallel_loop3A_802, %parallel_loop3A_803 : vector<16xf32>
          %parallel_loop3A_822 = arith.addf %parallel_loop3A_810, %parallel_loop3A_811 : vector<16xf32>
          %parallel_loop3A_823 = arith.addf %parallel_loop3A_818, %parallel_loop3A_819 : vector<16xf32>
          %parallel_loop3A_824 = arith.addf %parallel_loop3A_820, %parallel_loop3A_821 : vector<16xf32>
          %parallel_loop3A_825 = arith.addf %parallel_loop3A_822, %parallel_loop3A_823 : vector<16xf32>
          %parallel_loop3A_826 = arith.addf %parallel_loop3A_824, %parallel_loop3A_825 : vector<16xf32>
          %parallel_loop3A_827 = arith.constant 48 : i32
          %parallel_loop3A_828 = tpu.memref_slice %arg10[%parallel_loop3A_827] : memref<16400xf32, #tpu.memory_space<vmem>> -> memref<16344xf32, #tpu.memory_space<vmem>>
          %parallel_loop3A_829 = tpu.vector_load_idx %parallel_loop3A_828[%parallel_loop3A_310] : memref<16344xf32, #tpu.memory_space<vmem>>[vector<16xi32>], vector<16xf32>,
          %parallel_loop3A_830 = vector.bitcast %parallel_loop3A_829 : vector<16xf32> to vector<32xbf16>
          %parallel_loop3A_831 = tpu.unpack_subelements %parallel_loop3A_830, 0 {pack_format = #tpu.pack_format<interleaved>} : vector<32xbf16> -> vector<16xf32>
          %parallel_loop3A_832 = tpu.unpack_subelements %parallel_loop3A_830, 1 {pack_format = #tpu.pack_format<interleaved>} : vector<32xbf16> -> vector<16xf32>
          %parallel_loop3A_833 = arith.mulf %parallel_loop3A_225, %parallel_loop3A_831 : vector<16xf32>
          %parallel_loop3A_834 = arith.mulf %parallel_loop3A_246, %parallel_loop3A_832 : vector<16xf32>
          %parallel_loop3A_835 = arith.constant 48 : i32
          %parallel_loop3A_836 = tpu.memref_slice %arg10[%parallel_loop3A_835] : memref<16400xf32, #tpu.memory_space<vmem>> -> memref<16344xf32, #tpu.memory_space<vmem>>
          %parallel_loop3A_837 = tpu.vector_load_idx %parallel_loop3A_836[%parallel_loop3A_313] : memref<16344xf32, #tpu.memory_space<vmem>>[vector<16xi32>], vector<16xf32>,
          %parallel_loop3A_838 = vector.bitcast %parallel_loop3A_837 : vector<16xf32> to vector<32xbf16>
          %parallel_loop3A_839 = tpu.unpack_subelements %parallel_loop3A_838, 0 {pack_format = #tpu.pack_format<interleaved>} : vector<32xbf16> -> vector<16xf32>
          %parallel_loop3A_840 = tpu.unpack_subelements %parallel_loop3A_838, 1 {pack_format = #tpu.pack_format<interleaved>} : vector<32xbf16> -> vector<16xf32>
          %parallel_loop3A_841 = arith.mulf %parallel_loop3A_254, %parallel_loop3A_839 : vector<16xf32>
          %parallel_loop3A_842 = arith.mulf %parallel_loop3A_260, %parallel_loop3A_840 : vector<16xf32>
          %parallel_loop3A_843 = arith.constant 48 : i32
          %parallel_loop3A_844 = tpu.memref_slice %arg10[%parallel_loop3A_843] : memref<16400xf32, #tpu.memory_space<vmem>> -> memref<16344xf32, #tpu.memory_space<vmem>>
          %parallel_loop3A_845 = tpu.vector_load_idx %parallel_loop3A_844[%parallel_loop3A_316] : memref<16344xf32, #tpu.memory_space<vmem>>[vector<16xi32>], vector<16xf32>,
          %parallel_loop3A_846 = vector.bitcast %parallel_loop3A_845 : vector<16xf32> to vector<32xbf16>
          %parallel_loop3A_847 = tpu.unpack_subelements %parallel_loop3A_846, 0 {pack_format = #tpu.pack_format<interleaved>} : vector<32xbf16> -> vector<16xf32>
          %parallel_loop3A_848 = tpu.unpack_subelements %parallel_loop3A_846, 1 {pack_format = #tpu.pack_format<interleaved>} : vector<32xbf16> -> vector<16xf32>
          %parallel_loop3A_849 = arith.mulf %parallel_loop3A_266, %parallel_loop3A_847 : vector<16xf32>
          %parallel_loop3A_850 = arith.mulf %parallel_loop3A_272, %parallel_loop3A_848 : vector<16xf32>
          %parallel_loop3A_851 = arith.constant 48 : i32
          %parallel_loop3A_852 = tpu.memref_slice %arg10[%parallel_loop3A_851] : memref<16400xf32, #tpu.memory_space<vmem>> -> memref<16344xf32, #tpu.memory_space<vmem>>
          %parallel_loop3A_853 = tpu.vector_load_idx %parallel_loop3A_852[%parallel_loop3A_319] : memref<16344xf32, #tpu.memory_space<vmem>>[vector<16xi32>], vector<16xf32>,
          %parallel_loop3A_854 = vector.bitcast %parallel_loop3A_853 : vector<16xf32> to vector<32xbf16>
          %parallel_loop3A_855 = tpu.unpack_subelements %parallel_loop3A_854, 0 {pack_format = #tpu.pack_format<interleaved>} : vector<32xbf16> -> vector<16xf32>
          %parallel_loop3A_856 = tpu.unpack_subelements %parallel_loop3A_854, 1 {pack_format = #tpu.pack_format<interleaved>} : vector<32xbf16> -> vector<16xf32>
          %parallel_loop3A_857 = arith.mulf %parallel_loop3A_278, %parallel_loop3A_855 : vector<16xf32>
          %parallel_loop3A_858 = arith.mulf %parallel_loop3A_284, %parallel_loop3A_856 : vector<16xf32>
          %parallel_loop3A_859 = arith.addf %parallel_loop3A_833, %parallel_loop3A_834 : vector<16xf32>
          %parallel_loop3A_860 = arith.addf %parallel_loop3A_841, %parallel_loop3A_842 : vector<16xf32>
          %parallel_loop3A_861 = arith.addf %parallel_loop3A_849, %parallel_loop3A_850 : vector<16xf32>
          %parallel_loop3A_862 = arith.addf %parallel_loop3A_857, %parallel_loop3A_858 : vector<16xf32>
          %parallel_loop3A_863 = arith.addf %parallel_loop3A_859, %parallel_loop3A_860 : vector<16xf32>
          %parallel_loop3A_864 = arith.addf %parallel_loop3A_861, %parallel_loop3A_862 : vector<16xf32>
          %parallel_loop3A_865 = arith.addf %parallel_loop3A_863, %parallel_loop3A_864 : vector<16xf32>
          %parallel_loop3A_866 = arith.constant 56 : i32
          %parallel_loop3A_867 = tpu.memref_slice %arg10[%parallel_loop3A_866] : memref<16400xf32, #tpu.memory_space<vmem>> -> memref<16344xf32, #tpu.memory_space<vmem>>
          %parallel_loop3A_868 = tpu.vector_load_idx %parallel_loop3A_867[%parallel_loop3A_298] : memref<16344xf32, #tpu.memory_space<vmem>>[vector<16xi32>], vector<16xf32>,
          %parallel_loop3A_869 = vector.bitcast %parallel_loop3A_868 : vector<16xf32> to vector<32xbf16>
          %parallel_loop3A_870 = tpu.unpack_subelements %parallel_loop3A_869, 0 {pack_format = #tpu.pack_format<interleaved>} : vector<32xbf16> -> vector<16xf32>
          %parallel_loop3A_871 = tpu.unpack_subelements %parallel_loop3A_869, 1 {pack_format = #tpu.pack_format<interleaved>} : vector<32xbf16> -> vector<16xf32>
          %parallel_loop3A_872 = arith.mulf %parallel_loop3A_225, %parallel_loop3A_870 : vector<16xf32>
          %parallel_loop3A_873 = arith.mulf %parallel_loop3A_246, %parallel_loop3A_871 : vector<16xf32>
          %parallel_loop3A_874 = arith.constant 56 : i32
          %parallel_loop3A_875 = tpu.memref_slice %arg10[%parallel_loop3A_874] : memref<16400xf32, #tpu.memory_space<vmem>> -> memref<16344xf32, #tpu.memory_space<vmem>>
          %parallel_loop3A_876 = tpu.vector_load_idx %parallel_loop3A_875[%parallel_loop3A_301] : memref<16344xf32, #tpu.memory_space<vmem>>[vector<16xi32>], vector<16xf32>,
          %parallel_loop3A_877 = vector.bitcast %parallel_loop3A_876 : vector<16xf32> to vector<32xbf16>
          %parallel_loop3A_878 = tpu.unpack_subelements %parallel_loop3A_877, 0 {pack_format = #tpu.pack_format<interleaved>} : vector<32xbf16> -> vector<16xf32>
          %parallel_loop3A_879 = tpu.unpack_subelements %parallel_loop3A_877, 1 {pack_format = #tpu.pack_format<interleaved>} : vector<32xbf16> -> vector<16xf32>
          %parallel_loop3A_880 = arith.mulf %parallel_loop3A_254, %parallel_loop3A_878 : vector<16xf32>
          %parallel_loop3A_881 = arith.mulf %parallel_loop3A_260, %parallel_loop3A_879 : vector<16xf32>
          %parallel_loop3A_882 = arith.constant 56 : i32
          %parallel_loop3A_883 = tpu.memref_slice %arg10[%parallel_loop3A_882] : memref<16400xf32, #tpu.memory_space<vmem>> -> memref<16344xf32, #tpu.memory_space<vmem>>
          %parallel_loop3A_884 = tpu.vector_load_idx %parallel_loop3A_883[%parallel_loop3A_304] : memref<16344xf32, #tpu.memory_space<vmem>>[vector<16xi32>], vector<16xf32>,
          %parallel_loop3A_885 = vector.bitcast %parallel_loop3A_884 : vector<16xf32> to vector<32xbf16>
          %parallel_loop3A_886 = tpu.unpack_subelements %parallel_loop3A_885, 0 {pack_format = #tpu.pack_format<interleaved>} : vector<32xbf16> -> vector<16xf32>
          %parallel_loop3A_887 = tpu.unpack_subelements %parallel_loop3A_885, 1 {pack_format = #tpu.pack_format<interleaved>} : vector<32xbf16> -> vector<16xf32>
          %parallel_loop3A_888 = arith.mulf %parallel_loop3A_266, %parallel_loop3A_886 : vector<16xf32>
          %parallel_loop3A_889 = arith.mulf %parallel_loop3A_272, %parallel_loop3A_887 : vector<16xf32>
          %parallel_loop3A_890 = arith.constant 56 : i32
          %parallel_loop3A_891 = tpu.memref_slice %arg10[%parallel_loop3A_890] : memref<16400xf32, #tpu.memory_space<vmem>> -> memref<16344xf32, #tpu.memory_space<vmem>>
          %parallel_loop3A_892 = tpu.vector_load_idx %parallel_loop3A_891[%parallel_loop3A_307] : memref<16344xf32, #tpu.memory_space<vmem>>[vector<16xi32>], vector<16xf32>,
          %parallel_loop3A_893 = vector.bitcast %parallel_loop3A_892 : vector<16xf32> to vector<32xbf16>
          %parallel_loop3A_894 = tpu.unpack_subelements %parallel_loop3A_893, 0 {pack_format = #tpu.pack_format<interleaved>} : vector<32xbf16> -> vector<16xf32>
          %parallel_loop3A_895 = tpu.unpack_subelements %parallel_loop3A_893, 1 {pack_format = #tpu.pack_format<interleaved>} : vector<32xbf16> -> vector<16xf32>
          %parallel_loop3A_896 = arith.mulf %parallel_loop3A_278, %parallel_loop3A_894 : vector<16xf32>
          %parallel_loop3A_897 = arith.mulf %parallel_loop3A_284, %parallel_loop3A_895 : vector<16xf32>
          %parallel_loop3A_898 = arith.addf %parallel_loop3A_872, %parallel_loop3A_873 : vector<16xf32>
          %parallel_loop3A_899 = arith.addf %parallel_loop3A_880, %parallel_loop3A_881 : vector<16xf32>
          %parallel_loop3A_900 = arith.addf %parallel_loop3A_888, %parallel_loop3A_889 : vector<16xf32>
          %parallel_loop3A_901 = arith.addf %parallel_loop3A_896, %parallel_loop3A_897 : vector<16xf32>
          %parallel_loop3A_902 = arith.addf %parallel_loop3A_898, %parallel_loop3A_899 : vector<16xf32>
          %parallel_loop3A_903 = arith.addf %parallel_loop3A_900, %parallel_loop3A_901 : vector<16xf32>
          %parallel_loop3A_904 = arith.addf %parallel_loop3A_902, %parallel_loop3A_903 : vector<16xf32>
          %parallel_loop3A_905 = arith.constant 56 : i32
          %parallel_loop3A_906 = tpu.memref_slice %arg10[%parallel_loop3A_905] : memref<16400xf32, #tpu.memory_space<vmem>> -> memref<16344xf32, #tpu.memory_space<vmem>>
          %parallel_loop3A_907 = tpu.vector_load_idx %parallel_loop3A_906[%parallel_loop3A_310] : memref<16344xf32, #tpu.memory_space<vmem>>[vector<16xi32>], vector<16xf32>,
          %parallel_loop3A_908 = vector.bitcast %parallel_loop3A_907 : vector<16xf32> to vector<32xbf16>
          %parallel_loop3A_909 = tpu.unpack_subelements %parallel_loop3A_908, 0 {pack_format = #tpu.pack_format<interleaved>} : vector<32xbf16> -> vector<16xf32>
          %parallel_loop3A_910 = tpu.unpack_subelements %parallel_loop3A_908, 1 {pack_format = #tpu.pack_format<interleaved>} : vector<32xbf16> -> vector<16xf32>
          %parallel_loop3A_911 = arith.mulf %parallel_loop3A_225, %parallel_loop3A_909 : vector<16xf32>
          %parallel_loop3A_912 = arith.mulf %parallel_loop3A_246, %parallel_loop3A_910 : vector<16xf32>
          %parallel_loop3A_913 = arith.constant 56 : i32
          %parallel_loop3A_914 = tpu.memref_slice %arg10[%parallel_loop3A_913] : memref<16400xf32, #tpu.memory_space<vmem>> -> memref<16344xf32, #tpu.memory_space<vmem>>
          %parallel_loop3A_915 = tpu.vector_load_idx %parallel_loop3A_914[%parallel_loop3A_313] : memref<16344xf32, #tpu.memory_space<vmem>>[vector<16xi32>], vector<16xf32>,
          %parallel_loop3A_916 = vector.bitcast %parallel_loop3A_915 : vector<16xf32> to vector<32xbf16>
          %parallel_loop3A_917 = tpu.unpack_subelements %parallel_loop3A_916, 0 {pack_format = #tpu.pack_format<interleaved>} : vector<32xbf16> -> vector<16xf32>
          %parallel_loop3A_918 = tpu.unpack_subelements %parallel_loop3A_916, 1 {pack_format = #tpu.pack_format<interleaved>} : vector<32xbf16> -> vector<16xf32>
          %parallel_loop3A_919 = arith.mulf %parallel_loop3A_254, %parallel_loop3A_917 : vector<16xf32>
          %parallel_loop3A_920 = arith.mulf %parallel_loop3A_260, %parallel_loop3A_918 : vector<16xf32>
          %parallel_loop3A_921 = arith.constant 56 : i32
          %parallel_loop3A_922 = tpu.memref_slice %arg10[%parallel_loop3A_921] : memref<16400xf32, #tpu.memory_space<vmem>> -> memref<16344xf32, #tpu.memory_space<vmem>>
          %parallel_loop3A_923 = tpu.vector_load_idx %parallel_loop3A_922[%parallel_loop3A_316] : memref<16344xf32, #tpu.memory_space<vmem>>[vector<16xi32>], vector<16xf32>,
          %parallel_loop3A_924 = vector.bitcast %parallel_loop3A_923 : vector<16xf32> to vector<32xbf16>
          %parallel_loop3A_925 = tpu.unpack_subelements %parallel_loop3A_924, 0 {pack_format = #tpu.pack_format<interleaved>} : vector<32xbf16> -> vector<16xf32>
          %parallel_loop3A_926 = tpu.unpack_subelements %parallel_loop3A_924, 1 {pack_format = #tpu.pack_format<interleaved>} : vector<32xbf16> -> vector<16xf32>
          %parallel_loop3A_927 = arith.mulf %parallel_loop3A_266, %parallel_loop3A_925 : vector<16xf32>
          %parallel_loop3A_928 = arith.mulf %parallel_loop3A_272, %parallel_loop3A_926 : vector<16xf32>
          %parallel_loop3A_929 = arith.constant 56 : i32
          %parallel_loop3A_930 = tpu.memref_slice %arg10[%parallel_loop3A_929] : memref<16400xf32, #tpu.memory_space<vmem>> -> memref<16344xf32, #tpu.memory_space<vmem>>
          %parallel_loop3A_931 = tpu.vector_load_idx %parallel_loop3A_930[%parallel_loop3A_319] : memref<16344xf32, #tpu.memory_space<vmem>>[vector<16xi32>], vector<16xf32>,
          %parallel_loop3A_932 = vector.bitcast %parallel_loop3A_931 : vector<16xf32> to vector<32xbf16>
          %parallel_loop3A_933 = tpu.unpack_subelements %parallel_loop3A_932, 0 {pack_format = #tpu.pack_format<interleaved>} : vector<32xbf16> -> vector<16xf32>
          %parallel_loop3A_934 = tpu.unpack_subelements %parallel_loop3A_932, 1 {pack_format = #tpu.pack_format<interleaved>} : vector<32xbf16> -> vector<16xf32>
          %parallel_loop3A_935 = arith.mulf %parallel_loop3A_278, %parallel_loop3A_933 : vector<16xf32>
          %parallel_loop3A_936 = arith.mulf %parallel_loop3A_284, %parallel_loop3A_934 : vector<16xf32>
          %parallel_loop3A_937 = arith.addf %parallel_loop3A_911, %parallel_loop3A_912 : vector<16xf32>
          %parallel_loop3A_938 = arith.addf %parallel_loop3A_919, %parallel_loop3A_920 : vector<16xf32>
          %parallel_loop3A_939 = arith.addf %parallel_loop3A_927, %parallel_loop3A_928 : vector<16xf32>
          %parallel_loop3A_940 = arith.addf %parallel_loop3A_935, %parallel_loop3A_936 : vector<16xf32>
          %parallel_loop3A_941 = arith.addf %parallel_loop3A_937, %parallel_loop3A_938 : vector<16xf32>
          %parallel_loop3A_942 = arith.addf %parallel_loop3A_939, %parallel_loop3A_940 : vector<16xf32>
          %parallel_loop3A_943 = arith.addf %parallel_loop3A_941, %parallel_loop3A_942 : vector<16xf32>
          %parallel_loop3A_944 = arith.constant 1 : i32
          %parallel_loop3A_945 = arith.constant 0 : i32
          %parallel_loop3A_946 = arith.constant 0 : i32
          %parallel_loop3A_947 = arith.index_cast %parallel_loop3A_944 : i32 to index
          %parallel_loop3A_948 = arith.index_cast %parallel_loop3A_945 : i32 to index
          %parallel_loop3A_949 = arith.index_cast %parallel_loop3A_160 : i32 to index
          %parallel_loop3A_950 = arith.index_cast %parallel_loop3A_946 : i32 to index
          %parallel_loop3A_951 = arith.index_cast %parallel_loop3A_179 : i32 to index
          %parallel_loop3A_952 = tpu.vector_load %arg11[%parallel_loop3A_947, %parallel_loop3A_948, %parallel_loop3A_949, %parallel_loop3A_950, %parallel_loop3A_951] {strides = array<i32>} : memref<2x2x10x8x128xf32, #tpu.memory_space<vmem>>, vector<16xf32>,
          tpu.vector_store %arg11[%parallel_loop3A_947, %parallel_loop3A_948, %parallel_loop3A_949, %parallel_loop3A_950, %parallel_loop3A_951], %parallel_loop3A_358 {strides = array<i32>} : memref<2x2x10x8x128xf32, #tpu.memory_space<vmem>>, vector<16xf32>,
          %parallel_loop3A_953 = arith.constant 1 : i32
          %parallel_loop3A_954 = arith.constant 0 : i32
          %parallel_loop3A_955 = arith.constant 1 : i32
          %parallel_loop3A_956 = arith.index_cast %parallel_loop3A_953 : i32 to index
          %parallel_loop3A_957 = arith.index_cast %parallel_loop3A_954 : i32 to index
          %parallel_loop3A_958 = arith.index_cast %parallel_loop3A_160 : i32 to index
          %parallel_loop3A_959 = arith.index_cast %parallel_loop3A_955 : i32 to index
          %parallel_loop3A_960 = arith.index_cast %parallel_loop3A_179 : i32 to index
          %parallel_loop3A_961 = tpu.vector_load %arg11[%parallel_loop3A_956, %parallel_loop3A_957, %parallel_loop3A_958, %parallel_loop3A_959, %parallel_loop3A_960] {strides = array<i32>} : memref<2x2x10x8x128xf32, #tpu.memory_space<vmem>>, vector<16xf32>,
          tpu.vector_store %arg11[%parallel_loop3A_956, %parallel_loop3A_957, %parallel_loop3A_958, %parallel_loop3A_959, %parallel_loop3A_960], %parallel_loop3A_397 {strides = array<i32>} : memref<2x2x10x8x128xf32, #tpu.memory_space<vmem>>, vector<16xf32>,
          %parallel_loop3A_962 = arith.constant 1 : i32
          %parallel_loop3A_963 = arith.constant 0 : i32
          %parallel_loop3A_964 = arith.constant 2 : i32
          %parallel_loop3A_965 = arith.index_cast %parallel_loop3A_962 : i32 to index
          %parallel_loop3A_966 = arith.index_cast %parallel_loop3A_963 : i32 to index
          %parallel_loop3A_967 = arith.index_cast %parallel_loop3A_160 : i32 to index
          %parallel_loop3A_968 = arith.index_cast %parallel_loop3A_964 : i32 to index
          %parallel_loop3A_969 = arith.index_cast %parallel_loop3A_179 : i32 to index
          %parallel_loop3A_970 = tpu.vector_load %arg11[%parallel_loop3A_965, %parallel_loop3A_966, %parallel_loop3A_967, %parallel_loop3A_968, %parallel_loop3A_969] {strides = array<i32>} : memref<2x2x10x8x128xf32, #tpu.memory_space<vmem>>, vector<16xf32>,
          tpu.vector_store %arg11[%parallel_loop3A_965, %parallel_loop3A_966, %parallel_loop3A_967, %parallel_loop3A_968, %parallel_loop3A_969], %parallel_loop3A_436 {strides = array<i32>} : memref<2x2x10x8x128xf32, #tpu.memory_space<vmem>>, vector<16xf32>,
          %parallel_loop3A_971 = arith.constant 1 : i32
          %parallel_loop3A_972 = arith.constant 0 : i32
          %parallel_loop3A_973 = arith.constant 3 : i32
          %parallel_loop3A_974 = arith.index_cast %parallel_loop3A_971 : i32 to index
          %parallel_loop3A_975 = arith.index_cast %parallel_loop3A_972 : i32 to index
          %parallel_loop3A_976 = arith.index_cast %parallel_loop3A_160 : i32 to index
          %parallel_loop3A_977 = arith.index_cast %parallel_loop3A_973 : i32 to index
          %parallel_loop3A_978 = arith.index_cast %parallel_loop3A_179 : i32 to index
          %parallel_loop3A_979 = tpu.vector_load %arg11[%parallel_loop3A_974, %parallel_loop3A_975, %parallel_loop3A_976, %parallel_loop3A_977, %parallel_loop3A_978] {strides = array<i32>} : memref<2x2x10x8x128xf32, #tpu.memory_space<vmem>>, vector<16xf32>,
          tpu.vector_store %arg11[%parallel_loop3A_974, %parallel_loop3A_975, %parallel_loop3A_976, %parallel_loop3A_977, %parallel_loop3A_978], %parallel_loop3A_475 {strides = array<i32>} : memref<2x2x10x8x128xf32, #tpu.memory_space<vmem>>, vector<16xf32>,
          %parallel_loop3A_980 = arith.constant 1 : i32
          %parallel_loop3A_981 = arith.constant 0 : i32
          %parallel_loop3A_982 = arith.constant 4 : i32
          %parallel_loop3A_983 = arith.index_cast %parallel_loop3A_980 : i32 to index
          %parallel_loop3A_984 = arith.index_cast %parallel_loop3A_981 : i32 to index
          %parallel_loop3A_985 = arith.index_cast %parallel_loop3A_160 : i32 to index
          %parallel_loop3A_986 = arith.index_cast %parallel_loop3A_982 : i32 to index
          %parallel_loop3A_987 = arith.index_cast %parallel_loop3A_179 : i32 to index
          %parallel_loop3A_988 = tpu.vector_load %arg11[%parallel_loop3A_983, %parallel_loop3A_984, %parallel_loop3A_985, %parallel_loop3A_986, %parallel_loop3A_987] {strides = array<i32>} : memref<2x2x10x8x128xf32, #tpu.memory_space<vmem>>, vector<16xf32>,
          tpu.vector_store %arg11[%parallel_loop3A_983, %parallel_loop3A_984, %parallel_loop3A_985, %parallel_loop3A_986, %parallel_loop3A_987], %parallel_loop3A_514 {strides = array<i32>} : memref<2x2x10x8x128xf32, #tpu.memory_space<vmem>>, vector<16xf32>,
          %parallel_loop3A_989 = arith.constant 1 : i32
          %parallel_loop3A_990 = arith.constant 0 : i32
          %parallel_loop3A_991 = arith.constant 5 : i32
          %parallel_loop3A_992 = arith.index_cast %parallel_loop3A_989 : i32 to index
          %parallel_loop3A_993 = arith.index_cast %parallel_loop3A_990 : i32 to index
          %parallel_loop3A_994 = arith.index_cast %parallel_loop3A_160 : i32 to index
          %parallel_loop3A_995 = arith.index_cast %parallel_loop3A_991 : i32 to index
          %parallel_loop3A_996 = arith.index_cast %parallel_loop3A_179 : i32 to index
          %parallel_loop3A_997 = tpu.vector_load %arg11[%parallel_loop3A_992, %parallel_loop3A_993, %parallel_loop3A_994, %parallel_loop3A_995, %parallel_loop3A_996] {strides = array<i32>} : memref<2x2x10x8x128xf32, #tpu.memory_space<vmem>>, vector<16xf32>,
          tpu.vector_store %arg11[%parallel_loop3A_992, %parallel_loop3A_993, %parallel_loop3A_994, %parallel_loop3A_995, %parallel_loop3A_996], %parallel_loop3A_553 {strides = array<i32>} : memref<2x2x10x8x128xf32, #tpu.memory_space<vmem>>, vector<16xf32>,
          %parallel_loop3A_998 = arith.constant 1 : i32
          %parallel_loop3A_999 = arith.constant 0 : i32
          %parallel_loop3A_1000 = arith.constant 6 : i32
          %parallel_loop3A_1001 = arith.index_cast %parallel_loop3A_998 : i32 to index
          %parallel_loop3A_1002 = arith.index_cast %parallel_loop3A_999 : i32 to index
          %parallel_loop3A_1003 = arith.index_cast %parallel_loop3A_160 : i32 to index
          %parallel_loop3A_1004 = arith.index_cast %parallel_loop3A_1000 : i32 to index
          %parallel_loop3A_1005 = arith.index_cast %parallel_loop3A_179 : i32 to index
          %parallel_loop3A_1006 = tpu.vector_load %arg11[%parallel_loop3A_1001, %parallel_loop3A_1002, %parallel_loop3A_1003, %parallel_loop3A_1004, %parallel_loop3A_1005] {strides = array<i32>} : memref<2x2x10x8x128xf32, #tpu.memory_space<vmem>>, vector<16xf32>,
          tpu.vector_store %arg11[%parallel_loop3A_1001, %parallel_loop3A_1002, %parallel_loop3A_1003, %parallel_loop3A_1004, %parallel_loop3A_1005], %parallel_loop3A_592 {strides = array<i32>} : memref<2x2x10x8x128xf32, #tpu.memory_space<vmem>>, vector<16xf32>,
          %parallel_loop3A_1007 = arith.constant 1 : i32
          %parallel_loop3A_1008 = arith.constant 0 : i32
          %parallel_loop3A_1009 = arith.constant 7 : i32
          %parallel_loop3A_1010 = arith.index_cast %parallel_loop3A_1007 : i32 to index
          %parallel_loop3A_1011 = arith.index_cast %parallel_loop3A_1008 : i32 to index
          %parallel_loop3A_1012 = arith.index_cast %parallel_loop3A_160 : i32 to index
          %parallel_loop3A_1013 = arith.index_cast %parallel_loop3A_1009 : i32 to index
          %parallel_loop3A_1014 = arith.index_cast %parallel_loop3A_179 : i32 to index
          %parallel_loop3A_1015 = tpu.vector_load %arg11[%parallel_loop3A_1010, %parallel_loop3A_1011, %parallel_loop3A_1012, %parallel_loop3A_1013, %parallel_loop3A_1014] {strides = array<i32>} : memref<2x2x10x8x128xf32, #tpu.memory_space<vmem>>, vector<16xf32>,
          tpu.vector_store %arg11[%parallel_loop3A_1010, %parallel_loop3A_1011, %parallel_loop3A_1012, %parallel_loop3A_1013, %parallel_loop3A_1014], %parallel_loop3A_631 {strides = array<i32>} : memref<2x2x10x8x128xf32, #tpu.memory_space<vmem>>, vector<16xf32>,
          %parallel_loop3A_1016 = arith.constant 1 : i32
          %parallel_loop3A_1017 = arith.constant 1 : i32
          %parallel_loop3A_1018 = arith.constant 0 : i32
          %parallel_loop3A_1019 = arith.index_cast %parallel_loop3A_1016 : i32 to index
          %parallel_loop3A_1020 = arith.index_cast %parallel_loop3A_1017 : i32 to index
          %parallel_loop3A_1021 = arith.index_cast %parallel_loop3A_160 : i32 to index
          %parallel_loop3A_1022 = arith.index_cast %parallel_loop3A_1018 : i32 to index
          %parallel_loop3A_1023 = arith.index_cast %parallel_loop3A_179 : i32 to index
          %parallel_loop3A_1024 = tpu.vector_load %arg11[%parallel_loop3A_1019, %parallel_loop3A_1020, %parallel_loop3A_1021, %parallel_loop3A_1022, %parallel_loop3A_1023] {strides = array<i32>} : memref<2x2x10x8x128xf32, #tpu.memory_space<vmem>>, vector<16xf32>,
          tpu.vector_store %arg11[%parallel_loop3A_1019, %parallel_loop3A_1020, %parallel_loop3A_1021, %parallel_loop3A_1022, %parallel_loop3A_1023], %parallel_loop3A_670 {strides = array<i32>} : memref<2x2x10x8x128xf32, #tpu.memory_space<vmem>>, vector<16xf32>,
          %parallel_loop3A_1025 = arith.constant 1 : i32
          %parallel_loop3A_1026 = arith.constant 1 : i32
          %parallel_loop3A_1027 = arith.constant 1 : i32
          %parallel_loop3A_1028 = arith.index_cast %parallel_loop3A_1025 : i32 to index
          %parallel_loop3A_1029 = arith.index_cast %parallel_loop3A_1026 : i32 to index
          %parallel_loop3A_1030 = arith.index_cast %parallel_loop3A_160 : i32 to index
          %parallel_loop3A_1031 = arith.index_cast %parallel_loop3A_1027 : i32 to index
          %parallel_loop3A_1032 = arith.index_cast %parallel_loop3A_179 : i32 to index
          %parallel_loop3A_1033 = tpu.vector_load %arg11[%parallel_loop3A_1028, %parallel_loop3A_1029, %parallel_loop3A_1030, %parallel_loop3A_1031, %parallel_loop3A_1032] {strides = array<i32>} : memref<2x2x10x8x128xf32, #tpu.memory_space<vmem>>, vector<16xf32>,
          tpu.vector_store %arg11[%parallel_loop3A_1028, %parallel_loop3A_1029, %parallel_loop3A_1030, %parallel_loop3A_1031, %parallel_loop3A_1032], %parallel_loop3A_709 {strides = array<i32>} : memref<2x2x10x8x128xf32, #tpu.memory_space<vmem>>, vector<16xf32>,
          %parallel_loop3A_1034 = arith.constant 1 : i32
          %parallel_loop3A_1035 = arith.constant 1 : i32
          %parallel_loop3A_1036 = arith.constant 2 : i32
          %parallel_loop3A_1037 = arith.index_cast %parallel_loop3A_1034 : i32 to index
          %parallel_loop3A_1038 = arith.index_cast %parallel_loop3A_1035 : i32 to index
          %parallel_loop3A_1039 = arith.index_cast %parallel_loop3A_160 : i32 to index
          %parallel_loop3A_1040 = arith.index_cast %parallel_loop3A_1036 : i32 to index
          %parallel_loop3A_1041 = arith.index_cast %parallel_loop3A_179 : i32 to index
          %parallel_loop3A_1042 = tpu.vector_load %arg11[%parallel_loop3A_1037, %parallel_loop3A_1038, %parallel_loop3A_1039, %parallel_loop3A_1040, %parallel_loop3A_1041] {strides = array<i32>} : memref<2x2x10x8x128xf32, #tpu.memory_space<vmem>>, vector<16xf32>,
          tpu.vector_store %arg11[%parallel_loop3A_1037, %parallel_loop3A_1038, %parallel_loop3A_1039, %parallel_loop3A_1040, %parallel_loop3A_1041], %parallel_loop3A_748 {strides = array<i32>} : memref<2x2x10x8x128xf32, #tpu.memory_space<vmem>>, vector<16xf32>,
          %parallel_loop3A_1043 = arith.constant 1 : i32
          %parallel_loop3A_1044 = arith.constant 1 : i32
          %parallel_loop3A_1045 = arith.constant 3 : i32
          %parallel_loop3A_1046 = arith.index_cast %parallel_loop3A_1043 : i32 to index
          %parallel_loop3A_1047 = arith.index_cast %parallel_loop3A_1044 : i32 to index
          %parallel_loop3A_1048 = arith.index_cast %parallel_loop3A_160 : i32 to index
          %parallel_loop3A_1049 = arith.index_cast %parallel_loop3A_1045 : i32 to index
          %parallel_loop3A_1050 = arith.index_cast %parallel_loop3A_179 : i32 to index
          %parallel_loop3A_1051 = tpu.vector_load %arg11[%parallel_loop3A_1046, %parallel_loop3A_1047, %parallel_loop3A_1048, %parallel_loop3A_1049, %parallel_loop3A_1050] {strides = array<i32>} : memref<2x2x10x8x128xf32, #tpu.memory_space<vmem>>, vector<16xf32>,
          tpu.vector_store %arg11[%parallel_loop3A_1046, %parallel_loop3A_1047, %parallel_loop3A_1048, %parallel_loop3A_1049, %parallel_loop3A_1050], %parallel_loop3A_787 {strides = array<i32>} : memref<2x2x10x8x128xf32, #tpu.memory_space<vmem>>, vector<16xf32>,
          %parallel_loop3A_1052 = arith.constant 1 : i32
          %parallel_loop3A_1053 = arith.constant 1 : i32
          %parallel_loop3A_1054 = arith.constant 4 : i32
          %parallel_loop3A_1055 = arith.index_cast %parallel_loop3A_1052 : i32 to index
          %parallel_loop3A_1056 = arith.index_cast %parallel_loop3A_1053 : i32 to index
          %parallel_loop3A_1057 = arith.index_cast %parallel_loop3A_160 : i32 to index
          %parallel_loop3A_1058 = arith.index_cast %parallel_loop3A_1054 : i32 to index
          %parallel_loop3A_1059 = arith.index_cast %parallel_loop3A_179 : i32 to index
          %parallel_loop3A_1060 = tpu.vector_load %arg11[%parallel_loop3A_1055, %parallel_loop3A_1056, %parallel_loop3A_1057, %parallel_loop3A_1058, %parallel_loop3A_1059] {strides = array<i32>} : memref<2x2x10x8x128xf32, #tpu.memory_space<vmem>>, vector<16xf32>,
          tpu.vector_store %arg11[%parallel_loop3A_1055, %parallel_loop3A_1056, %parallel_loop3A_1057, %parallel_loop3A_1058, %parallel_loop3A_1059], %parallel_loop3A_826 {strides = array<i32>} : memref<2x2x10x8x128xf32, #tpu.memory_space<vmem>>, vector<16xf32>,
          %parallel_loop3A_1061 = arith.constant 1 : i32
          %parallel_loop3A_1062 = arith.constant 1 : i32
          %parallel_loop3A_1063 = arith.constant 5 : i32
          %parallel_loop3A_1064 = arith.index_cast %parallel_loop3A_1061 : i32 to index
          %parallel_loop3A_1065 = arith.index_cast %parallel_loop3A_1062 : i32 to index
          %parallel_loop3A_1066 = arith.index_cast %parallel_loop3A_160 : i32 to index
          %parallel_loop3A_1067 = arith.index_cast %parallel_loop3A_1063 : i32 to index
          %parallel_loop3A_1068 = arith.index_cast %parallel_loop3A_179 : i32 to index
          %parallel_loop3A_1069 = tpu.vector_load %arg11[%parallel_loop3A_1064, %parallel_loop3A_1065, %parallel_loop3A_1066, %parallel_loop3A_1067, %parallel_loop3A_1068] {strides = array<i32>} : memref<2x2x10x8x128xf32, #tpu.memory_space<vmem>>, vector<16xf32>,
          tpu.vector_store %arg11[%parallel_loop3A_1064, %parallel_loop3A_1065, %parallel_loop3A_1066, %parallel_loop3A_1067, %parallel_loop3A_1068], %parallel_loop3A_865 {strides = array<i32>} : memref<2x2x10x8x128xf32, #tpu.memory_space<vmem>>, vector<16xf32>,
          %parallel_loop3A_1070 = arith.constant 1 : i32
          %parallel_loop3A_1071 = arith.constant 1 : i32
          %parallel_loop3A_1072 = arith.constant 6 : i32
          %parallel_loop3A_1073 = arith.index_cast %parallel_loop3A_1070 : i32 to index
          %parallel_loop3A_1074 = arith.index_cast %parallel_loop3A_1071 : i32 to index
          %parallel_loop3A_1075 = arith.index_cast %parallel_loop3A_160 : i32 to index
          %parallel_loop3A_1076 = arith.index_cast %parallel_loop3A_1072 : i32 to index
          %parallel_loop3A_1077 = arith.index_cast %parallel_loop3A_179 : i32 to index
          %parallel_loop3A_1078 = tpu.vector_load %arg11[%parallel_loop3A_1073, %parallel_loop3A_1074, %parallel_loop3A_1075, %parallel_loop3A_1076, %parallel_loop3A_1077] {strides = array<i32>} : memref<2x2x10x8x128xf32, #tpu.memory_space<vmem>>, vector<16xf32>,
          tpu.vector_store %arg11[%parallel_loop3A_1073, %parallel_loop3A_1074, %parallel_loop3A_1075, %parallel_loop3A_1076, %parallel_loop3A_1077], %parallel_loop3A_904 {strides = array<i32>} : memref<2x2x10x8x128xf32, #tpu.memory_space<vmem>>, vector<16xf32>,
          %parallel_loop3A_1079 = arith.constant 1 : i32
          %parallel_loop3A_1080 = arith.constant 1 : i32
          %parallel_loop3A_1081 = arith.constant 7 : i32
          %parallel_loop3A_1082 = arith.index_cast %parallel_loop3A_1079 : i32 to index
          %parallel_loop3A_1083 = arith.index_cast %parallel_loop3A_1080 : i32 to index
          %parallel_loop3A_1084 = arith.index_cast %parallel_loop3A_160 : i32 to index
          %parallel_loop3A_1085 = arith.index_cast %parallel_loop3A_1081 : i32 to index
          %parallel_loop3A_1086 = arith.index_cast %parallel_loop3A_179 : i32 to index
          %parallel_loop3A_1087 = tpu.vector_load %arg11[%parallel_loop3A_1082, %parallel_loop3A_1083, %parallel_loop3A_1084, %parallel_loop3A_1085, %parallel_loop3A_1086] {strides = array<i32>} : memref<2x2x10x8x128xf32, #tpu.memory_space<vmem>>, vector<16xf32>,
          tpu.vector_store %arg11[%parallel_loop3A_1082, %parallel_loop3A_1083, %parallel_loop3A_1084, %parallel_loop3A_1085, %parallel_loop3A_1086], %parallel_loop3A_943 {strides = array<i32>} : memref<2x2x10x8x128xf32, #tpu.memory_space<vmem>>, vector<16xf32>,
        } {sc.loop_unroll_factor = 4 : i64, sc.parallel_access}
        %mul3A_108 = arith.constant 32 : i32
        %mul3A_109 = arith.muli %add3A_60, %mul3A_108 : i32
        %add3A_110 = arith.addi %mul3A_109, %add3A : i32
        %mul3A_111 = arith.constant 10 : i32
        %mul3A_112 = arith.muli %add3A_110, %mul3A_111 : i32
        %dma_start3A = arith.constant 1 : i32
        %dma_start3A_113 = arith.constant 0 : i32
        %dma_start3A_114 = arith.constant 0 : i32
        %dma_start3A_115 = arith.constant 0 : i32
        %dma_start3A_116 = arith.constant 0 : i32
        %dma_start3A_117 = tpu.memref_slice %arg11[%dma_start3A, %dma_start3A_113, %dma_start3A_114, %dma_start3A_115, %dma_start3A_116] : memref<2x2x10x8x128xf32, #tpu.memory_space<vmem>> -> memref<1x2x10x8x128xf32, #tpu.memory_space<vmem>>
        %dma_start3A_118 = tpu.memref_squeeze %dma_start3A_117 : memref<1x2x10x8x128xf32, #tpu.memory_space<vmem>> -> memref<2x10x8x128xf32, #tpu.memory_space<vmem>>
        %dma_start3A_119 = arith.constant 0 : i32
        %dma_start3A_120 = arith.constant 0 : i32
        %dma_start3A_121 = arith.constant 0 : i32
        %dma_start3A_122 = tpu.memref_slice %arg6[%dma_start3A_119, %mul3A_112, %dma_start3A_120, %dma_start3A_121] : memref<2x6250x8x128xf32, #tpu.memory_space<hbm>> -> memref<2x10x8x128xf32, #tpu.memory_space<hbm>>
        %dma_start3A_123 = arith.constant 0 : i32
        %dma_start3A_124 = arith.constant 0 : i32
        %dma_start3A_125 = arith.constant 0 : i32
        %dma_start3A_126 = tpu.memref_slice %arg6[%dma_start3A_123, %mul3A_112, %dma_start3A_124, %dma_start3A_125] : memref<2x6250x8x128xf32, #tpu.memory_space<hbm>> -> memref<2x10x8x128xf32, #tpu.memory_space<hbm>>
        %dma_start3A_127 = arith.constant 0 : i32
        %dma_start3A_128 = arith.constant 0 : i32
        %dma_start3A_129 = arith.constant 0 : i32
        %dma_start3A_130 = arith.constant 0 : i32
        %dma_start3A_131 = tpu.memref_slice %arg11[%dma_start3A, %dma_start3A_127, %dma_start3A_128, %dma_start3A_129, %dma_start3A_130] : memref<2x2x10x8x128xf32, #tpu.memory_space<vmem>> -> memref<1x2x10x8x128xf32, #tpu.memory_space<vmem>>
        %dma_start3A_132 = tpu.memref_squeeze %dma_start3A_131 : memref<1x2x10x8x128xf32, #tpu.memory_space<vmem>> -> memref<2x10x8x128xf32, #tpu.memory_space<vmem>>
        tpu.enqueue_dma source(%dma_start3A_132 : memref<2x10x8x128xf32, #tpu.memory_space<vmem>>) target(%dma_start3A_126 : memref<2x10x8x128xf32, #tpu.memory_space<hbm>>) target_semaphore(%arg15 : memref<!tpu.dma_semaphore, #tpu.memory_space<semaphore_mem>>)
      } else {
      }
    }
    %scan3A_9 = arith.constant 10 : i32
    %jit3A_10 = arith.constant 2 : i32
    %eq3A = arith.constant 0 : i32
    %eq3A_11 = arith.cmpi eq, %jit3A_10, %eq3A : i32
    %jit3A_12 = arith.constant 1 : i32
    %select_n3A_13 = arith.select %eq3A_11, %jit3A_12, %jit3A_10 : i32
    %rem3A = arith.remsi %select_n3A, %select_n3A_13 : i32
    %ne3A = arith.constant 0 : i32
    %ne3A_14 = arith.cmpi ne, %rem3A, %ne3A : i32
    %lt3A_15 = arith.constant 0 : i32
    %lt3A_16 = arith.cmpi slt, %rem3A, %lt3A_15 : i32
    %lt3A_17 = arith.constant 0 : i32
    %lt3A_18 = arith.cmpi slt, %select_n3A_13, %lt3A_17 : i32
    %ne3A_19 = arith.xori %lt3A_16, %lt3A_18 : i1
    %and3A = arith.andi %ne3A_19, %ne3A_14 : i1
    %add3A_20 = arith.addi %rem3A, %select_n3A_13 : i32
    %select_n3A_21 = arith.select %and3A, %add3A_20, %rem3A : i32
    %eq3A_22 = arith.constant 0 : i32
    %eq3A_23 = arith.cmpi eq, %select_n3A_21, %eq3A_22 : i32
    %convert_element_type3A_24 = arith.extui %eq3A_23 : i1 to i32
    %cond3A_25 = arith.constant 0 : i32
    %cond3A_26 = arith.cmpi ne, %convert_element_type3A_24, %cond3A_25 : i32
    scf.if %cond3A_26 {
      %sub3A = arith.constant 2 : i32
      %sub3A_48 = arith.subi %select_n3A, %sub3A : i32
      %mul3A_49 = arith.constant 32 : i32
      %mul3A_50 = arith.muli %sub3A_48, %mul3A_49 : i32
      %add3A_51 = arith.addi %mul3A_50, %add3A : i32
      %mul3A_52 = arith.constant 10 : i32
      %mul3A_53 = arith.muli %add3A_51, %mul3A_52 : i32
      %dma_wait3A = arith.constant 0 : i32
      %dma_wait3A_54 = arith.constant 0 : i32
      %dma_wait3A_55 = arith.constant 0 : i32
      %dma_wait3A_56 = arith.constant 0 : i32
      %dma_wait3A_57 = arith.constant 0 : i32
      %dma_wait3A_58 = tpu.memref_slice %arg11[%dma_wait3A, %dma_wait3A_54, %dma_wait3A_55, %dma_wait3A_56, %dma_wait3A_57] : memref<2x2x10x8x128xf32, #tpu.memory_space<vmem>> -> memref<1x2x10x8x128xf32, #tpu.memory_space<vmem>>
      %dma_wait3A_59 = tpu.memref_squeeze %dma_wait3A_58 : memref<1x2x10x8x128xf32, #tpu.memory_space<vmem>> -> memref<2x10x8x128xf32, #tpu.memory_space<vmem>>
      %dma_wait3A_60 = arith.constant 0 : i32
      %dma_wait3A_61 = arith.constant 0 : i32
      %dma_wait3A_62 = arith.constant 0 : i32
      %dma_wait3A_63 = tpu.memref_slice %arg6[%dma_wait3A_60, %mul3A_53, %dma_wait3A_61, %dma_wait3A_62] : memref<2x6250x8x128xf32, #tpu.memory_space<hbm>> -> memref<2x10x8x128xf32, #tpu.memory_space<hbm>>
      %dma_wait3A_64 = arith.constant 0 : i32
      %dma_wait3A_65 = arith.constant 0 : i32
      %dma_wait3A_66 = arith.constant 0 : i32
      %dma_wait3A_67 = tpu.memref_slice %arg6[%dma_wait3A_64, %mul3A_53, %dma_wait3A_65, %dma_wait3A_66] : memref<2x6250x8x128xf32, #tpu.memory_space<hbm>> -> memref<2x10x8x128xf32, #tpu.memory_space<hbm>>
      %dma_wait3A_68 = arith.constant 0 : i32
      %dma_wait3A_69 = arith.constant 0 : i32
      %dma_wait3A_70 = arith.constant 0 : i32
      %dma_wait3A_71 = arith.constant 0 : i32
      %dma_wait3A_72 = tpu.memref_slice %arg11[%dma_wait3A, %dma_wait3A_68, %dma_wait3A_69, %dma_wait3A_70, %dma_wait3A_71] : memref<2x2x10x8x128xf32, #tpu.memory_space<vmem>> -> memref<1x2x10x8x128xf32, #tpu.memory_space<vmem>>
      %dma_wait3A_73 = tpu.memref_squeeze %dma_wait3A_72 : memref<1x2x10x8x128xf32, #tpu.memory_space<vmem>> -> memref<2x10x8x128xf32, #tpu.memory_space<vmem>>
      tpu.wait_dma2 semaphore(%arg14 : memref<!tpu.dma_semaphore, #tpu.memory_space<semaphore_mem>>) src(%dma_wait3A_73 : memref<2x10x8x128xf32, #tpu.memory_space<vmem>>) dst(%dma_wait3A_67 : memref<2x10x8x128xf32, #tpu.memory_space<hbm>>)
      %sub3A_74 = arith.constant 1 : i32
      %sub3A_75 = arith.subi %select_n3A, %sub3A_74 : i32
      %mul3A_76 = arith.constant 32 : i32
      %mul3A_77 = arith.muli %sub3A_75, %mul3A_76 : i32
      %add3A_78 = arith.addi %mul3A_77, %add3A : i32
      %mul3A_79 = arith.constant 10 : i32
      %mul3A_80 = arith.muli %add3A_78, %mul3A_79 : i32
      %dma_wait3A_81 = arith.constant 1 : i32
      %dma_wait3A_82 = arith.constant 0 : i32
      %dma_wait3A_83 = arith.constant 0 : i32
      %dma_wait3A_84 = arith.constant 0 : i32
      %dma_wait3A_85 = arith.constant 0 : i32
      %dma_wait3A_86 = tpu.memref_slice %arg11[%dma_wait3A_81, %dma_wait3A_82, %dma_wait3A_83, %dma_wait3A_84, %dma_wait3A_85] : memref<2x2x10x8x128xf32, #tpu.memory_space<vmem>> -> memref<1x2x10x8x128xf32, #tpu.memory_space<vmem>>
      %dma_wait3A_87 = tpu.memref_squeeze %dma_wait3A_86 : memref<1x2x10x8x128xf32, #tpu.memory_space<vmem>> -> memref<2x10x8x128xf32, #tpu.memory_space<vmem>>
      %dma_wait3A_88 = arith.constant 0 : i32
      %dma_wait3A_89 = arith.constant 0 : i32
      %dma_wait3A_90 = arith.constant 0 : i32
      %dma_wait3A_91 = tpu.memref_slice %arg6[%dma_wait3A_88, %mul3A_80, %dma_wait3A_89, %dma_wait3A_90] : memref<2x6250x8x128xf32, #tpu.memory_space<hbm>> -> memref<2x10x8x128xf32, #tpu.memory_space<hbm>>
      %dma_wait3A_92 = arith.constant 0 : i32
      %dma_wait3A_93 = arith.constant 0 : i32
      %dma_wait3A_94 = arith.constant 0 : i32
      %dma_wait3A_95 = tpu.memref_slice %arg6[%dma_wait3A_92, %mul3A_80, %dma_wait3A_93, %dma_wait3A_94] : memref<2x6250x8x128xf32, #tpu.memory_space<hbm>> -> memref<2x10x8x128xf32, #tpu.memory_space<hbm>>
      %dma_wait3A_96 = arith.constant 0 : i32
      %dma_wait3A_97 = arith.constant 0 : i32
      %dma_wait3A_98 = arith.constant 0 : i32
      %dma_wait3A_99 = arith.constant 0 : i32
      %dma_wait3A_100 = tpu.memref_slice %arg11[%dma_wait3A_81, %dma_wait3A_96, %dma_wait3A_97, %dma_wait3A_98, %dma_wait3A_99] : memref<2x2x10x8x128xf32, #tpu.memory_space<vmem>> -> memref<1x2x10x8x128xf32, #tpu.memory_space<vmem>>
      %dma_wait3A_101 = tpu.memref_squeeze %dma_wait3A_100 : memref<1x2x10x8x128xf32, #tpu.memory_space<vmem>> -> memref<2x10x8x128xf32, #tpu.memory_space<vmem>>
      tpu.wait_dma2 semaphore(%arg15 : memref<!tpu.dma_semaphore, #tpu.memory_space<semaphore_mem>>) src(%dma_wait3A_101 : memref<2x10x8x128xf32, #tpu.memory_space<vmem>>) dst(%dma_wait3A_95 : memref<2x10x8x128xf32, #tpu.memory_space<hbm>>)
    } else {
    }
    %jit3A_27 = arith.constant 2 : i32
    %eq3A_28 = arith.constant 0 : i32
    %eq3A_29 = arith.cmpi eq, %jit3A_27, %eq3A_28 : i32
    %jit3A_30 = arith.constant 1 : i32
    %select_n3A_31 = arith.select %eq3A_29, %jit3A_30, %jit3A_27 : i32
    %rem3A_32 = arith.remsi %select_n3A, %select_n3A_31 : i32
    %ne3A_33 = arith.constant 0 : i32
    %ne3A_34 = arith.cmpi ne, %rem3A_32, %ne3A_33 : i32
    %lt3A_35 = arith.constant 0 : i32
    %lt3A_36 = arith.cmpi slt, %rem3A_32, %lt3A_35 : i32
    %lt3A_37 = arith.constant 0 : i32
    %lt3A_38 = arith.cmpi slt, %select_n3A_31, %lt3A_37 : i32
    %ne3A_39 = arith.xori %lt3A_36, %lt3A_38 : i1
    %and3A_40 = arith.andi %ne3A_39, %ne3A_34 : i1
    %add3A_41 = arith.addi %rem3A_32, %select_n3A_31 : i32
    %select_n3A_42 = arith.select %and3A_40, %add3A_41, %rem3A_32 : i32
    %eq3A_43 = arith.constant 1 : i32
    %eq3A_44 = arith.cmpi eq, %select_n3A_42, %eq3A_43 : i32
    %convert_element_type3A_45 = arith.extui %eq3A_44 : i1 to i32
    %cond3A_46 = arith.constant 0 : i32
    %cond3A_47 = arith.cmpi ne, %convert_element_type3A_45, %cond3A_46 : i32
    scf.if %cond3A_47 {
      %sub3A = arith.constant 2 : i32
      %sub3A_48 = arith.subi %select_n3A, %sub3A : i32
      %mul3A_49 = arith.constant 32 : i32
      %mul3A_50 = arith.muli %sub3A_48, %mul3A_49 : i32
      %add3A_51 = arith.addi %mul3A_50, %add3A : i32
      %mul3A_52 = arith.constant 10 : i32
      %mul3A_53 = arith.muli %add3A_51, %mul3A_52 : i32
      %dma_wait3A = arith.constant 1 : i32
      %dma_wait3A_54 = arith.constant 0 : i32
      %dma_wait3A_55 = arith.constant 0 : i32
      %dma_wait3A_56 = arith.constant 0 : i32
      %dma_wait3A_57 = arith.constant 0 : i32
      %dma_wait3A_58 = tpu.memref_slice %arg11[%dma_wait3A, %dma_wait3A_54, %dma_wait3A_55, %dma_wait3A_56, %dma_wait3A_57] : memref<2x2x10x8x128xf32, #tpu.memory_space<vmem>> -> memref<1x2x10x8x128xf32, #tpu.memory_space<vmem>>
      %dma_wait3A_59 = tpu.memref_squeeze %dma_wait3A_58 : memref<1x2x10x8x128xf32, #tpu.memory_space<vmem>> -> memref<2x10x8x128xf32, #tpu.memory_space<vmem>>
      %dma_wait3A_60 = arith.constant 0 : i32
      %dma_wait3A_61 = arith.constant 0 : i32
      %dma_wait3A_62 = arith.constant 0 : i32
      %dma_wait3A_63 = tpu.memref_slice %arg6[%dma_wait3A_60, %mul3A_53, %dma_wait3A_61, %dma_wait3A_62] : memref<2x6250x8x128xf32, #tpu.memory_space<hbm>> -> memref<2x10x8x128xf32, #tpu.memory_space<hbm>>
      %dma_wait3A_64 = arith.constant 0 : i32
      %dma_wait3A_65 = arith.constant 0 : i32
      %dma_wait3A_66 = arith.constant 0 : i32
      %dma_wait3A_67 = tpu.memref_slice %arg6[%dma_wait3A_64, %mul3A_53, %dma_wait3A_65, %dma_wait3A_66] : memref<2x6250x8x128xf32, #tpu.memory_space<hbm>> -> memref<2x10x8x128xf32, #tpu.memory_space<hbm>>
      %dma_wait3A_68 = arith.constant 0 : i32
      %dma_wait3A_69 = arith.constant 0 : i32
      %dma_wait3A_70 = arith.constant 0 : i32
      %dma_wait3A_71 = arith.constant 0 : i32
      %dma_wait3A_72 = tpu.memref_slice %arg11[%dma_wait3A, %dma_wait3A_68, %dma_wait3A_69, %dma_wait3A_70, %dma_wait3A_71] : memref<2x2x10x8x128xf32, #tpu.memory_space<vmem>> -> memref<1x2x10x8x128xf32, #tpu.memory_space<vmem>>
      %dma_wait3A_73 = tpu.memref_squeeze %dma_wait3A_72 : memref<1x2x10x8x128xf32, #tpu.memory_space<vmem>> -> memref<2x10x8x128xf32, #tpu.memory_space<vmem>>
      tpu.wait_dma2 semaphore(%arg15 : memref<!tpu.dma_semaphore, #tpu.memory_space<semaphore_mem>>) src(%dma_wait3A_73 : memref<2x10x8x128xf32, #tpu.memory_space<vmem>>) dst(%dma_wait3A_67 : memref<2x10x8x128xf32, #tpu.memory_space<hbm>>)
      %sub3A_74 = arith.constant 1 : i32
      %sub3A_75 = arith.subi %select_n3A, %sub3A_74 : i32
      %mul3A_76 = arith.constant 32 : i32
      %mul3A_77 = arith.muli %sub3A_75, %mul3A_76 : i32
      %add3A_78 = arith.addi %mul3A_77, %add3A : i32
      %mul3A_79 = arith.constant 10 : i32
      %mul3A_80 = arith.muli %add3A_78, %mul3A_79 : i32
      %dma_wait3A_81 = arith.constant 0 : i32
      %dma_wait3A_82 = arith.constant 0 : i32
      %dma_wait3A_83 = arith.constant 0 : i32
      %dma_wait3A_84 = arith.constant 0 : i32
      %dma_wait3A_85 = arith.constant 0 : i32
      %dma_wait3A_86 = tpu.memref_slice %arg11[%dma_wait3A_81, %dma_wait3A_82, %dma_wait3A_83, %dma_wait3A_84, %dma_wait3A_85] : memref<2x2x10x8x128xf32, #tpu.memory_space<vmem>> -> memref<1x2x10x8x128xf32, #tpu.memory_space<vmem>>
      %dma_wait3A_87 = tpu.memref_squeeze %dma_wait3A_86 : memref<1x2x10x8x128xf32, #tpu.memory_space<vmem>> -> memref<2x10x8x128xf32, #tpu.memory_space<vmem>>
      %dma_wait3A_88 = arith.constant 0 : i32
      %dma_wait3A_89 = arith.constant 0 : i32
      %dma_wait3A_90 = arith.constant 0 : i32
      %dma_wait3A_91 = tpu.memref_slice %arg6[%dma_wait3A_88, %mul3A_80, %dma_wait3A_89, %dma_wait3A_90] : memref<2x6250x8x128xf32, #tpu.memory_space<hbm>> -> memref<2x10x8x128xf32, #tpu.memory_space<hbm>>
      %dma_wait3A_92 = arith.constant 0 : i32
      %dma_wait3A_93 = arith.constant 0 : i32
      %dma_wait3A_94 = arith.constant 0 : i32
      %dma_wait3A_95 = tpu.memref_slice %arg6[%dma_wait3A_92, %mul3A_80, %dma_wait3A_93, %dma_wait3A_94] : memref<2x6250x8x128xf32, #tpu.memory_space<hbm>> -> memref<2x10x8x128xf32, #tpu.memory_space<hbm>>
      %dma_wait3A_96 = arith.constant 0 : i32
      %dma_wait3A_97 = arith.constant 0 : i32
      %dma_wait3A_98 = arith.constant 0 : i32
      %dma_wait3A_99 = arith.constant 0 : i32
      %dma_wait3A_100 = tpu.memref_slice %arg11[%dma_wait3A_81, %dma_wait3A_96, %dma_wait3A_97, %dma_wait3A_98, %dma_wait3A_99] : memref<2x2x10x8x128xf32, #tpu.memory_space<vmem>> -> memref<1x2x10x8x128xf32, #tpu.memory_space<vmem>>
      %dma_wait3A_101 = tpu.memref_squeeze %dma_wait3A_100 : memref<1x2x10x8x128xf32, #tpu.memory_space<vmem>> -> memref<2x10x8x128xf32, #tpu.memory_space<vmem>>
      tpu.wait_dma2 semaphore(%arg14 : memref<!tpu.dma_semaphore, #tpu.memory_space<semaphore_mem>>) src(%dma_wait3A_101 : memref<2x10x8x128xf32, #tpu.memory_space<vmem>>) dst(%dma_wait3A_95 : memref<2x10x8x128xf32, #tpu.memory_space<hbm>>)
    } else {
    }
    return
  }
}

</mosaic_0001>

<sc_bundles>
// kernel: kernel.3.cloned.1.call-start
scs
__scs_entry_jumppad:
0x0: {  	(pc) =	sbr.rel $0x88, $3  }
0x1: {  	(tag) =	ssettag $0x0;
	lr =	simm.s32 $0x1  }
0x2: {  	[smem:$0x3F9D] =	sst lr;
	_ =	strace $0xD0000000  }
0x3: {  	_ = 	snop  }
0x4: {  	_ = 	snop  }
0x5: {  	_ = 	snop  }
0x6: {  	_ = 	snop  }
0x7: {  	_ = 	snop  }
__scs_overlays_trampoline_lowered:
0x8: {  	[smem:$0x3FAC] =	sst s0  }
0x9: {  	[smem:$0x3FAD] =	sst s1  }
0xa: {  	[smem:$0x3FAE] =	sst s2  }
0xb: {  	[smem:$0x3FAF] =	sst s3  }
0xc: {  	[smem:$0x3FB0] =	sst s4  }
0xd: {  	[smem:$0x3FB1] =	sst s5  }
0xe: {  	[smem:$0x3FB2] =	sst s6  }
0xf: {  	[smem:$0x3FB3] =	sst s7  }
0x10: {  	[smem:$0x3FB4] =	sst s8  }
0x11: {  	[smem:$0x3FB5] =	sst s9;
	s0 =	simm.s32 @!p0 $0x0  }
0x12: {  	s1 =	sld [smem:$0x3F9B];
	s0 =	simm.s32 @p0 $0x1  }
0x13: {  	[smem:$0x3FB6] =	sst s0;
	s0 =	simm.s32 @!p1 $0x0  }
0x14: {  	s2 =	sld [smem:$0x3F9A];
	s0 =	simm.s32 @p1 $0x1  }
0x15: {  	[smem:$0x3FB7] =	sst s0;
	s0 =	simm.s32 @!p2 $0x0  }
0x16: {  	s3 =	sld [smem:$0x3FDB];
	s0 =	simm.s32 @p2 $0x1  }
0x17: {  	s4 =	simm.s32 $0x1BF5;
	[smem:$0x3FB9] =	sst s0  }
0x18: {  	s0 =	sld [smem:$0x3F9C];
	_ =	swait.ge [sflag:s4], $0x0  }
0x19: {  	s7 =	sld [smem:$0x3F9D]  }
0x1a: {  	s8 =	sadd.s32 $0xFFFFE003, lr  }
0x1b: {  	s9 =	sadd.s32 $0xFFFFFEF7, lr;
	s5 =	simm.s32 $0xFFFFFFFF;
	p2 =	slt.u32 s8, $0xFFFFF086  }
0x1c: {  	p1 =	slt.u32 s9, $0xF7A;
	s5 =	simm.s32 @!p2 $0x0  }
0x1d: {  	s5 =	simm.s32 @p1 $0x1;
	p0 =	seq.s32 s7, s2  }
0x1e: {  	s7 =	smul.u32 @!p0 $0xF7A, s2;
	p2 =	seq.s32 @!p0 s5, $0x0  }
0x1f: {  	s9 =	smul.u32 $0xF7A, s1;
	s8 =	simm.s32 @!p0 $0x1BF5;
	p2 =	por !p2, p0  }
0x20: {  	[sflag:s8] =	ssyncset.s32 @!p0 $0xFFFFF086;
	s6 =	sadd.s32 @!p0 s3, s7;
	s7 =	simm.s32 @!p0 $0x108  }
0x21: {  	s3 =	sadd.s32 s3, s9;
	s6 =	sadd.s32 @!p0 $0x88, s6;
	s7 =	simm.s32 @p2 $0x1082  }
0x22: {  	[simem:s7], [sflag:s8] =	dma.local @!p0 [hbm:s6], $0xF7A  }
0x23: {  	s9 =	sor.u32 $0xD0000000, s2;
	s6 =	simm.s32 $0x108;
	_ =	swait.ge @!p0 [sflag:s8], $0x0  }
0x24: {  	s3 =	sadd.s32 $0x88, s3;
	s6 =	simm.s32 @!p1 $0x1082;
	[sflag:s4] =	ssyncset.s32 $0xFFFFF086  }
0x25: {  	[simem:s6], [sflag:s4] =	dma.local [hbm:s3], $0xF7A  }
0x26: {  	[smem:$0x3F9D] =	sst s1;
	(tag) =	ssettag s2;
	_ =	strace s9  }
0x27: {  	s1 =	sld [smem:$0x3FAD]  }
0x28: {  	s2 =	sld [smem:$0x3FAE]  }
0x29: {  	s4 =	sld [smem:$0x3FB0]  }
0x2a: {  	p0 =	seq.s32 s5, $0x0;
	s5 =	sld [smem:$0x3FB1]  }
0x2b: {  	s6 =	sld [smem:$0x3FB2]  }
0x2c: {  	s7 =	sld [smem:$0x3FB3]  }
0x2d: {  	s3 =	simm.s32 $0x108;
	s8 =	sld [smem:$0x3FB4]  }
0x2e: {  	s3 =	simm.s32 @!p0 $0x1082;
	s9 =	sld [smem:$0x3FB5]  }
0x2f: {  	lr =	sadd.s32 s0, s3;
	s0 =	sld [smem:$0x3FAC]  }
0x30: {  	s3 =	sld [smem:$0x3FAF]  }
0x31: {  	[smem:$0x3FB8] =	sst s10  }
0x32: {  	s10 =	sld [smem:$0x3FB6];
	_ =	sdelay $0x3  }
0x33: {  	p0 =	seq.s32 s10, $0x1;
	s10 =	sld [smem:$0x3FB8];
	_ =	sdelay $0x3  }
0x34: {  	[smem:$0x3FB8] =	sst s10  }
0x35: {  	s10 =	sld [smem:$0x3FB7];
	_ =	sdelay $0x3  }
0x36: {  	p1 =	seq.s32 s10, $0x1;
	s10 =	sld [smem:$0x3FB8];
	_ =	sdelay $0x3  }
0x37: {  	[smem:$0x3FB8] =	sst s10  }
0x38: {  	s10 =	sld [smem:$0x3FB9]  }
0x39: {  	_ = 	snop;
	(pc) =	sbr.ind lr, $3  }
0x3a: {  	_ = 	snop  }
0x3b: {  	_ = 	snop  }
0x3c: {  	p2 =	seq.s32 s10, $0x1;
	s10 =	sld [smem:$0x3FB8]  }
0x3d: {  	_ =	shalt  }
0x3e: {  	_ =	shalt  }
0x3f: {  	_ =	shalt  }
0x40: {  	_ =	shalt  }
0x41: {  	_ =	shalt  }
0x42: {  	_ =	shalt  }
0x43: {  	_ =	shalt  }
0x44: {  	_ =	shalt  }
0x45: {  	_ =	shalt  }
0x46: {  	_ =	shalt  }
0x47: {  	_ =	shalt  }
0x48: {  	_ =	shalt  }
0x49: {  	_ =	shalt  }
0x4a: {  	_ =	shalt  }
0x4b: {  	_ =	shalt  }
0x4c: {  	_ =	shalt  }
0x4d: {  	_ =	shalt  }
0x4e: {  	_ =	shalt  }
0x4f: {  	_ =	shalt  }
0x50: {  	_ =	shalt  }
0x51: {  	_ =	shalt  }
0x52: {  	_ =	shalt  }
0x53: {  	_ =	shalt  }
0x54: {  	_ =	shalt  }
0x55: {  	_ =	shalt  }
0x56: {  	_ =	shalt  }
0x57: {  	_ =	shalt  }
0x58: {  	_ =	shalt  }
0x59: {  	_ =	shalt  }
0x5a: {  	_ =	shalt  }
0x5b: {  	_ =	shalt  }
0x5c: {  	_ =	shalt  }
0x5d: {  	_ =	shalt  }
0x5e: {  	_ =	shalt  }
0x5f: {  	_ =	shalt  }
0x60: {  	_ =	shalt  }
0x61: {  	_ =	shalt  }
0x62: {  	_ =	shalt  }
0x63: {  	_ =	shalt  }
0x64: {  	_ =	shalt  }
0x65: {  	_ =	shalt  }
0x66: {  	_ =	shalt  }
0x67: {  	_ =	shalt  }
0x68: {  	_ =	shalt  }
0x69: {  	_ =	shalt  }
0x6a: {  	_ =	shalt  }
0x6b: {  	_ =	shalt  }
0x6c: {  	_ =	shalt  }
0x6d: {  	_ =	shalt  }
0x6e: {  	_ =	shalt  }
0x6f: {  	_ =	shalt  }
0x70: {  	_ =	shalt  }
0x71: {  	_ =	shalt  }
0x72: {  	_ =	shalt  }
0x73: {  	_ =	shalt  }
0x74: {  	_ =	shalt  }
0x75: {  	_ =	shalt  }
0x76: {  	_ =	shalt  }
0x77: {  	_ =	shalt  }
0x78: {  	_ =	shalt  }
0x79: {  	_ =	shalt  }
0x7a: {  	_ =	shalt  }
0x7b: {  	_ =	shalt  }
0x7c: {  	_ =	shalt  }
0x7d: {  	_ =	shalt  }
0x7e: {  	_ =	shalt  }
0x7f: {  	_ =	shalt  }
0x80: {  	_ =	shalt  }
0x81: {  	_ =	shalt  }
0x82: {  	_ =	shalt  }
0x83: {  	_ =	shalt  }
0x84: {  	_ =	shalt  }
0x85: {  	_ =	shalt  }
0x86: {  	_ =	shalt  }
0x87: {  	_ =	shalt  }
.Lfunc_end0:
.L_simem_size_0:
called_computation_lowered:
.L_overlay_start_0:
0x88: {  	s2 =	sld [smem:$0x3FD9]  }
0x89: {  	s3 =	sld [smem:$0x3FFE];
	_ =	sdelay $0x1  }
0x8a: {  	s1 =	srdreg.scid  }
0x8b: {  	s0 =	sand.u32 $0x1, s1  }
0x8c: {  	s17 =	sshll.u32 s0, $0xA;
	s2 =	sadd.s32 s3, s2  }
0x8d: {  	s2 =	sadd.s32 s2, s17  }
0x8e: {  	[smem:$0x3FC4] =	sst s2  }
0x8f: {  	_ = 	snop  }
0x90: {  	s2 =	sld [smem:$0x3FC9]  }
0x91: {  	s18 =	sld [smem:$0x3FC8]  }
0x92: {  	s4 =	sld [smem:$0x3FC7]  }
0x93: {  	s5 =	sld [smem:$0x3FD0];
	(tm) =	ssettm $0x1  }
0x94: {  	s6 =	sld [smem:$0x3FFB];
	_ =	sdelay $0x3  }
0x95: {  	_ =	strace s6  }
0x96: {  	s6 =	sld [smem:$0x3FFC];
	_ =	sdelay $0x3  }
0x97: {  	_ =	strace s6  }
0x98: {  	s6 =	sld [smem:$0x3FFD];
	_ =	sdelay $0x3  }
0x99: {  	_ =	strace s6  }
0x9a: {  	_ =	strace $0x8FFFFFFF  }
0x9b: {  	s19 =	sld [smem:$0x3FDB];
	_ =	sdelay $0x1  }
0x9c: {  	s7 =	simm.s32 $_scs_section_size  }
0x9d: {  	s8 =	simm.s32 $_size__tile_overlayer_lowered;
	s9 =	simm.s32 $_tile_overlayer_lowered  }
0x9e: {  	s22 =	simm.s32 $0x1BFF;
	s21 =	sshll.u32 s9, $0x1;
	s6 =	sadd.s32 s7, s19  }
0x9f: {  	s10 =	simm.s32 $0x0;
	s20 =	sshll.u32 s8, $0x1;
	s8 =	sadd.s32 s21, s6  }
0xa0: {  	[timem:s10], [sflag:s22] =	dma.local [hbm:s8], s20  }
0xa1: {  	_ =	swait.ge [sflag:s22], s20  }
0xa2: {  	s7 =	ssub.s32 $0x0, s20;
	[sflag:s22] =	ssyncset.done $0x0  }
0xa3: {  	[sflag:s22] =	ssyncadd.s32 s7;
	_ =	sdelay $0x1  }
0xa4: {  	s23 =	simm.s32 $0x1B8B  }
0xa5: {  	_ =	swait.ge [sflag:s23], $0x1  }
0xa6: {  	[sflag:s23] =	ssyncset.done $0x0  }
0xa7: {  	s25 =	simm.s32 $0x1B8E;
	s24 =	sld [smem:$0x3FFE];
	[sflag:s23] =	ssyncadd.s32 $0xFFFFFFFF  }
0xa8: {  	s26 =	simm.s32 $execute0_lowered;
	[smem:$0x3FD2] =	sst s25  }
0xa9: {  	s8 =	sshll.u32 s26, $0x1;
	_ =	strace $0x80000046;
	[dreg:$0x1] =	wrdreg $0xFFFFFFFF  }
0xaa: {  	s28 =	simm.s32 $_size_execute0_lowered;
	s6 =	sadd.s32 s6, s8;
	[dreg:$0x0] =	wrdreg $0x0  }
0xab: {  	s8 =	sshll.u32 s28, $0x1;
	[dreg:$0x2] =	wrdreg s6  }
0xac: {  	[dreg:$0x3] =	wrdreg s8  }
0xad: {  	[dreg:$0x4] =	wrdreg $0xC0  }
0xae: {  	_ =	task [dreg:s10], $0x5FFFF  }
0xaf: {  	[dreg:$0x1] =	wrdreg $0xFFFFFFFF  }
0xb0: {  	[dreg:$0x0] =	wrdreg $0x60  }
0xb1: {  	[dreg:$0x2] =	wrdreg s2  }
0xb2: {  	[dreg:$0x3] =	wrdreg s18  }
0xb3: {  	[dreg:$0x4] =	wrdreg s4  }
0xb4: {  	[dreg:$0x5] =	wrdreg s24  }
0xb5: {  	[dreg:$0x6] =	wrdreg s5  }
0xb6: {  	[dreg:$0x7] =	wrdreg $0x9  }
0xb7: {  	_ =	task.clear_ibuf [dreg:s10], $0x8FFFF;
	_ =	strace $0x90000046  }
0xb8: {  	s29 =	simm.s32 $0x9;
	_ =	strace $0x80000048  }
0xb9: {  	_ =	swait.ge [sflag:s29], $0x1  }
0xba: {  	[sflag:s29] =	ssyncadd.s32 $0xFFFFFFFF  }
0xbb: {  	_ =	strace $0x90000048  }
0xbc: {  	_ =	sfence  }
0xbd: {  	s30 =	sld [smem:$0x0];
	_ =	sdelay $0x2  }
0xbe: {  	s31 =	sshll.u32 s1, $0xD;
	s1 =	sshrl.u32 s1, $0x2  }
0xbf: {  	s3 =	sand.u32 $0x4000, s31;
	s1 =	sadd.s32 s1, s30  }
0xc0: {  	s0 =	sor.u32 s3, s0;
	s1 =	sshll.u32 s1, $0x11  }
0xc1: {  	s0 =	sor.u32 s1, s0  }
0xc2: {  	s0 =	sadd.s32 $0x8F2B, s0  }
0xc3: {  	[sflag:s0] =	ssyncadd.remote.s32 $0x1  }
0xc4: {  	_ =	sfence.sel $0xFFFF  }
0xc5: {  	[dreg:$0x0] =	wrdreg $0xFFFFFFFF;
	(pc) =	sbr.abs _section_cstart, $3  }
0xc6: {  	[dreg:$0x1] =	wrdreg $0xFFFFFFFF  }
0xc7: {  	_ =	task.clear_ibuf [dreg:s10], $0x2FFFF;
	_ =	strace $0x9FFFFFFF  }
0xc8: {  	(tm) =	ssettm $0x7FFFFFFF  }
0xc9: {  	_ =	shalt  }
tec
execute0_lowered:
.L_overlay_start_1:
0x0: {  	(tag) =	ssettag $0x1  }
0x1: {  	s30 =	rddreg [dreg:$0x0]  }
0x2: {  	s31 =	rddreg [dreg:$0x1]  }
0x3: {  	s3 =	rddreg [dreg:$0x2];
	s2 =	simm.s32 $0x0;
	v0 =	vlaneseq.u32  }
0x4: {  	[smem:$0x7FF] =	sst s2;
	v42 =	vmul.u32 $0x401, v0;
	v15 =	vand.u32 $0x7, v0  }
0x5: {  	s0 =	rddreg [dreg:$0x3];
	_ =	strace $0x80000047;
	[tilespmem:$0x1FF00] =	vst v15  }
0x6: {  	v6 =	vadd.s32 $0x1, v42;
	[tilespmem:$0x1FF60] =	vst v42  }
0x7: {  	s1 =	srdreg.scid;
	s4 =	stileid.u32;
	s16 =	simm.s32 $0x1E00;
	v7 =	vadd.s32 $0x2, v42;
	[tilespmem:$0x1FF20] =	vst v6  }
0x8: {  	s28 =	simm.s32 $0x1E38;
	s1 =	sand.u32 $0x1, s1;
	s0 =	sadd.s32 $0x400, s0;
	v8 =	vadd.s32 $0x3, v42;
	[tilespmem:$0x1FF30] =	vst v7  }
0x9: {  	v1 =	vimm.s32 $0x7654321;
	v62 =	vimm.s32 $0x10765432;
	s2 =	simm.s32 $0x0;
	s21 =	sshll.u32 s1, $0x4;
	s22 =	ssub.s32 $0x2, s1;
	v9 =	vadd.s32 $0x4, v42;
	[tilespmem:$0x1FF40] =	vst v8  }
0xa: {  	v2 =	vimm.s32 $0x32107654;
	v1 =	vunpack.c.l.s4.s8 v1;
	[dreg:$0x7] =	wrdreg s0;
	s4 =	sor.u32 s4, s21;
	s24 =	sshrl.u32 s22, $0x1;
	v10 =	vadd.s32 $0x5, v42;
	[tilespmem:$0x1FF50] =	vst v9  }
0xb: {  	v3 =	vimm.s32 $0x43210765;
	v0 =	vunpack.c.l.s4.s8 v62;
	v11 =	vadd.s32 $0x6, v42;
	s21 =	simm.s32 $0x1E08;
	s23 =	smul.u32 $0xA0, s4;
	[dreg:$0x6] =	wrdreg s4;
	[tilespmem:$0x1FF70] =	vst v10  }
0xc: {  	v2 =	vunpack.c.l.s4.s8 v2;
	v12 =	vadd.s32 $0x7, v42;
	v40 =	vunpack.c.0.s8.s32 v1;
	p0 =	slt.u32 s4, $0x11;
	s4 =	simm.s32 $0x14;
	s0 =	ssub.s32 s22, s24;
	[tilespmem:$0x1FF80] =	vst v11  }
0xd: {  	v4 =	vimm.s32 $0x54321076;
	v3 =	vunpack.c.l.s4.s8 v3;
	v0 =	vunpack.c.0.s8.s32 v0;
	s22 =	simm.s32 $0x1E10;
	s24 =	simm.s32 $0x1E20;
	[tilespmem:$0x1FF90] =	vst v12;
	s0 =	smax.u32 s0, $0x1  }
0xe: {  	v5 =	vimm.s32 $0x65432107;
	v4 =	vunpack.c.l.s4.s8 v4;
	v2 =	vunpack.c.0.s8.s32 v2;
	s4 =	simm.s32 @!p0 $0x13;
	[tilespmem:$0x1FF10] =	vst v40;
	s25 =	sadd.s32 s30, s23;
	[dreg:$0xc] =	wrdreg s0  }
0xf: {  	v63 =	vimm.s32 $0x21076543;
	v5 =	vunpack.c.l.s4.s8 v5;
	v3 =	vunpack.c.0.s8.s32 v3;
	[tilespmem:$0x1FFA0] =	vst v0;
	s26 =	sadd.s32 s31, s23;
	s1 =	sadd.s32 s3, s23;
	[dreg:$0x8] =	wrdreg s4  }
.Ltmp0:
0x10: {  	v1 =	vunpack.c.l.s4.s8 v63;
	v4 =	vunpack.c.0.s8.s32 v4;
	[tilespmem:$0x1FFC0] =	vst v2;
	s29 =	sand.u32 $0x1, s4;
	[dreg:$0x9] =	wrdreg s25;
	(pc) =	sbr.rel .LBB2_1-.Ltmp0, $4  }
0x11: {  	v5 =	vunpack.c.0.s8.s32 v5;
	[tilespmem:$0x1FFD0] =	vst v3;
	s0 =	simm.s32 $0x4;
	[dreg:$0xa] =	wrdreg s26;
	p0 =	seq.s32 s29, $0x1  }
0x12: {  	v1 =	vunpack.c.0.s8.s32 v1;
	[tilespmem:$0x1FFE0] =	vst v4;
	[dreg:$0xb] =	wrdreg s1;
	s1 =	simm.s32 $0x3;
	s0 =	simm.s32 @!p0 $0x3  }
0x13: {  	[tilespmem:$0x1FFF0] =	vst v5;
	s23 =	simm.s32 $0x1E18;
	s1 =	simm.s32 @!p0 $0x4;
	[dreg:$0xd] =	wrdreg s0  }
0x14: {  	s25 =	simm.s32 $0x1E28;
	s26 =	simm.s32 $0x1E30;
	[tilespmem:$0x1FFB0] =	vst v1;
	[dreg:$0xe] =	wrdreg s1  }
.LBB2_12:
0x15: {  	s0 =	rddreg [dreg:$0xd]  }
0x16: {  	_ =	swait.ge [sflag:s0], $0x5000  }
0x17: {  	[sflag:s0] =	ssyncset.done $0x0  }
0x18: {  	s1 =	rddreg [dreg:$0xe];
	[sflag:s0] =	ssyncadd.s32 $0xFFFFB000  }
0x19: {  	_ =	swait.ge [sflag:s1], $0x5000  }
0x1a: {  	s2 =	rddreg [dreg:$0xf]  }
0x1b: {  	s29 =	rddreg [dreg:$0xc];
	s2 =	sadd.s32 $0x1, s2  }
0x1c: {  	p0 =	sne.s32 s2, s29  }
.Ltmp1:
0x1d: {  	_ = 	snop;
	(pc) =	sbr.rel @!p0 .LBB2_13-.Ltmp1, $3  }
0x1e: {  	_ =	sdelay $0x1  }
0x1f: {  	[sflag:s1] =	ssyncset.done $0x0  }
0x20: {  	[sflag:s1] =	ssyncadd.s32 $0xFFFFB000  }
.LBB2_1:
0x21: {  	[dreg:$0xf] =	wrdreg s2  }
0x22: {  	s0 =	simm.s32 $0x0;
	s1 =	rddreg [dreg:$0x7];
	s15 =	simm.s32 $0x5  }
0x23: {  	[tilespmem:s16], [sflag:$0x5] =	stream.linear.gather [hbm4b:s1+s0], $0x4010, $0x38;
	[tilespmem:$0xFE10] =	vst v63  }
0x24: {  	_ =	swait.ge [sflag:s15], $0x4010  }
0x25: {  	[sflag:s15] =	ssyncset.done $0x0  }
0x26: {  	s17 =	rddreg [dreg:$0x9];
	[sflag:s15] =	ssyncadd.s32 $0xFFFFBFF0  }
0x27: {  	[tilespmem:s0], [sflag:$0x1] =	stream.linear.gather [hbm4b:s17+s0], $0x500, $0x38;
	[tilespmem:$0xFE10] =	vst v63  }
.Ltmp2:
0x28: {  	_ = 	snop;
	(pc) =	sbr.rel .LBB2_2-.Ltmp2, $4  }
0x29: {  	s19 =	simm.s32 $0xA00;
	s18 =	rddreg [dreg:$0xa]  }
0x2a: {  	[tilespmem:s19], [sflag:$0x1] =	stream.linear.gather [hbm4b:s18+s0], $0x500, $0x38;
	[tilespmem:$0xFE10] =	vst v63  }
0x2b: {  	s29 =	simm.s32 $0x1400;
	s5 =	simm.s32 $0x0;
	s20 =	rddreg [dreg:$0xb]  }
0x2c: {  	[tilespmem:s29], [sflag:$0x1] =	stream.linear.gather [hbm4b:s20+s0], $0x500, $0x38;
	[tilespmem:$0xFE10] =	vst v63  }
.LBB2_10:
0x2d: {  	s0 =	rddreg [dreg:$0x11]  }
0x2e: {  	s1 =	rddreg [dreg:$0x4]  }
0x2f: {  	s30 =	rddreg [dreg:$0x0]  }
0x30: {  	s31 =	rddreg [dreg:$0x1];
	s0 =	smul.u32 $0x500, s0  }
0x31: {  	s29 =	simm.s32 $0x2800;
	s2 =	simm.s32 $0x61A800;
	s4 =	rddreg [dreg:$0x8]  }
0x32: {  	s3 =	simm.s32 $0xAE10;
	s5 =	rddreg [dreg:$0x10];
	s0 =	sadd.s32 s1, s0  }
0x33: {  	[hbm4b:s0+s29] =	stream.strided.scatter [tilespmem:s3], [sflag:$0x4], $0x5000, s2, s29, $0x38;
	[tilespmem:$0xFE10] =	vst v63  }
.LBB2_11:
0x34: {  	s5 =	sadd.s32 $0x1, s5  }
0x35: {  	p0 =	sne.s32 s5, $0xA  }
.Ltmp3:
0x36: {  	_ = 	snop;
	(pc) =	sbr.rel @!p0 .LBB2_12-.Ltmp3, $1  }
0x37: {  	_ =	sdelay $0x3  }
.LBB2_2:
0x38: {  	s10 =	sshll.u32 s5, $0x1  }
0x39: {  	p0 =	slt.u32 s10, s4  }
.Ltmp4:
0x3a: {  	_ = 	snop;
	(pc) =	sbr.rel @!p0 .LBB2_3-.Ltmp4, $1  }
0x3b: {  	_ =	sdelay $0x3  }
0x3c: {  	s1 =	simm.s32 $0x1  }
0x3d: {  	_ =	swait.ge [sflag:s1], $0x500  }
0x3e: {  	[sflag:s1] =	ssyncset.done $0x0  }
0x3f: {  	[sflag:s1] =	ssyncadd.s32 $0xFFFFFB00  }
0x40: {  	_ =	swait.ge [sflag:s1], $0x500  }
0x41: {  	[sflag:s1] =	ssyncset.done $0x0  }
0x42: {  	s8 =	sor.u32 $0x1, s10;
	[sflag:s1] =	ssyncadd.s32 $0xFFFFFB00  }
0x43: {  	p0 =	sge.u32 s8, s4;
	_ =	swait.ge [sflag:s1], $0x500  }
0x44: {  	s0 =	sshll.u32 @!p0 s8, $0x5;
	s4 =	rddreg [dreg:$0x6]  }
0x45: {  	s0 =	sor.u32 @!p0 s4, s0  }
0x46: {  	s0 =	smul.u32 @!p0 $0xA0, s0  }
0x47: {  	s2 =	simm.s32 @!p0 $0x0;
	[sflag:s1] =	ssyncset.done $0x0  }
0x48: {  	s3 =	simm.s32 @!p0 $0x500;
	[sflag:s1] =	ssyncadd.s32 $0xFFFFFB00;
	s1 =	sadd.s32 @!p0 s30, s0  }
0x49: {  	[tilespmem:s3], [sflag:$0x2] =	stream.linear.gather @!p0 [hbm4b:s1+s2], $0x500, $0x38;
	[tilespmem:$0xFE10] =	vst v63  }
0x4a: {  	s1 =	sadd.s32 @!p0 s31, s0;
	s3 =	simm.s32 @!p0 $0xF00  }
0x4b: {  	[tilespmem:s3], [sflag:$0x2] =	stream.linear.gather @!p0 [hbm4b:s1+s2], $0x500, $0x38;
	[tilespmem:$0xFE10] =	vst v63  }
0x4c: {  	s1 =	rddreg [dreg:$0x2]  }
0x4d: {  	s0 =	sadd.s32 @!p0 s1, s0;
	s1 =	simm.s32 @!p0 $0x1900  }
0x4e: {  	[tilespmem:s1], [sflag:$0x2] =	stream.linear.gather @!p0 [hbm4b:s0+s2], $0x500, $0x38;
	[tilespmem:$0xFE10] =	vst v63  }
0x4f: {  	s6 =	smov.u32 s5;
	s29 =	sshll.u32 s5, $0x6;
	p0 =	seq.s32 s5, $0x0  }
0x50: {  	s11 =	simm.s32 $0xFFFFFFFC;
	s12 =	simm.s32 $0x0;
	s0 =	simm.s32 @!p0 $0x3  }
0x51: {  	s13 =	simm.s32 $0x1420;
	s18 =	simm.s32 $0xA20;
	_ =	swait.ge @!p0 [sflag:s0], $0x5000  }
0x52: {  	s14 =	simm.s32 $0x20;
	s1 =	sor.u32 s4, s29;
	[sflag:s0] =	ssyncset.done @!p0 $0x0  }
0x53: {  	s15 =	simm.s32 $0x0;
	[dreg:$0x14] =	wrdreg s1;
	[sflag:s0] =	ssyncadd.s32 @!p0 $0xFFFFB000  }
.LBB2_5:
0x54: {  	v0 =	vld [tilespmem:s14+$0xFFFFFFE0];
	_ =	sdelay $0x4  }
0x55: {  	v1 =	vmul.f32 $1.666666720e-01, v0;
	_ =	sdelay $0x1  }
0x56: {  	v1 =	vadd.f32 $-1.000000000e+00, v1  }
0x57: {  	v2 =	vmul.f32 $5.235987900e-01, v0  }
0x58: {  	v3 =	vadd.f32 v1, v1  }
0x59: {  	v2 =	vmul.f32 v2, v2  }
0x5a: {  	v1 =	vmul.f32 v3, v1  }
0x5b: {  	v4 =	vmul.f32 $2.480158760e-05, v2  }
0x5c: {  	v1 =	vadd.f32 $-1.000000000e+00, v1  }
0x5d: {  	v25 =	vadd.f32 $-1.388888920e-03, v4  }
0x5e: {  	v26 =	vadd.f32 v1, v1  }
0x5f: {  	v3 =	vmul.f32 v25, v2  }
0x60: {  	v28 =	vld [tilespmem:s18+$0xFFFFFFE0];
	v5 =	vmul.f32 v26, v1  }
0x61: {  	v8 =	vld [tilespmem:s13+$0xFFFFFFE0];
	v3 =	vadd.f32 $4.166666790e-02, v3  }
0x62: {  	v5 =	vadd.f32 $-1.000000000e+00, v5  }
0x63: {  	v56 =	vld [tilespmem:$0x1FF60];
	v3 =	vmul.f32 v3, v2  }
0x64: {  	v54 =	vld [tilespmem:$0x1FF30];
	v6 =	vmul.f32 v5, v26  }
0x65: {  	v34 =	vld [tilespmem:$0x1FF70];
	v3 =	vadd.f32 $-5.000000000e-01, v3  }
0x66: {  	v35 =	vld [tilespmem:$0x1FF40];
	v29 =	vshll.u32 v28, $0x8;
	v30 =	vshll.u32 v8, $0x6;
	v27 =	vsub.f32 v6, v1  }
0x67: {  	v41 =	vld [tilespmem:$0x1FFD0];
	v2 =	vmul.f32 v3, v2;
	v6 =	vadd.s32 v29, v30  }
0x68: {  	v57 =	vld [tilespmem:$0x1FF50];
	v10 =	vadd.s32 v56, v6;
	v7 =	vmul.f32 v27, v26  }
0x69: {  	v14 =	vld [tilespmem:$0x1FF80];
	v2 =	vadd.f32 $1.000000000e+00, v2;
	v10 =	vand.u32 $0xFFFFFFC8, v10  }
0x6a: {  	v52 =	vadd.s32 v34, v6;
	v23 =	vor.u32 v15, v10;
	v7 =	vsub.f32 v7, v5  }
0x6b: {  	vm0 =	vlt.f32 v0, $6.000000000e+00;
	v1 =	vadd.f32 $1.000000000e+00, v1;
	v61 =	vand.u32 $0xFFFFFFD8, v52  }
0x6c: {  	v55 =	vld [tilespmem:$0x1FFB0];
	v2 =	vmul.f32 $5.000000000e-01, v2;
	v8 =	vor.u32 v41, v61;
	v9 =	vmul.f32 v7, v26  }
0x6d: {  	v39 =	vld [tilespmem:$0x1FFA0];
	v44 =	vadd.s32 v54, v6;
	v46 =	vadd.s32 v35, v6;
	v51 =	vadd.s32 v57, v6  }
0x6e: {  	v58 =	vld [tilespmem:$0x1FFC0];
	v60 =	vadd.s32 v14, v6;
	v2 =	vadd.f32 $5.000000000e-01, v2;
	v9 =	vsub.f32 v9, v27  }
0x6f: {  	v11 =	vadd.f32 $1.000000000e+00, v27;
	v45 =	vand.u32 $0xFFFFFFD8, v44;
	v62 =	vand.u32 $0xFFFFFFD8, v60;
	v49 =	vld.idx.msk [tilespmem:v23+s16+$0x0], $0xffff  }
0x70: {  	v37 =	vld [tilespmem:$0x1FFE0];
	v10 =	vand.u32 $0xFFFFFFD8, v46;
	v0 =	vnsel vm0, $0x0, v2;
	v42 =	vmul.f32 v9, v26  }
0x71: {  	v5 =	vadd.f32 $1.000000000e+00, v5;
	v24 =	vor.u32 v55, v10;
	v31 =	vmul.f32 $5.000000000e-01, v0;
	v28 =	vld.idx.msk [tilespmem:v8+s16+$0x0], $0xffff  }
0x72: {  	v22 =	vor.u32 v39, v45;
	v47 =	vadd.f32 $1.000000000e+00, v9;
	v12 =	vsub.f32 v42, v7;
	v42 =	vld [tilespmem:$0x1FF20]  }
0x73: {  	v13 =	vld [tilespmem:$0x1FF90];
	v3 =	vmul.f32 v31, v1;
	v1 =	vmul.f32 v31, v5;
	v7 =	vadd.f32 $1.000000000e+00, v7  }
0x74: {  	v2 =	vmul.f32 v31, v11;
	v17 =	vmul.f32 v47, v31;
	v19 =	vunpack.i.u.bf16.f32 v49  }
0x75: {  	v38 =	vld [tilespmem:$0x1FFF0];
	v11 =	vunpack.i.l.bf16.f32 v49;
	v16 =	vmul.f32 v31, v7;
	v7 =	vand.u32 $0xFFFFFFD8, v51  }
0x76: {  	v20 =	vld.idx.msk [tilespmem:v24+s16+$0x0], $0xffff;
	v4 =	vmul.f32 v12, v26;
	v18 =	vor.u32 v58, v7;
	v7 =	vor.u32 v37, v62  }
0x77: {  	v46 =	vunpack.i.l.bf16.f32 v28;
	v48 =	vadd.f32 $1.000000000e+00, v12;
	v12 =	vld.idx.msk [tilespmem:v22+s16+$0x0], $0xffff;
	v43 =	vadd.s32 v42, v6  }
0x78: {  	v4 =	vsub.f32 v4, v9;
	v6 =	vadd.s32 v13, v6;
	v5 =	vand.u32 $0xFFFFFFD8, v43  }
0x79: {  	v47 =	vunpack.i.u.bf16.f32 v28;
	v6 =	vand.u32 $0xFFFFFFD8, v6;
	v25 =	vor.u32 v40, v5  }
0x7a: {  	v30 =	vld.idx.msk [tilespmem:v23+s21+$0x0], $0xffff;
	v63 =	vmul.f32 v0, v11;
	v50 =	vadd.f32 $1.000000000e+00, v4;
	v6 =	vor.u32 v38, v6  }
0x7b: {  	v32 =	vmul.f32 v3, v19;
	v27 =	vunpack.i.u.bf16.f32 v20;
	v4 =	vmul.f32 v48, v31;
	v29 =	vld.idx.msk [tilespmem:v7+s16+$0x0], $0xffff  }
0x7c: {  	v21 =	vunpack.i.l.bf16.f32 v12;
	v12 =	vunpack.i.u.bf16.f32 v12;
	v5 =	vmul.f32 v50, v31;
	v26 =	vld.idx.msk [tilespmem:v18+s16+$0x0], $0xffff  }
0x7d: {  	v59 =	vld.idx.msk [tilespmem:v22+s21+$0x0], $0xffff;
	v20 =	vunpack.i.l.bf16.f32 v20;
	v21 =	vmul.f32 v16, v21;
	v12 =	vmul.f32 v17, v12  }
0x7e: {  	v10 =	vadd.f32 v32, v63;
	v20 =	vmul.f32 v4, v20;
	v27 =	vmul.f32 v5, v27;
	v53 =	vld.idx.msk [tilespmem:v25+s16+$0x0], $0xffff  }
0x7f: {  	v31 =	vunpack.i.l.bf16.f32 v30;
	v36 =	vadd.f32 v12, v21;
	v21 =	vmul.f32 v46, v1;
	v43 =	vld.idx.msk [tilespmem:v6+s16+$0x0], $0xffff  }
0x80: {  	v12 =	vadd.f32 v27, v20;
	v52 =	vld.idx.msk [tilespmem:v25+s21+$0x0], $0xffff;
	v48 =	vunpack.i.l.bf16.f32 v29;
	v49 =	vunpack.i.u.bf16.f32 v29  }
0x81: {  	v45 =	vunpack.i.l.bf16.f32 v26;
	v27 =	vmul.f32 v48, v16;
	v28 =	vmul.f32 v49, v17  }
0x82: {  	v44 =	vunpack.i.u.bf16.f32 v26;
	v26 =	vmul.f32 v47, v2;
	v20 =	vmul.f32 v45, v0  }
0x83: {  	v11 =	vadd.f32 v12, v36;
	v36 =	vunpack.i.l.bf16.f32 v59;
	v60 =	vadd.f32 v27, v28  }
0x84: {  	v45 =	vld.idx.msk [tilespmem:v8+s21+$0x0], $0xffff;
	v27 =	vmul.f32 v36, v16;
	v33 =	vunpack.i.u.bf16.f32 v53;
	v9 =	vunpack.i.l.bf16.f32 v53  }
0x85: {  	v62 =	vld.idx.msk [tilespmem:v24+s21+$0x0], $0xffff;
	v50 =	vunpack.i.u.bf16.f32 v43;
	v53 =	vadd.f32 v21, v26;
	v32 =	vunpack.i.l.bf16.f32 v52  }
0x86: {  	v21 =	vunpack.i.u.bf16.f32 v59;
	v9 =	vmul.f32 v1, v9;
	v19 =	vmul.f32 v2, v33  }
0x87: {  	v51 =	vmul.f32 v50, v5;
	v33 =	vunpack.i.u.bf16.f32 v52;
	v21 =	vmul.f32 v21, v17  }
0x88: {  	v48 =	vld.idx.msk [tilespmem:v7+s21+$0x0], $0xffff;
	v26 =	vmul.f32 v33, v2;
	v9 =	vadd.f32 v19, v9;
	v19 =	vunpack.i.l.bf16.f32 v43  }
0x89: {  	v59 =	vunpack.i.l.bf16.f32 v45;
	v50 =	vadd.f32 v27, v21;
	v12 =	vmul.f32 v19, v4  }
0x8a: {  	v9 =	vadd.f32 v9, v10;
	v10 =	vmul.f32 v44, v3;
	v44 =	vunpack.i.u.bf16.f32 v62  }
0x8b: {  	v43 =	vld.idx.msk [tilespmem:v18+s21+$0x0], $0xffff;
	v19 =	vmul.f32 v31, v0;
	v12 =	vadd.f32 v12, v51;
	v47 =	vmul.f32 v44, v5  }
0x8c: {  	v10 =	vadd.f32 v20, v10;
	v9 =	vadd.f32 v11, v9;
	v20 =	vmul.f32 v32, v1  }
0x8d: {  	v11 =	vunpack.i.u.bf16.f32 v48;
	v63 =	vadd.f32 v12, v60;
	v12 =	vunpack.i.u.bf16.f32 v30  }
0x8e: {  	v51 =	vld.idx.msk [tilespmem:v6+s21+$0x0], $0xffff;
	v60 =	vunpack.i.u.bf16.f32 v45;
	v11 =	vmul.f32 v11, v17;
	v61 =	vadd.f32 v53, v10  }
0x8f: {  	v36 =	vld.idx.msk [tilespmem:v25+s22+$0x0], $0xffff;
	v12 =	vmul.f32 v12, v3;
	v10 =	vunpack.i.l.bf16.f32 v62;
	v49 =	vadd.f32 v20, v26  }
0x90: {  	v44 =	vld.idx.msk [tilespmem:v22+s22+$0x0], $0xffff;
	v53 =	vunpack.i.l.bf16.f32 v43;
	v26 =	vmul.f32 v59, v1;
	v27 =	vmul.f32 v60, v2  }
0x91: {  	v52 =	vunpack.i.u.bf16.f32 v43;
	v46 =	vmul.f32 v10, v4;
	v21 =	vmul.f32 v53, v0  }
0x92: {  	[tilespmem:$0x1FD80] =	vst v9;
	v9 =	vadd.f32 v63, v61;
	v12 =	vadd.f32 v19, v12;
	v19 =	vmul.f32 v52, v3  }
0x93: {  	v30 =	vld [tilespmem:s14+$0xFFFFFFF0];
	v61 =	vunpack.i.l.bf16.f32 v48;
	v62 =	vunpack.i.u.bf16.f32 v51;
	v10 =	vunpack.i.l.bf16.f32 v51  }
0x94: {  	v53 =	vld.idx.msk [tilespmem:v8+s22+$0x0], $0xffff;
	v43 =	vadd.f32 v26, v27;
	v48 =	vunpack.i.l.bf16.f32 v36;
	v28 =	vmul.f32 v61, v16  }
0x95: {  	v63 =	vld.idx.msk [tilespmem:v23+s22+$0x0], $0xffff;
	v26 =	vunpack.i.u.bf16.f32 v44;
	v10 =	vmul.f32 v10, v4;
	v33 =	vmul.f32 v62, v5  }
0x96: {  	v20 =	vmul.f32 v48, v1;
	v26 =	vmul.f32 v26, v17;
	[tilespmem:$0x1FD90] =	vst v9;
	v9 =	vadd.f32 v46, v47  }
0x97: {  	v51 =	vld.idx.msk [tilespmem:v18+s22+$0x0], $0xffff;
	v12 =	vadd.f32 v49, v12;
	v19 =	vadd.f32 v21, v19;
	v49 =	vunpack.i.u.bf16.f32 v36  }
0x98: {  	vm13 =	vlt.f32 v30, $6.000000000e+00;
	v11 =	vadd.f32 v28, v11;
	v10 =	vadd.f32 v10, v33  }
0x99: {  	v21 =	vmul.f32 v49, v2;
	v9 =	vadd.f32 v9, v50;
	v45 =	vadd.f32 v43, v19  }
0x9a: {  	v50 =	vunpack.i.l.bf16.f32 v44;
	v33 =	vunpack.i.l.bf16.f32 v53;
	v36 =	vunpack.i.u.bf16.f32 v53  }
0x9b: {  	v49 =	vld.idx.msk [tilespmem:v22+s23+$0x0], $0xffff;
	v10 =	vadd.f32 v10, v11;
	v46 =	vunpack.i.u.bf16.f32 v63;
	v47 =	vunpack.i.l.bf16.f32 v63  }
0x9c: {  	v27 =	vmul.f32 v50, v16;
	v61 =	vadd.f32 v20, v21;
	v63 =	vld.idx.msk [tilespmem:v6+s22+$0x0], $0xffff;
	v32 =	vunpack.i.l.bf16.f32 v51  }
0x9d: {  	v9 =	vadd.f32 v9, v12;
	v12 =	vld.idx.msk [tilespmem:v24+s22+$0x0], $0xffff;
	v19 =	vmul.f32 v47, v0;
	v11 =	vmul.f32 v46, v3  }
0x9e: {  	v62 =	vadd.f32 v27, v26;
	v26 =	vmul.f32 v33, v1;
	v27 =	vmul.f32 v36, v2  }
0x9f: {  	v31 =	vunpack.i.u.bf16.f32 v51;
	v21 =	vmul.f32 v32, v0;
	v47 =	vld.idx.msk [tilespmem:v25+s23+$0x0], $0xffff;
	v11 =	vadd.f32 v19, v11  }
0xa0: {  	[tilespmem:$0x1FDA0] =	vst v9;
	v9 =	vadd.f32 v10, v45;
	v19 =	vmul.f32 v31, v3;
	v48 =	vadd.f32 v26, v27  }
0xa1: {  	v45 =	vld.idx.msk [tilespmem:v23+s23+$0x0], $0xffff;
	v26 =	vunpack.i.u.bf16.f32 v49;
	v11 =	vadd.f32 v61, v11;
	v44 =	vunpack.i.u.bf16.f32 v63  }
0xa2: {  	v10 =	vunpack.i.l.bf16.f32 v63;
	v19 =	vadd.f32 v21, v19;
	v52 =	vunpack.i.u.bf16.f32 v12  }
0xa3: {  	v61 =	vld.idx.msk [tilespmem:v18+s23+$0x0], $0xffff;
	v12 =	vunpack.i.l.bf16.f32 v12;
	v10 =	vmul.f32 v10, v4;
	v46 =	vmul.f32 v44, v5  }
0xa4: {  	v51 =	vld.idx.msk [tilespmem:v24+s23+$0x0], $0xffff;
	v53 =	vunpack.i.l.bf16.f32 v47;
	v59 =	vmul.f32 v12, v4;
	v60 =	vmul.f32 v52, v5  }
0xa5: {  	v26 =	vmul.f32 v26, v17;
	v12 =	vld.idx.msk [tilespmem:v7+s22+$0x0], $0xffff;
	v50 =	vadd.f32 v48, v19;
	v20 =	vmul.f32 v53, v1  }
0xa6: {  	[tilespmem:$0x1FDB0] =	vst v9;
	v63 =	vld.idx.msk [tilespmem:v8+s23+$0x0], $0xffff;
	v10 =	vadd.f32 v10, v46;
	v52 =	vunpack.i.l.bf16.f32 v45;
	v9 =	vadd.f32 v59, v60  }
0xa7: {  	v53 =	vld.idx.msk [tilespmem:v23+s24+$0x0], $0xffff;
	v19 =	vmul.f32 v52, v0;
	v59 =	vunpack.i.u.bf16.f32 v47;
	v60 =	vunpack.i.l.bf16.f32 v49  }
0xa8: {  	v21 =	vmul.f32 v59, v2;
	v27 =	vmul.f32 v60, v16;
	v47 =	vunpack.i.u.bf16.f32 v61  }
0xa9: {  	v46 =	vld.idx.msk [tilespmem:v6+s23+$0x0], $0xffff;
	v48 =	vunpack.i.l.bf16.f32 v61;
	v9 =	vadd.f32 v9, v62;
	v62 =	vunpack.i.u.bf16.f32 v51  }
0xaa: {  	v43 =	vunpack.i.l.bf16.f32 v12;
	v12 =	vunpack.i.u.bf16.f32 v12;
	v36 =	vmul.f32 v62, v5  }
0xab: {  	v49 =	vunpack.i.l.bf16.f32 v63;
	v28 =	vmul.f32 v43, v16;
	v12 =	vmul.f32 v12, v17  }
0xac: {  	v44 =	vadd.f32 v20, v21;
	v21 =	vmul.f32 v48, v0;
	v31 =	vunpack.i.u.bf16.f32 v53;
	v43 =	vld.idx.msk [tilespmem:v7+s23+$0x0], $0xffff  }
0xad: {  	v9 =	vadd.f32 v9, v11;
	v11 =	vunpack.i.l.bf16.f32 v51;
	v12 =	vadd.f32 v28, v12  }
0xae: {  	v32 =	vunpack.i.l.bf16.f32 v53;
	v52 =	vunpack.i.u.bf16.f32 v46;
	v33 =	vmul.f32 v11, v4  }
0xaf: {  	v62 =	vld.idx.msk [tilespmem:v22+s24+$0x0], $0xffff;
	v59 =	vmul.f32 v52, v5;
	v10 =	vadd.f32 v10, v12;
	v12 =	vunpack.i.u.bf16.f32 v45  }
0xb0: {  	v60 =	vld.idx.msk [tilespmem:v25+s24+$0x0], $0xffff;
	v45 =	vadd.f32 v27, v26;
	v26 =	vmul.f32 v49, v1;
	v12 =	vmul.f32 v12, v3  }
0xb1: {  	[tilespmem:$0x1FDC0] =	vst v9;
	v51 =	vunpack.i.l.bf16.f32 v43;
	v11 =	vunpack.i.u.bf16.f32 v43;
	v9 =	vadd.f32 v10, v50  }
0xb2: {  	v50 =	vunpack.i.u.bf16.f32 v63;
	v28 =	vmul.f32 v51, v16;
	v11 =	vmul.f32 v11, v17  }
0xb3: {  	v10 =	vunpack.i.l.bf16.f32 v46;
	v12 =	vadd.f32 v19, v12;
	v19 =	vmul.f32 v47, v3  }
0xb4: {  	v43 =	vunpack.i.l.bf16.f32 v62;
	v27 =	vmul.f32 v50, v2;
	v10 =	vmul.f32 v10, v4  }
0xb5: {  	v46 =	vld.idx.msk [tilespmem:v8+s24+$0x0], $0xffff;
	[tilespmem:$0x1FDD0] =	vst v9;
	v9 =	vadd.f32 v33, v36;
	v11 =	vadd.f32 v28, v11;
	v33 =	vunpack.i.l.bf16.f32 v60  }
0xb6: {  	v51 =	vld.idx.msk [tilespmem:v6+s24+$0x0], $0xffff;
	v36 =	vunpack.i.u.bf16.f32 v60;
	v12 =	vadd.f32 v44, v12;
	v19 =	vadd.f32 v21, v19  }
0xb7: {  	v61 =	vadd.f32 v26, v27;
	v10 =	vadd.f32 v10, v59;
	v20 =	vmul.f32 v33, v1  }
0xb8: {  	v21 =	vmul.f32 v36, v2;
	v26 =	vunpack.i.u.bf16.f32 v62;
	v27 =	vmul.f32 v43, v16  }
0xb9: {  	v44 =	vld.idx.msk [tilespmem:v18+s24+$0x0], $0xffff;
	v9 =	vadd.f32 v9, v45;
	v26 =	vmul.f32 v26, v17;
	v63 =	vadd.f32 v61, v19  }
0xba: {  	v10 =	vadd.f32 v10, v11;
	v19 =	vmul.f32 v32, v0;
	v11 =	vmul.f32 v31, v3  }
0xbb: {  	v36 =	vld.idx.msk [tilespmem:v25+s25+$0x0], $0xffff;
	v59 =	vunpack.i.l.bf16.f32 v46;
	v60 =	vunpack.i.u.bf16.f32 v46;
	v62 =	vunpack.i.u.bf16.f32 v51  }
0xbc: {  	v46 =	vld.idx.msk [tilespmem:v24+s25+$0x0], $0xffff;
	v9 =	vadd.f32 v9, v12;
	v50 =	vadd.f32 v27, v26;
	v26 =	vmul.f32 v59, v1  }
0xbd: {  	v49 =	vadd.f32 v20, v21;
	v12 =	vld.idx.msk [tilespmem:v24+s24+$0x0], $0xffff;
	v27 =	vmul.f32 v60, v2;
	v33 =	vmul.f32 v62, v5  }
0xbe: {  	v11 =	vadd.f32 v19, v11;
	[tilespmem:$0x1FDE0] =	vst v9;
	v9 =	vadd.f32 v10, v63;
	v52 =	vunpack.i.u.bf16.f32 v44  }
0xbf: {  	v53 =	vunpack.i.l.bf16.f32 v44;
	v10 =	vunpack.i.l.bf16.f32 v51;
	v43 =	vadd.f32 v26, v27;
	v44 =	vld.idx.msk [tilespmem:v22+s25+$0x0], $0xffff  }
0xc0: {  	v51 =	vld.idx.msk [tilespmem:v18+s25+$0x0], $0xffff;
	v11 =	vadd.f32 v49, v11;
	v21 =	vmul.f32 v53, v0;
	v19 =	vmul.f32 v52, v3  }
0xc1: {  	v63 =	vld.idx.msk [tilespmem:v23+s25+$0x0], $0xffff;
	v10 =	vmul.f32 v10, v4;
	v49 =	vunpack.i.u.bf16.f32 v36;
	v52 =	vunpack.i.u.bf16.f32 v46  }
0xc2: {  	v53 =	vld.idx.msk [tilespmem:v8+s25+$0x0], $0xffff;
	v45 =	vunpack.i.u.bf16.f32 v12;
	v12 =	vunpack.i.l.bf16.f32 v12;
	v19 =	vadd.f32 v21, v19  }
0xc3: {  	v10 =	vadd.f32 v10, v33;
	v47 =	vmul.f32 v12, v4;
	v48 =	vmul.f32 v45, v5  }
0xc4: {  	v21 =	vmul.f32 v49, v2;
	v60 =	vmul.f32 v52, v5;
	v12 =	vld.idx.msk [tilespmem:v7+s24+$0x0], $0xffff;
	v45 =	vadd.f32 v43, v19  }
0xc5: {  	[tilespmem:$0x1FDF0] =	vst v9;
	v26 =	vunpack.i.u.bf16.f32 v44;
	v33 =	vunpack.i.u.bf16.f32 v51;
	v9 =	vadd.f32 v47, v48  }
0xc6: {  	v47 =	vunpack.i.l.bf16.f32 v63;
	v48 =	vunpack.i.l.bf16.f32 v36;
	v26 =	vmul.f32 v26, v17  }
0xc7: {  	v32 =	vld.idx.msk [tilespmem:v6+s25+$0x0], $0xffff;
	v36 =	vunpack.i.l.bf16.f32 v51;
	v43 =	vunpack.i.l.bf16.f32 v53;
	v19 =	vmul.f32 v47, v0  }
0xc8: {  	v20 =	vmul.f32 v48, v1;
	v47 =	vld.idx.msk [tilespmem:v23+s26+$0x0], $0xffff;
	v9 =	vadd.f32 v9, v50;
	v50 =	vunpack.i.l.bf16.f32 v44  }
0xc9: {  	v61 =	vunpack.i.l.bf16.f32 v12;
	v12 =	vunpack.i.u.bf16.f32 v12;
	v27 =	vmul.f32 v50, v16  }
0xca: {  	v44 =	vunpack.i.u.bf16.f32 v53;
	v28 =	vmul.f32 v61, v16;
	v12 =	vmul.f32 v12, v17  }
0xcb: {  	v62 =	vadd.f32 v20, v21;
	v21 =	vmul.f32 v36, v0;
	v9 =	vadd.f32 v9, v11;
	v61 =	vld.idx.msk [tilespmem:v7+s25+$0x0], $0xffff  }
0xcc: {  	v11 =	vunpack.i.l.bf16.f32 v46;
	v46 =	vunpack.i.u.bf16.f32 v32;
	v12 =	vadd.f32 v28, v12  }
0xcd: {  	v59 =	vmul.f32 v11, v4;
	v48 =	vmul.f32 v46, v5;
	v52 =	vunpack.i.u.bf16.f32 v47  }
0xce: {  	v50 =	vld.idx.msk [tilespmem:v22+s26+$0x0], $0xffff;
	v53 =	vunpack.i.l.bf16.f32 v47;
	v10 =	vadd.f32 v10, v12;
	v12 =	vunpack.i.u.bf16.f32 v63  }
0xcf: {  	v49 =	vld.idx.msk [tilespmem:v25+s26+$0x0], $0xffff;
	v63 =	vadd.f32 v27, v26;
	v26 =	vmul.f32 v43, v1;
	v27 =	vmul.f32 v44, v2  }
0xd0: {  	[tilespmem:$0x1FE00] =	vst v9;
	v12 =	vmul.f32 v12, v3;
	v11 =	vunpack.i.u.bf16.f32 v61;
	v9 =	vadd.f32 v10, v45  }
0xd1: {  	v45 =	vunpack.i.l.bf16.f32 v61;
	v11 =	vmul.f32 v11, v17;
	v10 =	vunpack.i.l.bf16.f32 v32  }
0xd2: {  	v23 =	vld.idx.msk [tilespmem:v23+s28+$0x0], $0xffff;
	v26 =	vadd.f32 v26, v27;
	v12 =	vadd.f32 v19, v12;
	v19 =	vmul.f32 v33, v3  }
0xd3: {  	v27 =	vunpack.i.u.bf16.f32 v50;
	v28 =	vmul.f32 v45, v16;
	v10 =	vmul.f32 v10, v4  }
0xd4: {  	v27 =	vmul.f32 v27, v17;
	[tilespmem:$0x1FE10] =	vst v9;
	v9 =	vadd.f32 v59, v60;
	v59 =	vunpack.i.l.bf16.f32 v49  }
0xd5: {  	v32 =	vld.idx.msk [tilespmem:v8+s26+$0x0], $0xffff;
	v60 =	vunpack.i.u.bf16.f32 v49;
	v12 =	vadd.f32 v62, v12;
	v19 =	vadd.f32 v21, v19  }
0xd6: {  	v11 =	vadd.f32 v28, v11;
	v10 =	vadd.f32 v10, v48;
	v61 =	vmul.f32 v59, v1  }
0xd7: {  	v62 =	vunpack.i.l.bf16.f32 v50;
	v59 =	vunpack.i.u.bf16.f32 v23;
	v23 =	vunpack.i.l.bf16.f32 v23  }
0xd8: {  	v25 =	vld.idx.msk [tilespmem:v25+s28+$0x0], $0xffff;
	v9 =	vadd.f32 v9, v63;
	v21 =	vmul.f32 v62, v16;
	v23 =	vmul.f32 v23, v0  }
0xd9: {  	v45 =	vld.idx.msk [tilespmem:v6+s26+$0x0], $0xffff;
	v51 =	vadd.f32 v26, v19;
	v10 =	vadd.f32 v10, v11;
	v19 =	vmul.f32 v53, v0  }
0xda: {  	v11 =	vmul.f32 v52, v3;
	v26 =	vmul.f32 v60, v2;
	v48 =	vunpack.i.u.bf16.f32 v32  }
0xdb: {  	v49 =	vunpack.i.l.bf16.f32 v32;
	v53 =	vmul.f32 $1.666666720e-01, v30;
	v60 =	vmul.f32 $5.235987900e-01, v30  }
0xdc: {  	v8 =	vld.idx.msk [tilespmem:v8+s28+$0x0], $0xffff;
	v9 =	vadd.f32 v9, v12;
	v27 =	vadd.f32 v21, v27;
	v29 =	vmul.f32 v49, v1  }
0xdd: {  	v63 =	vld.idx.msk [tilespmem:v18+s26+$0x0], $0xffff;
	v28 =	vmul.f32 v48, v2;
	v11 =	vadd.f32 v19, v11;
	v44 =	vadd.f32 v61, v26  }
0xde: {  	v26 =	vunpack.i.u.bf16.f32 v45;
	v61 =	vunpack.i.u.bf16.f32 v25;
	v25 =	vunpack.i.l.bf16.f32 v25  }
0xdf: {  	v12 =	vld.idx.msk [tilespmem:v24+s26+$0x0], $0xffff;
	v62 =	vmul.f32 v60, v60;
	[tilespmem:$0x1FE20] =	vst v9;
	v9 =	vadd.f32 v10, v51;
	v51 =	vunpack.i.l.bf16.f32 v45  }
0xe0: {  	v26 =	vmul.f32 v26, v5;
	v52 =	vadd.f32 v29, v28;
	v25 =	vmul.f32 v25, v1  }
0xe1: {  	v22 =	vld.idx.msk [tilespmem:v22+s28+$0x0], $0xffff;
	v29 =	vmul.f32 v61, v2;
	v45 =	vunpack.i.u.bf16.f32 v8;
	v8 =	vunpack.i.l.bf16.f32 v8  }
0xe2: {  	v46 =	vunpack.i.l.bf16.f32 v63;
	v32 =	vmul.f32 v51, v4;
	v33 =	vmul.f32 $2.480158760e-05, v62  }
0xe3: {  	v24 =	vld.idx.msk [tilespmem:v24+s28+$0x0], $0xffff;
	v11 =	vadd.f32 v44, v11;
	v1 =	vmul.f32 v8, v1;
	v2 =	vmul.f32 v45, v2  }
0xe4: {  	v10 =	vmul.f32 v46, v0;
	v31 =	vunpack.i.u.bf16.f32 v12;
	v12 =	vunpack.i.l.bf16.f32 v12  }
0xe5: {  	v47 =	vunpack.i.u.bf16.f32 v63;
	v36 =	vmul.f32 v12, v4;
	v43 =	vmul.f32 v31, v5  }
0xe6: {  	v19 =	vmul.f32 v47, v3;
	v47 =	vunpack.i.u.bf16.f32 v22;
	v22 =	vunpack.i.l.bf16.f32 v22  }
0xe7: {  	[tilespmem:$0x1FE30] =	vst v9;
	v26 =	vadd.f32 v32, v26;
	v22 =	vmul.f32 v22, v16;
	v9 =	vadd.f32 v36, v43  }
0xe8: {  	v18 =	vld.idx.msk [tilespmem:v18+s28+$0x0], $0xffff;
	v48 =	vmul.f32 v47, v17;
	v49 =	vunpack.i.u.bf16.f32 v24;
	v33 =	vadd.f32 $-1.388888920e-03, v33  }
0xe9: {  	v24 =	vunpack.i.l.bf16.f32 v24;
	v12 =	vld.idx.msk [tilespmem:v7+s26+$0x0], $0xffff;
	v9 =	vadd.f32 v9, v27;
	v27 =	vadd.f32 $-1.000000000e+00, v53  }
0xea: {  	v10 =	vadd.f32 v10, v19;
	v24 =	vmul.f32 v24, v4;
	v32 =	vmul.f32 v49, v5  }
0xeb: {  	v19 =	vmul.f32 v59, v3;
	v22 =	vadd.f32 v22, v48;
	v46 =	vadd.f32 v27, v27  }
0xec: {  	v47 =	vld [tilespmem:s18+$0xFFFFFFF0];
	v51 =	vmul.f32 v33, v62;
	v10 =	vadd.f32 v52, v10;
	v24 =	vadd.f32 v24, v32  }
0xed: {  	v48 =	vld [tilespmem:s13+$0xFFFFFFF0];
	v19 =	vadd.f32 v23, v19;
	v43 =	vunpack.i.u.bf16.f32 v18;
	v27 =	vmul.f32 v46, v27  }
0xee: {  	v7 =	vld.idx.msk [tilespmem:v7+s28+$0x0], $0xffff;
	v3 =	vmul.f32 v43, v3;
	v22 =	vadd.f32 v24, v22;
	v50 =	vunpack.i.l.bf16.f32 v12  }
0xef: {  	v12 =	vunpack.i.u.bf16.f32 v12;
	v31 =	vmul.f32 v50, v16;
	v27 =	vadd.f32 $-1.000000000e+00, v27  }
0xf0: {  	v6 =	vld.idx.msk [tilespmem:v6+s28+$0x0], $0xffff;
	v12 =	vmul.f32 v12, v17;
	v50 =	vadd.f32 v25, v29;
	v25 =	vadd.f32 $4.166666790e-02, v51  }
0xf1: {  	v60 =	vshll.u32 v47, $0x8;
	v9 =	vadd.f32 v9, v11;
	v52 =	vadd.f32 v27, v27  }
0xf2: {  	v61 =	vshll.u32 v48, $0x6;
	v12 =	vadd.f32 v31, v12;
	v23 =	vmul.f32 v25, v62  }
0xf3: {  	v46 =	vunpack.i.u.bf16.f32 v7;
	v7 =	vunpack.i.l.bf16.f32 v7;
	v63 =	vmul.f32 v52, v27  }
0xf4: {  	v19 =	vadd.f32 v50, v19;
	[tilespmem:$0x1FE40] =	vst v9;
	v7 =	vmul.f32 v7, v16;
	v9 =	vadd.f32 $-5.000000000e-01, v23  }
0xf5: {  	v8 =	vmul.f32 v46, v17;
	v16 =	vunpack.i.u.bf16.f32 v6;
	v24 =	vadd.f32 $-1.000000000e+00, v63  }
0xf6: {  	v6 =	vunpack.i.l.bf16.f32 v6;
	v12 =	vadd.f32 v26, v12;
	v9 =	vmul.f32 v9, v62  }
0xf7: {  	v36 =	vadd.f32 v22, v19;
	v4 =	vmul.f32 v6, v4;
	v44 =	vmul.f32 v24, v52  }
0xf8: {  	v10 =	vadd.f32 v12, v10;
	v12 =	vunpack.i.l.bf16.f32 v18;
	v9 =	vadd.f32 $1.000000000e+00, v9  }
0xf9: {  	v5 =	vmul.f32 v16, v5;
	v0 =	vmul.f32 v12, v0;
	v12 =	vsub.f32 v44, v27  }
0xfa: {  	v16 =	vadd.f32 v1, v2;
	v18 =	vadd.f32 v7, v8;
	v9 =	vmul.f32 $5.000000000e-01, v9  }
0xfb: {  	v26 =	vadd.f32 $1.000000000e+00, v27;
	[tilespmem:$0x1FE50] =	vst v10;
	v10 =	vadd.s32 v60, v61;
	v49 =	vmul.f32 v12, v52  }
0xfc: {  	v30 =	vadd.f32 v4, v5;
	v25 =	vadd.s32 v56, v10;
	v53 =	vadd.f32 $5.000000000e-01, v9  }
0xfd: {  	v50 =	vadd.f32 v0, v3;
	v1 =	vand.u32 $0xFFFFFFC8, v25;
	v17 =	vsub.f32 v49, v24  }
0xfe: {  	[tilespmem:$0x1FE60] =	vst v36;
	v47 =	vadd.s32 v54, v10;
	v36 =	vor.u32 v15, v1;
	v0 =	vnsel vm13, $0x0, v53  }
0xff: {  	v44 =	vadd.s32 v42, v10;
	v63 =	vmul.f32 $5.000000000e-01, v0;
	v59 =	vmul.f32 v17, v52  }
0x100: {  	v32 =	vadd.f32 $1.000000000e+00, v24;
	v3 =	vand.u32 $0xFFFFFFD8, v44;
	v45 =	vadd.f32 $1.000000000e+00, v12  }
0x101: {  	v2 =	vmul.f32 v63, v26;
	v26 =	vor.u32 v40, v3;
	v62 =	vsub.f32 v59, v12  }
0x102: {  	v60 =	vadd.s32 v34, v10;
	v1 =	vmul.f32 v63, v32;
	v48 =	vadd.f32 $1.000000000e+00, v17  }
0x103: {  	v11 =	vand.u32 $0xFFFFFFD8, v47;
	v3 =	vmul.f32 v63, v45;
	v27 =	vmul.f32 v62, v52  }
0x104: {  	v12 =	vadd.s32 v35, v10;
	v22 =	vmul.f32 v63, v48;
	v59 =	vadd.s32 v57, v10  }
0x105: {  	v49 =	vand.u32 $0xFFFFFFD8, v12;
	v12 =	vadd.s32 v14, v10;
	v43 =	vsub.f32 v27, v17;
	v17 =	vld.idx.msk [tilespmem:v36+s16+$0x0], $0xffff  }
0x106: {  	v10 =	vadd.s32 v13, v10;
	v27 =	vor.u32 v39, v11;
	v11 =	vadd.f32 v16, v50;
	v50 =	vld.idx.msk [tilespmem:v26+s16+$0x0], $0xffff  }
0x107: {  	v7 =	vand.u32 $0xFFFFFFD8, v59;
	v9 =	vadd.f32 $1.000000000e+00, v62;
	v25 =	vor.u32 v55, v49  }
0x108: {  	v46 =	vmul.f32 v43, v52;
	v52 =	vmovc v39;
	v5 =	vadd.f32 $1.000000000e+00, v43;
	v39 =	vand.u32 $0xFFFFFFD8, v60  }
0x109: {  	v10 =	vand.u32 $0xFFFFFFD8, v10;
	v23 =	vmul.f32 v9, v63;
	v24 =	vor.u32 v41, v39  }
0x10a: {  	v53 =	vmovc v41;
	v41 =	vand.u32 $0xFFFFFFD8, v12;
	v8 =	vsub.f32 v46, v62;
	v4 =	vmul.f32 v5, v63  }
0x10b: {  	v61 =	vunpack.i.l.bf16.f32 v17;
	v16 =	vld.idx.msk [tilespmem:v27+s16+$0x0], $0xffff;
	v17 =	vunpack.i.u.bf16.f32 v17;
	v40 =	vunpack.i.l.bf16.f32 v50  }
0x10c: {  	v6 =	vunpack.i.u.bf16.f32 v50;
	v8 =	vadd.f32 $1.000000000e+00, v8;
	v62 =	vmul.f32 v0, v61  }
0x10d: {  	v17 =	vmul.f32 v2, v17;
	v12 =	vmul.f32 v3, v6;
	v6 =	vor.u32 v38, v10  }
0x10e: {  	v9 =	vmul.f32 v1, v40;
	v5 =	vmul.f32 v8, v63;
	v63 =	vld.idx.msk [tilespmem:v25+s16+$0x0], $0xffff;
	v8 =	vor.u32 v58, v7  }
0x10f: {  	v18 =	vadd.f32 v30, v18;
	v7 =	vor.u32 v37, v41;
	v47 =	vld.idx.msk [tilespmem:v24+s16+$0x0], $0xffff;
	v17 =	vadd.f32 v17, v62  }
0x110: {  	v20 =	vmovc v42;
	v39 =	vld.idx.msk [tilespmem:v27+s21+$0x0], $0xffff;
	v9 =	vadd.f32 v12, v9;
	v42 =	vunpack.i.l.bf16.f32 v16;
	v16 =	vunpack.i.u.bf16.f32 v16  }
0x111: {  	v61 =	vld.idx.msk [tilespmem:v36+s21+$0x0], $0xffff;
	v43 =	vmul.f32 v22, v42;
	v44 =	vmul.f32 v23, v16  }
0x112: {  	v11 =	vadd.f32 v18, v11;
	v9 =	vadd.f32 v9, v17;
	v48 =	vld.idx.msk [tilespmem:v6+s16+$0x0], $0xffff  }
0x113: {  	v16 =	vunpack.i.u.bf16.f32 v63;
	v32 =	vunpack.i.l.bf16.f32 v63;
	v45 =	vld.idx.msk [tilespmem:v8+s16+$0x0], $0xffff;
	v10 =	vadd.f32 v44, v43  }
0x114: {  	v12 =	vld.idx.msk [tilespmem:v7+s16+$0x0], $0xffff;
	v49 =	vunpack.i.l.bf16.f32 v47;
	v50 =	vunpack.i.u.bf16.f32 v47;
	v46 =	vmul.f32 v4, v32  }
0x115: {  	v63 =	vld.idx.msk [tilespmem:v26+s21+$0x0], $0xffff;
	v44 =	vunpack.i.l.bf16.f32 v39;
	v16 =	vmul.f32 v5, v16;
	v18 =	vmul.f32 v49, v1  }
0x116: {  	v21 =	vmovc v34;
	v41 =	vunpack.i.l.bf16.f32 v61;
	v60 =	vmul.f32 v50, v3;
	v34 =	vmul.f32 v44, v22  }
0x117: {  	[tilespmem:$0x1FE70] =	vst v11;
	v40 =	vld.idx.msk [tilespmem:v25+s21+$0x0], $0xffff;
	v16 =	vadd.f32 v16, v46;
	v62 =	vunpack.i.u.bf16.f32 v48;
	v11 =	vunpack.i.l.bf16.f32 v48  }
0x118: {  	v51 =	vmovc v38;
	v31 =	vmul.f32 v11, v4;
	v38 =	vmul.f32 v62, v5;
	v11 =	vunpack.i.u.bf16.f32 v39  }
0x119: {  	v10 =	vadd.f32 v16, v10;
	v16 =	vunpack.i.u.bf16.f32 v45;
	v17 =	vunpack.i.l.bf16.f32 v45  }
0x11a: {  	v47 =	vld.idx.msk [tilespmem:v24+s21+$0x0], $0xffff;
	v59 =	vunpack.i.l.bf16.f32 v12;
	v12 =	vunpack.i.u.bf16.f32 v12;
	v42 =	vunpack.i.l.bf16.f32 v63  }
0x11b: {  	v46 =	vld.idx.msk [tilespmem:v8+s21+$0x0], $0xffff;
	v43 =	vunpack.i.u.bf16.f32 v63;
	v11 =	vmul.f32 v11, v23;
	v17 =	vmul.f32 v17, v0  }
0x11c: {  	v62 =	vld.idx.msk [tilespmem:v36+s22+$0x0], $0xffff;
	v45 =	vunpack.i.u.bf16.f32 v40;
	v16 =	vmul.f32 v16, v2;
	v32 =	vmul.f32 v59, v22  }
0x11d: {  	v12 =	vmul.f32 v12, v23;
	v33 =	vmul.f32 v43, v3;
	v9 =	vadd.f32 v10, v9  }
0x11e: {  	v49 =	vld.idx.msk [tilespmem:v7+s21+$0x0], $0xffff;
	v10 =	vunpack.i.l.bf16.f32 v40;
	v11 =	vadd.f32 v34, v11;
	v16 =	vadd.f32 v17, v16  }
0x11f: {  	v17 =	vadd.f32 v18, v60;
	v12 =	vadd.f32 v32, v12;
	v18 =	vmul.f32 v41, v0  }
0x120: {  	v40 =	vld.idx.msk [tilespmem:v25+s22+$0x0], $0xffff;
	v32 =	vmul.f32 v42, v1;
	v10 =	vmul.f32 v10, v4;
	v59 =	vunpack.i.u.bf16.f32 v46  }
0x121: {  	v60 =	vunpack.i.u.bf16.f32 v47;
	[tilespmem:$0x1FE80] =	vst v9;
	v9 =	vadd.f32 v31, v38;
	v41 =	vunpack.i.l.bf16.f32 v62  }
0x122: {  	v31 =	vld.idx.msk [tilespmem:v26+s22+$0x0], $0xffff;
	v16 =	vadd.f32 v17, v16;
	v17 =	vunpack.i.u.bf16.f32 v61;
	v48 =	vadd.f32 v32, v33  }
0x123: {  	v61 =	vunpack.i.l.bf16.f32 v49;
	v33 =	vunpack.i.u.bf16.f32 v49;
	v17 =	vmul.f32 v17, v2  }
0x124: {  	v9 =	vadd.f32 v9, v12;
	v12 =	vmul.f32 v45, v5;
	v34 =	vmul.f32 v61, v22  }
0x125: {  	v49 =	vld.idx.msk [tilespmem:v7+s22+$0x0], $0xffff;
	v63 =	vmul.f32 v33, v23;
	v45 =	vunpack.i.u.bf16.f32 v40;
	v17 =	vadd.f32 v18, v17  }
0x126: {  	v10 =	vadd.f32 v10, v12;
	v9 =	vadd.f32 v9, v16;
	v12 =	vld.idx.msk [tilespmem:v6+s21+$0x0], $0xffff;
	v16 =	vunpack.i.l.bf16.f32 v46  }
0x127: {  	v18 =	vmul.f32 v60, v3;
	v16 =	vmul.f32 v16, v0;
	v42 =	vunpack.i.l.bf16.f32 v31  }
0x128: {  	v43 =	vunpack.i.u.bf16.f32 v31;
	v50 =	vadd.f32 v48, v17;
	v10 =	vadd.f32 v10, v11  }
0x129: {  	v28 =	vmovc v35;
	v11 =	vmul.f32 v59, v2;
	v17 =	vunpack.i.l.bf16.f32 v47;
	v35 =	vmul.f32 v43, v3  }
0x12a: {  	[tilespmem:$0x1FE90] =	vst v9;
	v61 =	vunpack.i.l.bf16.f32 v49;
	v17 =	vmul.f32 v17, v1;
	v9 =	vadd.f32 v10, v50  }
0x12b: {  	v59 =	vld.idx.msk [tilespmem:v6+s22+$0x0], $0xffff;
	v11 =	vadd.f32 v16, v11;
	v10 =	vunpack.i.l.bf16.f32 v40;
	v30 =	vunpack.i.u.bf16.f32 v12  }
0x12c: {  	v47 =	vld.idx.msk [tilespmem:v24+s22+$0x0], $0xffff;
	v12 =	vunpack.i.l.bf16.f32 v12;
	v16 =	vadd.f32 v17, v18;
	v18 =	vmul.f32 v41, v0  }
0x12d: {  	v31 =	vld.idx.msk [tilespmem:v26+s23+$0x0], $0xffff;
	v17 =	vadd.f32 v34, v63;
	v34 =	vmul.f32 v42, v1;
	v10 =	vmul.f32 v10, v4  }
0x12e: {  	v33 =	vmul.f32 v12, v4;
	v38 =	vmul.f32 v30, v5;
	v12 =	vld.idx.msk [tilespmem:v27+s22+$0x0], $0xffff;
	v11 =	vadd.f32 v16, v11  }
0x12f: {  	v16 =	vunpack.i.u.bf16.f32 v62;
	v48 =	vadd.f32 v34, v35;
	v35 =	vunpack.i.u.bf16.f32 v49  }
0x130: {  	[tilespmem:$0x1FEA0] =	vst v9;
	v30 =	vunpack.i.u.bf16.f32 v59;
	v9 =	vadd.f32 v33, v38;
	v16 =	vmul.f32 v16, v2  }
0x131: {  	v46 =	vld.idx.msk [tilespmem:v8+s22+$0x0], $0xffff;
	v60 =	vunpack.i.u.bf16.f32 v47;
	v63 =	vmul.f32 v35, v23;
	v33 =	vmul.f32 v30, v5  }
0x132: {  	v62 =	vld.idx.msk [tilespmem:v36+s23+$0x0], $0xffff;
	v9 =	vadd.f32 v9, v17;
	v17 =	vmul.f32 v45, v5;
	v16 =	vadd.f32 v18, v16  }
0x133: {  	v34 =	vld.idx.msk [tilespmem:v27+s23+$0x0], $0xffff;
	v18 =	vmul.f32 v60, v3;
	v45 =	vunpack.i.u.bf16.f32 v31;
	v44 =	vunpack.i.l.bf16.f32 v12  }
0x134: {  	v29 =	vmovc v37;
	v35 =	vld.idx.msk [tilespmem:v25+s23+$0x0], $0xffff;
	v12 =	vunpack.i.u.bf16.f32 v12;
	v38 =	vmul.f32 v45, v3;
	v37 =	vmul.f32 v44, v22  }
0x135: {  	v12 =	vmul.f32 v12, v23;
	v10 =	vadd.f32 v10, v17;
	v9 =	vadd.f32 v9, v11  }
0x136: {  	v50 =	vadd.f32 v48, v16;
	v16 =	vunpack.i.l.bf16.f32 v46;
	v17 =	vunpack.i.l.bf16.f32 v47  }
0x137: {  	v49 =	vld.idx.msk [tilespmem:v24+s23+$0x0], $0xffff;
	v11 =	vunpack.i.l.bf16.f32 v59;
	v43 =	vunpack.i.l.bf16.f32 v62;
	v44 =	vunpack.i.l.bf16.f32 v31  }
0x138: {  	v16 =	vmul.f32 v16, v0;
	v17 =	vmul.f32 v17, v1;
	v12 =	vadd.f32 v37, v12  }
0x139: {  	v32 =	vmul.f32 v11, v4;
	v11 =	vunpack.i.u.bf16.f32 v34;
	v47 =	vunpack.i.u.bf16.f32 v35  }
0x13a: {  	v37 =	vmul.f32 v61, v22;
	v10 =	vadd.f32 v10, v12;
	v12 =	vunpack.i.u.bf16.f32 v46  }
0x13b: {  	v48 =	vld.idx.msk [tilespmem:v8+s23+$0x0], $0xffff;
	v11 =	vmul.f32 v11, v23;
	v46 =	vunpack.i.l.bf16.f32 v34;
	v12 =	vmul.f32 v12, v2  }
0x13c: {  	[tilespmem:$0x1FEB0] =	vst v9;
	v61 =	vunpack.i.u.bf16.f32 v49;
	v39 =	vmul.f32 v46, v22;
	v9 =	vadd.f32 v10, v50  }
0x13d: {  	v10 =	vunpack.i.l.bf16.f32 v35;
	v50 =	vld.idx.msk [tilespmem:v7+s23+$0x0], $0xffff;
	v12 =	vadd.f32 v16, v12;
	v16 =	vadd.f32 v17, v18  }
0x13e: {  	v17 =	vadd.f32 v37, v63;
	v18 =	vmul.f32 v43, v0;
	v37 =	vmul.f32 v44, v1  }
0x13f: {  	v43 =	vld.idx.msk [tilespmem:v26+s24+$0x0], $0xffff;
	[tilespmem:$0x1FEC0] =	vst v9;
	v9 =	vadd.f32 v32, v33;
	v12 =	vadd.f32 v16, v12;
	v16 =	vunpack.i.u.bf16.f32 v62  }
0x140: {  	v60 =	vunpack.i.u.bf16.f32 v48;
	v10 =	vmul.f32 v10, v4;
	v16 =	vmul.f32 v16, v2  }
0x141: {  	v11 =	vadd.f32 v39, v11;
	v9 =	vadd.f32 v9, v17;
	v17 =	vmul.f32 v47, v5  }
0x142: {  	v37 =	vadd.f32 v37, v38;
	v38 =	vunpack.i.u.bf16.f32 v50;
	v16 =	vadd.f32 v18, v16  }
0x143: {  	v35 =	vld.idx.msk [tilespmem:v25+s24+$0x0], $0xffff;
	v10 =	vadd.f32 v10, v17;
	v9 =	vadd.f32 v9, v12;
	v17 =	vunpack.i.l.bf16.f32 v49  }
0x144: {  	v38 =	vmul.f32 v38, v23;
	v46 =	vunpack.i.l.bf16.f32 v43;
	v47 =	vunpack.i.u.bf16.f32 v43  }
0x145: {  	v12 =	vld.idx.msk [tilespmem:v6+s23+$0x0], $0xffff;
	v62 =	vmul.f32 v17, v1;
	v17 =	vunpack.i.l.bf16.f32 v50;
	v39 =	vmul.f32 v46, v1  }
0x146: {  	v40 =	vmul.f32 v47, v3;
	v59 =	vadd.f32 v37, v16;
	v10 =	vadd.f32 v10, v11  }
0x147: {  	v30 =	vld.idx.msk [tilespmem:v36+s24+$0x0], $0xffff;
	v16 =	vunpack.i.l.bf16.f32 v48;
	v11 =	vmul.f32 v60, v2;
	v63 =	vmul.f32 v17, v22  }
0x148: {  	v49 =	vunpack.i.u.bf16.f32 v35;
	v37 =	vmul.f32 v61, v3;
	v16 =	vmul.f32 v16, v0  }
0x149: {  	[tilespmem:$0x1FED0] =	vst v9;
	v60 =	vld.idx.msk [tilespmem:v24+s24+$0x0], $0xffff;
	v9 =	vadd.f32 v10, v59;
	v34 =	vadd.f32 v63, v38;
	v10 =	vunpack.i.l.bf16.f32 v35  }
0x14a: {  	v61 =	vld.idx.msk [tilespmem:v7+s24+$0x0], $0xffff;
	v59 =	vmul.f32 v49, v5;
	v31 =	vunpack.i.u.bf16.f32 v12;
	v12 =	vunpack.i.l.bf16.f32 v12  }
0x14b: {  	v63 =	vld.idx.msk [tilespmem:v6+s24+$0x0], $0xffff;
	v11 =	vadd.f32 v16, v11;
	v16 =	vadd.f32 v62, v37;
	v10 =	vmul.f32 v10, v4  }
0x14c: {  	v45 =	vunpack.i.l.bf16.f32 v30;
	v32 =	vmul.f32 v12, v4;
	v33 =	vmul.f32 v31, v5;
	v12 =	vld.idx.msk [tilespmem:v27+s24+$0x0], $0xffff  }
0x14d: {  	v18 =	vld.idx.msk [tilespmem:v8+s25+$0x0], $0xffff;
	v39 =	vadd.f32 v39, v40;
	v38 =	vmul.f32 v45, v0;
	v11 =	vadd.f32 v16, v11  }
0x14e: {  	[tilespmem:$0x1FEE0] =	vst v9;
	v16 =	vunpack.i.u.bf16.f32 v30;
	v10 =	vadd.f32 v10, v59;
	v9 =	vadd.f32 v32, v33  }
0x14f: {  	v50 =	vld.idx.msk [tilespmem:v8+s24+$0x0], $0xffff;
	v31 =	vunpack.i.u.bf16.f32 v60;
	v40 =	vunpack.i.u.bf16.f32 v61;
	v16 =	vmul.f32 v16, v2  }
0x150: {  	v47 =	vld.idx.msk [tilespmem:v27+s25+$0x0], $0xffff;
	v40 =	vmul.f32 v40, v23;
	v44 =	vunpack.i.u.bf16.f32 v63;
	v9 =	vadd.f32 v9, v34  }
0x151: {  	v16 =	vadd.f32 v38, v16;
	v46 =	vmul.f32 v44, v5;
	v48 =	vunpack.i.l.bf16.f32 v12  }
0x152: {  	v44 =	vunpack.i.u.bf16.f32 v18;
	v12 =	vunpack.i.u.bf16.f32 v12;
	v41 =	vmul.f32 v48, v22  }
0x153: {  	v45 =	vld.idx.msk [tilespmem:v26+s25+$0x0], $0xffff;
	v12 =	vmul.f32 v12, v23;
	v9 =	vadd.f32 v9, v11;
	v62 =	vadd.f32 v39, v16  }
0x154: {  	v34 =	vld.idx.msk [tilespmem:v36+s25+$0x0], $0xffff;
	v16 =	vunpack.i.l.bf16.f32 v50;
	v39 =	vmul.f32 v31, v3;
	v11 =	vunpack.i.l.bf16.f32 v63  }
0x155: {  	v63 =	vunpack.i.l.bf16.f32 v47;
	v30 =	vmul.f32 v16, v0;
	v16 =	vunpack.i.l.bf16.f32 v60  }
0x156: {  	v35 =	vmul.f32 v11, v4;
	v11 =	vunpack.i.u.bf16.f32 v47;
	v43 =	vmul.f32 v63, v22  }
0x157: {  	v12 =	vadd.f32 v41, v12;
	v32 =	vmul.f32 v16, v1;
	v16 =	vunpack.i.l.bf16.f32 v61  }
0x158: {  	v61 =	vunpack.i.l.bf16.f32 v45;
	v11 =	vmul.f32 v11, v23;
	v33 =	vmul.f32 v16, v22  }
0x159: {  	[tilespmem:$0x1FEF0] =	vst v9;
	v9 =	vadd.f32 v35, v46;
	v59 =	vunpack.i.u.bf16.f32 v34;
	v60 =	vunpack.i.l.bf16.f32 v34;
	v34 =	vld.idx.msk [tilespmem:v7+s25+$0x0], $0xffff  }
0x15a: {  	v41 =	vmul.f32 v61, v1;
	v35 =	vld.idx.msk [tilespmem:v6+s25+$0x0], $0xffff;
	v10 =	vadd.f32 v10, v12;
	v12 =	vunpack.i.u.bf16.f32 v50  }
0x15b: {  	v48 =	vadd.f32 v32, v39;
	v50 =	vld.idx.msk [tilespmem:v25+s25+$0x0], $0xffff;
	v37 =	vmul.f32 v59, v2;
	v12 =	vmul.f32 v12, v2  }
0x15c: {  	v32 =	vld.idx.msk [tilespmem:v24+s25+$0x0], $0xffff;
	v11 =	vadd.f32 v43, v11;
	v49 =	vadd.f32 v33, v40;
	v40 =	vmul.f32 v60, v0  }
0x15d: {  	v38 =	vadd.f32 v10, v62;
	v62 =	vunpack.i.u.bf16.f32 v45;
	v12 =	vadd.f32 v30, v12  }
0x15e: {  	v42 =	vmul.f32 v62, v3;
	v9 =	vadd.f32 v9, v49;
	v37 =	vadd.f32 v40, v37  }
0x15f: {  	v49 =	vunpack.i.l.bf16.f32 v34;
	v39 =	vunpack.i.u.bf16.f32 v35;
	v12 =	vadd.f32 v48, v12  }
0x160: {  	v30 =	vunpack.i.u.bf16.f32 v50;
	v10 =	vunpack.i.l.bf16.f32 v50;
	v33 =	vadd.f32 v41, v42  }
0x161: {  	v59 =	vld.idx.msk [tilespmem:v25+s26+$0x0], $0xffff;
	v46 =	vunpack.i.u.bf16.f32 v32;
	v47 =	vunpack.i.l.bf16.f32 v32;
	v39 =	vmul.f32 v39, v5  }
0x162: {  	v48 =	vld.idx.msk [tilespmem:v36+s26+$0x0], $0xffff;
	v42 =	vunpack.i.u.bf16.f32 v34;
	v10 =	vmul.f32 v10, v4;
	v31 =	vmul.f32 v30, v5  }
0x163: {  	v50 =	vld.idx.msk [tilespmem:v26+s26+$0x0], $0xffff;
	v40 =	vmul.f32 v47, v1;
	v42 =	vmul.f32 v42, v23;
	v41 =	vadd.f32 v9, v12  }
0x164: {  	v47 =	vld.idx.msk [tilespmem:v27+s26+$0x0], $0xffff;
	v9 =	vadd.f32 v33, v37;
	v12 =	vunpack.i.l.bf16.f32 v18;
	v10 =	vadd.f32 v10, v31  }
0x165: {  	v37 =	vmul.f32 v46, v3;
	v46 =	vunpack.i.l.bf16.f32 v35;
	v12 =	vmul.f32 v12, v0  }
0x166: {  	v46 =	vmul.f32 v46, v4;
	v10 =	vadd.f32 v10, v11;
	v11 =	vmul.f32 v44, v2  }
0x167: {  	v18 =	vld.idx.msk [tilespmem:v8+s26+$0x0], $0xffff;
	v44 =	vmul.f32 v49, v22;
	v61 =	vunpack.i.u.bf16.f32 v48;
	v43 =	vunpack.i.l.bf16.f32 v48  }
0x168: {  	v33 =	vld.idx.msk [tilespmem:v7+s26+$0x0], $0xffff;
	v62 =	vunpack.i.l.bf16.f32 v50;
	v45 =	vunpack.i.u.bf16.f32 v50;
	v49 =	vunpack.i.u.bf16.f32 v59  }
0x169: {  	v35 =	vld.idx.msk [tilespmem:v6+s26+$0x0], $0xffff;
	v39 =	vadd.f32 v46, v39;
	v43 =	vmul.f32 v43, v0;
	v48 =	vunpack.i.l.bf16.f32 v47  }
0x16a: {  	v45 =	vmul.f32 v45, v3;
	v47 =	vunpack.i.u.bf16.f32 v47;
	v63 =	vmul.f32 v49, v5  }
0x16b: {  	v11 =	vadd.f32 v12, v11;
	v60 =	vadd.f32 v44, v42;
	v42 =	vmul.f32 v61, v2  }
0x16c: {  	v12 =	vadd.f32 v40, v37;
	v44 =	vmul.f32 v62, v1;
	v48 =	vmul.f32 v48, v22  }
0x16d: {  	v32 =	vld.idx.msk [tilespmem:v24+s26+$0x0], $0xffff;
	v47 =	vmul.f32 v47, v23;
	v37 =	vunpack.i.l.bf16.f32 v59;
	v50 =	vunpack.i.u.bf16.f32 v18  }
0x16e: {  	v61 =	vunpack.i.l.bf16.f32 v33;
	v62 =	vunpack.i.l.bf16.f32 v35;
	v46 =	vunpack.i.u.bf16.f32 v35  }
0x16f: {  	v26 =	vld.idx.msk [tilespmem:v26+s28+$0x0], $0xffff;
	v37 =	vmul.f32 v37, v4;
	v42 =	vadd.f32 v43, v42;
	v30 =	vadd.f32 v44, v45  }
0x170: {  	v40 =	vmul.f32 v61, v22;
	v31 =	vadd.f32 v48, v47;
	v11 =	vadd.f32 v12, v11  }
0x171: {  	v46 =	vmul.f32 v46, v5;
	v12 =	vadd.f32 v39, v60;
	v44 =	vadd.f32 v10, v9  }
0x172: {  	v48 =	vunpack.i.l.bf16.f32 v18;
	v10 =	vmul.f32 v50, v2;
	v60 =	vunpack.i.l.bf16.f32 v32  }
0x173: {  	v39 =	vunpack.i.u.bf16.f32 v33;
	v45 =	vmul.f32 v62, v4;
	v37 =	vadd.f32 v37, v63  }
0x174: {  	v59 =	vld.idx.msk [tilespmem:v36+s28+$0x0], $0xffff;
	v33 =	vunpack.i.l.bf16.f32 v26;
	v9 =	vmul.f32 v48, v0;
	v34 =	vadd.f32 v30, v42  }
0x175: {  	v25 =	vld.idx.msk [tilespmem:v25+s28+$0x0], $0xffff;
	v43 =	vadd.f32 v12, v11;
	v12 =	vunpack.i.u.bf16.f32 v32;
	v37 =	vadd.f32 v37, v31  }
0x176: {  	v26 =	vunpack.i.u.bf16.f32 v26;
	v36 =	vmul.f32 v60, v1;
	v12 =	vmul.f32 v12, v3  }
0x177: {  	v39 =	vmul.f32 v39, v23;
	v47 =	vmul.f32 v33, v1;
	v42 =	vadd.f32 v37, v34;
	v37 =	vld [tilespmem:s14+$0x0]  }
0x178: {  	v26 =	vmul.f32 v26, v3;
	v45 =	vadd.f32 v45, v46;
	v63 =	vadd.f32 v36, v12;
	v12 =	vld.idx.msk [tilespmem:v27+s28+$0x0], $0xffff  }
0x179: {  	v9 =	vadd.f32 v9, v10;
	v30 =	vunpack.i.l.bf16.f32 v59;
	v11 =	vunpack.i.u.bf16.f32 v59  }
0x17a: {  	v59 =	vunpack.i.u.bf16.f32 v25;
	v25 =	vunpack.i.l.bf16.f32 v25;
	v11 =	vmul.f32 v11, v2  }
0x17b: {  	v18 =	vadd.f32 v40, v39;
	v25 =	vmul.f32 v25, v4;
	v46 =	vmul.f32 v59, v5  }
0x17c: {  	v26 =	vadd.f32 v47, v26;
	v31 =	vmul.f32 $1.666666720e-01, v37;
	v32 =	vmul.f32 $5.235987900e-01, v37  }
0x17d: {  	v36 =	vmul.f32 v30, v0;
	v62 =	vadd.f32 v45, v18;
	v34 =	vunpack.i.l.bf16.f32 v12  }
0x17e: {  	v12 =	vunpack.i.u.bf16.f32 v12;
	v39 =	vadd.f32 $-1.000000000e+00, v31;
	v40 =	vmul.f32 v32, v32  }
0x17f: {  	v24 =	vld.idx.msk [tilespmem:v24+s28+$0x0], $0xffff;
	v25 =	vadd.f32 v25, v46;
	v48 =	vmul.f32 v34, v22;
	v12 =	vmul.f32 v12, v23  }
0x180: {  	v8 =	vld.idx.msk [tilespmem:v8+s28+$0x0], $0xffff;
	v11 =	vadd.f32 v36, v11;
	v35 =	vadd.f32 v39, v39;
	v50 =	vmul.f32 $2.480158760e-05, v40  }
0x181: {  	v9 =	vadd.f32 v63, v9;
	v12 =	vadd.f32 v48, v12  }
0x182: {  	v11 =	vadd.f32 v26, v11;
	v39 =	vmul.f32 v35, v39;
	v60 =	vadd.f32 $-1.388888920e-03, v50  }
0x183: {  	v6 =	vld.idx.msk [tilespmem:v6+s28+$0x0], $0xffff;
	v46 =	vadd.f32 v62, v9;
	v12 =	vadd.f32 v25, v12  }
0x184: {  	v7 =	vld.idx.msk [tilespmem:v7+s28+$0x0], $0xffff;
	v34 =	vunpack.i.l.bf16.f32 v24;
	v39 =	vadd.f32 $-1.000000000e+00, v39;
	v61 =	vmul.f32 v60, v40  }
0x185: {  	v31 =	vunpack.i.l.bf16.f32 v8;
	v1 =	vmul.f32 v34, v1;
	v45 =	vadd.f32 v12, v11  }
0x186: {  	v49 =	vld [tilespmem:s13+$0x0];
	v12 =	vunpack.i.u.bf16.f32 v24;
	v47 =	vadd.f32 v39, v39;
	v36 =	vadd.f32 $4.166666790e-02, v61  }
0x187: {  	v8 =	vunpack.i.u.bf16.f32 v8;
	v0 =	vmul.f32 v31, v0;
	v3 =	vmul.f32 v12, v3  }
0x188: {  	v48 =	vunpack.i.l.bf16.f32 v6;
	v12 =	vld [tilespmem:s18+$0x0];
	v63 =	vmul.f32 v47, v39;
	v18 =	vmul.f32 v36, v40  }
0x189: {  	v2 =	vmul.f32 v8, v2;
	v4 =	vmul.f32 v48, v4;
	v36 =	vunpack.i.l.bf16.f32 v7  }
0x18a: {  	v7 =	vunpack.i.u.bf16.f32 v7;
	v30 =	vadd.f32 $-1.000000000e+00, v63;
	v32 =	vadd.f32 $-5.000000000e-01, v18  }
0x18b: {  	v62 =	vshll.u32 v49, $0x6;
	v10 =	vmul.f32 v36, v22;
	v7 =	vmul.f32 v7, v23  }
0x18c: {  	v6 =	vunpack.i.u.bf16.f32 v6;
	v33 =	vmul.f32 v30, v47;
	v11 =	vmul.f32 v32, v40  }
0x18d: {  	v5 =	vmul.f32 v6, v5;
	v61 =	vshll.u32 v12, $0x8;
	v6 =	vadd.f32 v10, v7  }
0x18e: {  	v7 =	vadd.s32 v61, v62;
	v35 =	vsub.f32 v33, v39;
	v11 =	vadd.f32 $1.000000000e+00, v11  }
0x18f: {  	v2 =	vadd.f32 v0, v2;
	v1 =	vadd.f32 v1, v3;
	v48 =	vadd.s32 v56, v7  }
0x190: {  	v12 =	vand.u32 $0xFFFFFFC8, v48;
	v40 =	vmul.f32 v35, v47;
	v11 =	vmul.f32 $5.000000000e-01, v11  }
0x191: {  	v4 =	vadd.f32 v4, v5;
	v10 =	vadd.f32 v1, v2;
	v27 =	vor.u32 v15, v12  }
0x192: {  	vm14 =	vlt.f32 v37, $6.000000000e+00;
	v22 =	vsub.f32 v40, v30;
	v50 =	vadd.f32 $5.000000000e-01, v11  }
0x193: {  	v19 =	vmovc v13;
	v13 =	vld [tilespmem:$0x1FF10];
	v9 =	vadd.f32 $1.000000000e+00, v30;
	v62 =	vadd.s32 v57, v7;
	v39 =	vadd.f32 $1.000000000e+00, v39  }
0x194: {  	v12 =	vadd.s32 v54, v7;
	v59 =	vmul.f32 v22, v47;
	v0 =	vnsel vm14, $0x0, v50  }
0x195: {  	v8 =	vadd.f32 $1.000000000e+00, v35;
	v50 =	vadd.s32 v20, v7;
	v63 =	vmul.f32 $5.000000000e-01, v0  }
0x196: {  	v61 =	vld.idx.msk [tilespmem:v27+s16+$0x0], $0xffff;
	v60 =	vsub.f32 v59, v35;
	v59 =	vand.u32 $0xFFFFFFD8, v12;
	v12 =	vadd.s32 v28, v7  }
0x197: {  	v1 =	vmul.f32 v63, v8;
	v8 =	vand.u32 $0xFFFFFFD8, v50;
	v25 =	vor.u32 v52, v59  }
0x198: {  	v12 =	vand.u32 $0xFFFFFFD8, v12;
	v40 =	vmul.f32 v60, v47;
	v36 =	vor.u32 v13, v8  }
0x199: {  	v16 =	vmovc v54;
	v2 =	vmul.f32 v63, v39;
	v5 =	vadd.f32 $1.000000000e+00, v60;
	v26 =	vor.u32 v55, v12  }
0x19a: {  	v31 =	vmovc v20;
	v3 =	vmul.f32 v63, v9;
	v12 =	vadd.f32 v4, v6;
	v49 =	vsub.f32 v40, v22  }
0x19b: {  	v18 =	vmovc v56;
	v33 =	vmovc v28;
	v6 =	vand.u32 $0xFFFFFFD8, v62;
	v50 =	vunpack.i.u.bf16.f32 v61;
	v22 =	vadd.f32 $1.000000000e+00, v22  }
0x19c: {  	v20 =	vmovc v57;
	v54 =	vunpack.i.l.bf16.f32 v61;
	v37 =	vmul.f32 v2, v50;
	v56 =	vmul.f32 v49, v47;
	v57 =	vld.idx.msk [tilespmem:v25+s16+$0x0], $0xffff  }
0x19d: {  	v8 =	vor.u32 v58, v6;
	v23 =	vmul.f32 v5, v63;
	v22 =	vmul.f32 v63, v22;
	v30 =	vld.idx.msk [tilespmem:v36+s16+$0x0], $0xffff  }
0x19e: {  	v28 =	vmovc v55;
	v55 =	vld.idx.msk [tilespmem:v26+s16+$0x0], $0xffff;
	v9 =	vsub.f32 v56, v60;
	v60 =	vadd.f32 $1.000000000e+00, v49;
	v49 =	vadd.s32 v14, v7  }
0x19f: {  	v17 =	vmovc v58;
	v47 =	vadd.f32 v12, v10;
	v56 =	vadd.s32 v19, v7;
	v58 =	vand.u32 $0xFFFFFFD8, v49  }
0x1a0: {  	v61 =	vand.u32 $0xFFFFFFD8, v56;
	v9 =	vadd.f32 $1.000000000e+00, v9;
	v5 =	vmul.f32 v60, v63  }
0x1a1: {  	v6 =	vor.u32 v51, v61;
	v62 =	vunpack.i.l.bf16.f32 v57;
	v40 =	vunpack.i.u.bf16.f32 v57  }
0x1a2: {  	v4 =	vmul.f32 v9, v63;
	v63 =	vadd.s32 v21, v7;
	v7 =	vor.u32 v29, v58  }
0x1a3: {  	v59 =	vunpack.i.u.bf16.f32 v30;
	v60 =	vunpack.i.l.bf16.f32 v30;
	v58 =	vunpack.i.u.bf16.f32 v55  }
0x1a4: {  	v32 =	vmovc v52;
	v57 =	vld.idx.msk [tilespmem:v8+s16+$0x0], $0xffff;
	v52 =	vand.u32 $0xFFFFFFD8, v63;
	v63 =	vmul.f32 v1, v59;
	v59 =	vunpack.i.l.bf16.f32 v55  }
0x1a5: {  	v24 =	vor.u32 v53, v52;
	v61 =	vmul.f32 v5, v59;
	v12 =	vmul.f32 v4, v58  }
0x1a6: {  	v9 =	vmul.f32 v0, v54;
	v39 =	vmul.f32 v3, v60  }
0x1a7: {  	v56 =	vmul.f32 v22, v62;
	v40 =	vmul.f32 v23, v40;
	v10 =	vadd.f32 v12, v61;
	v12 =	vld.idx.msk [tilespmem:v6+s16+$0x0], $0xffff  }
0x1a8: {  	v9 =	vadd.f32 v37, v9;
	v11 =	vadd.f32 v63, v39;
	v62 =	vld.idx.msk [tilespmem:v7+s16+$0x0], $0xffff  }
0x1a9: {  	v54 =	vld.idx.msk [tilespmem:v36+s21+$0x0], $0xffff;
	v63 =	vadd.f32 v40, v56;
	v56 =	vunpack.i.u.bf16.f32 v57;
	v57 =	vunpack.i.l.bf16.f32 v57  }
0x1aa: {  	v9 =	vadd.f32 v11, v9;
	v39 =	vmul.f32 v57, v0;
	v11 =	vmul.f32 v56, v2;
	v60 =	vld.idx.msk [tilespmem:v24+s16+$0x0], $0xffff;
	_ =	sdelay $0x1  }
0x1ab: {  	v52 =	vld.idx.msk [tilespmem:v8+s21+$0x0], $0xffff;
	v10 =	vadd.f32 v10, v63;
	v11 =	vadd.f32 v39, v11  }
0x1ac: {  	v57 =	vld.idx.msk [tilespmem:v26+s21+$0x0], $0xffff;
	v61 =	vunpack.i.u.bf16.f32 v12;
	v12 =	vunpack.i.l.bf16.f32 v12;
	v50 =	vunpack.i.u.bf16.f32 v62  }
0x1ad: {  	v12 =	vmul.f32 v12, v5;
	v63 =	vmul.f32 v61, v4;
	v61 =	vunpack.i.u.bf16.f32 v54  }
0x1ae: {  	v30 =	vmovc v51;
	v56 =	vld.idx.msk [tilespmem:v25+s21+$0x0], $0xffff;
	v50 =	vmul.f32 v50, v23;
	v51 =	vmul.f32 v61, v1;
	v58 =	vunpack.i.l.bf16.f32 v60  }
0x1af: {  	v35 =	vmovc v19;
	v59 =	vunpack.i.u.bf16.f32 v60;
	v60 =	vunpack.i.l.bf16.f32 v62;
	v40 =	vmul.f32 v58, v3  }
0x1b0: {  	v19 =	vmovc v53;
	v53 =	vunpack.i.l.bf16.f32 v52;
	v62 =	vld.idx.msk [tilespmem:v27+s21+$0x0], $0xffff;
	v48 =	vmul.f32 v59, v1;
	v49 =	vmul.f32 v60, v22  }
0x1b1: {  	v12 =	vadd.f32 v12, v63;
	v63 =	vunpack.i.u.bf16.f32 v57;
	v60 =	vunpack.i.l.bf16.f32 v54  }
0x1b2: {  	v39 =	vmul.f32 v60, v3;
	v55 =	vadd.f32 v40, v48;
	v49 =	vadd.f32 v49, v50  }
0x1b3: {  	v60 =	vld.idx.msk [tilespmem:v7+s21+$0x0], $0xffff;
	v48 =	vadd.f32 v10, v9;
	v40 =	vunpack.i.u.bf16.f32 v56;
	v10 =	vunpack.i.l.bf16.f32 v57  }
0x1b4: {  	v40 =	vmul.f32 v40, v23;
	v61 =	vadd.f32 v39, v51;
	v9 =	vadd.f32 v55, v11  }
0x1b5: {  	v57 =	vld.idx.msk [tilespmem:v24+s21+$0x0], $0xffff;
	v58 =	vadd.f32 v12, v49;
	v12 =	vunpack.i.u.bf16.f32 v62;
	v59 =	vunpack.i.l.bf16.f32 v62  }
0x1b6: {  	v62 =	vunpack.i.l.bf16.f32 v56;
	v37 =	vmul.f32 v59, v0;
	v12 =	vmul.f32 v12, v2  }
0x1b7: {  	v51 =	vunpack.i.u.bf16.f32 v52;
	v50 =	vmul.f32 v62, v22;
	v59 =	vmul.f32 v63, v4  }
0x1b8: {  	v63 =	vld.idx.msk [tilespmem:v6+s21+$0x0], $0xffff;
	v49 =	vadd.f32 v58, v9;
	v58 =	vmul.f32 v10, v5;
	v11 =	vunpack.i.u.bf16.f32 v60  }
0x1b9: {  	v12 =	vadd.f32 v37, v12;
	v62 =	vadd.f32 v50, v40;
	v40 =	vmul.f32 v53, v0  }
0x1ba: {  	v37 =	vmul.f32 v51, v2;
	v55 =	vunpack.i.l.bf16.f32 v57;
	v56 =	vunpack.i.u.bf16.f32 v57  }
0x1bb: {  	v57 =	vunpack.i.l.bf16.f32 v60;
	v11 =	vmul.f32 v11, v23;
	v50 =	vmul.f32 v55, v3  }
0x1bc: {  	v9 =	vadd.f32 v58, v59;
	v51 =	vmul.f32 v56, v1;
	v52 =	vmul.f32 v57, v22;
	v58 =	vld.idx.msk [tilespmem:v27+s22+$0x0], $0xffff  }
0x1bd: {  	v12 =	vadd.f32 v61, v12;
	v61 =	vld.idx.msk [tilespmem:v36+s22+$0x0], $0xffff;
	v37 =	vadd.f32 v40, v37;
	v59 =	vunpack.i.u.bf16.f32 v63  }
0x1be: {  	v39 =	vld.idx.msk [tilespmem:v26+s22+$0x0], $0xffff;
	v10 =	vunpack.i.l.bf16.f32 v63;
	v9 =	vadd.f32 v9, v62;
	v62 =	vadd.f32 v50, v51  }
0x1bf: {  	v11 =	vadd.f32 v52, v11;
	v10 =	vmul.f32 v10, v5;
	v60 =	vmul.f32 v59, v4  }
0x1c0: {  	v63 =	vld.idx.msk [tilespmem:v25+s22+$0x0], $0xffff;
	v50 =	vadd.f32 v9, v12;
	v9 =	vadd.f32 v62, v37  }
0x1c1: {  	v10 =	vadd.f32 v10, v60;
	v12 =	vunpack.i.l.bf16.f32 v58;
	v56 =	vunpack.i.u.bf16.f32 v58  }
0x1c2: {  	v12 =	vmul.f32 v12, v0;
	v57 =	vunpack.i.u.bf16.f32 v61;
	v58 =	vunpack.i.l.bf16.f32 v61  }
0x1c3: {  	v62 =	vld.idx.msk [tilespmem:v24+s22+$0x0], $0xffff;
	v61 =	vunpack.i.l.bf16.f32 v39;
	v10 =	vadd.f32 v10, v11;
	v11 =	vmul.f32 v56, v2  }
0x1c4: {  	v39 =	vunpack.i.u.bf16.f32 v39;
	v40 =	vmul.f32 v58, v3;
	v37 =	vmul.f32 v57, v1  }
0x1c5: {  	v60 =	vld.idx.msk [tilespmem:v8+s22+$0x0], $0xffff;
	v59 =	vunpack.i.l.bf16.f32 v63;
	v51 =	vunpack.i.u.bf16.f32 v63;
	v54 =	vmul.f32 v61, v5  }
0x1c6: {  	v39 =	vmul.f32 v39, v4;
	v52 =	vmul.f32 v59, v22;
	v11 =	vadd.f32 v12, v11  }
0x1c7: {  	v63 =	vmul.f32 v51, v23;
	v59 =	vld.idx.msk [tilespmem:v7+s22+$0x0], $0xffff;
	v12 =	vadd.f32 v40, v37;
	v51 =	vadd.f32 v10, v9  }
0x1c8: {  	v10 =	vadd.f32 v54, v39;
	v61 =	vunpack.i.l.bf16.f32 v62;
	v62 =	vunpack.i.u.bf16.f32 v62  }
0x1c9: {  	v39 =	vld.idx.msk [tilespmem:v6+s22+$0x0], $0xffff;
	v9 =	vadd.f32 v52, v63;
	v52 =	vmul.f32 v61, v3;
	v53 =	vmul.f32 v62, v1  }
0x1ca: {  	v54 =	vld.idx.msk [tilespmem:v27+s23+$0x0], $0xffff;
	v11 =	vadd.f32 v12, v11;
	v12 =	vunpack.i.l.bf16.f32 v60;
	v60 =	vunpack.i.u.bf16.f32 v60  }
0x1cb: {  	v56 =	vld.idx.msk [tilespmem:v36+s23+$0x0], $0xffff;
	v12 =	vmul.f32 v12, v0;
	v40 =	vmul.f32 v60, v2  }
0x1cc: {  	v55 =	vld.idx.msk [tilespmem:v25+s23+$0x0], $0xffff;
	v9 =	vadd.f32 v10, v9;
	v63 =	vunpack.i.u.bf16.f32 v59;
	v37 =	vunpack.i.l.bf16.f32 v59  }
0x1cd: {  	v61 =	vld.idx.msk [tilespmem:v26+s23+$0x0], $0xffff;
	v52 =	vadd.f32 v52, v53;
	v58 =	vmul.f32 v37, v22;
	v59 =	vmul.f32 v63, v23  }
0x1ce: {  	v12 =	vadd.f32 v12, v40;
	v60 =	vunpack.i.u.bf16.f32 v39;
	v39 =	vunpack.i.l.bf16.f32 v39  }
0x1cf: {  	v62 =	vunpack.i.u.bf16.f32 v54;
	v54 =	vunpack.i.l.bf16.f32 v54;
	v39 =	vmul.f32 v39, v5  }
0x1d0: {  	v63 =	vunpack.i.l.bf16.f32 v56;
	v40 =	vmul.f32 v60, v4;
	v54 =	vmul.f32 v54, v0  }
0x1d1: {  	v56 =	vunpack.i.u.bf16.f32 v56;
	v37 =	vmul.f32 v62, v2;
	v57 =	vmul.f32 v63, v3  }
0x1d2: {  	v60 =	vunpack.i.l.bf16.f32 v55;
	v56 =	vmul.f32 v56, v1;
	v53 =	vunpack.i.l.bf16.f32 v61  }
0x1d3: {  	v10 =	vadd.f32 v58, v59;
	v58 =	vmul.f32 v60, v22;
	v59 =	vunpack.i.u.bf16.f32 v61  }
0x1d4: {  	v55 =	vunpack.i.u.bf16.f32 v55;
	v61 =	vmul.f32 v53, v5;
	v60 =	vld.idx.msk [tilespmem:v8+s23+$0x0], $0xffff;
	v62 =	vmul.f32 v59, v4  }
0x1d5: {  	v55 =	vmul.f32 v55, v23;
	v39 =	vadd.f32 v39, v40;
	v37 =	vadd.f32 v54, v37  }
0x1d6: {  	v63 =	vadd.f32 v57, v56;
	v40 =	vadd.f32 v61, v62;
	v61 =	vld.idx.msk [tilespmem:v24+s23+$0x0], $0xffff  }
0x1d7: {  	v12 =	vadd.f32 v52, v12;
	v55 =	vadd.f32 v58, v55;
	v62 =	vld.idx.msk [tilespmem:v7+s23+$0x0], $0xffff  }
0x1d8: {  	v10 =	vadd.f32 v39, v10;
	v37 =	vadd.f32 v63, v37;
	v63 =	vld.idx.msk [tilespmem:v6+s23+$0x0], $0xffff  }
0x1d9: {  	v54 =	vadd.f32 v9, v11;
	v40 =	vadd.f32 v40, v55;
	v59 =	vunpack.i.l.bf16.f32 v60  }
0x1da: {  	v53 =	vadd.f32 v10, v12;
	v58 =	vunpack.i.u.bf16.f32 v60;
	v11 =	vmul.f32 v59, v0  }
0x1db: {  	v55 =	vld.idx.msk [tilespmem:v27+s24+$0x0], $0xffff;
	v10 =	vmul.f32 v58, v2;
	v52 =	vadd.f32 v40, v37;
	v12 =	vunpack.i.l.bf16.f32 v61  }
0x1dc: {  	v60 =	vunpack.i.u.bf16.f32 v61;
	v61 =	vunpack.i.l.bf16.f32 v62;
	v39 =	vunpack.i.u.bf16.f32 v62  }
0x1dd: {  	v57 =	vld.idx.msk [tilespmem:v36+s24+$0x0], $0xffff;
	v62 =	vunpack.i.u.bf16.f32 v63;
	v12 =	vmul.f32 v12, v3;
	v37 =	vmul.f32 v60, v1  }
0x1de: {  	v9 =	vunpack.i.l.bf16.f32 v63;
	v40 =	vmul.f32 v61, v22;
	v39 =	vmul.f32 v39, v23  }
0x1df: {  	v9 =	vmul.f32 v9, v5;
	v63 =	vmul.f32 v62, v4  }
0x1e0: {  	v56 =	vld.idx.msk [tilespmem:v25+s24+$0x0], $0xffff;
	v10 =	vadd.f32 v11, v10;
	v61 =	vunpack.i.u.bf16.f32 v55;
	v12 =	vadd.f32 v12, v37  }
0x1e1: {  	v62 =	vunpack.i.l.bf16.f32 v55;
	v55 =	vld.idx.msk [tilespmem:v8+s24+$0x0], $0xffff;
	v60 =	vadd.f32 v40, v39;
	v9 =	vadd.f32 v9, v63  }
0x1e2: {  	v63 =	vld.idx.msk [tilespmem:v26+s24+$0x0], $0xffff;
	v11 =	vmul.f32 v61, v2;
	v61 =	vunpack.i.l.bf16.f32 v57;
	v10 =	vadd.f32 v12, v10  }
0x1e3: {  	v12 =	vmul.f32 v62, v0;
	v9 =	vadd.f32 v9, v60;
	v60 =	vunpack.i.u.bf16.f32 v57  }
0x1e4: {  	v39 =	vmul.f32 v61, v3;
	v37 =	vmul.f32 v60, v1  }
0x1e5: {  	v57 =	vld.idx.msk [tilespmem:v7+s24+$0x0], $0xffff;
	v11 =	vadd.f32 v12, v11;
	v12 =	vunpack.i.l.bf16.f32 v56;
	v56 =	vunpack.i.u.bf16.f32 v56  }
0x1e6: {  	v58 =	vld.idx.msk [tilespmem:v24+s24+$0x0], $0xffff;
	v61 =	vunpack.i.u.bf16.f32 v55;
	v55 =	vunpack.i.l.bf16.f32 v55;
	v12 =	vmul.f32 v12, v22  }
0x1e7: {  	v56 =	vmul.f32 v56, v23;
	v62 =	vunpack.i.u.bf16.f32 v63;
	v40 =	vunpack.i.l.bf16.f32 v63  }
0x1e8: {  	v59 =	vld.idx.msk [tilespmem:v6+s24+$0x0], $0xffff;
	v37 =	vadd.f32 v39, v37;
	v63 =	vmul.f32 v40, v5;
	v60 =	vmul.f32 v62, v4  }
0x1e9: {  	v62 =	vmul.f32 v55, v0;
	v55 =	vadd.f32 v9, v10;
	v12 =	vadd.f32 v12, v56  }
0x1ea: {  	v56 =	vmul.f32 v61, v2;
	v9 =	vadd.f32 v37, v11;
	v61 =	vunpack.i.u.bf16.f32 v57  }
0x1eb: {  	v37 =	vld.idx.msk [tilespmem:v27+s25+$0x0], $0xffff;
	v39 =	vadd.f32 v63, v60;
	v63 =	vunpack.i.l.bf16.f32 v58;
	v60 =	vunpack.i.l.bf16.f32 v57  }
0x1ec: {  	v58 =	vunpack.i.u.bf16.f32 v58;
	v11 =	vmul.f32 v63, v3;
	v40 =	vmul.f32 v60, v22  }
0x1ed: {  	v63 =	vunpack.i.l.bf16.f32 v59;
	v10 =	vadd.f32 v39, v12;
	v39 =	vmul.f32 v58, v1  }
0x1ee: {  	v12 =	vadd.f32 v62, v56;
	v56 =	vmul.f32 v61, v23;
	v62 =	vunpack.i.u.bf16.f32 v59;
	v59 =	vld.idx.msk [tilespmem:v36+s25+$0x0], $0xffff  }
0x1ef: {  	v60 =	vmul.f32 v63, v5;
	v58 =	vld.idx.msk [tilespmem:v25+s25+$0x0], $0xffff;
	v57 =	vmul.f32 v62, v4;
	v11 =	vadd.f32 v11, v39  }
0x1f0: {  	v40 =	vadd.f32 v40, v56;
	v61 =	vunpack.i.u.bf16.f32 v37;
	v37 =	vunpack.i.l.bf16.f32 v37  }
0x1f1: {  	v39 =	vadd.f32 v60, v57;
	v37 =	vmul.f32 v37, v0;
	v57 =	vmul.f32 v61, v2;
	v60 =	vld.idx.msk [tilespmem:v26+s25+$0x0], $0xffff  }
0x1f2: {  	v56 =	vadd.f32 v10, v9;
	v9 =	vadd.f32 v11, v12  }
0x1f3: {  	v10 =	vadd.f32 v39, v40;
	v11 =	vadd.f32 v37, v57;
	v12 =	vunpack.i.l.bf16.f32 v59;
	v37 =	vld.idx.msk [tilespmem:v8+s25+$0x0], $0xffff  }
0x1f4: {  	v62 =	vunpack.i.u.bf16.f32 v59;
	v63 =	vunpack.i.l.bf16.f32 v58;
	v12 =	vmul.f32 v12, v3  }
0x1f5: {  	v61 =	vunpack.i.u.bf16.f32 v58;
	v39 =	vmul.f32 v62, v1;
	v40 =	vmul.f32 v63, v22  }
0x1f6: {  	v57 =	vmul.f32 v61, v23;
	v58 =	vunpack.i.u.bf16.f32 v60;
	v59 =	vunpack.i.l.bf16.f32 v60;
	v60 =	vld.idx.msk [tilespmem:v24+s25+$0x0], $0xffff  }
0x1f7: {  	v12 =	vadd.f32 v12, v39;
	v62 =	vmul.f32 v59, v5;
	v58 =	vmul.f32 v58, v4;
	v59 =	vld.idx.msk [tilespmem:v7+s25+$0x0], $0xffff  }
0x1f8: {  	v61 =	vld.idx.msk [tilespmem:v6+s25+$0x0], $0xffff;
	v40 =	vadd.f32 v40, v57;
	v63 =	vunpack.i.u.bf16.f32 v37;
	v37 =	vunpack.i.l.bf16.f32 v37  }
0x1f9: {  	v39 =	vadd.f32 v62, v58;
	v37 =	vmul.f32 v37, v0;
	v58 =	vmul.f32 v63, v2  }
0x1fa: {  	v57 =	vadd.f32 v10, v9;
	v9 =	vadd.f32 v12, v11  }
0x1fb: {  	v10 =	vadd.f32 v39, v40;
	v11 =	vadd.f32 v37, v58;
	v12 =	vunpack.i.l.bf16.f32 v60  }
0x1fc: {  	v37 =	vld.idx.msk [tilespmem:v27+s26+$0x0], $0xffff;
	v58 =	vunpack.i.u.bf16.f32 v60;
	v12 =	vmul.f32 v12, v3;
	v60 =	vunpack.i.l.bf16.f32 v59  }
0x1fd: {  	v39 =	vmul.f32 v58, v1;
	v62 =	vunpack.i.u.bf16.f32 v59;
	v59 =	vunpack.i.u.bf16.f32 v61  }
0x1fe: {  	v40 =	vmul.f32 v60, v22;
	v58 =	vmul.f32 v62, v23;
	v60 =	vunpack.i.l.bf16.f32 v61;
	v61 =	vld.idx.msk [tilespmem:v36+s26+$0x0], $0xffff  }
0x1ff: {  	v59 =	vmul.f32 v59, v4;
	v12 =	vadd.f32 v12, v39;
	v39 =	vmul.f32 v60, v5;
	v60 =	vld.idx.msk [tilespmem:v25+s26+$0x0], $0xffff  }
0x200: {  	v40 =	vadd.f32 v40, v58;
	v58 =	vadd.f32 v10, v9  }
0x201: {  	v62 =	vld.idx.msk [tilespmem:v26+s26+$0x0], $0xffff;
	v63 =	vunpack.i.u.bf16.f32 v37;
	v37 =	vunpack.i.l.bf16.f32 v37;
	v39 =	vadd.f32 v39, v59  }
0x202: {  	v9 =	vadd.f32 v12, v11;
	v37 =	vmul.f32 v37, v0;
	v59 =	vmul.f32 v63, v2  }
0x203: {  	v10 =	vadd.f32 v39, v40;
	v12 =	vunpack.i.l.bf16.f32 v61;
	v61 =	vunpack.i.u.bf16.f32 v61  }
0x204: {  	v40 =	vld.idx.msk [tilespmem:v8+s26+$0x0], $0xffff;
	v11 =	vadd.f32 v37, v59;
	v12 =	vmul.f32 v12, v3;
	v63 =	vunpack.i.l.bf16.f32 v60  }
0x205: {  	v37 =	vmul.f32 v61, v1;
	v59 =	vunpack.i.u.bf16.f32 v60;
	v39 =	vmul.f32 v63, v22;
	v63 =	vld [tilespmem:s14+$0x10]  }
0x206: {  	v61 =	vunpack.i.l.bf16.f32 v62;
	v60 =	vmul.f32 v59, v23;
	v59 =	vunpack.i.u.bf16.f32 v62  }
0x207: {  	v62 =	vld.idx.msk [tilespmem:v24+s26+$0x0], $0xffff;
	v12 =	vadd.f32 v12, v37;
	v37 =	vmul.f32 v61, v5;
	v61 =	vmul.f32 v59, v4  }
0x208: {  	v59 =	vadd.f32 v10, v9;
	v9 =	vadd.f32 v39, v60  }
0x209: {  	v10 =	vadd.f32 v37, v61;
	v11 =	vadd.f32 v12, v11;
	v12 =	vld.idx.msk [tilespmem:v7+s26+$0x0], $0xffff  }
0x20a: {  	v60 =	vunpack.i.u.bf16.f32 v40;
	v61 =	vunpack.i.l.bf16.f32 v40;
	v40 =	vmul.f32 $1.666666720e-01, v63  }
0x20b: {  	v39 =	vld.idx.msk [tilespmem:v6+s26+$0x0], $0xffff;
	v37 =	vmul.f32 v60, v2;
	v9 =	vadd.f32 v10, v9;
	v10 =	vmul.f32 v61, v0  }
0x20c: {  	v60 =	vunpack.i.u.bf16.f32 v62;
	v61 =	vunpack.i.l.bf16.f32 v62;
	v40 =	vadd.f32 $-1.000000000e+00, v40  }
0x20d: {  	v27 =	vld.idx.msk [tilespmem:v27+s28+$0x0], $0xffff;
	v60 =	vmul.f32 v60, v1;
	v10 =	vadd.f32 v10, v37;
	v37 =	vmul.f32 v61, v3  }
0x20e: {  	v61 =	vunpack.i.u.bf16.f32 v12;
	v12 =	vunpack.i.l.bf16.f32 v12;
	v62 =	vadd.f32 v40, v40  }
0x20f: {  	v36 =	vld.idx.msk [tilespmem:v36+s28+$0x0], $0xffff;
	v37 =	vadd.f32 v37, v60;
	v12 =	vmul.f32 v12, v22;
	v60 =	vmul.f32 v61, v23  }
0x210: {  	v61 =	vunpack.i.u.bf16.f32 v39;
	v39 =	vunpack.i.l.bf16.f32 v39  }
0x211: {  	v25 =	vld.idx.msk [tilespmem:v25+s28+$0x0], $0xffff;
	v39 =	vmul.f32 v39, v5;
	v40 =	vmul.f32 v62, v40;
	v12 =	vadd.f32 v12, v60  }
0x212: {  	v60 =	vmul.f32 v61, v4;
	v61 =	vunpack.i.u.bf16.f32 v27;
	v27 =	vunpack.i.l.bf16.f32 v27  }
0x213: {  	v26 =	vld.idx.msk [tilespmem:v26+s28+$0x0], $0xffff;
	v62 =	vmul.f32 $5.235987900e-01, v63;
	v10 =	vadd.f32 v37, v10;
	v27 =	vmul.f32 v27, v0  }
0x214: {  	v39 =	vadd.f32 v39, v60;
	v60 =	vmul.f32 v61, v2;
	v61 =	vunpack.i.u.bf16.f32 v36  }
0x215: {  	v36 =	vunpack.i.l.bf16.f32 v36;
	v13 =	vmul.f32 v62, v62;
	v40 =	vadd.f32 $-1.000000000e+00, v40  }
0x216: {  	v36 =	vmul.f32 v36, v3;
	v37 =	vmul.f32 v61, v1;
	v61 =	vunpack.i.u.bf16.f32 v25  }
0x217: {  	v25 =	vunpack.i.l.bf16.f32 v25;
	v62 =	vmul.f32 $2.480158760e-05, v13;
	v27 =	vadd.f32 v27, v60  }
0x218: {  	v25 =	vmul.f32 v25, v22;
	v60 =	vmul.f32 v61, v23;
	v61 =	vunpack.i.u.bf16.f32 v26  }
0x219: {  	v34 =	vmovc v14;
	v24 =	vld.idx.msk [tilespmem:v24+s28+$0x0], $0xffff;
	v26 =	vunpack.i.l.bf16.f32 v26;
	v14 =	vadd.f32 v40, v40;
	v62 =	vadd.f32 $-1.388888920e-03, v62  }
0x21a: {  	v7 =	vld.idx.msk [tilespmem:v7+s28+$0x0], $0xffff;
	v26 =	vmul.f32 v26, v5;
	v61 =	vmul.f32 v61, v4;
	v36 =	vadd.f32 v36, v37  }
0x21b: {  	v12 =	vadd.f32 v39, v12;
	v25 =	vadd.f32 v25, v60;
	v62 =	vmul.f32 v62, v13  }
0x21c: {  	v8 =	vld.idx.msk [tilespmem:v8+s28+$0x0], $0xffff;
	v26 =	vadd.f32 v26, v61;
	v27 =	vadd.f32 v36, v27;
	v36 =	vmul.f32 v14, v40  }
0x21d: {  	v61 =	vadd.f32 v12, v10;
	v37 =	vadd.f32 $4.166666790e-02, v62  }
0x21e: {  	vm15 =	vlt.f32 v63, $6.000000000e+00;
	v25 =	vadd.f32 v26, v25;
	v10 =	vadd.f32 $-1.000000000e+00, v36  }
0x21f: {  	v6 =	vld.idx.msk [tilespmem:v6+s28+$0x0], $0xffff;
	v36 =	vunpack.i.l.bf16.f32 v24;
	v26 =	vunpack.i.l.bf16.f32 v7;
	v39 =	vmul.f32 v37, v13  }
0x220: {  	v7 =	vunpack.i.u.bf16.f32 v7;
	v62 =	vadd.f32 v9, v11;
	v3 =	vmul.f32 v36, v3  }
0x221: {  	v60 =	vadd.f32 v25, v27;
	v27 =	vunpack.i.l.bf16.f32 v8;
	v9 =	vadd.f32 $-5.000000000e-01, v39  }
0x222: {  	v7 =	vmul.f32 v7, v23;
	v8 =	vunpack.i.u.bf16.f32 v8;
	v0 =	vmul.f32 v27, v0  }
0x223: {  	v25 =	vunpack.i.u.bf16.f32 v24;
	v37 =	vmul.f32 v10, v14;
	v39 =	vmul.f32 v9, v13  }
0x224: {  	v12 =	vld [tilespmem:s18+$0x10];
	v2 =	vmul.f32 v8, v2;
	v1 =	vmul.f32 v25, v1;
	v27 =	vunpack.i.l.bf16.f32 v6  }
0x225: {  	v6 =	vunpack.i.u.bf16.f32 v6;
	v11 =	vsub.f32 v37, v40;
	v13 =	vld [tilespmem:s13+$0x10];
	v8 =	vadd.f32 $1.000000000e+00, v39  }
0x226: {  	v5 =	vmul.f32 v27, v5;
	v4 =	vmul.f32 v6, v4;
	v0 =	vadd.f32 v0, v2  }
0x227: {  	v1 =	vadd.f32 v3, v1;
	v36 =	vmul.f32 v11, v14;
	v37 =	vmul.f32 $5.000000000e-01, v8  }
0x228: {  	v4 =	vadd.f32 v5, v4;
	v9 =	vmul.f32 v26, v22;
	v26 =	vadd.f32 $1.000000000e+00, v40  }
0x229: {  	v22 =	vshll.u32 v12, $0x8;
	v3 =	vsub.f32 v36, v10;
	v2 =	vadd.f32 $5.000000000e-01, v37  }
0x22a: {  	v6 =	vadd.f32 v9, v7;
	v7 =	vadd.f32 v1, v0;
	v23 =	vshll.u32 v13, $0x6  }
0x22b: {  	v39 =	vmul.f32 v3, v14;
	v8 =	vadd.s32 v22, v23;
	v63 =	vnsel vm15, $0x0, v2  }
0x22c: {  	v36 =	vadd.f32 $1.000000000e+00, v10;
	v24 =	vadd.s32 v18, v8;
	v1 =	vmul.f32 $5.000000000e-01, v63  }
0x22d: {  	v18 =	vadd.f32 v4, v6;
	v0 =	vadd.s32 v31, v8;
	v2 =	vsub.f32 v39, v11  }
0x22e: {  	v31 =	vadd.s32 v33, v8;
	v25 =	vand.u32 $0xFFFFFFC8, v24;
	v23 =	vmul.f32 v1, v26;
	v26 =	vld [tilespmem:$0x1FF10]  }
0x22f: {  	v39 =	vadd.f32 $1.000000000e+00, v11;
	v37 =	vor.u32 v15, v25;
	v27 =	vmul.f32 v2, v14  }
0x230: {  	v24 =	vadd.s32 v16, v8;
	v5 =	vand.u32 $0xFFFFFFD8, v0;
	v33 =	vand.u32 $0xFFFFFFD8, v31  }
0x231: {  	v4 =	vor.u32 v28, v33;
	v40 =	vsub.f32 v27, v3;
	v27 =	vand.u32 $0xFFFFFFD8, v24  }
0x232: {  	v22 =	vmul.f32 v1, v36;
	v36 =	vadd.s32 v20, v8;
	v16 =	vor.u32 v32, v27  }
0x233: {  	v6 =	vmul.f32 v1, v39;
	v39 =	vand.u32 $0xFFFFFFD8, v36;
	v5 =	vor.u32 v26, v5  }
0x234: {  	v25 =	vadd.f32 $1.000000000e+00, v3;
	v36 =	vor.u32 v17, v39;
	v9 =	vmul.f32 v40, v14;
	v12 =	vld.idx.msk [tilespmem:v37+s16+$0x0], $0xffff  }
0x235: {  	v32 =	vadd.s32 v21, v8;
	v13 =	vadd.f32 $1.000000000e+00, v40;
	v14 =	vadd.s32 v34, v8  }
0x236: {  	v34 =	vld.idx.msk [tilespmem:v4+s16+$0x0], $0xffff;
	v8 =	vadd.s32 v35, v8;
	v9 =	vsub.f32 v9, v2;
	v2 =	vadd.f32 $1.000000000e+00, v2  }
0x237: {  	v33 =	vand.u32 $0xFFFFFFD8, v14;
	v8 =	vand.u32 $0xFFFFFFD8, v8;
	v24 =	vmul.f32 v13, v1;
	v13 =	vld.idx.msk [tilespmem:v16+s16+$0x0], $0xffff  }
0x238: {  	v39 =	vor.u32 v29, v33;
	v26 =	vmul.f32 v2, v1;
	v9 =	vadd.f32 $1.000000000e+00, v9;
	v20 =	vld.idx.msk [tilespmem:v5+s16+$0x0], $0xffff  }
0x239: {  	v2 =	vand.u32 $0xFFFFFFD8, v32;
	v40 =	vunpack.i.l.bf16.f32 v12;
	v31 =	vunpack.i.u.bf16.f32 v12  }
0x23a: {  	v17 =	vor.u32 v19, v2;
	v12 =	vmul.f32 v63, v40;
	v11 =	vmul.f32 v23, v31  }
0x23b: {  	v25 =	vmul.f32 v1, v25;
	v19 =	vor.u32 v30, v8  }
0x23c: {  	v0 =	vld.idx.msk [tilespmem:v36+s16+$0x0], $0xffff;
	v2 =	vunpack.i.u.bf16.f32 v34;
	v27 =	vmul.f32 v9, v1;
	v11 =	vadd.f32 v11, v12  }
0x23d: {  	v1 =	vunpack.i.l.bf16.f32 v13;
	v12 =	vunpack.i.u.bf16.f32 v20;
	v40 =	vunpack.i.l.bf16.f32 v20  }
0x23e: {  	v3 =	vld.idx.msk [tilespmem:v39+s16+$0x0], $0xffff;
	v13 =	vunpack.i.u.bf16.f32 v13;
	v14 =	vmul.f32 v22, v40;
	v12 =	vmul.f32 v6, v12  }
0x23f: {  	v9 =	vunpack.i.l.bf16.f32 v34;
	v8 =	vmul.f32 v25, v1;
	v13 =	vmul.f32 v26, v13;
	v15 =	vld.idx.msk [tilespmem:v17+s16+$0x0], $0xffff  }
0x240: {  	v9 =	vmul.f32 v24, v9;
	v12 =	vadd.f32 v12, v14;
	v14 =	vmul.f32 v27, v2  }
0x241: {  	v10 =	vunpack.i.l.bf16.f32 v0;
	v8 =	vadd.f32 v13, v8;
	v13 =	vunpack.i.u.bf16.f32 v0  }
0x242: {  	v10 =	vmul.f32 v10, v63;
	v13 =	vmul.f32 v13, v23;
	v9 =	vadd.f32 v14, v9;
	v14 =	vld.idx.msk [tilespmem:v19+s16+$0x0], $0xffff  }
0x243: {  	v30 =	vadd.f32 v18, v7  }
0x244: {  	v33 =	vld.idx.msk [tilespmem:v37+s21+$0x0], $0xffff;
	v21 =	vadd.f32 v10, v13;
	v32 =	vunpack.i.l.bf16.f32 v15;
	v13 =	vunpack.i.l.bf16.f32 v3  }
0x245: {  	v10 =	vmul.f32 v32, v22;
	v20 =	vadd.f32 v12, v11;
	v12 =	vunpack.i.u.bf16.f32 v15  }
0x246: {  	v0 =	vld.idx.msk [tilespmem:v5+s21+$0x0], $0xffff;
	v13 =	vmul.f32 v13, v25;
	v15 =	vunpack.i.u.bf16.f32 v3;
	v12 =	vmul.f32 v12, v6  }
0x247: {  	v15 =	vmul.f32 v15, v26;
	v34 =	vunpack.i.u.bf16.f32 v14;
	v14 =	vunpack.i.l.bf16.f32 v14  }
0x248: {  	v35 =	vld.idx.msk [tilespmem:v16+s21+$0x0], $0xffff;
	v10 =	vadd.f32 v10, v12;
	v12 =	vmul.f32 v14, v24;
	v14 =	vmul.f32 v34, v27  }
0x249: {  	v11 =	vunpack.i.l.bf16.f32 v33;
	v13 =	vadd.f32 v13, v15;
	v15 =	vunpack.i.u.bf16.f32 v33  }
0x24a: {  	v8 =	vadd.f32 v9, v8;
	v12 =	vadd.f32 v12, v14;
	v14 =	vmul.f32 v15, v23;
	v15 =	vld.idx.msk [tilespmem:v4+s21+$0x0], $0xffff  }
0x24b: {  	v28 =	vunpack.i.l.bf16.f32 v0;
	v0 =	vunpack.i.u.bf16.f32 v0;
	v11 =	vmul.f32 v11, v63  }
0x24c: {  	v31 =	vmul.f32 v0, v6;
	v33 =	vld.idx.msk [tilespmem:v17+s21+$0x0], $0xffff;
	v29 =	vadd.f32 v8, v20;
	v18 =	vadd.f32 v10, v21  }
0x24d: {  	v20 =	vadd.f32 v12, v13;
	v21 =	vadd.f32 v11, v14;
	v12 =	vld.idx.msk [tilespmem:v36+s21+$0x0], $0xffff;
	v13 =	vunpack.i.l.bf16.f32 v35  }
0x24e: {  	v11 =	vmul.f32 v28, v22;
	v14 =	vunpack.i.u.bf16.f32 v35;
	v13 =	vmul.f32 v13, v25  }
0x24f: {  	v14 =	vmul.f32 v14, v26;
	v32 =	vunpack.i.u.bf16.f32 v15;
	v15 =	vunpack.i.l.bf16.f32 v15  }
0x250: {  	v35 =	vld.idx.msk [tilespmem:v39+s21+$0x0], $0xffff;
	v34 =	vmul.f32 v15, v24;
	v15 =	vmul.f32 v32, v27  }
0x251: {  	v0 =	vunpack.i.u.bf16.f32 v33;
	v1 =	vadd.f32 v11, v31;
	v13 =	vadd.f32 v13, v14  }
0x252: {  	v14 =	vunpack.i.u.bf16.f32 v12;
	v12 =	vunpack.i.l.bf16.f32 v12;
	v11 =	vadd.f32 v34, v15;
	v15 =	vld.idx.msk [tilespmem:v19+s21+$0x0], $0xffff  }
0x253: {  	v28 =	vadd.f32 v20, v18;
	v12 =	vmul.f32 v12, v63;
	v14 =	vmul.f32 v14, v23  }
0x254: {  	v31 =	vmul.f32 v0, v6;
	v20 =	vadd.f32 v1, v21;
	v21 =	vunpack.i.l.bf16.f32 v33;
	v33 =	vld.idx.msk [tilespmem:v5+s22+$0x0], $0xffff  }
0x255: {  	v7 =	vadd.f32 v11, v13;
	v18 =	vadd.f32 v12, v14;
	v12 =	vld.idx.msk [tilespmem:v37+s22+$0x0], $0xffff;
	v13 =	vunpack.i.l.bf16.f32 v35  }
0x256: {  	v11 =	vmul.f32 v21, v22;
	v14 =	vunpack.i.u.bf16.f32 v35;
	v13 =	vmul.f32 v13, v25  }
0x257: {  	v14 =	vmul.f32 v14, v26;
	v32 =	vunpack.i.u.bf16.f32 v15;
	v15 =	vunpack.i.l.bf16.f32 v15  }
0x258: {  	v35 =	vld.idx.msk [tilespmem:v16+s22+$0x0], $0xffff;
	v34 =	vmul.f32 v15, v24;
	v15 =	vmul.f32 v32, v27  }
0x259: {  	v0 =	vunpack.i.u.bf16.f32 v33;
	v1 =	vadd.f32 v11, v31;
	v13 =	vadd.f32 v13, v14  }
0x25a: {  	v14 =	vunpack.i.u.bf16.f32 v12;
	v12 =	vunpack.i.l.bf16.f32 v12;
	v11 =	vadd.f32 v34, v15;
	v15 =	vld.idx.msk [tilespmem:v4+s22+$0x0], $0xffff  }
0x25b: {  	v21 =	vadd.f32 v7, v20;
	v12 =	vmul.f32 v12, v63;
	v14 =	vmul.f32 v14, v23  }
0x25c: {  	v20 =	vmul.f32 v0, v6;
	v3 =	vadd.f32 v1, v18;
	v18 =	vunpack.i.l.bf16.f32 v33  }
0x25d: {  	v2 =	vadd.f32 v11, v13;
	v7 =	vadd.f32 v12, v14;
	v12 =	vld.idx.msk [tilespmem:v36+s22+$0x0], $0xffff;
	v13 =	vunpack.i.l.bf16.f32 v35  }
0x25e: {  	v32 =	vld.idx.msk [tilespmem:v17+s22+$0x0], $0xffff;
	v10 =	vmul.f32 v18, v22;
	v14 =	vunpack.i.u.bf16.f32 v35;
	v13 =	vmul.f32 v13, v25  }
0x25f: {  	v35 =	vld.idx.msk [tilespmem:v19+s22+$0x0], $0xffff;
	v14 =	vmul.f32 v14, v26;
	v31 =	vunpack.i.u.bf16.f32 v15;
	v15 =	vunpack.i.l.bf16.f32 v15  }
0x260: {  	v34 =	vld.idx.msk [tilespmem:v39+s22+$0x0], $0xffff;
	v33 =	vmul.f32 v15, v24;
	v15 =	vmul.f32 v31, v27  }
0x261: {  	v1 =	vadd.f32 v10, v20;
	v13 =	vadd.f32 v13, v14  }
0x262: {  	v14 =	vunpack.i.u.bf16.f32 v12;
	v12 =	vunpack.i.l.bf16.f32 v12;
	v15 =	vadd.f32 v33, v15  }
0x263: {  	v0 =	vunpack.i.u.bf16.f32 v32;
	v12 =	vmul.f32 v12, v63;
	v14 =	vmul.f32 v14, v23  }
0x264: {  	v7 =	vadd.f32 v1, v7;
	v10 =	vunpack.i.l.bf16.f32 v35;
	v20 =	vadd.f32 v15, v13  }
0x265: {  	v31 =	vadd.f32 v12, v14;
	v12 =	vunpack.i.l.bf16.f32 v32;
	v13 =	vld.idx.msk [tilespmem:v37+s23+$0x0], $0xffff;
	v14 =	vunpack.i.l.bf16.f32 v34  }
0x266: {  	v32 =	vmul.f32 v0, v6;
	v15 =	vunpack.i.u.bf16.f32 v34;
	v34 =	vld.idx.msk [tilespmem:v5+s23+$0x0], $0xffff;
	v12 =	vmul.f32 v12, v22  }
0x267: {  	v33 =	vunpack.i.u.bf16.f32 v35;
	v14 =	vmul.f32 v14, v25;
	v15 =	vmul.f32 v15, v26  }
0x268: {  	v10 =	vmul.f32 v10, v24;
	v1 =	vadd.f32 v12, v32;
	v12 =	vmul.f32 v33, v27  }
0x269: {  	v35 =	vld.idx.msk [tilespmem:v16+s23+$0x0], $0xffff;
	v9 =	vadd.f32 v20, v7;
	v14 =	vadd.f32 v14, v15  }
0x26a: {  	v32 =	vld.idx.msk [tilespmem:v17+s23+$0x0], $0xffff;
	v15 =	vunpack.i.u.bf16.f32 v13;
	v13 =	vunpack.i.l.bf16.f32 v13;
	v10 =	vadd.f32 v10, v12  }
0x26b: {  	v20 =	vunpack.i.l.bf16.f32 v34;
	v12 =	vmul.f32 v13, v63;
	v13 =	vmul.f32 v15, v23;
	v15 =	vld.idx.msk [tilespmem:v4+s23+$0x0], $0xffff  }
0x26c: {  	v18 =	vadd.f32 v2, v3;
	v0 =	vunpack.i.u.bf16.f32 v34;
	v11 =	vmul.f32 v20, v22;
	v20 =	vld [tilespmem:$0x1FD80]  }
0x26d: {  	v0 =	vmul.f32 v0, v6;
	v7 =	vadd.f32 v10, v14;
	v10 =	vadd.f32 v12, v13;
	v12 =	vld.idx.msk [tilespmem:v36+s23+$0x0], $0xffff  }
0x26e: {  	v3 =	vadd.f32 v1, v31;
	v14 =	vunpack.i.u.bf16.f32 v35;
	v13 =	vunpack.i.l.bf16.f32 v35  }
0x26f: {  	s17 =	sand.u32 $0x3C00, s15;
	v14 =	vmul.f32 v14, v26;
	v0 =	vadd.f32 v11, v0;
	v35 =	vld.idx.msk [tilespmem:v19+s23+$0x0], $0xffff;
	v1 =	vunpack.i.u.bf16.f32 v32  }
0x270: {  	s19 =	sand.u32 $0x40, s12;
	s1 =	sadd.s32 $0x5E10, s17;
	v40 =	vld.idx.msk [tilespmem:v16+s24+$0x0], $0xffff;
	v13 =	vmul.f32 v13, v25;
	v31 =	vunpack.i.u.bf16.f32 v15;
	v15 =	vunpack.i.l.bf16.f32 v15  }
0x271: {  	s0 =	sor.u32 s19, s1;
	v34 =	vld.idx.msk [tilespmem:v39+s23+$0x0], $0xffff;
	v8 =	vadd.f32 v7, v3;
	v33 =	vmul.f32 v15, v24;
	v15 =	vmul.f32 v31, v27  }
0x272: {  	v13 =	vadd.f32 v13, v14;
	[tilespmem:s0+$0x0] =	vst v20;
	v20 =	vld [tilespmem:$0x1FDC0];
	v14 =	vunpack.i.u.bf16.f32 v12;
	v12 =	vunpack.i.l.bf16.f32 v12  }
0x273: {  	v31 =	vld [tilespmem:$0x1FD90];
	v15 =	vadd.f32 v33, v15;
	v12 =	vmul.f32 v12, v63;
	v14 =	vmul.f32 v14, v23  }
0x274: {  	v1 =	vmul.f32 v1, v6;
	v3 =	vadd.f32 v0, v10;
	v11 =	vunpack.i.l.bf16.f32 v35;
	v33 =	vld [tilespmem:$0x1FDB0]  }
0x275: {  	v2 =	vadd.f32 v15, v13;
	v10 =	vadd.f32 v12, v14;
	v12 =	vunpack.i.l.bf16.f32 v32;
	v13 =	vld.idx.msk [tilespmem:v37+s24+$0x0], $0xffff  }
0x276: {  	v14 =	vunpack.i.l.bf16.f32 v34;
	v32 =	vld [tilespmem:$0x1FDA0];
	v15 =	vunpack.i.u.bf16.f32 v34;
	v12 =	vmul.f32 v12, v22  }
0x277: {  	v34 =	vunpack.i.u.bf16.f32 v35;
	v35 =	vld.idx.msk [tilespmem:v5+s24+$0x0], $0xffff;
	v14 =	vmul.f32 v14, v25;
	v15 =	vmul.f32 v15, v26  }
0x278: {  	v11 =	vmul.f32 v11, v24;
	[tilespmem:s0+$0x80] =	vst v31;
	v31 =	vld [tilespmem:$0x1FDD0];
	v1 =	vadd.f32 v12, v1;
	v12 =	vmul.f32 v34, v27  }
0x279: {  	v14 =	vadd.f32 v14, v15;
	v34 =	vld [tilespmem:$0x1FDF0]  }
0x27a: {  	v15 =	vunpack.i.u.bf16.f32 v13;
	v13 =	vunpack.i.l.bf16.f32 v13;
	v11 =	vadd.f32 v11, v12;
	v12 =	vld.idx.msk [tilespmem:v4+s24+$0x0], $0xffff  }
0x27b: {  	[tilespmem:s0+$0x100] =	vst v32;
	v32 =	vld [tilespmem:$0x1FDE0];
	v13 =	vmul.f32 v13, v63;
	v15 =	vmul.f32 v15, v23  }
0x27c: {  	v7 =	vadd.f32 v2, v3;
	[tilespmem:s0+$0x180] =	vst v33;
	v33 =	vunpack.i.l.bf16.f32 v35;
	v0 =	vunpack.i.u.bf16.f32 v35;
	v35 =	vld [tilespmem:$0x1FE00]  }
0x27d: {  	v3 =	vadd.f32 v1, v10;
	v10 =	vadd.f32 v13, v15;
	v13 =	vld.idx.msk [tilespmem:v36+s24+$0x0], $0xffff  }
0x27e: {  	[tilespmem:s0+$0x200] =	vst v20;
	v1 =	vld.idx.msk [tilespmem:v17+s24+$0x0], $0xffff;
	v0 =	vmul.f32 v0, v6;
	v2 =	vadd.f32 v11, v14;
	v14 =	vunpack.i.l.bf16.f32 v40  }
0x27f: {  	[tilespmem:s0+$0x280] =	vst v31;
	v11 =	vmul.f32 v33, v22;
	v15 =	vunpack.i.u.bf16.f32 v40;
	v14 =	vmul.f32 v14, v25;
	v40 =	vld [tilespmem:$0x1FE10]  }
0x280: {  	s2 =	sadd.s32 $0x8610, s17;
	v15 =	vmul.f32 v15, v26;
	[tilespmem:s0+$0x300] =	vst v32;
	v20 =	vunpack.i.u.bf16.f32 v12;
	v12 =	vunpack.i.l.bf16.f32 v12;
	v32 =	vld [tilespmem:$0x1FE20]  }
0x281: {  	s9 =	sor.u32 s19, s2;
	v33 =	vld [tilespmem:$0x1FE30];
	[tilespmem:s0+$0x380] =	vst v34;
	v0 =	vadd.f32 v11, v0;
	v31 =	vmul.f32 v12, v24;
	v12 =	vmul.f32 v20, v27  }
0x282: {  	s3 =	sadd.s32 $0x8690, s17;
	v34 =	vld [tilespmem:$0x1FE40];
	[tilespmem:s9+$0x0] =	vst v35;
	v14 =	vadd.f32 v14, v15;
	v15 =	vunpack.i.u.bf16.f32 v13;
	v13 =	vunpack.i.l.bf16.f32 v13  }
0x283: {  	s20 =	sor.u32 s19, s3;
	s0 =	sadd.s32 $0x8710, s17;
	v11 =	vadd.f32 v31, v12;
	v12 =	vmul.f32 v13, v63;
	v13 =	vmul.f32 v15, v23;
	v15 =	vld.idx.msk [tilespmem:v19+s24+$0x0], $0xffff  }
0x284: {  	s4 =	sor.u32 s19, s0;
	[tilespmem:s20+$0x0] =	vst v40;
	v40 =	vld.idx.msk [tilespmem:v39+s24+$0x0], $0xffff  }
0x285: {  	v31 =	vld [tilespmem:$0x1FE50];
	[tilespmem:s4+$0x0] =	vst v32;
	s4 =	sadd.s32 $0x8790, s17  }
0x286: {  	s5 =	sadd.s32 $0x8810, s17;
	v20 =	vadd.f32 v2, v3;
	v35 =	vunpack.i.l.bf16.f32 v1;
	s7 =	sor.u32 s19, s4;
	v3 =	vadd.f32 v12, v13;
	v13 =	vld [tilespmem:$0x1FE60]  }
0x287: {  	v0 =	vadd.f32 v0, v10;
	s9 =	sor.u32 s19, s5;
	v1 =	vunpack.i.u.bf16.f32 v1;
	v10 =	vmul.f32 v35, v22;
	[tilespmem:s7+$0x0] =	vst v33;
	v33 =	vld [tilespmem:$0x1FE70]  }
0x288: {  	v1 =	vmul.f32 v1, v6;
	s7 =	sadd.s32 $0x8890, s17;
	[tilespmem:s9+$0x0] =	vst v34;
	v34 =	vunpack.i.u.bf16.f32 v15;
	v15 =	vunpack.i.l.bf16.f32 v15  }
0x289: {  	v2 =	vadd.f32 v11, v14;
	v14 =	vld.idx.msk [tilespmem:v5+s25+$0x0], $0xffff;
	s20 =	sor.u32 s19, s7;
	s9 =	sadd.s32 $0x8910, s17;
	v35 =	vmul.f32 v15, v24;
	v15 =	vmul.f32 v34, v27  }
0x28a: {  	v1 =	vadd.f32 v10, v1;
	v12 =	vld.idx.msk [tilespmem:v37+s25+$0x0], $0xffff;
	s17 =	sadd.s32 $0x8990, s17;
	[tilespmem:s20+$0x0] =	vst v31;
	s29 =	sor.u32 s19, s9  }
0x28b: {  	v32 =	vunpack.i.l.bf16.f32 v40;
	s19 =	sor.u32 s19, s17;
	[tilespmem:s29+$0x0] =	vst v13;
	v13 =	vunpack.i.u.bf16.f32 v40;
	v10 =	vadd.f32 v35, v15;
	v15 =	vld [tilespmem:$0x1FEB0]  }
0x28c: {  	v11 =	vmul.f32 v32, v25;
	[tilespmem:s19+$0x0] =	vst v33;
	v13 =	vmul.f32 v13, v26;
	v33 =	vld [tilespmem:$0x1FE80]  }
0x28d: {  	v34 =	vld [tilespmem:$0x1FE90];
	s29 =	sadd.s32 $0x10, s12  }
0x28e: {  	v2 =	vadd.f32 v2, v0;
	s19 =	sand.u32 $0x50, s29;
	v0 =	vadd.f32 v11, v13;
	v13 =	vld [tilespmem:$0x1FEA0]  }
0x28f: {  	v40 =	vld.idx.msk [tilespmem:v16+s25+$0x0], $0xffff;
	s20 =	sadd.s32 s19, s1  }
0x290: {  	[tilespmem:s20+$0x180] =	vst v15;
	v15 =	vld [tilespmem:$0x1FEC0]  }
0x291: {  	v35 =	vunpack.i.l.bf16.f32 v12;
	[tilespmem:s20+$0x0] =	vst v33;
	v33 =	vld [tilespmem:$0x1FED0]  }
0x292: {  	v1 =	vadd.f32 v1, v3;
	v12 =	vunpack.i.u.bf16.f32 v12;
	v3 =	vmul.f32 v35, v63;
	v11 =	vld.idx.msk [tilespmem:v4+s25+$0x0], $0xffff;
	[tilespmem:s20+$0x80] =	vst v34  }
0x293: {  	v12 =	vmul.f32 v12, v23;
	v35 =	vld.idx.msk [tilespmem:v36+s25+$0x0], $0xffff;
	[tilespmem:s20+$0x100] =	vst v13;
	v13 =	vunpack.i.l.bf16.f32 v14;
	v14 =	vunpack.i.u.bf16.f32 v14  }
0x294: {  	v34 =	vld.idx.msk [tilespmem:v17+s25+$0x0], $0xffff;
	v0 =	vadd.f32 v10, v0;
	v13 =	vmul.f32 v13, v22;
	v14 =	vmul.f32 v14, v6  }
0x295: {  	v3 =	vadd.f32 v3, v12;
	v31 =	vunpack.i.l.bf16.f32 v40;
	[tilespmem:s20+$0x200] =	vst v15;
	v15 =	vunpack.i.u.bf16.f32 v40;
	v40 =	vld [tilespmem:$0x1FEE0]  }
0x296: {  	v10 =	vmul.f32 v31, v25;
	v1 =	vadd.f32 v0, v1;
	[tilespmem:s20+$0x280] =	vst v33;
	v13 =	vadd.f32 v13, v14;
	v33 =	vld [tilespmem:$0x1FEF0]  }
0x297: {  	v12 =	vunpack.i.u.bf16.f32 v11;
	v11 =	vunpack.i.l.bf16.f32 v11;
	v15 =	vmul.f32 v15, v26  }
0x298: {  	v11 =	vmul.f32 v11, v24;
	v12 =	vmul.f32 v12, v27;
	v14 =	vld.idx.msk [tilespmem:v39+s25+$0x0], $0xffff;
	v3 =	vadd.f32 v13, v3  }
0x299: {  	v13 =	vunpack.i.u.bf16.f32 v35;
	v0 =	vadd.f32 v10, v15;
	v15 =	vunpack.i.l.bf16.f32 v34  }
0x29a: {  	v13 =	vmul.f32 v13, v23;
	v15 =	vmul.f32 v15, v22;
	[tilespmem:s20+$0x300] =	vst v40  }
0x29b: {  	s29 =	sadd.s32 s19, s2;
	[tilespmem:s20+$0x380] =	vst v33;
	v40 =	vadd.f32 v11, v12;
	v33 =	vunpack.i.l.bf16.f32 v35;
	v12 =	vld.idx.msk [tilespmem:v19+s25+$0x0], $0xffff;
	v35 =	vunpack.i.u.bf16.f32 v34  }
0x29c: {  	[tilespmem:s29+$0x0] =	vst v38;
	s29 =	sadd.s32 s19, s3;
	v11 =	vmul.f32 v33, v63;
	v31 =	vmul.f32 v35, v6;
	v33 =	vld.idx.msk [tilespmem:v37+s26+$0x0], $0xffff  }
0x29d: {  	v38 =	vunpack.i.u.bf16.f32 v14;
	v14 =	vunpack.i.l.bf16.f32 v14;
	[tilespmem:s29+$0x0] =	vst v41;
	v0 =	vadd.f32 v40, v0;
	v41 =	vld.idx.msk [tilespmem:v5+s26+$0x0], $0xffff  }
0x29e: {  	s29 =	sadd.s32 s19, s0;
	v40 =	vmul.f32 v14, v25;
	v14 =	vmul.f32 v38, v26;
	v11 =	vadd.f32 v11, v13  }
0x29f: {  	[tilespmem:s29+$0x0] =	vst v44;
	s29 =	sadd.s32 s19, s4;
	v15 =	vadd.f32 v15, v31;
	v0 =	vadd.f32 v0, v3  }
0x2a0: {  	v44 =	vld.idx.msk [tilespmem:v16+s26+$0x0], $0xffff;
	[tilespmem:s29+$0x0] =	vst v43;
	s29 =	sadd.s32 s19, s5;
	v38 =	vadd.f32 v40, v14;
	v13 =	vunpack.i.u.bf16.f32 v12;
	v12 =	vunpack.i.l.bf16.f32 v12  }
0x2a1: {  	v43 =	vld.idx.msk [tilespmem:v17+s26+$0x0], $0xffff;
	[tilespmem:s29+$0x0] =	vst v42;
	s29 =	sadd.s32 s19, s7;
	v12 =	vmul.f32 v12, v24;
	v13 =	vmul.f32 v13, v27  }
0x2a2: {  	s20 =	sadd.s32 s19, s9;
	v37 =	vld.idx.msk [tilespmem:v37+s28+$0x0], $0xffff;
	v11 =	vadd.f32 v15, v11;
	[tilespmem:s29+$0x0] =	vst v46;
	s29 =	sadd.s32 $0x20, s12;
	v14 =	vunpack.i.u.bf16.f32 v33;
	v15 =	vunpack.i.l.bf16.f32 v41  }
0x2a3: {  	[tilespmem:s20+$0x0] =	vst v45;
	s20 =	sadd.s32 s19, s17;
	s19 =	sand.u32 $0x60, s29;
	v14 =	vmul.f32 v14, v23;
	v32 =	vunpack.i.u.bf16.f32 v41;
	v40 =	vadd.f32 v12, v13  }
0x2a4: {  	v41 =	vld.idx.msk [tilespmem:v36+s26+$0x0], $0xffff;
	v12 =	vunpack.i.l.bf16.f32 v33;
	[tilespmem:s20+$0x0] =	vst v47;
	s29 =	sor.u32 s19, s1;
	v15 =	vmul.f32 v15, v22;
	v32 =	vmul.f32 v32, v6  }
0x2a5: {  	v13 =	vld.idx.msk [tilespmem:v4+s26+$0x0], $0xffff;
	v42 =	vunpack.i.u.bf16.f32 v44;
	v31 =	vunpack.i.l.bf16.f32 v44;
	v12 =	vmul.f32 v12, v63;
	[tilespmem:s29+$0x0] =	vst v48  }
0x2a6: {  	v4 =	vld.idx.msk [tilespmem:v4+s28+$0x0], $0xffff;
	v46 =	vmul.f32 v31, v25;
	v47 =	vmul.f32 v42, v26;
	[tilespmem:s29+$0x80] =	vst v49;
	v45 =	vunpack.i.l.bf16.f32 v43  }
0x2a7: {  	v48 =	vld.idx.msk [tilespmem:v39+s26+$0x0], $0xffff;
	[tilespmem:s29+$0x100] =	vst v50;
	v35 =	vunpack.i.u.bf16.f32 v43;
	v50 =	vunpack.i.l.bf16.f32 v37;
	v3 =	vadd.f32 v40, v38  }
0x2a8: {  	[tilespmem:s29+$0x180] =	vst v51;
	v15 =	vadd.f32 v15, v32;
	v38 =	vmul.f32 v45, v22;
	v35 =	vmul.f32 v35, v6  }
0x2a9: {  	v49 =	vld.idx.msk [tilespmem:v19+s26+$0x0], $0xffff;
	[tilespmem:s29+$0x200] =	vst v54;
	v12 =	vadd.f32 v12, v14;
	v10 =	vadd.f32 v46, v47;
	v44 =	vunpack.i.u.bf16.f32 v41  }
0x2aa: {  	[tilespmem:s29+$0x280] =	vst v53;
	v33 =	vunpack.i.l.bf16.f32 v41;
	v3 =	vadd.f32 v3, v11;
	v11 =	vmul.f32 v50, v63  }
0x2ab: {  	[tilespmem:s29+$0x300] =	vst v52;
	v52 =	vld.idx.msk [tilespmem:v39+s28+$0x0], $0xffff;
	v14 =	vunpack.i.u.bf16.f32 v13;
	v13 =	vunpack.i.l.bf16.f32 v13;
	v33 =	vmul.f32 v33, v63  }
0x2ac: {  	[tilespmem:s29+$0x380] =	vst v55;
	s29 =	sor.u32 s19, s2;
	v31 =	vmul.f32 v44, v23;
	v12 =	vadd.f32 v15, v12;
	v54 =	vunpack.i.l.bf16.f32 v4  }
0x2ad: {  	v19 =	vld.idx.msk [tilespmem:v19+s28+$0x0], $0xffff;
	[tilespmem:s29+$0x0] =	vst v56;
	s29 =	sor.u32 s19, s3;
	v4 =	vunpack.i.u.bf16.f32 v4;
	v13 =	vmul.f32 v13, v24;
	v14 =	vmul.f32 v14, v27  }
0x2ae: {  	[tilespmem:s29+$0x0] =	vst v57;
	s29 =	sor.u32 s19, s0;
	v46 =	vunpack.i.l.bf16.f32 v48;
	v34 =	vunpack.i.u.bf16.f32 v48;
	v47 =	vunpack.i.u.bf16.f32 v49  }
0x2af: {  	[tilespmem:s29+$0x0] =	vst v58;
	s29 =	sor.u32 s19, s4;
	v32 =	vunpack.i.l.bf16.f32 v49;
	v49 =	vadd.f32 v38, v35;
	v4 =	vmul.f32 v4, v27  }
0x2b0: {  	v5 =	vld.idx.msk [tilespmem:v5+s28+$0x0], $0xffff;
	[tilespmem:s29+$0x0] =	vst v59;
	s29 =	sor.u32 s19, s5;
	v56 =	vunpack.i.u.bf16.f32 v52;
	v40 =	vmul.f32 v46, v25;
	v34 =	vmul.f32 v34, v26  }
0x2b1: {  	[tilespmem:s29+$0x0] =	vst v62;
	s29 =	sor.u32 s19, s7;
	v48 =	vmul.f32 v47, v27;
	v13 =	vadd.f32 v13, v14;
	v14 =	vmul.f32 v32, v24  }
0x2b2: {  	v17 =	vld.idx.msk [tilespmem:v17+s28+$0x0], $0xffff;
	s20 =	sor.u32 s19, s9;
	v59 =	vunpack.i.l.bf16.f32 v19;
	v31 =	vadd.f32 v33, v31;
	[tilespmem:s29+$0x0] =	vst v61;
	v57 =	vmul.f32 v56, v26  }
0x2b3: {  	[tilespmem:s20+$0x0] =	vst v60;
	v60 =	vmul.f32 v59, v24;
	v34 =	vadd.f32 v40, v34;
	v14 =	vadd.f32 v14, v48  }
0x2b4: {  	s29 =	sadd.s32 $0x30, s12;
	v15 =	vadd.f32 v49, v31;
	v31 =	vmul.f32 v54, v24;
	v10 =	vadd.f32 v13, v10  }
0x2b5: {  	s19 =	sor.u32 s19, s17;
	s29 =	sand.u32 $0x70, s29;
	v13 =	vld.idx.msk [tilespmem:v16+s28+$0x0], $0xffff;
	v16 =	vunpack.i.u.bf16.f32 v5;
	v5 =	vunpack.i.l.bf16.f32 v5;
	v14 =	vadd.f32 v14, v34  }
0x2b6: {  	[tilespmem:s19+$0x0] =	vst v30;
	s1 =	sadd.s32 s29, s1;
	v5 =	vmul.f32 v5, v22;
	v16 =	vmul.f32 v16, v6  }
0x2b7: {  	v55 =	vunpack.i.l.bf16.f32 v52;
	v10 =	vadd.f32 v10, v12;
	v12 =	vadd.f32 v14, v15;
	v15 =	vld.idx.msk [tilespmem:v36+s28+$0x0], $0xffff;
	[tilespmem:s1+$0x0] =	vst v29  }
0x2b8: {  	v5 =	vadd.f32 v5, v16;
	v16 =	vunpack.i.l.bf16.f32 v17;
	v17 =	vunpack.i.u.bf16.f32 v17;
	[tilespmem:s1+$0x80] =	vst v28  }
0x2b9: {  	v58 =	vunpack.i.u.bf16.f32 v19;
	[tilespmem:s1+$0x100] =	vst v21;
	v16 =	vmul.f32 v16, v22;
	v6 =	vmul.f32 v17, v6  }
0x2ba: {  	v14 =	vunpack.i.u.bf16.f32 v37;
	[tilespmem:s1+$0x200] =	vst v9;
	v17 =	vmul.f32 v55, v25;
	v9 =	vmul.f32 v58, v27  }
0x2bb: {  	[tilespmem:s1+$0x180] =	vst v18;
	v14 =	vmul.f32 v14, v23;
	v51 =	vunpack.i.l.bf16.f32 v13;
	v13 =	vunpack.i.u.bf16.f32 v13  }
0x2bc: {  	v4 =	vadd.f32 v31, v4;
	[tilespmem:s1+$0x280] =	vst v8;
	v53 =	vmul.f32 v51, v25;
	v13 =	vmul.f32 v13, v26  }
0x2bd: {  	[tilespmem:s1+$0x300] =	vst v7;
	v11 =	vadd.f32 v11, v14;
	v14 =	vunpack.i.u.bf16.f32 v15;
	v15 =	vunpack.i.l.bf16.f32 v15  }
0x2be: {  	s2 =	sadd.s32 s29, s2;
	[tilespmem:s1+$0x380] =	vst v20;
	v6 =	vadd.f32 v16, v6;
	v15 =	vmul.f32 v15, v63;
	v14 =	vmul.f32 v14, v23  }
0x2bf: {  	s3 =	sadd.s32 s29, s3;
	[tilespmem:s2+$0x0] =	vst v2;
	v61 =	vadd.f32 v17, v57;
	v13 =	vadd.f32 v53, v13  }
0x2c0: {  	s11 =	sadd.s32 $0x4, s11;
	s0 =	sadd.s32 s29, s0;
	v7 =	vadd.f32 v60, v9;
	[tilespmem:s3+$0x0] =	vst v1;
	v14 =	vadd.f32 v15, v14  }
0x2c1: {  	p0 =	slt.u32 s11, $0x4C;
	s4 =	sadd.s32 s29, s4;
	[tilespmem:s0+$0x0] =	vst v0;
	v62 =	vadd.f32 v5, v11;
	v4 =	vadd.f32 v4, v13  }
.Ltmp5:
0x2c2: {  	s5 =	sadd.s32 s29, s5;
	v2 =	vadd.f32 v7, v61;
	[tilespmem:s4+$0x0] =	vst v3;
	v63 =	vadd.f32 v6, v14;
	(pc) =	sbr.rel @p0 .LBB2_5-.Ltmp5, $4  }
0x2c3: {  	s7 =	sadd.s32 s29, s7;
	[tilespmem:s5+$0x0] =	vst v10;
	v1 =	vadd.f32 v4, v62  }
0x2c4: {  	s19 =	sadd.s32 s29, s9;
	[tilespmem:s7+$0x0] =	vst v12;
	v0 =	vadd.f32 v2, v63  }
0x2c5: {  	s15 =	sadd.s32 $0x200, s15;
	s14 =	sadd.s32 $0x40, s14;
	v40 =	vld [tilespmem:$0x1FF10];
	s29 =	sadd.s32 s29, s17;
	[tilespmem:s19+$0x0] =	vst v1  }
0x2c6: {  	s18 =	sadd.s32 $0x40, s18;
	s13 =	sadd.s32 $0x40, s13;
	s12 =	sadd.s32 $0x40, s12;
	v15 =	vld [tilespmem:$0x1FF00];
	[tilespmem:s29+$0x0] =	vst v0  }
.Ltmp6:
0x2c7: {  	s0 =	rddreg [dreg:$0x14];
	(pc) =	sbr.rel .LBB2_7-.Ltmp6, $4  }
0x2c8: {  	s1 =	rddreg [dreg:$0x4];
	s0 =	smul.u32 $0x500, s0  }
0x2c9: {  	s29 =	simm.s32 $0x2800;
	s2 =	simm.s32 $0x61A800;
	s3 =	simm.s32 $0x5E10  }
0x2ca: {  	s4 =	rddreg [dreg:$0x8];
	s5 =	smov.u32 s6;
	s0 =	sadd.s32 s1, s0  }
0x2cb: {  	[hbm4b:s0+s29] =	stream.strided.scatter [tilespmem:s3], [sflag:$0x3], $0x5000, s2, s29, $0x38;
	[tilespmem:$0xFE10] =	vst v63  }
.LBB2_3:
0x2cc: {  	s8 =	sor.u32 $0x1, s10  }
.LBB2_7:
0x2cd: {  	p0 =	sge.u32 s8, s4  }
.Ltmp7:
0x2ce: {  	_ = 	snop;
	(pc) =	sbr.rel @p0 .LBB2_11-.Ltmp7, $1  }
0x2cf: {  	_ =	sdelay $0x3  }
0x2d0: {  	s1 =	simm.s32 $0x2  }
0x2d1: {  	_ =	swait.ge [sflag:s1], $0x500  }
0x2d2: {  	[sflag:s1] =	ssyncset.done $0x0  }
0x2d3: {  	s0 =	sadd.s32 $0x2, s10;
	[sflag:s1] =	ssyncadd.s32 $0xFFFFFB00  }
0x2d4: {  	p0 =	sge.u32 s0, s4;
	_ =	swait.ge [sflag:s1], $0x500  }
0x2d5: {  	s0 =	sshll.u32 @!p0 s0, $0x5;
	[sflag:s1] =	ssyncset.done $0x0;
	s4 =	rddreg [dreg:$0x6]  }
0x2d6: {  	[sflag:s1] =	ssyncadd.s32 $0xFFFFFB00;
	s0 =	sor.u32 @!p0 s4, s0  }
0x2d7: {  	_ =	swait.ge [sflag:s1], $0x500;
	s0 =	smul.u32 @!p0 $0xA0, s0  }
0x2d8: {  	[sflag:s1] =	ssyncset.done $0x0  }
0x2d9: {  	s2 =	simm.s32 @!p0 $0x0;
	[sflag:s1] =	ssyncadd.s32 $0xFFFFFB00;
	s1 =	sadd.s32 @!p0 s30, s0  }
0x2da: {  	[tilespmem:s2], [sflag:$0x1] =	stream.linear.gather @!p0 [hbm4b:s1+s2], $0x500, $0x38;
	[tilespmem:$0xFE10] =	vst v63  }
0x2db: {  	s3 =	simm.s32 @!p0 $0xA00;
	s1 =	sadd.s32 @!p0 s31, s0  }
0x2dc: {  	[tilespmem:s3], [sflag:$0x1] =	stream.linear.gather @!p0 [hbm4b:s1+s2], $0x500, $0x38;
	[tilespmem:$0xFE10] =	vst v63  }
0x2dd: {  	s1 =	rddreg [dreg:$0x2]  }
0x2de: {  	s0 =	sadd.s32 @!p0 s1, s0;
	s1 =	simm.s32 @!p0 $0x1400  }
0x2df: {  	[tilespmem:s1], [sflag:$0x1] =	stream.linear.gather @!p0 [hbm4b:s0+s2], $0x500, $0x38;
	[tilespmem:$0xFE10] =	vst v63  }
0x2e0: {  	s6 =	simm.s32 $0xFFFFFFFC;
	s12 =	simm.s32 $0x1930;
	p0 =	seq.s32 s5, $0x0  }
0x2e1: {  	s13 =	simm.s32 $0xF30;
	[dreg:$0x10] =	wrdreg s5;
	s0 =	simm.s32 @!p0 $0x4  }
0x2e2: {  	s11 =	simm.s32 $0x530;
	s31 =	sshll.u32 s8, $0x5;
	_ =	swait.ge @!p0 [sflag:s0], $0x5000  }
0x2e3: {  	s1 =	sor.u32 s4, s31;
	s5 =	simm.s32 $0x0;
	[sflag:s0] =	ssyncset.done @!p0 $0x0  }
0x2e4: {  	[dreg:$0x11] =	wrdreg s1;
	[sflag:s0] =	ssyncadd.s32 @!p0 $0xFFFFB000;
	s0 =	simm.s32 $0x0  }
.LBB2_9:
0x2e5: {  	v0 =	vld [tilespmem:s11+$0xFFFFFFD0];
	_ =	sdelay $0x4  }
0x2e6: {  	v1 =	vmul.f32 $1.666666720e-01, v0;
	v2 =	vmul.f32 $5.235987900e-01, v0;
	_ =	sdelay $0x1  }
0x2e7: {  	v1 =	vadd.f32 $-1.000000000e+00, v1;
	v2 =	vmul.f32 v2, v2;
	_ =	sdelay $0x1  }
0x2e8: {  	v3 =	vadd.f32 v1, v1;
	v4 =	vmul.f32 $2.480158760e-05, v2;
	_ =	sdelay $0x1  }
0x2e9: {  	v1 =	vmul.f32 v3, v1;
	v51 =	vadd.f32 $-1.388888920e-03, v4;
	_ =	sdelay $0x1  }
0x2ea: {  	v1 =	vadd.f32 $-1.000000000e+00, v1;
	v3 =	vmul.f32 v51, v2;
	_ =	sdelay $0x1  }
0x2eb: {  	v52 =	vadd.f32 v1, v1;
	v3 =	vadd.f32 $4.166666790e-02, v3  }
0x2ec: {  	v54 =	vld [tilespmem:s13+$0xFFFFFFD0]  }
0x2ed: {  	v8 =	vld [tilespmem:s12+$0xFFFFFFD0];
	v5 =	vmul.f32 v52, v1;
	v3 =	vmul.f32 v3, v2;
	_ =	sdelay $0x1  }
0x2ee: {  	v37 =	vld [tilespmem:$0x1FF60];
	v5 =	vadd.f32 $-1.000000000e+00, v5;
	v3 =	vadd.f32 $-5.000000000e-01, v3  }
0x2ef: {  	v43 =	vld [tilespmem:$0x1FF20]  }
0x2f0: {  	v44 =	vld [tilespmem:$0x1FF30];
	v6 =	vmul.f32 v5, v52;
	v2 =	vmul.f32 v3, v2  }
0x2f1: {  	v47 =	vld [tilespmem:$0x1FF40];
	v55 =	vshll.u32 v54, $0x8;
	v56 =	vshll.u32 v8, $0x6  }
0x2f2: {  	v50 =	vld [tilespmem:$0x1FF70];
	v53 =	vsub.f32 v6, v1;
	v2 =	vadd.f32 $1.000000000e+00, v2;
	v6 =	vadd.s32 v55, v56  }
0x2f3: {  	v42 =	vld [tilespmem:$0x1FFB0];
	vm0 =	vlt.f32 v0, $6.000000000e+00;
	v10 =	vadd.s32 v37, v6  }
0x2f4: {  	v7 =	vmul.f32 v53, v52;
	v2 =	vmul.f32 $5.000000000e-01, v2;
	v10 =	vand.u32 $0xFFFFFFC8, v10  }
0x2f5: {  	v45 =	vld [tilespmem:$0x1FFD0];
	v1 =	vadd.f32 $1.000000000e+00, v1;
	v59 =	vadd.s32 v43, v6;
	v20 =	vor.u32 v15, v10  }
0x2f6: {  	v46 =	vld [tilespmem:$0x1FFA0];
	v62 =	vadd.s32 v47, v6;
	v7 =	vsub.f32 v7, v5;
	v2 =	vadd.f32 $5.000000000e-01, v2  }
0x2f7: {  	v41 =	vld [tilespmem:$0x1FF50];
	v60 =	vadd.s32 v44, v6;
	v28 =	vadd.s32 v50, v6;
	v10 =	vand.u32 $0xFFFFFFD8, v62  }
0x2f8: {  	v51 =	vld [tilespmem:$0x1FF80];
	v21 =	vor.u32 v42, v10;
	v9 =	vmul.f32 v7, v52;
	v0 =	vnsel vm0, $0x0, v2  }
0x2f9: {  	v61 =	vand.u32 $0xFFFFFFD8, v60;
	v31 =	vand.u32 $0xFFFFFFD8, v28;
	v57 =	vmul.f32 $5.000000000e-01, v0  }
0x2fa: {  	v8 =	vor.u32 v45, v31;
	v5 =	vadd.f32 $1.000000000e+00, v5;
	v9 =	vsub.f32 v9, v53;
	v25 =	vld.idx.msk [tilespmem:v20+s16+$0x0], $0xffff  }
0x2fb: {  	v36 =	vld [tilespmem:$0x1FFC0];
	v11 =	vadd.f32 $1.000000000e+00, v53;
	v19 =	vor.u32 v46, v61;
	v3 =	vmul.f32 v57, v1  }
0x2fc: {  	v48 =	vld [tilespmem:$0x1FFE0];
	v1 =	vmul.f32 v57, v5;
	v5 =	vand.u32 $0xFFFFFFD8, v59;
	v58 =	vmul.f32 v9, v52  }
0x2fd: {  	v27 =	vadd.s32 v41, v6;
	v30 =	vadd.s32 v51, v6;
	v14 =	vld.idx.msk [tilespmem:v21+s16+$0x0], $0xffff;
	v22 =	vor.u32 v40, v5  }
0x2fe: {  	v2 =	vmul.f32 v57, v11;
	v59 =	vld.idx.msk [tilespmem:v21+s21+$0x0], $0xffff;
	v63 =	vadd.f32 $1.000000000e+00, v9;
	v12 =	vsub.f32 v58, v7  }
0x2ff: {  	v7 =	vadd.f32 $1.000000000e+00, v7;
	v13 =	vunpack.i.u.bf16.f32 v25;
	v11 =	vunpack.i.l.bf16.f32 v25;
	v25 =	vld.idx.msk [tilespmem:v8+s16+$0x0], $0xffff  }
0x300: {  	v32 =	vand.u32 $0xFFFFFFD8, v30;
	v17 =	vmul.f32 v63, v57;
	v4 =	vmul.f32 v12, v52;
	v52 =	vld [tilespmem:$0x1FF90]  }
0x301: {  	v24 =	vadd.f32 $1.000000000e+00, v12;
	v16 =	vmul.f32 v57, v7;
	v12 =	vld.idx.msk [tilespmem:v19+s16+$0x0], $0xffff;
	v7 =	vand.u32 $0xFFFFFFD8, v27  }
0x302: {  	v33 =	vmul.f32 v0, v11;
	v34 =	vmul.f32 v3, v13;
	v29 =	vld.idx.msk [tilespmem:v22+s16+$0x0], $0xffff;
	v4 =	vsub.f32 v4, v9  }
0x303: {  	v30 =	vunpack.i.u.bf16.f32 v59;
	v18 =	vor.u32 v36, v7;
	v7 =	vor.u32 v48, v32  }
0x304: {  	v49 =	vld [tilespmem:$0x1FFF0];
	v10 =	vadd.f32 v34, v33;
	v26 =	vadd.f32 $1.000000000e+00, v4;
	v4 =	vmul.f32 v24, v57  }
0x305: {  	v56 =	vld.idx.msk [tilespmem:v22+s21+$0x0], $0xffff;
	v24 =	vunpack.i.u.bf16.f32 v14;
	v14 =	vunpack.i.l.bf16.f32 v14;
	v39 =	vunpack.i.u.bf16.f32 v25  }
0x306: {  	v6 =	vadd.s32 v52, v6;
	v15 =	vunpack.i.l.bf16.f32 v12;
	v12 =	vunpack.i.u.bf16.f32 v12  }
0x307: {  	v5 =	vmul.f32 v26, v57;
	v13 =	vunpack.i.u.bf16.f32 v29;
	v9 =	vunpack.i.l.bf16.f32 v29  }
0x308: {  	v6 =	vand.u32 $0xFFFFFFD8, v6;
	v15 =	vmul.f32 v16, v15;
	v23 =	vld.idx.msk [tilespmem:v18+s16+$0x0], $0xffff;
	v12 =	vmul.f32 v17, v12  }
0x309: {  	v26 =	vld.idx.msk [tilespmem:v7+s16+$0x0], $0xffff;
	v9 =	vmul.f32 v1, v9;
	v6 =	vor.u32 v49, v6;
	v13 =	vmul.f32 v2, v13  }
0x30a: {  	v31 =	vld.idx.msk [tilespmem:v8+s21+$0x0], $0xffff;
	v14 =	vmul.f32 v4, v14;
	v61 =	vunpack.i.u.bf16.f32 v56;
	v24 =	vmul.f32 v5, v24  }
0x30b: {  	v35 =	vadd.f32 v12, v15;
	v15 =	vunpack.i.l.bf16.f32 v25;
	v9 =	vadd.f32 v13, v9  }
0x30c: {  	v33 =	vmul.f32 v30, v5;
	v15 =	vmul.f32 v15, v1;
	v12 =	vadd.f32 v24, v14  }
0x30d: {  	v34 =	vld.idx.msk [tilespmem:v7+s21+$0x0], $0xffff;
	v9 =	vadd.f32 v9, v10;
	v38 =	vunpack.i.u.bf16.f32 v23;
	v14 =	vunpack.i.l.bf16.f32 v23  }
0x30e: {  	v53 =	vunpack.i.l.bf16.f32 v26;
	v23 =	vmul.f32 v39, v2;
	v54 =	vunpack.i.u.bf16.f32 v26;
	v13 =	vld.idx.msk [tilespmem:v6+s16+$0x0], $0xffff  }
0x30f: {  	v39 =	vunpack.i.u.bf16.f32 v31;
	v14 =	vmul.f32 v14, v0;
	v10 =	vmul.f32 v38, v3  }
0x310: {  	v24 =	vmul.f32 v53, v16;
	v25 =	vmul.f32 v54, v17;
	v11 =	vadd.f32 v12, v35  }
0x311: {  	v38 =	vunpack.i.l.bf16.f32 v31;
	v10 =	vadd.f32 v14, v10;
	v14 =	vadd.f32 v15, v23  }
0x312: {  	v53 =	vunpack.i.l.bf16.f32 v34;
	v15 =	vld.idx.msk [tilespmem:v19+s21+$0x0], $0xffff;
	v57 =	vadd.f32 v24, v25;
	v9 =	vadd.f32 v11, v9  }
0x313: {  	v27 =	vld.idx.msk [tilespmem:v20+s21+$0x0], $0xffff;
	v23 =	vmul.f32 v61, v2;
	v55 =	vunpack.i.u.bf16.f32 v13;
	v13 =	vunpack.i.l.bf16.f32 v13  }
0x314: {  	v11 =	vunpack.i.u.bf16.f32 v34;
	v12 =	vmul.f32 v13, v4;
	v13 =	vmul.f32 v55, v5  }
0x315: {  	v25 =	vmul.f32 v53, v16;
	v11 =	vmul.f32 v11, v17;
	v58 =	vadd.f32 v14, v10  }
0x316: {  	v35 =	vld.idx.msk [tilespmem:v6+s21+$0x0], $0xffff;
	v14 =	vunpack.i.l.bf16.f32 v56;
	v10 =	vunpack.i.l.bf16.f32 v59;
	v12 =	vadd.f32 v12, v13  }
0x317: {  	v14 =	vmul.f32 v14, v1;
	v32 =	vmul.f32 v10, v4;
	v62 =	vunpack.i.l.bf16.f32 v15  }
0x318: {  	v63 =	vld.idx.msk [tilespmem:v18+s21+$0x0], $0xffff;
	v13 =	vunpack.i.l.bf16.f32 v27;
	v60 =	vadd.f32 v12, v57;
	v12 =	vunpack.i.u.bf16.f32 v27  }
0x319: {  	v15 =	vunpack.i.u.bf16.f32 v15;
	v13 =	vmul.f32 v13, v0;
	v12 =	vmul.f32 v12, v3  }
0x31a: {  	v31 =	vld.idx.msk [tilespmem:v6+s22+$0x0], $0xffff;
	v11 =	vadd.f32 v25, v11;
	v24 =	vmul.f32 v62, v16;
	v15 =	vmul.f32 v15, v17  }
0x31b: {  	[tilespmem:$0x1FB70] =	vst v9;
	v54 =	vunpack.i.u.bf16.f32 v35;
	v9 =	vadd.f32 v60, v58;
	v12 =	vadd.f32 v13, v12  }
0x31c: {  	v10 =	vunpack.i.l.bf16.f32 v35;
	v55 =	vld.idx.msk [tilespmem:v20+s22+$0x0], $0xffff;
	v13 =	vadd.f32 v14, v23;
	v14 =	vadd.f32 v24, v15  }
0x31d: {  	v57 =	vld.idx.msk [tilespmem:v19+s22+$0x0], $0xffff;
	v15 =	vunpack.i.l.bf16.f32 v63;
	v23 =	vmul.f32 v38, v1;
	v24 =	vmul.f32 v39, v2  }
0x31e: {  	v56 =	vld.idx.msk [tilespmem:v22+s22+$0x0], $0xffff;
	[tilespmem:$0x1FB80] =	vst v9;
	v9 =	vadd.f32 v32, v33;
	v12 =	vadd.f32 v13, v12;
	v13 =	vunpack.i.u.bf16.f32 v63  }
0x31f: {  	v35 =	vunpack.i.u.bf16.f32 v31;
	v15 =	vmul.f32 v15, v0;
	v13 =	vmul.f32 v13, v3  }
0x320: {  	v10 =	vmul.f32 v10, v4;
	v9 =	vadd.f32 v9, v14;
	v14 =	vmul.f32 v54, v5  }
0x321: {  	v59 =	vunpack.i.u.bf16.f32 v55;
	v63 =	vld.idx.msk [tilespmem:v8+s22+$0x0], $0xffff;
	v13 =	vadd.f32 v15, v13;
	v15 =	vadd.f32 v23, v24  }
0x322: {  	v53 =	vld.idx.msk [tilespmem:v19+s23+$0x0], $0xffff;
	v60 =	vunpack.i.l.bf16.f32 v57;
	v10 =	vadd.f32 v10, v14;
	v9 =	vadd.f32 v9, v12  }
0x323: {  	v12 =	vld.idx.msk [tilespmem:v21+s22+$0x0], $0xffff;
	v14 =	vunpack.i.l.bf16.f32 v56;
	v23 =	vunpack.i.u.bf16.f32 v57;
	v24 =	vmul.f32 v60, v16  }
0x324: {  	v14 =	vmul.f32 v14, v1;
	v23 =	vmul.f32 v23, v17;
	v58 =	vadd.f32 v15, v13  }
0x325: {  	v10 =	vadd.f32 v10, v11;
	v13 =	vunpack.i.l.bf16.f32 v55;
	v11 =	vmul.f32 v59, v3  }
0x326: {  	v61 =	vld.idx.msk [tilespmem:v18+s22+$0x0], $0xffff;
	v15 =	vunpack.i.u.bf16.f32 v56;
	v32 =	vunpack.i.l.bf16.f32 v63;
	v33 =	vunpack.i.u.bf16.f32 v63  }
0x327: {  	v55 =	vld.idx.msk [tilespmem:v21+s23+$0x0], $0xffff;
	v56 =	vunpack.i.l.bf16.f32 v53;
	v13 =	vmul.f32 v13, v0;
	v15 =	vmul.f32 v15, v2  }
0x328: {  	[tilespmem:$0x1FB90] =	vst v9;
	v59 =	vld.idx.msk [tilespmem:v8+s23+$0x0], $0xffff;
	v9 =	vadd.f32 v10, v58;
	v10 =	vunpack.i.l.bf16.f32 v31;
	v62 =	vunpack.i.u.bf16.f32 v12  }
0x329: {  	v63 =	vld.idx.msk [tilespmem:v6+s23+$0x0], $0xffff;
	v12 =	vunpack.i.l.bf16.f32 v12;
	v11 =	vadd.f32 v13, v11;
	v13 =	vadd.f32 v14, v15  }
0x32a: {  	v14 =	vadd.f32 v24, v23;
	v23 =	vmul.f32 v32, v1;
	v24 =	vmul.f32 v33, v2  }
0x32b: {  	v15 =	vunpack.i.l.bf16.f32 v61;
	v29 =	vmul.f32 v12, v4;
	v30 =	vmul.f32 v62, v5  }
0x32c: {  	v10 =	vmul.f32 v10, v4;
	v12 =	vld.idx.msk [tilespmem:v7+s22+$0x0], $0xffff;
	v15 =	vmul.f32 v15, v0;
	v11 =	vadd.f32 v13, v11  }
0x32d: {  	[tilespmem:$0x1FBA0] =	vst v9;
	v62 =	vld.idx.msk [tilespmem:v7+s23+$0x0], $0xffff;
	v13 =	vunpack.i.u.bf16.f32 v61;
	v58 =	vunpack.i.u.bf16.f32 v55;
	v9 =	vadd.f32 v29, v30  }
0x32e: {  	v28 =	vunpack.i.l.bf16.f32 v59;
	v31 =	vunpack.i.u.bf16.f32 v63;
	v13 =	vmul.f32 v13, v3  }
0x32f: {  	v38 =	vld.idx.msk [tilespmem:v20+s23+$0x0], $0xffff;
	v61 =	vmul.f32 v58, v5;
	v29 =	vunpack.i.u.bf16.f32 v59;
	v9 =	vadd.f32 v9, v14  }
0x330: {  	v39 =	vld.idx.msk [tilespmem:v22+s23+$0x0], $0xffff;
	v14 =	vmul.f32 v35, v5;
	v13 =	vadd.f32 v15, v13;
	v15 =	vadd.f32 v23, v24  }
0x331: {  	v23 =	vunpack.i.u.bf16.f32 v53;
	v24 =	vmul.f32 v56, v16;
	v34 =	vunpack.i.l.bf16.f32 v12  }
0x332: {  	v12 =	vunpack.i.u.bf16.f32 v12;
	v23 =	vmul.f32 v23, v17;
	v30 =	vunpack.i.l.bf16.f32 v62  }
0x333: {  	v25 =	vmul.f32 v34, v16;
	v12 =	vmul.f32 v12, v17;
	v10 =	vadd.f32 v10, v14  }
0x334: {  	v9 =	vadd.f32 v9, v11;
	v54 =	vadd.f32 v15, v13;
	v13 =	vunpack.i.l.bf16.f32 v38  }
0x335: {  	v58 =	vld.idx.msk [tilespmem:v6+s24+$0x0], $0xffff;
	v14 =	vunpack.i.l.bf16.f32 v39;
	v11 =	vunpack.i.l.bf16.f32 v55;
	v12 =	vadd.f32 v25, v12  }
0x336: {  	v32 =	vld.idx.msk [tilespmem:v20+s24+$0x0], $0xffff;
	v60 =	vmul.f32 v11, v4;
	v11 =	vunpack.i.u.bf16.f32 v62;
	v25 =	vmul.f32 v30, v16  }
0x337: {  	v57 =	vld.idx.msk [tilespmem:v18+s23+$0x0], $0xffff;
	v11 =	vmul.f32 v11, v17;
	v10 =	vadd.f32 v10, v12;
	v12 =	vunpack.i.u.bf16.f32 v38  }
0x338: {  	v15 =	vunpack.i.u.bf16.f32 v39;
	v13 =	vmul.f32 v13, v0;
	v12 =	vmul.f32 v12, v3  }
0x339: {  	v14 =	vmul.f32 v14, v1;
	v15 =	vmul.f32 v15, v2;
	v11 =	vadd.f32 v25, v11  }
0x33a: {  	v62 =	vunpack.i.u.bf16.f32 v58;
	[tilespmem:$0x1FBB0] =	vst v9;
	v9 =	vadd.f32 v10, v54;
	v12 =	vadd.f32 v13, v12  }
0x33b: {  	v34 =	vld.idx.msk [tilespmem:v19+s24+$0x0], $0xffff;
	v38 =	vunpack.i.u.bf16.f32 v32;
	v13 =	vadd.f32 v14, v15;
	v14 =	vadd.f32 v24, v23  }
0x33c: {  	v55 =	vld.idx.msk [tilespmem:v8+s24+$0x0], $0xffff;
	v15 =	vunpack.i.l.bf16.f32 v57;
	v23 =	vmul.f32 v28, v1;
	v24 =	vmul.f32 v29, v2  }
0x33d: {  	v33 =	vld.idx.msk [tilespmem:v22+s24+$0x0], $0xffff;
	[tilespmem:$0x1FBC0] =	vst v9;
	v9 =	vadd.f32 v60, v61;
	v12 =	vadd.f32 v13, v12;
	v13 =	vunpack.i.u.bf16.f32 v57  }
0x33e: {  	v10 =	vunpack.i.l.bf16.f32 v63;
	v15 =	vmul.f32 v15, v0;
	v13 =	vmul.f32 v13, v3  }
0x33f: {  	v10 =	vmul.f32 v10, v4;
	v9 =	vadd.f32 v9, v14;
	v14 =	vmul.f32 v31, v5  }
0x340: {  	v39 =	vunpack.i.l.bf16.f32 v34;
	v13 =	vadd.f32 v15, v13;
	v15 =	vadd.f32 v23, v24  }
0x341: {  	v30 =	vld.idx.msk [tilespmem:v19+s25+$0x0], $0xffff;
	v59 =	vunpack.i.l.bf16.f32 v55;
	v10 =	vadd.f32 v10, v14;
	v9 =	vadd.f32 v9, v12  }
0x342: {  	v12 =	vld.idx.msk [tilespmem:v21+s24+$0x0], $0xffff;
	v14 =	vunpack.i.l.bf16.f32 v33;
	v23 =	vunpack.i.u.bf16.f32 v34;
	v24 =	vmul.f32 v39, v16  }
0x343: {  	v60 =	vunpack.i.u.bf16.f32 v55;
	v14 =	vmul.f32 v14, v1;
	v23 =	vmul.f32 v23, v17  }
0x344: {  	v35 =	vadd.f32 v15, v13;
	v10 =	vadd.f32 v10, v11;
	v13 =	vunpack.i.l.bf16.f32 v32  }
0x345: {  	v53 =	vld.idx.msk [tilespmem:v18+s24+$0x0], $0xffff;
	v11 =	vmul.f32 v38, v3;
	v15 =	vunpack.i.u.bf16.f32 v33;
	v13 =	vmul.f32 v13, v0  }
0x346: {  	v55 =	vld.idx.msk [tilespmem:v6+s25+$0x0], $0xffff;
	[tilespmem:$0x1FBD0] =	vst v9;
	v33 =	vunpack.i.l.bf16.f32 v30;
	v15 =	vmul.f32 v15, v2;
	v9 =	vadd.f32 v10, v35  }
0x347: {  	v32 =	vld.idx.msk [tilespmem:v21+s25+$0x0], $0xffff;
	v10 =	vunpack.i.l.bf16.f32 v58;
	v54 =	vunpack.i.u.bf16.f32 v12;
	v11 =	vadd.f32 v13, v11  }
0x348: {  	v38 =	vld.idx.msk [tilespmem:v8+s25+$0x0], $0xffff;
	v13 =	vadd.f32 v14, v15;
	v14 =	vadd.f32 v24, v23;
	v23 =	vmul.f32 v59, v1  }
0x349: {  	v12 =	vunpack.i.l.bf16.f32 v12;
	v24 =	vmul.f32 v60, v2;
	v10 =	vmul.f32 v10, v4  }
0x34a: {  	v15 =	vunpack.i.l.bf16.f32 v53;
	v60 =	vld.idx.msk [tilespmem:v20+s26+$0x0], $0xffff;
	v56 =	vmul.f32 v12, v4;
	v57 =	vmul.f32 v54, v5  }
0x34b: {  	v59 =	vunpack.i.u.bf16.f32 v55;
	v12 =	vld.idx.msk [tilespmem:v7+s24+$0x0], $0xffff;
	v15 =	vmul.f32 v15, v0;
	v11 =	vadd.f32 v13, v11  }
0x34c: {  	[tilespmem:$0x1FBE0] =	vst v9;
	v54 =	vld.idx.msk [tilespmem:v7+s25+$0x0], $0xffff;
	v13 =	vunpack.i.u.bf16.f32 v53;
	v35 =	vunpack.i.u.bf16.f32 v32;
	v9 =	vadd.f32 v56, v57  }
0x34d: {  	v13 =	vmul.f32 v13, v3;
	v53 =	vmul.f32 v35, v5;
	v56 =	vunpack.i.l.bf16.f32 v38  }
0x34e: {  	v63 =	vld.idx.msk [tilespmem:v20+s25+$0x0], $0xffff;
	v57 =	vunpack.i.u.bf16.f32 v38;
	v9 =	vadd.f32 v9, v14;
	v14 =	vmul.f32 v62, v5  }
0x34f: {  	v29 =	vld.idx.msk [tilespmem:v22+s25+$0x0], $0xffff;
	v13 =	vadd.f32 v15, v13;
	v15 =	vadd.f32 v23, v24;
	v23 =	vunpack.i.u.bf16.f32 v30  }
0x350: {  	v24 =	vmul.f32 v33, v16;
	v30 =	vunpack.i.u.bf16.f32 v60;
	v61 =	vunpack.i.l.bf16.f32 v12  }
0x351: {  	v12 =	vunpack.i.u.bf16.f32 v12;
	v23 =	vmul.f32 v23, v17;
	v58 =	vunpack.i.l.bf16.f32 v54  }
0x352: {  	v25 =	vmul.f32 v61, v16;
	v12 =	vmul.f32 v12, v17;
	v10 =	vadd.f32 v10, v14  }
0x353: {  	v9 =	vadd.f32 v9, v11;
	v31 =	vadd.f32 v15, v13;
	v13 =	vunpack.i.l.bf16.f32 v63  }
0x354: {  	v14 =	vunpack.i.l.bf16.f32 v29;
	v11 =	vunpack.i.l.bf16.f32 v32;
	v12 =	vadd.f32 v25, v12  }
0x355: {  	v62 =	vld.idx.msk [tilespmem:v19+s26+$0x0], $0xffff;
	v39 =	vmul.f32 v11, v4;
	v11 =	vunpack.i.u.bf16.f32 v54;
	v25 =	vmul.f32 v58, v16  }
0x356: {  	v34 =	vld.idx.msk [tilespmem:v18+s25+$0x0], $0xffff;
	v11 =	vmul.f32 v11, v17;
	v10 =	vadd.f32 v10, v12;
	v12 =	vunpack.i.u.bf16.f32 v63  }
0x357: {  	v15 =	vunpack.i.u.bf16.f32 v29;
	v61 =	vld.idx.msk [tilespmem:v22+s26+$0x0], $0xffff;
	v13 =	vmul.f32 v13, v0;
	v12 =	vmul.f32 v12, v3  }
0x358: {  	v14 =	vmul.f32 v14, v1;
	v15 =	vmul.f32 v15, v2;
	v11 =	vadd.f32 v25, v11;
	v25 =	vld [tilespmem:s11+$0xFFFFFFE0]  }
0x359: {  	v32 =	vld.idx.msk [tilespmem:v18+s26+$0x0], $0xffff;
	[tilespmem:$0x1FBF0] =	vst v9;
	v9 =	vadd.f32 v10, v31;
	v10 =	vunpack.i.l.bf16.f32 v55;
	v12 =	vadd.f32 v13, v12  }
0x35a: {  	v22 =	vld.idx.msk [tilespmem:v22+s28+$0x0], $0xffff;
	v31 =	vunpack.i.l.bf16.f32 v62;
	v13 =	vadd.f32 v14, v15;
	v14 =	vadd.f32 v24, v23  }
0x35b: {  	v15 =	vunpack.i.l.bf16.f32 v34;
	v23 =	vmul.f32 v56, v1;
	v24 =	vmul.f32 v57, v2  }
0x35c: {  	v10 =	vmul.f32 v10, v4;
	[tilespmem:$0x1FC00] =	vst v9;
	v9 =	vadd.f32 v39, v53;
	v15 =	vmul.f32 v15, v0  }
0x35d: {  	v12 =	vadd.f32 v13, v12;
	v13 =	vunpack.i.u.bf16.f32 v34;
	v57 =	vmul.f32 $1.666666720e-01, v25  }
0x35e: {  	v39 =	vunpack.i.l.bf16.f32 v32;
	v58 =	vmul.f32 $5.235987900e-01, v25;
	v13 =	vmul.f32 v13, v3  }
0x35f: {  	v9 =	vadd.f32 v9, v14;
	v14 =	vmul.f32 v59, v5;
	v59 =	vunpack.i.u.bf16.f32 v22  }
0x360: {  	v34 =	vld.idx.msk [tilespmem:v8+s26+$0x0], $0xffff;
	v22 =	vunpack.i.l.bf16.f32 v22;
	v13 =	vadd.f32 v15, v13;
	v15 =	vadd.f32 v23, v24  }
0x361: {  	v22 =	vmul.f32 v22, v1;
	v10 =	vadd.f32 v10, v14;
	v9 =	vadd.f32 v9, v12  }
0x362: {  	v12 =	vld.idx.msk [tilespmem:v21+s26+$0x0], $0xffff;
	v14 =	vunpack.i.l.bf16.f32 v61;
	v23 =	vunpack.i.u.bf16.f32 v62;
	v24 =	vmul.f32 v31, v16  }
0x363: {  	vm13 =	vlt.f32 v25, $6.000000000e+00;
	v14 =	vmul.f32 v14, v1;
	v23 =	vmul.f32 v23, v17  }
0x364: {  	v63 =	vadd.f32 v15, v13;
	v10 =	vadd.f32 v10, v11;
	v13 =	vunpack.i.l.bf16.f32 v60  }
0x365: {  	v21 =	vld.idx.msk [tilespmem:v21+s28+$0x0], $0xffff;
	v11 =	vmul.f32 v30, v3;
	v15 =	vunpack.i.u.bf16.f32 v61;
	v53 =	vunpack.i.u.bf16.f32 v34  }
0x366: {  	v18 =	vld.idx.msk [tilespmem:v18+s28+$0x0], $0xffff;
	v54 =	vunpack.i.l.bf16.f32 v34;
	v13 =	vmul.f32 v13, v0;
	v15 =	vmul.f32 v15, v2  }
0x367: {  	v8 =	vld.idx.msk [tilespmem:v8+s28+$0x0], $0xffff;
	[tilespmem:$0x1FC10] =	vst v9;
	v9 =	vadd.f32 v10, v63;
	v10 =	vmul.f32 v39, v0;
	v33 =	vunpack.i.u.bf16.f32 v12  }
0x368: {  	v12 =	vunpack.i.l.bf16.f32 v12;
	v11 =	vadd.f32 v13, v11;
	v13 =	vadd.f32 v14, v15  }
0x369: {  	v14 =	vld.idx.msk [tilespmem:v6+s26+$0x0], $0xffff;
	v15 =	vadd.f32 v24, v23;
	v24 =	vmul.f32 v54, v1;
	v23 =	vmul.f32 v53, v2  }
0x36a: {  	v63 =	vunpack.i.u.bf16.f32 v21;
	v21 =	vunpack.i.l.bf16.f32 v21;
	v35 =	vmul.f32 v12, v4  }
0x36b: {  	v38 =	vmul.f32 v33, v5;
	v12 =	vld.idx.msk [tilespmem:v7+s26+$0x0], $0xffff;
	v11 =	vadd.f32 v13, v11;
	v13 =	vunpack.i.u.bf16.f32 v32  }
0x36c: {  	v53 =	vunpack.i.u.bf16.f32 v18;
	v54 =	vunpack.i.u.bf16.f32 v8;
	v13 =	vmul.f32 v13, v3  }
0x36d: {  	v8 =	vunpack.i.l.bf16.f32 v8;
	[tilespmem:$0x1FC20] =	vst v9;
	v21 =	vmul.f32 v21, v4;
	v9 =	vadd.f32 v35, v38  }
0x36e: {  	v20 =	vld.idx.msk [tilespmem:v20+s28+$0x0], $0xffff;
	v56 =	vunpack.i.l.bf16.f32 v14;
	v10 =	vadd.f32 v10, v13;
	v13 =	vadd.f32 v24, v23  }
0x36f: {  	v14 =	vunpack.i.u.bf16.f32 v14;
	v9 =	vadd.f32 v9, v15;
	v15 =	vld.idx.msk [tilespmem:v19+s28+$0x0], $0xffff;
	v19 =	vadd.f32 $-1.000000000e+00, v57  }
0x370: {  	v23 =	vmul.f32 v58, v58;
	v24 =	vmul.f32 v59, v2;
	v55 =	vunpack.i.l.bf16.f32 v12  }
0x371: {  	v12 =	vunpack.i.u.bf16.f32 v12;
	v27 =	vmul.f32 v56, v4;
	v14 =	vmul.f32 v14, v5  }
0x372: {  	v26 =	vmul.f32 v55, v16;
	v12 =	vmul.f32 v12, v17;
	v10 =	vadd.f32 v13, v10  }
0x373: {  	v13 =	vunpack.i.u.bf16.f32 v20;
	v20 =	vunpack.i.l.bf16.f32 v20;
	v60 =	vadd.f32 v19, v19  }
0x374: {  	v28 =	vmul.f32 $2.480158760e-05, v23;
	v32 =	vadd.f32 v22, v24;
	v9 =	vadd.f32 v9, v11  }
0x375: {  	v14 =	vadd.f32 v27, v14;
	v20 =	vmul.f32 v20, v0;
	v13 =	vmul.f32 v13, v3  }
0x376: {  	v27 =	vmul.f32 v63, v5;
	v19 =	vmul.f32 v60, v19;
	v28 =	vadd.f32 $-1.388888920e-03, v28  }
0x377: {  	v12 =	vadd.f32 v26, v12;
	v61 =	vunpack.i.u.bf16.f32 v15;
	v15 =	vunpack.i.l.bf16.f32 v15  }
0x378: {  	v7 =	vld.idx.msk [tilespmem:v7+s28+$0x0], $0xffff;
	v13 =	vadd.f32 v20, v13;
	v19 =	vadd.f32 $-1.000000000e+00, v19;
	v33 =	vmul.f32 v28, v23  }
0x379: {  	v15 =	vmul.f32 v15, v16;
	v62 =	vmul.f32 v61, v17;
	v12 =	vadd.f32 v14, v12  }
0x37a: {  	v1 =	vmul.f32 v8, v1;
	v24 =	vadd.f32 v19, v19;
	v14 =	vadd.f32 $4.166666790e-02, v33  }
0x37b: {  	v2 =	vmul.f32 v54, v2;
	v21 =	vadd.f32 v21, v27;
	v15 =	vadd.f32 v15, v62  }
0x37c: {  	v6 =	vld.idx.msk [tilespmem:v6+s28+$0x0], $0xffff;
	v13 =	vadd.f32 v32, v13;
	v34 =	vmul.f32 v24, v19;
	v35 =	vmul.f32 v14, v23  }
0x37d: {  	v55 =	vunpack.i.u.bf16.f32 v7;
	v10 =	vadd.f32 v12, v10;
	v15 =	vadd.f32 v21, v15  }
0x37e: {  	[tilespmem:$0x1FC30] =	vst v9;
	v12 =	vunpack.i.l.bf16.f32 v18;
	v38 =	vadd.f32 $-1.000000000e+00, v34;
	v9 =	vadd.f32 $-5.000000000e-01, v35  }
0x37f: {  	v7 =	vunpack.i.l.bf16.f32 v7;
	v3 =	vmul.f32 v53, v3;
	v0 =	vmul.f32 v12, v0  }
0x380: {  	v39 =	vadd.f32 v15, v13;
	v13 =	vmul.f32 v38, v24;
	v9 =	vmul.f32 v9, v23  }
0x381: {  	v56 =	vld [tilespmem:s13+$0xFFFFFFE0];
	v7 =	vmul.f32 v7, v16;
	v57 =	vadd.f32 v0, v3;
	v15 =	vunpack.i.u.bf16.f32 v6  }
0x382: {  	v6 =	vunpack.i.l.bf16.f32 v6;
	v12 =	vsub.f32 v13, v19;
	v13 =	vld [tilespmem:s12+$0xFFFFFFE0];
	v9 =	vadd.f32 $1.000000000e+00, v9  }
0x383: {  	v4 =	vmul.f32 v6, v4;
	v5 =	vmul.f32 v15, v5;
	v15 =	vadd.f32 v1, v2  }
0x384: {  	v26 =	vadd.f32 $1.000000000e+00, v38;
	v14 =	vmul.f32 v12, v24;
	v9 =	vmul.f32 $5.000000000e-01, v9  }
0x385: {  	v8 =	vmul.f32 v55, v17;
	v22 =	vadd.f32 v4, v5;
	v53 =	vadd.f32 v15, v57  }
0x386: {  	v60 =	vshll.u32 v56, $0x8;
	v14 =	vsub.f32 v14, v38;
	v58 =	vadd.f32 $5.000000000e-01, v9  }
0x387: {  	v30 =	vld [tilespmem:$0x1FF00];
	v19 =	vadd.f32 $1.000000000e+00, v19;
	v33 =	vadd.f32 $1.000000000e+00, v12;
	v61 =	vshll.u32 v13, $0x6  }
0x388: {  	v13 =	vadd.f32 v7, v8;
	v59 =	vmul.f32 v14, v24;
	v0 =	vnsel vm13, $0x0, v58  }
0x389: {  	[tilespmem:$0x1FC40] =	vst v10;
	v10 =	vadd.s32 v60, v61;
	v38 =	vadd.f32 $1.000000000e+00, v14;
	v63 =	vmul.f32 $5.000000000e-01, v0  }
0x38a: {  	v18 =	vadd.s32 v37, v10;
	v32 =	vadd.s32 v43, v10;
	v35 =	vadd.s32 v44, v10  }
0x38b: {  	v55 =	vadd.s32 v41, v10;
	v56 =	vadd.s32 v50, v10;
	v1 =	vand.u32 $0xFFFFFFC8, v18  }
0x38c: {  	v62 =	vsub.f32 v59, v12;
	v3 =	vand.u32 $0xFFFFFFD8, v32;
	v28 =	vor.u32 v30, v1  }
0x38d: {  	v57 =	vadd.s32 v51, v10;
	v11 =	vand.u32 $0xFFFFFFD8, v35;
	v20 =	vor.u32 v40, v3  }
0x38e: {  	v12 =	vadd.s32 v47, v10;
	v21 =	vor.u32 v46, v11;
	v25 =	vmul.f32 v62, v24  }
0x38f: {  	[tilespmem:$0x1FC50] =	vst v39;
	v13 =	vadd.f32 v22, v13;
	v10 =	vadd.s32 v52, v10;
	v39 =	vand.u32 $0xFFFFFFD8, v12  }
0x390: {  	v2 =	vmul.f32 v63, v19;
	v19 =	vor.u32 v42, v39;
	v31 =	vsub.f32 v25, v14  }
0x391: {  	v7 =	vand.u32 $0xFFFFFFD8, v55;
	v59 =	vand.u32 $0xFFFFFFD8, v56;
	v61 =	vand.u32 $0xFFFFFFD8, v57;
	v14 =	vld.idx.msk [tilespmem:v28+s16+$0x0], $0xffff  }
0x392: {  	v1 =	vmul.f32 v63, v26;
	v18 =	vor.u32 v36, v7;
	v34 =	vmul.f32 v31, v24;
	v54 =	vld.idx.msk [tilespmem:v20+s16+$0x0], $0xffff  }
0x393: {  	v3 =	vmul.f32 v63, v33;
	v16 =	vmul.f32 v63, v38;
	v9 =	vadd.f32 $1.000000000e+00, v62;
	v15 =	vld.idx.msk [tilespmem:v21+s16+$0x0], $0xffff  }
0x394: {  	v7 =	vor.u32 v48, v61;
	v5 =	vadd.f32 $1.000000000e+00, v31;
	v8 =	vsub.f32 v34, v62  }
0x395: {  	v10 =	vand.u32 $0xFFFFFFD8, v10;
	v11 =	vadd.f32 v13, v53;
	v17 =	vmul.f32 v9, v63;
	v58 =	vld.idx.msk [tilespmem:v19+s16+$0x0], $0xffff  }
0x396: {  	v4 =	vmul.f32 v5, v63;
	v8 =	vadd.f32 $1.000000000e+00, v8;
	v12 =	vunpack.i.l.bf16.f32 v14  }
0x397: {  	v32 =	vld.idx.msk [tilespmem:v18+s16+$0x0], $0xffff;
	v14 =	vunpack.i.u.bf16.f32 v14;
	v60 =	vunpack.i.l.bf16.f32 v54;
	v6 =	vunpack.i.u.bf16.f32 v54  }
0x398: {  	v29 =	vunpack.i.l.bf16.f32 v15;
	v15 =	vunpack.i.u.bf16.f32 v15;
	v5 =	vmul.f32 v8, v63  }
0x399: {  	v55 =	vld.idx.msk [tilespmem:v20+s21+$0x0], $0xffff;
	v12 =	vmul.f32 v0, v12;
	v14 =	vmul.f32 v2, v14;
	v8 =	vor.u32 v45, v59  }
0x39a: {  	v31 =	vmul.f32 v17, v15;
	v15 =	vunpack.i.u.bf16.f32 v58;
	v23 =	vunpack.i.l.bf16.f32 v58;
	v58 =	vld.idx.msk [tilespmem:v21+s21+$0x0], $0xffff  }
0x39b: {  	v62 =	vmul.f32 v1, v60;
	v63 =	vmul.f32 v3, v6;
	v6 =	vor.u32 v49, v10;
	v59 =	vld.idx.msk [tilespmem:v19+s21+$0x0], $0xffff  }
0x39c: {  	v13 =	vunpack.i.l.bf16.f32 v32;
	v30 =	vmul.f32 v16, v29;
	v12 =	vadd.f32 v14, v12;
	v14 =	vld.idx.msk [tilespmem:v7+s16+$0x0], $0xffff  }
0x39d: {  	v33 =	vmul.f32 v4, v23;
	v15 =	vmul.f32 v5, v15;
	v9 =	vadd.f32 v63, v62  }
0x39e: {  	v61 =	vunpack.i.u.bf16.f32 v55;
	v13 =	vmul.f32 v13, v0;
	v10 =	vadd.f32 v31, v30  }
0x39f: {  	v15 =	vadd.f32 v15, v33;
	v9 =	vadd.f32 v9, v12;
	v12 =	vunpack.i.u.bf16.f32 v32;
	v34 =	vld.idx.msk [tilespmem:v8+s16+$0x0], $0xffff  }
0x3a0: {  	v60 =	vunpack.i.l.bf16.f32 v55;
	v35 =	vld.idx.msk [tilespmem:v6+s16+$0x0], $0xffff;
	v12 =	vmul.f32 v12, v2;
	v62 =	vunpack.i.l.bf16.f32 v58  }
0x3a1: {  	v63 =	vunpack.i.u.bf16.f32 v59;
	v10 =	vadd.f32 v15, v10;
	v39 =	vunpack.i.l.bf16.f32 v14  }
0x3a2: {  	v24 =	vmul.f32 v62, v16;
	v14 =	vunpack.i.u.bf16.f32 v14;
	v23 =	vmul.f32 v39, v16  }
0x3a3: {  	v29 =	vld.idx.msk [tilespmem:v18+s21+$0x0], $0xffff;
	v14 =	vmul.f32 v14, v17;
	v9 =	vadd.f32 v10, v9;
	v10 =	vunpack.i.l.bf16.f32 v59  }
0x3a4: {  	v33 =	vld.idx.msk [tilespmem:v7+s21+$0x0], $0xffff;
	v10 =	vmul.f32 v10, v4;
	v15 =	vunpack.i.l.bf16.f32 v34;
	v38 =	vunpack.i.u.bf16.f32 v34  }
0x3a5: {  	v53 =	vld.idx.msk [tilespmem:v28+s21+$0x0], $0xffff;
	v54 =	vunpack.i.u.bf16.f32 v35;
	v14 =	vadd.f32 v23, v14;
	v23 =	vmul.f32 v61, v3  }
0x3a6: {  	[tilespmem:$0x1FC60] =	vst v11;
	v11 =	vunpack.i.l.bf16.f32 v35;
	v15 =	vmul.f32 v15, v1;
	v22 =	vmul.f32 v38, v3  }
0x3a7: {  	v30 =	vld.idx.msk [tilespmem:v20+s22+$0x0], $0xffff;
	v12 =	vadd.f32 v13, v12;
	v56 =	vmul.f32 v11, v4;
	v57 =	vmul.f32 v54, v5  }
0x3a8: {  	v35 =	vunpack.i.u.bf16.f32 v29;
	v11 =	vunpack.i.u.bf16.f32 v58;
	v13 =	vadd.f32 v15, v22  }
0x3a9: {  	v32 =	vld.idx.msk [tilespmem:v8+s21+$0x0], $0xffff;
	[tilespmem:$0x1FC70] =	vst v9;
	v38 =	vunpack.i.l.bf16.f32 v33;
	v11 =	vmul.f32 v11, v17;
	v9 =	vadd.f32 v56, v57  }
0x3aa: {  	v15 =	vunpack.i.l.bf16.f32 v53;
	v22 =	vmul.f32 v60, v1;
	v12 =	vadd.f32 v13, v12  }
0x3ab: {  	v56 =	vld.idx.msk [tilespmem:v19+s22+$0x0], $0xffff;
	v13 =	vunpack.i.u.bf16.f32 v53;
	v9 =	vadd.f32 v9, v14;
	v14 =	vmul.f32 v63, v5  }
0x3ac: {  	v58 =	vunpack.i.u.bf16.f32 v30;
	v15 =	vmul.f32 v15, v0;
	v13 =	vmul.f32 v13, v2  }
0x3ad: {  	v57 =	vunpack.i.l.bf16.f32 v30;
	v11 =	vadd.f32 v24, v11;
	v63 =	vld.idx.msk [tilespmem:v7+s22+$0x0], $0xffff;
	v10 =	vadd.f32 v10, v14  }
0x3ae: {  	v9 =	vadd.f32 v9, v12;
	v12 =	vld.idx.msk [tilespmem:v6+s21+$0x0], $0xffff;
	v14 =	vunpack.i.l.bf16.f32 v32;
	v13 =	vadd.f32 v15, v13  }
0x3af: {  	v15 =	vadd.f32 v22, v23;
	v14 =	vmul.f32 v14, v1;
	v22 =	vunpack.i.u.bf16.f32 v33  }
0x3b0: {  	v23 =	vmul.f32 v38, v16;
	v60 =	vunpack.i.u.bf16.f32 v56;
	v10 =	vadd.f32 v10, v11  }
0x3b1: {  	v11 =	vmul.f32 v35, v2;
	v22 =	vmul.f32 v22, v17;
	v34 =	vadd.f32 v15, v13  }
0x3b2: {  	v39 =	vld.idx.msk [tilespmem:v28+s22+$0x0], $0xffff;
	v13 =	vunpack.i.l.bf16.f32 v29;
	v15 =	vunpack.i.u.bf16.f32 v32;
	v38 =	vunpack.i.l.bf16.f32 v63  }
0x3b3: {  	v35 =	vld.idx.msk [tilespmem:v6+s22+$0x0], $0xffff;
	v13 =	vmul.f32 v13, v0;
	v15 =	vmul.f32 v15, v3;
	v53 =	vunpack.i.u.bf16.f32 v12  }
0x3b4: {  	[tilespmem:$0x1FC80] =	vst v9;
	v12 =	vunpack.i.l.bf16.f32 v12;
	v9 =	vadd.f32 v10, v34;
	v10 =	vunpack.i.l.bf16.f32 v56  }
0x3b5: {  	v32 =	vld.idx.msk [tilespmem:v20+s23+$0x0], $0xffff;
	v54 =	vmul.f32 v12, v4;
	v55 =	vmul.f32 v53, v5;
	v11 =	vadd.f32 v13, v11  }
0x3b6: {  	v56 =	vld.idx.msk [tilespmem:v21+s23+$0x0], $0xffff;
	v13 =	vadd.f32 v14, v15;
	v14 =	vadd.f32 v23, v22;
	v22 =	vmul.f32 v57, v1  }
0x3b7: {  	v12 =	vld.idx.msk [tilespmem:v21+s22+$0x0], $0xffff;
	v15 =	vunpack.i.l.bf16.f32 v39;
	v23 =	vmul.f32 v58, v3;
	v10 =	vmul.f32 v10, v4  }
0x3b8: {  	[tilespmem:$0x1FC90] =	vst v9;
	v15 =	vmul.f32 v15, v0;
	v31 =	vunpack.i.u.bf16.f32 v35;
	v9 =	vadd.f32 v54, v55  }
0x3b9: {  	v11 =	vadd.f32 v13, v11;
	v13 =	vunpack.i.u.bf16.f32 v39;
	v39 =	vmul.f32 v38, v16  }
0x3ba: {  	v62 =	vld.idx.msk [tilespmem:v8+s22+$0x0], $0xffff;
	v55 =	vmul.f32 v31, v5;
	v58 =	vunpack.i.l.bf16.f32 v32;
	v13 =	vmul.f32 v13, v2  }
0x3bb: {  	v9 =	vadd.f32 v9, v14;
	v14 =	vmul.f32 v60, v5;
	v60 =	vunpack.i.l.bf16.f32 v56  }
0x3bc: {  	v61 =	vld.idx.msk [tilespmem:v18+s22+$0x0], $0xffff;
	v59 =	vunpack.i.l.bf16.f32 v12;
	v12 =	vunpack.i.u.bf16.f32 v12;
	v13 =	vadd.f32 v15, v13  }
0x3bd: {  	v15 =	vadd.f32 v22, v23;
	v22 =	vunpack.i.u.bf16.f32 v63;
	v30 =	vmul.f32 v60, v16  }
0x3be: {  	v24 =	vmul.f32 v59, v16;
	v12 =	vmul.f32 v12, v17;
	v10 =	vadd.f32 v10, v14  }
0x3bf: {  	v27 =	vadd.f32 v9, v11;
	v14 =	vunpack.i.l.bf16.f32 v62;
	v22 =	vmul.f32 v22, v17  }
0x3c0: {  	v57 =	vld.idx.msk [tilespmem:v19+s23+$0x0], $0xffff;
	v11 =	vunpack.i.l.bf16.f32 v35;
	v59 =	vunpack.i.u.bf16.f32 v32;
	v26 =	vadd.f32 v15, v13  }
0x3c1: {  	v13 =	vunpack.i.l.bf16.f32 v61;
	v15 =	vunpack.i.u.bf16.f32 v62;
	v14 =	vmul.f32 v14, v1  }
0x3c2: {  	v54 =	vmul.f32 v11, v4;
	v29 =	vmul.f32 v59, v3;
	v62 =	vld.idx.msk [tilespmem:v18+s23+$0x0], $0xffff;
	v12 =	vadd.f32 v24, v12  }
0x3c3: {  	v53 =	vld.idx.msk [tilespmem:v28+s23+$0x0], $0xffff;
	v11 =	vunpack.i.u.bf16.f32 v56;
	v13 =	vmul.f32 v13, v0;
	v15 =	vmul.f32 v15, v3  }
0x3c4: {  	v11 =	vmul.f32 v11, v17;
	v24 =	vld.idx.msk [tilespmem:v7+s23+$0x0], $0xffff;
	v10 =	vadd.f32 v10, v12;
	v12 =	vunpack.i.u.bf16.f32 v61  }
0x3c5: {  	v9 =	vadd.f32 v54, v55;
	v61 =	vunpack.i.u.bf16.f32 v57;
	v12 =	vmul.f32 v12, v2  }
0x3c6: {  	v54 =	vld.idx.msk [tilespmem:v20+s24+$0x0], $0xffff;
	v11 =	vadd.f32 v30, v11;
	v26 =	vadd.f32 v10, v26;
	v10 =	vunpack.i.l.bf16.f32 v57  }
0x3c7: {  	v63 =	vld.idx.msk [tilespmem:v8+s23+$0x0], $0xffff;
	v35 =	vunpack.i.u.bf16.f32 v62;
	v12 =	vadd.f32 v13, v12;
	v13 =	vadd.f32 v14, v15  }
0x3c8: {  	v57 =	vld.idx.msk [tilespmem:v19+s24+$0x0], $0xffff;
	v14 =	vadd.f32 v39, v22;
	v15 =	vunpack.i.l.bf16.f32 v53;
	v22 =	vmul.f32 v58, v1  }
0x3c9: {  	v10 =	vmul.f32 v10, v4;
	v38 =	vunpack.i.l.bf16.f32 v24;
	v12 =	vadd.f32 v13, v12  }
0x3ca: {  	v23 =	vld.idx.msk [tilespmem:v7+s24+$0x0], $0xffff;
	v13 =	vunpack.i.u.bf16.f32 v53;
	v9 =	vadd.f32 v9, v14;
	v14 =	vmul.f32 v61, v5  }
0x3cb: {  	v15 =	vmul.f32 v15, v0;
	v58 =	vunpack.i.l.bf16.f32 v54;
	v13 =	vmul.f32 v13, v2  }
0x3cc: {  	v59 =	vunpack.i.u.bf16.f32 v54;
	v10 =	vadd.f32 v10, v14;
	v9 =	vadd.f32 v9, v12  }
0x3cd: {  	v12 =	vld.idx.msk [tilespmem:v6+s23+$0x0], $0xffff;
	v14 =	vunpack.i.l.bf16.f32 v63;
	v61 =	vunpack.i.u.bf16.f32 v57;
	v13 =	vadd.f32 v15, v13  }
0x3ce: {  	v15 =	vadd.f32 v22, v29;
	v14 =	vmul.f32 v14, v1;
	v22 =	vunpack.i.u.bf16.f32 v24  }
0x3cf: {  	v29 =	vmul.f32 v38, v16;
	v38 =	vunpack.i.l.bf16.f32 v23;
	v10 =	vadd.f32 v10, v11  }
0x3d0: {  	v39 =	vld.idx.msk [tilespmem:v28+s24+$0x0], $0xffff;
	v11 =	vmul.f32 v35, v2;
	v25 =	vadd.f32 v15, v13;
	v13 =	vunpack.i.l.bf16.f32 v62  }
0x3d1: {  	v33 =	vld.idx.msk [tilespmem:v20+s25+$0x0], $0xffff;
	v22 =	vmul.f32 v22, v17;
	v15 =	vunpack.i.u.bf16.f32 v63;
	v13 =	vmul.f32 v13, v0  }
0x3d2: {  	v15 =	vmul.f32 v15, v3;
	v53 =	vunpack.i.u.bf16.f32 v12;
	v12 =	vunpack.i.l.bf16.f32 v12  }
0x3d3: {  	[tilespmem:$0x1FCA0] =	vst v9;
	v9 =	vadd.f32 v10, v25;
	v10 =	vunpack.i.l.bf16.f32 v57;
	v25 =	vld.idx.msk [tilespmem:v6+s24+$0x0], $0xffff;
	v55 =	vmul.f32 v12, v4  }
0x3d4: {  	v57 =	vld.idx.msk [tilespmem:v19+s25+$0x0], $0xffff;
	v56 =	vmul.f32 v53, v5;
	v11 =	vadd.f32 v13, v11;
	v13 =	vadd.f32 v14, v15  }
0x3d5: {  	v12 =	vld.idx.msk [tilespmem:v21+s24+$0x0], $0xffff;
	v14 =	vadd.f32 v29, v22;
	v15 =	vunpack.i.l.bf16.f32 v39;
	v22 =	vmul.f32 v58, v1  }
0x3d6: {  	v29 =	vmul.f32 v59, v3;
	v10 =	vmul.f32 v10, v4;
	v58 =	vunpack.i.l.bf16.f32 v33  }
0x3d7: {  	[tilespmem:$0x1FCB0] =	vst v9;
	v9 =	vadd.f32 v55, v56;
	v11 =	vadd.f32 v13, v11;
	v13 =	vunpack.i.u.bf16.f32 v39  }
0x3d8: {  	v63 =	vld.idx.msk [tilespmem:v8+s24+$0x0], $0xffff;
	v59 =	vunpack.i.u.bf16.f32 v33;
	v15 =	vmul.f32 v15, v0;
	v13 =	vmul.f32 v13, v2  }
0x3d9: {  	v9 =	vadd.f32 v9, v14;
	v14 =	vmul.f32 v61, v5;
	v53 =	vunpack.i.u.bf16.f32 v25  }
0x3da: {  	v62 =	vld.idx.msk [tilespmem:v18+s24+$0x0], $0xffff;
	v34 =	vunpack.i.u.bf16.f32 v57;
	v60 =	vunpack.i.l.bf16.f32 v12;
	v12 =	vunpack.i.u.bf16.f32 v12  }
0x3db: {  	v56 =	vld.idx.msk [tilespmem:v21+s25+$0x0], $0xffff;
	v13 =	vadd.f32 v15, v13;
	v15 =	vadd.f32 v22, v29;
	v55 =	vmul.f32 v53, v5  }
0x3dc: {  	v29 =	vunpack.i.u.bf16.f32 v23;
	v30 =	vmul.f32 v60, v16;
	v12 =	vmul.f32 v12, v17  }
0x3dd: {  	v10 =	vadd.f32 v10, v14;
	v9 =	vadd.f32 v9, v11;
	v14 =	vunpack.i.l.bf16.f32 v63  }
0x3de: {  	v29 =	vmul.f32 v29, v17;
	v11 =	vunpack.i.l.bf16.f32 v25;
	v24 =	vadd.f32 v15, v13  }
0x3df: {  	v13 =	vunpack.i.l.bf16.f32 v62;
	v15 =	vunpack.i.u.bf16.f32 v63;
	v14 =	vmul.f32 v14, v1  }
0x3e0: {  	v53 =	vld.idx.msk [tilespmem:v20+s26+$0x0], $0xffff;
	v54 =	vmul.f32 v11, v4;
	v60 =	vunpack.i.l.bf16.f32 v56;
	v32 =	vunpack.i.u.bf16.f32 v56  }
0x3e1: {  	v12 =	vadd.f32 v30, v12;
	v13 =	vmul.f32 v13, v0;
	v15 =	vmul.f32 v15, v3  }
0x3e2: {  	v39 =	vld.idx.msk [tilespmem:v28+s25+$0x0], $0xffff;
	v11 =	vunpack.i.l.bf16.f32 v57;
	v31 =	vmul.f32 v60, v16;
	v32 =	vmul.f32 v32, v17  }
0x3e3: {  	v30 =	vmul.f32 v38, v16;
	v38 =	vld.idx.msk [tilespmem:v28+s26+$0x0], $0xffff;
	v10 =	vadd.f32 v10, v12;
	v12 =	vunpack.i.u.bf16.f32 v62  }
0x3e4: {  	v11 =	vmul.f32 v11, v4;
	v22 =	vadd.f32 v31, v32;
	v12 =	vmul.f32 v12, v2  }
0x3e5: {  	v56 =	vunpack.i.l.bf16.f32 v53;
	v33 =	vunpack.i.u.bf16.f32 v53;
	v24 =	vadd.f32 v10, v24  }
0x3e6: {  	v63 =	vld.idx.msk [tilespmem:v7+s25+$0x0], $0xffff;
	v33 =	vmul.f32 v33, v3;
	v10 =	vadd.f32 v54, v55;
	v12 =	vadd.f32 v13, v12  }
0x3e7: {  	v62 =	vld.idx.msk [tilespmem:v8+s25+$0x0], $0xffff;
	v13 =	vadd.f32 v14, v15;
	v14 =	vadd.f32 v30, v29;
	v15 =	vunpack.i.l.bf16.f32 v39  }
0x3e8: {  	v61 =	vld.idx.msk [tilespmem:v18+s25+$0x0], $0xffff;
	v29 =	vmul.f32 v58, v1;
	v30 =	vmul.f32 v59, v3;
	v55 =	vunpack.i.u.bf16.f32 v38  }
0x3e9: {  	v31 =	vunpack.i.l.bf16.f32 v38;
	v15 =	vmul.f32 v15, v0;
	v12 =	vadd.f32 v13, v12  }
0x3ea: {  	v13 =	vunpack.i.u.bf16.f32 v39;
	v10 =	vadd.f32 v10, v14;
	v14 =	vmul.f32 v34, v5  }
0x3eb: {  	v31 =	vmul.f32 v31, v0;
	v39 =	vunpack.i.l.bf16.f32 v63;
	v13 =	vmul.f32 v13, v2  }
0x3ec: {  	v35 =	vunpack.i.l.bf16.f32 v62;
	v32 =	vmul.f32 v39, v16;
	v11 =	vadd.f32 v11, v14  }
0x3ed: {  	v14 =	vld.idx.msk [tilespmem:v6+s25+$0x0], $0xffff;
	v25 =	vadd.f32 v10, v12;
	v12 =	vunpack.i.l.bf16.f32 v61;
	v13 =	vadd.f32 v15, v13  }
0x3ee: {  	v15 =	vadd.f32 v29, v30;
	v12 =	vmul.f32 v12, v0;
	v29 =	vunpack.i.u.bf16.f32 v63  }
0x3ef: {  	v30 =	vmul.f32 v35, v1;
	v35 =	vld.idx.msk [tilespmem:v21+s26+$0x0], $0xffff;
	v11 =	vadd.f32 v11, v22;
	v29 =	vmul.f32 v29, v17  }
0x3f0: {  	v23 =	vadd.f32 v15, v13;
	v13 =	vunpack.i.u.bf16.f32 v61;
	v15 =	vunpack.i.u.bf16.f32 v62  }
0x3f1: {  	v13 =	vmul.f32 v13, v2;
	v15 =	vmul.f32 v15, v3;
	v29 =	vadd.f32 v32, v29  }
0x3f2: {  	v63 =	vld.idx.msk [tilespmem:v6+s26+$0x0], $0xffff;
	v32 =	vmul.f32 v56, v1;
	v54 =	vunpack.i.l.bf16.f32 v14;
	v14 =	vunpack.i.u.bf16.f32 v14  }
0x3f3: {  	v58 =	vld.idx.msk [tilespmem:v18+s26+$0x0], $0xffff;
	v34 =	vmul.f32 v54, v4;
	v14 =	vmul.f32 v14, v5;
	v12 =	vadd.f32 v12, v13  }
0x3f4: {  	v13 =	vadd.f32 v30, v15;
	v30 =	vmul.f32 v55, v2;
	v38 =	vunpack.i.l.bf16.f32 v35  }
0x3f5: {  	v15 =	vld.idx.msk [tilespmem:v19+s26+$0x0], $0xffff;
	v35 =	vunpack.i.u.bf16.f32 v35;
	v59 =	vadd.f32 v32, v33;
	v32 =	vadd.f32 v11, v23  }
0x3f6: {  	v18 =	vld.idx.msk [tilespmem:v18+s28+$0x0], $0xffff;
	v38 =	vmul.f32 v38, v16;
	v35 =	vmul.f32 v35, v17;
	v14 =	vadd.f32 v34, v14  }
0x3f7: {  	v20 =	vld.idx.msk [tilespmem:v20+s28+$0x0], $0xffff;
	v54 =	vunpack.i.l.bf16.f32 v63;
	v30 =	vadd.f32 v31, v30;
	v12 =	vadd.f32 v13, v12  }
0x3f8: {  	v61 =	vld.idx.msk [tilespmem:v8+s26+$0x0], $0xffff;
	v31 =	vmul.f32 v54, v4;
	v60 =	vadd.f32 v38, v35;
	v35 =	vunpack.i.l.bf16.f32 v58  }
0x3f9: {  	v13 =	vadd.f32 v14, v29;
	v62 =	vadd.f32 v59, v30;
	v10 =	vmul.f32 v35, v0  }
0x3fa: {  	v30 =	vunpack.i.u.bf16.f32 v63;
	v39 =	vunpack.i.u.bf16.f32 v15;
	v15 =	vunpack.i.l.bf16.f32 v15  }
0x3fb: {  	v54 =	vunpack.i.l.bf16.f32 v18;
	v14 =	vld.idx.msk [tilespmem:v7+s26+$0x0], $0xffff;
	v30 =	vmul.f32 v30, v5;
	v15 =	vmul.f32 v15, v4  }
0x3fc: {  	v57 =	vmul.f32 v39, v5;
	v34 =	vadd.f32 v13, v12;
	v39 =	vunpack.i.u.bf16.f32 v58;
	v12 =	vld.idx.msk [tilespmem:v28+s28+$0x0], $0xffff  }
0x3fd: {  	v13 =	vunpack.i.u.bf16.f32 v61;
	v28 =	vld [tilespmem:s11+$0xFFFFFFF0];
	v58 =	vunpack.i.l.bf16.f32 v20;
	v20 =	vunpack.i.u.bf16.f32 v20  }
0x3fe: {  	v19 =	vld.idx.msk [tilespmem:v19+s28+$0x0], $0xffff;
	v11 =	vmul.f32 v39, v2;
	v13 =	vmul.f32 v13, v3;
	v15 =	vadd.f32 v15, v57  }
0x3ff: {  	[tilespmem:$0x1FCD0] =	vst v32;
	v32 =	vmul.f32 v58, v1;
	v20 =	vmul.f32 v20, v3;
	v30 =	vadd.f32 v31, v30  }
0x400: {  	v53 =	vunpack.i.l.bf16.f32 v14;
	v14 =	vunpack.i.u.bf16.f32 v14;
	v15 =	vadd.f32 v15, v60  }
0x401: {  	v10 =	vadd.f32 v10, v11;
	v29 =	vmul.f32 v53, v16;
	v14 =	vmul.f32 v14, v17  }
0x402: {  	v56 =	vmul.f32 $1.666666720e-01, v28;
	v38 =	vadd.f32 v15, v62;
	v15 =	vunpack.i.l.bf16.f32 v61  }
0x403: {  	v57 =	vmul.f32 $5.235987900e-01, v28;
	vm14 =	vlt.f32 v28, $6.000000000e+00;
	v15 =	vmul.f32 v15, v1  }
0x404: {  	v7 =	vld.idx.msk [tilespmem:v7+s28+$0x0], $0xffff;
	v14 =	vadd.f32 v29, v14;
	v62 =	vunpack.i.u.bf16.f32 v19;
	v19 =	vunpack.i.l.bf16.f32 v19  }
0x405: {  	v29 =	vmul.f32 v57, v57;
	v55 =	vadd.f32 v15, v13;
	v13 =	vld.idx.msk [tilespmem:v21+s28+$0x0], $0xffff;
	v21 =	vadd.f32 $-1.000000000e+00, v56  }
0x406: {  	v19 =	vmul.f32 v19, v4;
	v31 =	vmul.f32 v62, v5;
	v35 =	vadd.f32 v30, v14  }
0x407: {  	v15 =	vunpack.i.l.bf16.f32 v12;
	v12 =	vunpack.i.u.bf16.f32 v12;
	v60 =	vadd.f32 v21, v21  }
0x408: {  	v61 =	vmul.f32 $2.480158760e-05, v29;
	v19 =	vadd.f32 v19, v31;
	v15 =	vmul.f32 v15, v0  }
0x409: {  	v56 =	vunpack.i.l.bf16.f32 v7;
	v12 =	vmul.f32 v12, v2;
	v21 =	vmul.f32 v60, v21  }
0x40a: {  	v63 =	vadd.f32 $-1.388888920e-03, v61;
	v59 =	vunpack.i.l.bf16.f32 v13;
	v13 =	vunpack.i.u.bf16.f32 v13  }
0x40b: {  	v33 =	vmul.f32 v59, v16;
	v13 =	vmul.f32 v13, v17;
	v21 =	vadd.f32 $-1.000000000e+00, v21  }
0x40c: {  	[tilespmem:$0x1FCC0] =	vst v9;
	v12 =	vadd.f32 v15, v12;
	v15 =	vadd.f32 v32, v20;
	v9 =	vmul.f32 v63, v29  }
0x40d: {  	v8 =	vld.idx.msk [tilespmem:v8+s28+$0x0], $0xffff;
	v7 =	vunpack.i.u.bf16.f32 v7;
	v13 =	vadd.f32 v33, v13;
	v32 =	vadd.f32 v21, v21  }
0x40e: {  	v0 =	vmul.f32 v54, v0;
	v10 =	vadd.f32 v55, v10;
	v20 =	vadd.f32 $4.166666790e-02, v9  }
0x40f: {  	v6 =	vld.idx.msk [tilespmem:v6+s28+$0x0], $0xffff;
	v12 =	vadd.f32 v15, v12;
	v14 =	vmul.f32 v32, v21;
	v13 =	vadd.f32 v19, v13  }
0x410: {  	[tilespmem:$0x1FCF0] =	vst v38;
	v38 =	vadd.f32 v35, v10;
	v15 =	vmul.f32 v20, v29;
	v33 =	vadd.f32 $1.000000000e+00, v21  }
0x411: {  	v39 =	vadd.f32 $-1.000000000e+00, v14;
	v53 =	vadd.f32 v13, v12;
	v13 =	vunpack.i.u.bf16.f32 v18  }
0x412: {  	v12 =	vadd.f32 $-5.000000000e-01, v15;
	v2 =	vmul.f32 v13, v2;
	v13 =	vunpack.i.l.bf16.f32 v8  }
0x413: {  	v8 =	vunpack.i.u.bf16.f32 v8;
	v55 =	vmul.f32 v39, v32;
	v1 =	vmul.f32 v13, v1;
	v13 =	vld [tilespmem:s13+$0xFFFFFFF0]  }
0x414: {  	v15 =	vunpack.i.l.bf16.f32 v6;
	v3 =	vmul.f32 v8, v3;
	v8 =	vmul.f32 v56, v16;
	v16 =	vld [tilespmem:s12+$0xFFFFFFF0]  }
0x415: {  	v6 =	vunpack.i.u.bf16.f32 v6;
	v4 =	vmul.f32 v15, v4;
	v12 =	vmul.f32 v12, v29  }
0x416: {  	v5 =	vmul.f32 v6, v5;
	v10 =	vadd.f32 $1.000000000e+00, v39;
	v11 =	vsub.f32 v55, v21  }
0x417: {  	v7 =	vmul.f32 v7, v17;
	v2 =	vadd.f32 v0, v2;
	v12 =	vadd.f32 $1.000000000e+00, v12  }
0x418: {  	v4 =	vadd.f32 v4, v5;
	v1 =	vadd.f32 v1, v3;
	v14 =	vmul.f32 v11, v32  }
0x419: {  	[tilespmem:$0x1FD00] =	vst v38;
	v38 =	vld [tilespmem:$0x1FF00];
	v12 =	vmul.f32 $5.000000000e-01, v12;
	v61 =	vshll.u32 v13, $0x8;
	v62 =	vshll.u32 v16, $0x6  }
0x41a: {  	v59 =	vadd.f32 v8, v7;
	v14 =	vsub.f32 v14, v39;
	v7 =	vadd.s32 v61, v62  }
0x41b: {  	v57 =	vadd.f32 $5.000000000e-01, v12;
	v12 =	vadd.f32 v1, v2;
	v35 =	vadd.s32 v37, v7  }
0x41c: {  	v39 =	vadd.s32 v43, v7;
	v56 =	vadd.s32 v41, v7;
	v58 =	vmul.f32 v14, v32  }
0x41d: {  	v0 =	vnsel vm14, $0x0, v57;
	v13 =	vand.u32 $0xFFFFFFC8, v35;
	v57 =	vadd.s32 v50, v7  }
0x41e: {  	v6 =	vand.u32 $0xFFFFFFD8, v56;
	v63 =	vmul.f32 $5.000000000e-01, v0;
	v21 =	vor.u32 v38, v13  }
0x41f: {  	v13 =	vadd.s32 v44, v7;
	v18 =	vor.u32 v36, v6;
	v62 =	vand.u32 $0xFFFFFFD8, v57  }
0x420: {  	v60 =	vsub.f32 v58, v11;
	v54 =	vand.u32 $0xFFFFFFD8, v13;
	v8 =	vor.u32 v45, v62  }
0x421: {  	v13 =	vadd.s32 v47, v7;
	v3 =	vmul.f32 v63, v10;
	v10 =	vand.u32 $0xFFFFFFD8, v39  }
0x422: {  	[tilespmem:$0x1FCE0] =	vst v34;
	v13 =	vand.u32 $0xFFFFFFD8, v13;
	v34 =	vmul.f32 v60, v32;
	v28 =	vor.u32 v40, v10  }
0x423: {  	v11 =	vadd.f32 $1.000000000e+00, v11;
	v19 =	vor.u32 v46, v54;
	v20 =	vor.u32 v42, v13  }
0x424: {  	v13 =	vadd.f32 v4, v59;
	v59 =	vadd.s32 v51, v7;
	v15 =	vsub.f32 v34, v14  }
0x425: {  	v2 =	vmul.f32 v63, v33;
	v5 =	vadd.f32 $1.000000000e+00, v60;
	v22 =	vand.u32 $0xFFFFFFD8, v59;
	v59 =	vld.idx.msk [tilespmem:v8+s16+$0x0], $0xffff  }
0x426: {  	[tilespmem:$0x1FD10] =	vst v53;
	v14 =	vadd.f32 $1.000000000e+00, v14;
	v53 =	vmul.f32 v15, v32;
	v55 =	vadd.f32 $1.000000000e+00, v15;
	v15 =	vld.idx.msk [tilespmem:v21+s16+$0x0], $0xffff  }
0x427: {  	v1 =	vmul.f32 v63, v11;
	v17 =	vmul.f32 v5, v63;
	v58 =	vld.idx.msk [tilespmem:v28+s16+$0x0], $0xffff  }
0x428: {  	v16 =	vmul.f32 v63, v14;
	v14 =	vadd.s32 v52, v7;
	v11 =	vsub.f32 v53, v60  }
0x429: {  	v7 =	vor.u32 v48, v22;
	v5 =	vmul.f32 v55, v63;
	v60 =	vld.idx.msk [tilespmem:v19+s16+$0x0], $0xffff;
	v53 =	vand.u32 $0xFFFFFFD8, v14  }
0x42a: {  	v57 =	vld.idx.msk [tilespmem:v18+s16+$0x0], $0xffff;
	v6 =	vor.u32 v49, v53;
	v11 =	vadd.f32 $1.000000000e+00, v11;
	v9 =	vunpack.i.u.bf16.f32 v59  }
0x42b: {  	v61 =	vunpack.i.u.bf16.f32 v15;
	v15 =	vunpack.i.l.bf16.f32 v15;
	v31 =	vmul.f32 v9, v1  }
0x42c: {  	v4 =	vmul.f32 v11, v63;
	v23 =	vmul.f32 v0, v15;
	v39 =	vunpack.i.l.bf16.f32 v58  }
0x42d: {  	v63 =	vld.idx.msk [tilespmem:v20+s16+$0x0], $0xffff;
	v15 =	vmul.f32 v2, v61;
	v38 =	vunpack.i.u.bf16.f32 v58;
	v14 =	vmul.f32 v3, v39  }
0x42e: {  	v54 =	vunpack.i.l.bf16.f32 v60;
	v55 =	vmul.f32 v1, v38;
	v29 =	vunpack.i.u.bf16.f32 v60  }
0x42f: {  	v62 =	vunpack.i.u.bf16.f32 v57;
	v61 =	vld.idx.msk [tilespmem:v7+s16+$0x0], $0xffff;
	v56 =	vmul.f32 v16, v54;
	v29 =	vmul.f32 v17, v29  }
0x430: {  	v53 =	vld.idx.msk [tilespmem:v19+s21+$0x0], $0xffff;
	v11 =	vadd.f32 v15, v23;
	v15 =	vunpack.i.l.bf16.f32 v57;
	v10 =	vadd.f32 v55, v14  }
0x431: {  	v60 =	vadd.f32 v13, v12;
	v39 =	vld.idx.msk [tilespmem:v28+s21+$0x0], $0xffff;
	v15 =	vmul.f32 v15, v0;
	v14 =	vadd.f32 v29, v56  }
0x432: {  	v58 =	vunpack.i.u.bf16.f32 v63;
	v30 =	vunpack.i.l.bf16.f32 v63;
	v10 =	vadd.f32 v10, v11  }
0x433: {  	v63 =	vunpack.i.l.bf16.f32 v59;
	v12 =	vmul.f32 v5, v30;
	v13 =	vmul.f32 v4, v58  }
0x434: {  	v56 =	vld.idx.msk [tilespmem:v20+s21+$0x0], $0xffff;
	v11 =	vmul.f32 v62, v2;
	v22 =	vunpack.i.l.bf16.f32 v61;
	v29 =	vmul.f32 v63, v3  }
0x435: {  	v30 =	vunpack.i.u.bf16.f32 v61;
	v32 =	vmul.f32 v22, v16;
	v12 =	vadd.f32 v13, v12;
	v13 =	vld.idx.msk [tilespmem:v6+s16+$0x0], $0xffff  }
0x436: {  	v57 =	vunpack.i.u.bf16.f32 v39;
	v58 =	vunpack.i.l.bf16.f32 v53;
	v30 =	vmul.f32 v30, v17  }
0x437: {  	v59 =	vld.idx.msk [tilespmem:v18+s21+$0x0], $0xffff;
	v11 =	vadd.f32 v15, v11;
	v15 =	vadd.f32 v29, v31;
	v29 =	vunpack.i.u.bf16.f32 v53  }
0x438: {  	v61 =	vld.idx.msk [tilespmem:v8+s21+$0x0], $0xffff;
	v31 =	vmul.f32 v58, v16;
	v30 =	vadd.f32 v32, v30;
	v29 =	vmul.f32 v29, v17  }
0x439: {  	v38 =	vld.idx.msk [tilespmem:v21+s21+$0x0], $0xffff;
	[tilespmem:$0x1FD20] =	vst v60;
	v60 =	vunpack.i.u.bf16.f32 v56;
	v12 =	vadd.f32 v12, v14;
	v55 =	vadd.f32 v15, v11  }
0x43a: {  	v15 =	vunpack.i.l.bf16.f32 v39;
	v23 =	vunpack.i.u.bf16.f32 v13;
	v13 =	vunpack.i.l.bf16.f32 v13  }
0x43b: {  	v11 =	vunpack.i.l.bf16.f32 v56;
	v13 =	vmul.f32 v13, v5;
	v14 =	vmul.f32 v23, v4  }
0x43c: {  	v22 =	vmul.f32 v60, v4;
	v35 =	vunpack.i.l.bf16.f32 v59;
	v63 =	vmul.f32 v11, v5;
	v23 =	vld.idx.msk [tilespmem:v6+s21+$0x0], $0xffff  }
0x43d: {  	v15 =	vmul.f32 v15, v3;
	v39 =	vunpack.i.u.bf16.f32 v61;
	v13 =	vadd.f32 v13, v14  }
0x43e: {  	v54 =	vadd.f32 v12, v10;
	v10 =	vadd.f32 v63, v22;
	v14 =	vunpack.i.l.bf16.f32 v38  }
0x43f: {  	v58 =	vld.idx.msk [tilespmem:v19+s22+$0x0], $0xffff;
	v14 =	vmul.f32 v14, v0;
	v12 =	vadd.f32 v13, v30;
	v13 =	vunpack.i.u.bf16.f32 v38  }
0x440: {  	v30 =	vmul.f32 v57, v1;
	v38 =	vunpack.i.l.bf16.f32 v61;
	v13 =	vmul.f32 v13, v2  }
0x441: {  	v56 =	vld.idx.msk [tilespmem:v28+s22+$0x0], $0xffff;
	[tilespmem:$0x1FD30] =	vst v54;
	v11 =	vunpack.i.l.bf16.f32 v23;
	v62 =	vadd.f32 v12, v55;
	v55 =	vunpack.i.u.bf16.f32 v23  }
0x442: {  	v54 =	vld.idx.msk [tilespmem:v21+s22+$0x0], $0xffff;
	v11 =	vmul.f32 v11, v5;
	v13 =	vadd.f32 v14, v13;
	v14 =	vadd.f32 v15, v30  }
0x443: {  	v12 =	vld.idx.msk [tilespmem:v7+s21+$0x0], $0xffff;
	v15 =	vadd.f32 v31, v29;
	v29 =	vmul.f32 v35, v0;
	v30 =	vmul.f32 v38, v3  }
0x444: {  	v23 =	vld.idx.msk [tilespmem:v8+s22+$0x0], $0xffff;
	v31 =	vmul.f32 v39, v1;
	[tilespmem:$0x1FD40] =	vst v62;
	v62 =	vunpack.i.l.bf16.f32 v58;
	v13 =	vadd.f32 v14, v13  }
0x445: {  	v14 =	vunpack.i.u.bf16.f32 v59;
	v10 =	vadd.f32 v10, v15;
	v15 =	vmul.f32 v55, v4  }
0x446: {  	v57 =	vadd.f32 v30, v31;
	v30 =	vunpack.i.u.bf16.f32 v58;
	v31 =	vmul.f32 v62, v16  }
0x447: {  	v61 =	vunpack.i.l.bf16.f32 v56;
	v14 =	vmul.f32 v14, v2;
	v30 =	vmul.f32 v30, v17  }
0x448: {  	v53 =	vunpack.i.l.bf16.f32 v12;
	v12 =	vunpack.i.u.bf16.f32 v12;
	v11 =	vadd.f32 v11, v15  }
0x449: {  	v59 =	vadd.f32 v10, v13;
	v13 =	vunpack.i.l.bf16.f32 v54;
	v55 =	vunpack.i.l.bf16.f32 v23  }
0x44a: {  	v15 =	vld.idx.msk [tilespmem:v20+s22+$0x0], $0xffff;
	v32 =	vmul.f32 v53, v16;
	v12 =	vmul.f32 v12, v17;
	v14 =	vadd.f32 v29, v14  }
0x44b: {  	v63 =	vld.idx.msk [tilespmem:v18+s22+$0x0], $0xffff;
	v13 =	vmul.f32 v13, v0;
	v29 =	vmul.f32 v61, v3;
	v39 =	vadd.f32 v31, v30  }
0x44c: {  	v61 =	vld.idx.msk [tilespmem:v19+s23+$0x0], $0xffff;
	v12 =	vadd.f32 v32, v12;
	v60 =	vadd.f32 v57, v14;
	v14 =	vunpack.i.u.bf16.f32 v56  }
0x44d: {  	v30 =	vmul.f32 v55, v3;
	[tilespmem:$0x1FD50] =	vst v59;
	v59 =	vld.idx.msk [tilespmem:v28+s23+$0x0], $0xffff;
	v56 =	vunpack.i.u.bf16.f32 v23;
	v14 =	vmul.f32 v14, v1  }
0x44e: {  	v31 =	vmul.f32 v56, v1;
	v11 =	vadd.f32 v11, v12;
	v12 =	vunpack.i.u.bf16.f32 v54  }
0x44f: {  	v57 =	vld.idx.msk [tilespmem:v21+s23+$0x0], $0xffff;
	v22 =	vunpack.i.l.bf16.f32 v15;
	v15 =	vunpack.i.u.bf16.f32 v15;
	v12 =	vmul.f32 v12, v2  }
0x450: {  	v54 =	vunpack.i.u.bf16.f32 v63;
	v33 =	vmul.f32 v22, v5;
	v15 =	vmul.f32 v15, v4  }
0x451: {  	v30 =	vadd.f32 v30, v31;
	v23 =	vunpack.i.l.bf16.f32 v61;
	v38 =	vadd.f32 v11, v60  }
0x452: {  	v22 =	vunpack.i.l.bf16.f32 v59;
	v34 =	vunpack.i.u.bf16.f32 v59;
	v59 =	vld.idx.msk [tilespmem:v6+s23+$0x0], $0xffff;
	v12 =	vadd.f32 v13, v12  }
0x453: {  	v13 =	vadd.f32 v29, v14;
	v14 =	vld.idx.msk [tilespmem:v7+s22+$0x0], $0xffff;
	v53 =	vadd.f32 v33, v15;
	v29 =	vmul.f32 v54, v2  }
0x454: {  	v15 =	vld.idx.msk [tilespmem:v6+s22+$0x0], $0xffff;
	v32 =	vunpack.i.l.bf16.f32 v57;
	v35 =	vmul.f32 v22, v3;
	v34 =	vmul.f32 v34, v1  }
0x455: {  	v33 =	vunpack.i.u.bf16.f32 v61;
	[tilespmem:$0x1FD60] =	vst v38;
	v32 =	vmul.f32 v32, v0;
	v38 =	vmul.f32 v23, v16  }
0x456: {  	v33 =	vmul.f32 v33, v17;
	v12 =	vadd.f32 v13, v12;
	v13 =	vunpack.i.l.bf16.f32 v63;
	v63 =	vld.idx.msk [tilespmem:v20+s23+$0x0], $0xffff  }
0x457: {  	v10 =	vadd.f32 v53, v39;
	v56 =	vadd.f32 v35, v34;
	v13 =	vmul.f32 v13, v0  }
0x458: {  	v33 =	vadd.f32 v38, v33;
	v22 =	vunpack.i.u.bf16.f32 v59;
	v58 =	vunpack.i.u.bf16.f32 v14  }
0x459: {  	v38 =	vld.idx.msk [tilespmem:v19+s24+$0x0], $0xffff;
	v14 =	vunpack.i.l.bf16.f32 v14;
	v13 =	vadd.f32 v13, v29;
	v62 =	vunpack.i.u.bf16.f32 v15  }
0x45a: {  	v15 =	vunpack.i.l.bf16.f32 v15;
	v60 =	vmul.f32 v14, v16;
	v14 =	vmul.f32 v58, v17  }
0x45b: {  	v15 =	vmul.f32 v15, v5;
	v29 =	vmul.f32 v62, v4;
	v53 =	vunpack.i.u.bf16.f32 v63  }
0x45c: {  	v58 =	vld.idx.msk [tilespmem:v8+s23+$0x0], $0xffff;
	v31 =	vunpack.i.l.bf16.f32 v63;
	v11 =	vadd.f32 v60, v14;
	v14 =	vunpack.i.u.bf16.f32 v57  }
0x45d: {  	v15 =	vadd.f32 v15, v29;
	v54 =	vmul.f32 v31, v5;
	v55 =	vmul.f32 v53, v4;
	v57 =	vld.idx.msk [tilespmem:v18+s23+$0x0], $0xffff  }
0x45e: {  	v39 =	vld.idx.msk [tilespmem:v20+s24+$0x0], $0xffff;
	v13 =	vadd.f32 v30, v13;
	v31 =	vunpack.i.u.bf16.f32 v38;
	v14 =	vmul.f32 v14, v2  }
0x45f: {  	v31 =	vmul.f32 v31, v17;
	v29 =	vadd.f32 v54, v55;
	v11 =	vadd.f32 v15, v11  }
0x460: {  	v15 =	vld.idx.msk [tilespmem:v7+s23+$0x0], $0xffff;
	v54 =	vadd.f32 v10, v12;
	v10 =	vunpack.i.l.bf16.f32 v59;
	v14 =	vadd.f32 v32, v14  }
0x461: {  	v55 =	vld.idx.msk [tilespmem:v18+s24+$0x0], $0xffff;
	v10 =	vmul.f32 v10, v5;
	v29 =	vadd.f32 v29, v33;
	v53 =	vadd.f32 v11, v13  }
0x462: {  	v59 =	vld.idx.msk [tilespmem:v7+s24+$0x0], $0xffff;
	v13 =	vunpack.i.l.bf16.f32 v58;
	v14 =	vadd.f32 v56, v14;
	v61 =	vunpack.i.u.bf16.f32 v57  }
0x463: {  	v12 =	vunpack.i.l.bf16.f32 v57;
	v13 =	vmul.f32 v13, v3;
	v56 =	vunpack.i.u.bf16.f32 v39  }
0x464: {  	v12 =	vmul.f32 v12, v0;
	v11 =	vmul.f32 v61, v2;
	v60 =	vadd.f32 v29, v14  }
0x465: {  	v63 =	vld.idx.msk [tilespmem:v21+s24+$0x0], $0xffff;
	v14 =	vunpack.i.u.bf16.f32 v58;
	v62 =	vunpack.i.l.bf16.f32 v15;
	v15 =	vunpack.i.u.bf16.f32 v15  }
0x466: {  	v58 =	vmul.f32 v56, v4;
	v30 =	vunpack.i.l.bf16.f32 v55;
	v14 =	vmul.f32 v14, v1  }
0x467: {  	v23 =	vld.idx.msk [tilespmem:v28+s24+$0x0], $0xffff;
	v35 =	vunpack.i.u.bf16.f32 v59;
	v29 =	vmul.f32 v62, v16;
	v15 =	vmul.f32 v15, v17  }
0x468: {  	v11 =	vadd.f32 v12, v11;
	v12 =	vmul.f32 v22, v4;
	v61 =	vmul.f32 v30, v0  }
0x469: {  	v30 =	vmul.f32 v35, v17;
	v13 =	vadd.f32 v13, v14;
	v14 =	vadd.f32 v29, v15  }
0x46a: {  	v10 =	vadd.f32 v10, v12;
	v12 =	vunpack.i.u.bf16.f32 v63;
	v15 =	vunpack.i.l.bf16.f32 v63  }
0x46b: {  	v32 =	vld [tilespmem:s11+$0x0];
	v12 =	vmul.f32 v12, v2;
	v11 =	vadd.f32 v13, v11;
	v13 =	vmul.f32 v15, v0  }
0x46c: {  	v57 =	vld.idx.msk [tilespmem:v8+s24+$0x0], $0xffff;
	v10 =	vadd.f32 v10, v14;
	v14 =	vunpack.i.u.bf16.f32 v23;
	v15 =	vunpack.i.l.bf16.f32 v23  }
0x46d: {  	[tilespmem:$0x1FD70] =	vst v60;
	v60 =	vunpack.i.u.bf16.f32 v55;
	v63 =	vld.idx.msk [tilespmem:v6+s24+$0x0], $0xffff;
	v15 =	vmul.f32 v15, v3;
	v14 =	vmul.f32 v14, v1  }
0x46e: {  	v29 =	vunpack.i.l.bf16.f32 v39;
	v12 =	vadd.f32 v13, v12;
	v13 =	vunpack.i.l.bf16.f32 v38  }
0x46f: {  	v13 =	vmul.f32 v13, v16;
	v14 =	vadd.f32 v15, v14;
	v15 =	vmul.f32 v29, v5  }
0x470: {  	v34 =	vunpack.i.l.bf16.f32 v59;
	v9 =	vmul.f32 $5.235987900e-01, v32;
	v62 =	vmul.f32 v60, v2  }
0x471: {  	v29 =	vmul.f32 v34, v16;
	v13 =	vadd.f32 v13, v31;
	v15 =	vadd.f32 v15, v58  }
0x472: {  	v38 =	vunpack.i.u.bf16.f32 v63;
	v22 =	vadd.f32 v14, v12;
	v12 =	vunpack.i.l.bf16.f32 v57;
	v14 =	vld.idx.msk [tilespmem:v21+s25+$0x0], $0xffff  }
0x473: {  	v31 =	vunpack.i.l.bf16.f32 v63;
	v63 =	vld.idx.msk [tilespmem:v20+s25+$0x0], $0xffff;
	v23 =	vadd.f32 v15, v13;
	v15 =	vunpack.i.u.bf16.f32 v57  }
0x474: {  	v39 =	vld.idx.msk [tilespmem:v28+s25+$0x0], $0xffff;
	v12 =	vmul.f32 v12, v3;
	v15 =	vmul.f32 v15, v1  }
0x475: {  	v33 =	vmul.f32 v9, v9;
	v29 =	vadd.f32 v29, v30;
	v13 =	vadd.f32 v61, v62;
	v61 =	vld.idx.msk [tilespmem:v19+s25+$0x0], $0xffff  }
0x476: {  	v60 =	vmul.f32 v38, v4;
	v56 =	vadd.f32 v23, v22;
	v12 =	vadd.f32 v12, v15  }
0x477: {  	v15 =	vmul.f32 v31, v5;
	v62 =	vunpack.i.u.bf16.f32 v14;
	v14 =	vunpack.i.l.bf16.f32 v14  }
0x478: {  	v38 =	vunpack.i.u.bf16.f32 v63;
	v14 =	vmul.f32 v14, v0;
	v30 =	vmul.f32 v62, v2  }
0x479: {  	v31 =	vunpack.i.l.bf16.f32 v63;
	v63 =	vld.idx.msk [tilespmem:v6+s25+$0x0], $0xffff;
	v15 =	vadd.f32 v15, v60;
	v22 =	vadd.f32 v12, v13  }
0x47a: {  	v13 =	vunpack.i.l.bf16.f32 v39;
	v34 =	vunpack.i.l.bf16.f32 v61;
	v12 =	vadd.f32 v14, v30;
	v14 =	vld.idx.msk [tilespmem:v18+s25+$0x0], $0xffff  }
0x47b: {  	v60 =	vmul.f32 v38, v4;
	v23 =	vadd.f32 v15, v29;
	v15 =	vunpack.i.u.bf16.f32 v39  }
0x47c: {  	v35 =	vunpack.i.u.bf16.f32 v61;
	v61 =	vld.idx.msk [tilespmem:v7+s25+$0x0], $0xffff;
	v13 =	vmul.f32 v13, v3;
	v15 =	vmul.f32 v15, v1  }
0x47d: {  	v55 =	vadd.f32 v10, v11;
	v30 =	vmul.f32 v35, v17;
	v29 =	vmul.f32 v34, v16;
	v39 =	vld.idx.msk [tilespmem:v8+s25+$0x0], $0xffff  }
0x47e: {  	v38 =	vunpack.i.u.bf16.f32 v63;
	v13 =	vadd.f32 v13, v15;
	v15 =	vmul.f32 v31, v5  }
0x47f: {  	v31 =	vunpack.i.l.bf16.f32 v63;
	v63 =	vld.idx.msk [tilespmem:v20+s26+$0x0], $0xffff;
	v62 =	vunpack.i.u.bf16.f32 v14;
	v14 =	vunpack.i.l.bf16.f32 v14  }
0x480: {  	v29 =	vadd.f32 v29, v30;
	v20 =	vld.idx.msk [tilespmem:v20+s28+$0x0], $0xffff;
	v14 =	vmul.f32 v14, v0;
	v30 =	vmul.f32 v62, v2  }
0x481: {  	v57 =	vadd.f32 v23, v22;
	v34 =	vunpack.i.l.bf16.f32 v61;
	v15 =	vadd.f32 v15, v60  }
0x482: {  	v22 =	vadd.f32 v13, v12;
	v13 =	vunpack.i.l.bf16.f32 v39;
	v12 =	vadd.f32 v14, v30;
	v14 =	vld.idx.msk [tilespmem:v21+s26+$0x0], $0xffff  }
0x483: {  	v60 =	vmul.f32 v38, v4;
	v23 =	vadd.f32 v15, v29;
	v15 =	vunpack.i.u.bf16.f32 v39  }
0x484: {  	v35 =	vunpack.i.u.bf16.f32 v61;
	v13 =	vmul.f32 v13, v3;
	v39 =	vld.idx.msk [tilespmem:v28+s26+$0x0], $0xffff;
	v15 =	vmul.f32 v15, v1  }
0x485: {  	v29 =	vmul.f32 v34, v16;
	v30 =	vmul.f32 v35, v17;
	v9 =	vunpack.i.u.bf16.f32 v20  }
0x486: {  	v61 =	vld.idx.msk [tilespmem:v19+s26+$0x0], $0xffff;
	v20 =	vunpack.i.l.bf16.f32 v20;
	v13 =	vadd.f32 v13, v15;
	v15 =	vmul.f32 v31, v5  }
0x487: {  	v29 =	vadd.f32 v29, v30;
	v58 =	vadd.f32 v23, v22;
	v62 =	vunpack.i.u.bf16.f32 v14  }
0x488: {  	v14 =	vunpack.i.l.bf16.f32 v14;
	v15 =	vadd.f32 v15, v60;
	v22 =	vadd.f32 v13, v12  }
0x489: {  	v13 =	vunpack.i.l.bf16.f32 v39;
	v14 =	vmul.f32 v14, v0;
	v30 =	vmul.f32 v62, v2  }
0x48a: {  	v59 =	vunpack.i.u.bf16.f32 v63;
	v20 =	vmul.f32 v20, v5;
	v13 =	vmul.f32 v13, v3  }
0x48b: {  	v38 =	vld.idx.msk [tilespmem:v18+s26+$0x0], $0xffff;
	v23 =	vadd.f32 v15, v29;
	v15 =	vunpack.i.l.bf16.f32 v61;
	v12 =	vadd.f32 v14, v30  }
0x48c: {  	v14 =	vunpack.i.u.bf16.f32 v39;
	v39 =	vunpack.i.u.bf16.f32 v61;
	v15 =	vmul.f32 v15, v16  }
0x48d: {  	v31 =	vunpack.i.l.bf16.f32 v63;
	v61 =	vld.idx.msk [tilespmem:v8+s26+$0x0], $0xffff;
	v14 =	vmul.f32 v14, v1;
	v30 =	vmul.f32 v39, v17  }
0x48e: {  	v60 =	vmul.f32 v59, v4;
	v59 =	vadd.f32 v23, v22;
	v22 =	vmul.f32 $1.666666720e-01, v32  }
0x48f: {  	v21 =	vld.idx.msk [tilespmem:v21+s28+$0x0], $0xffff;
	v13 =	vadd.f32 v13, v14;
	v14 =	vmul.f32 v31, v5;
	v62 =	vadd.f32 v15, v30  }
0x490: {  	v28 =	vld.idx.msk [tilespmem:v28+s28+$0x0], $0xffff;
	v15 =	vunpack.i.l.bf16.f32 v38;
	v29 =	vadd.f32 $-1.000000000e+00, v22;
	v31 =	vmul.f32 v9, v4  }
0x491: {  	v23 =	vmul.f32 v15, v0;
	v63 =	vadd.f32 v14, v60;
	v12 =	vadd.f32 v13, v12  }
0x492: {  	v15 =	vld.idx.msk [tilespmem:v6+s26+$0x0], $0xffff;
	v14 =	vunpack.i.u.bf16.f32 v38;
	v34 =	vunpack.i.u.bf16.f32 v61;
	v39 =	vadd.f32 v29, v29  }
0x493: {  	v13 =	vld.idx.msk [tilespmem:v7+s26+$0x0], $0xffff;
	v35 =	vunpack.i.l.bf16.f32 v61;
	v20 =	vadd.f32 v20, v31;
	v14 =	vmul.f32 v14, v2  }
0x494: {  	v19 =	vld.idx.msk [tilespmem:v19+s28+$0x0], $0xffff;
	v30 =	vmul.f32 v34, v1;
	v10 =	vadd.f32 v63, v62;
	v29 =	vmul.f32 v39, v29  }
0x495: {  	v63 =	vunpack.i.u.bf16.f32 v21;
	v21 =	vunpack.i.l.bf16.f32 v21;
	v39 =	vunpack.i.u.bf16.f32 v28  }
0x496: {  	v28 =	vunpack.i.l.bf16.f32 v28;
	v11 =	vadd.f32 v23, v14;
	v14 =	vmul.f32 v35, v3  }
0x497: {  	v21 =	vmul.f32 v21, v0;
	v61 =	vunpack.i.u.bf16.f32 v15;
	v15 =	vunpack.i.l.bf16.f32 v15  }
0x498: {  	v29 =	vadd.f32 $-1.000000000e+00, v29;
	v38 =	vunpack.i.u.bf16.f32 v13;
	v13 =	vunpack.i.l.bf16.f32 v13  }
0x499: {  	v15 =	vmul.f32 v15, v5;
	v62 =	vmul.f32 v61, v4;
	v61 =	vunpack.i.u.bf16.f32 v19  }
0x49a: {  	v19 =	vunpack.i.l.bf16.f32 v19;
	v13 =	vmul.f32 v13, v16;
	v60 =	vmul.f32 v38, v17  }
0x49b: {  	v14 =	vadd.f32 v14, v30;
	v38 =	vmul.f32 v63, v2;
	v19 =	vmul.f32 v19, v16  }
0x49c: {  	v18 =	vld.idx.msk [tilespmem:v18+s28+$0x0], $0xffff;
	v63 =	vmul.f32 v61, v17;
	v30 =	vadd.f32 v29, v29;
	v15 =	vadd.f32 v15, v62  }
0x49d: {  	v11 =	vadd.f32 v14, v11;
	v14 =	vmul.f32 v28, v3;
	v62 =	vmul.f32 $2.480158760e-05, v33  }
0x49e: {  	v13 =	vadd.f32 v13, v60;
	v60 =	vmul.f32 v39, v1;
	v21 =	vadd.f32 v21, v38  }
0x49f: {  	v8 =	vld.idx.msk [tilespmem:v8+s28+$0x0], $0xffff;
	v19 =	vadd.f32 v19, v63;
	v35 =	vmul.f32 v30, v29;
	v34 =	vadd.f32 $-1.388888920e-03, v62  }
0x4a0: {  	v62 =	vadd.f32 v10, v12;
	v14 =	vadd.f32 v14, v60  }
0x4a1: {  	v7 =	vld.idx.msk [tilespmem:v7+s28+$0x0], $0xffff;
	v12 =	vunpack.i.l.bf16.f32 v18;
	v13 =	vadd.f32 v15, v13;
	v39 =	vadd.f32 $-1.000000000e+00, v35  }
0x4a2: {  	v19 =	vadd.f32 v20, v19;
	v0 =	vmul.f32 v12, v0;
	v12 =	vunpack.i.u.bf16.f32 v18  }
0x4a3: {  	v34 =	vmul.f32 v34, v33;
	v61 =	vadd.f32 v13, v11;
	v13 =	vmul.f32 v39, v30  }
0x4a4: {  	v6 =	vld.idx.msk [tilespmem:v6+s28+$0x0], $0xffff;
	v2 =	vmul.f32 v12, v2;
	v12 =	vunpack.i.l.bf16.f32 v8;
	v14 =	vadd.f32 v14, v21  }
0x4a5: {  	v3 =	vmul.f32 v12, v3;
	v15 =	vadd.f32 $4.166666790e-02, v34;
	v12 =	vsub.f32 v13, v29;
	v13 =	vld [tilespmem:s13+$0x0]  }
0x4a6: {  	v20 =	vunpack.i.l.bf16.f32 v7;
	v7 =	vunpack.i.u.bf16.f32 v7;
	v60 =	vadd.f32 v19, v14;
	v14 =	vld [tilespmem:s12+$0x0]  }
0x4a7: {  	v8 =	vunpack.i.u.bf16.f32 v8;
	v7 =	vmul.f32 v7, v17;
	v38 =	vmul.f32 v15, v33  }
0x4a8: {  	v1 =	vmul.f32 v8, v1;
	v8 =	vmul.f32 v20, v16  }
0x4a9: {  	v15 =	vunpack.i.l.bf16.f32 v6;
	v6 =	vunpack.i.u.bf16.f32 v6;
	v10 =	vadd.f32 $-5.000000000e-01, v38  }
0x4aa: {  	vm15 =	vlt.f32 v32, $6.000000000e+00;
	v5 =	vmul.f32 v15, v5;
	v4 =	vmul.f32 v6, v4  }
0x4ab: {  	v10 =	vmul.f32 v10, v33;
	v28 =	vshll.u32 v13, $0x8;
	v31 =	vshll.u32 v14, $0x6  }
0x4ac: {  	v0 =	vadd.f32 v0, v2;
	v4 =	vadd.f32 v5, v4;
	v5 =	vadd.s32 v28, v31  }
0x4ad: {  	v16 =	vmul.f32 v12, v30;
	v10 =	vadd.f32 $1.000000000e+00, v10;
	v32 =	vadd.s32 v37, v5;
	v37 =	vld [tilespmem:$0x1FF00]  }
0x4ae: {  	v34 =	vadd.f32 $1.000000000e+00, v29;
	v1 =	vadd.f32 v3, v1  }
0x4af: {  	v22 =	vadd.f32 v8, v7;
	v3 =	vsub.f32 v16, v39;
	v21 =	vmul.f32 $5.000000000e-01, v10  }
0x4b0: {  	v1 =	vadd.f32 v1, v0;
	v38 =	vadd.f32 $1.000000000e+00, v39  }
0x4b1: {  	v23 =	vmul.f32 v3, v30;
	v33 =	vand.u32 $0xFFFFFFC8, v32;
	v2 =	vadd.f32 $5.000000000e-01, v21  }
0x4b2: {  	v39 =	vadd.f32 $1.000000000e+00, v12;
	v4 =	vadd.f32 v4, v22;
	v29 =	vor.u32 v37, v33  }
0x4b3: {  	v22 =	vadd.s32 v44, v5;
	v63 =	vnsel vm15, $0x0, v2;
	v2 =	vsub.f32 v23, v12  }
0x4b4: {  	v28 =	vadd.s32 v47, v5;
	v31 =	vadd.s32 v41, v5;
	v21 =	vadd.s32 v43, v5  }
0x4b5: {  	v23 =	vand.u32 $0xFFFFFFD8, v22;
	v8 =	vmul.f32 $5.000000000e-01, v63;
	v35 =	vmul.f32 v2, v30  }
0x4b6: {  	v41 =	vadd.s32 v50, v5;
	v7 =	vand.u32 $0xFFFFFFD8, v21;
	v32 =	vor.u32 v46, v23  }
0x4b7: {  	v17 =	vmul.f32 v8, v34;
	v16 =	vmul.f32 v8, v38;
	v20 =	vsub.f32 v35, v3;
	v12 =	vld.idx.msk [tilespmem:v29+s16+$0x0], $0xffff  }
0x4b8: {  	v9 =	vmul.f32 v8, v39;
	v34 =	vand.u32 $0xFFFFFFD8, v31;
	v3 =	vadd.f32 $1.000000000e+00, v3  }
0x4b9: {  	v35 =	vor.u32 v40, v7;
	v10 =	vmul.f32 v20, v30;
	v6 =	vadd.f32 $1.000000000e+00, v20  }
0x4ba: {  	v30 =	vand.u32 $0xFFFFFFD8, v28;
	v19 =	vmul.f32 v8, v3;
	v28 =	vor.u32 v36, v34  }
0x4bb: {  	v33 =	vor.u32 v42, v30;
	v10 =	vsub.f32 v10, v2;
	v2 =	vadd.f32 $1.000000000e+00, v2  }
0x4bc: {  	v42 =	vld.idx.msk [tilespmem:v32+s16+$0x0], $0xffff;
	v18 =	vmul.f32 v6, v8;
	v38 =	vunpack.i.l.bf16.f32 v12;
	v40 =	vunpack.i.u.bf16.f32 v12  }
0x4bd: {  	v12 =	vadd.s32 v51, v5;
	v37 =	vadd.f32 $1.000000000e+00, v10;
	v10 =	vand.u32 $0xFFFFFFD8, v41  }
0x4be: {  	v39 =	vld.idx.msk [tilespmem:v35+s16+$0x0], $0xffff;
	v5 =	vadd.s32 v52, v5;
	v43 =	vand.u32 $0xFFFFFFD8, v12;
	v34 =	vor.u32 v45, v10  }
0x4bf: {  	v20 =	vmul.f32 v2, v8;
	v5 =	vand.u32 $0xFFFFFFD8, v5;
	v30 =	vor.u32 v48, v43;
	v46 =	vld.idx.msk [tilespmem:v28+s16+$0x0], $0xffff  }
0x4c0: {  	v2 =	vmul.f32 v63, v38;
	v7 =	vmul.f32 v17, v40;
	v31 =	vor.u32 v49, v5;
	v44 =	vld.idx.msk [tilespmem:v33+s16+$0x0], $0xffff  }
0x4c1: {  	v38 =	vadd.f32 v4, v1;
	v21 =	vmul.f32 v37, v8;
	v47 =	vunpack.i.l.bf16.f32 v42  }
0x4c2: {  	v2 =	vadd.f32 v7, v2;
	v48 =	vunpack.i.u.bf16.f32 v42;
	v5 =	vmul.f32 v19, v47  }
0x4c3: {  	v10 =	vmul.f32 v20, v48;
	v45 =	vunpack.i.u.bf16.f32 v39;
	v6 =	vunpack.i.l.bf16.f32 v39;
	v12 =	vld.idx.msk [tilespmem:v34+s16+$0x0], $0xffff  }
0x4c4: {  	v6 =	vmul.f32 v16, v6;
	v3 =	vmul.f32 v9, v45;
	v52 =	vld.idx.msk [tilespmem:v30+s16+$0x0], $0xffff;
	v22 =	vunpack.i.u.bf16.f32 v46  }
0x4c5: {  	v7 =	vunpack.i.l.bf16.f32 v46;
	v40 =	vld.idx.msk [tilespmem:v31+s16+$0x0], $0xffff;
	v49 =	vunpack.i.u.bf16.f32 v44;
	v8 =	vunpack.i.l.bf16.f32 v44  }
0x4c6: {  	v3 =	vadd.f32 v3, v6;
	v7 =	vmul.f32 v7, v63;
	v23 =	vmul.f32 v22, v17  }
0x4c7: {  	v5 =	vadd.f32 v10, v5;
	v50 =	vmul.f32 v18, v8;
	v51 =	vmul.f32 v21, v49  }
0x4c8: {  	v45 =	vld.idx.msk [tilespmem:v29+s21+$0x0], $0xffff;
	v41 =	vadd.f32 v3, v2;
	v43 =	vadd.f32 v7, v23  }
0x4c9: {  	v13 =	vld.idx.msk [tilespmem:v34+s21+$0x0], $0xffff;
	v6 =	vadd.f32 v51, v50;
	v44 =	vunpack.i.l.bf16.f32 v12;
	v46 =	vunpack.i.u.bf16.f32 v12  }
0x4ca: {  	v36 =	vld.idx.msk [tilespmem:v33+s21+$0x0], $0xffff;
	v47 =	vunpack.i.l.bf16.f32 v52;
	v48 =	vunpack.i.u.bf16.f32 v52;
	v49 =	vunpack.i.u.bf16.f32 v40  }
0x4cb: {  	v42 =	vadd.f32 v6, v5;
	v4 =	vmul.f32 v44, v16;
	v6 =	vmul.f32 v46, v9  }
0x4cc: {  	v10 =	vunpack.i.l.bf16.f32 v40;
	v7 =	vmul.f32 v47, v19;
	v8 =	vmul.f32 v48, v20  }
0x4cd: {  	v23 =	vunpack.i.u.bf16.f32 v45;
	v12 =	vld.idx.msk [tilespmem:v35+s21+$0x0], $0xffff;
	v50 =	vmul.f32 v10, v18;
	v51 =	vmul.f32 v49, v21  }
0x4ce: {  	v52 =	vld.idx.msk [tilespmem:v32+s21+$0x0], $0xffff;
	v2 =	vunpack.i.l.bf16.f32 v13;
	v5 =	vunpack.i.l.bf16.f32 v45;
	v4 =	vadd.f32 v4, v6  }
0x4cf: {  	v10 =	vunpack.i.l.bf16.f32 v36;
	v7 =	vadd.f32 v7, v8;
	v6 =	vadd.f32 v50, v51  }
0x4d0: {  	v15 =	vld.idx.msk [tilespmem:v34+s22+$0x0], $0xffff;
	v5 =	vmul.f32 v5, v63;
	v8 =	vmul.f32 v23, v17;
	v23 =	vadd.f32 v42, v41  }
0x4d1: {  	v49 =	vld.idx.msk [tilespmem:v31+s21+$0x0], $0xffff;
	v45 =	vmul.f32 v10, v18;
	v37 =	vadd.f32 v4, v43;
	v39 =	vadd.f32 v6, v7  }
0x4d2: {  	v42 =	vld.idx.msk [tilespmem:v28+s21+$0x0], $0xffff;
	v40 =	vadd.f32 v5, v8;
	v41 =	vunpack.i.l.bf16.f32 v12;
	v43 =	vunpack.i.u.bf16.f32 v12  }
0x4d3: {  	v44 =	vunpack.i.l.bf16.f32 v52;
	v11 =	vunpack.i.u.bf16.f32 v52;
	v5 =	vmul.f32 v41, v16  }
0x4d4: {  	v14 =	vld.idx.msk [tilespmem:v35+s22+$0x0], $0xffff;
	v12 =	vunpack.i.u.bf16.f32 v36;
	v7 =	vmul.f32 v43, v9;
	v8 =	vmul.f32 v44, v19  }
0x4d5: {  	v1 =	vunpack.i.l.bf16.f32 v15;
	v11 =	vmul.f32 v11, v20;
	v46 =	vmul.f32 v12, v21;
	v12 =	vld.idx.msk [tilespmem:v30+s21+$0x0], $0xffff  }
0x4d6: {  	v22 =	vadd.f32 v39, v37;
	v37 =	vunpack.i.u.bf16.f32 v13;
	v13 =	vunpack.i.u.bf16.f32 v49  }
0x4d7: {  	v5 =	vadd.f32 v5, v7;
	v8 =	vadd.f32 v8, v11;
	v47 =	vunpack.i.u.bf16.f32 v42  }
0x4d8: {  	v36 =	vld.idx.msk [tilespmem:v29+s22+$0x0], $0xffff;
	v6 =	vunpack.i.l.bf16.f32 v42;
	v7 =	vadd.f32 v45, v46;
	v11 =	vunpack.i.l.bf16.f32 v49  }
0x4d9: {  	v41 =	vmul.f32 v13, v21;
	v46 =	vunpack.i.l.bf16.f32 v14;
	v6 =	vmul.f32 v6, v63  }
0x4da: {  	v48 =	vmul.f32 v47, v17;
	v39 =	vunpack.i.l.bf16.f32 v12;
	v12 =	vunpack.i.u.bf16.f32 v12  }
0x4db: {  	v13 =	vld.idx.msk [tilespmem:v32+s22+$0x0], $0xffff;
	v50 =	vadd.f32 v5, v40;
	v10 =	vmul.f32 v39, v19;
	v12 =	vmul.f32 v12, v20  }
0x4dc: {  	v51 =	vadd.f32 v7, v8;
	v8 =	vmul.f32 v37, v9;
	v52 =	vadd.f32 v6, v48  }
0x4dd: {  	v6 =	vmul.f32 v2, v16;
	v10 =	vadd.f32 v10, v12;
	v12 =	vunpack.i.u.bf16.f32 v36  }
0x4de: {  	v40 =	vmul.f32 v11, v18;
	v7 =	vunpack.i.l.bf16.f32 v36;
	v42 =	vmul.f32 v12, v17;
	v12 =	vld.idx.msk [tilespmem:v33+s22+$0x0], $0xffff  }
0x4df: {  	v7 =	vmul.f32 v7, v63;
	v48 =	vunpack.i.u.bf16.f32 v14;
	v6 =	vadd.f32 v6, v8  }
0x4e0: {  	v47 =	vld.idx.msk [tilespmem:v28+s22+$0x0], $0xffff;
	v8 =	vadd.f32 v40, v41;
	v49 =	vunpack.i.l.bf16.f32 v13;
	v13 =	vunpack.i.u.bf16.f32 v13  }
0x4e1: {  	v3 =	vadd.f32 v51, v50;
	v11 =	vmul.f32 v49, v19;
	v13 =	vmul.f32 v13, v20  }
0x4e2: {  	v44 =	vadd.f32 v8, v10;
	v10 =	vmul.f32 v48, v9;
	v45 =	vadd.f32 v7, v42  }
0x4e3: {  	v7 =	vmul.f32 v46, v16;
	v14 =	vunpack.i.u.bf16.f32 v12;
	v12 =	vunpack.i.l.bf16.f32 v12  }
0x4e4: {  	v11 =	vadd.f32 v11, v13;
	v50 =	vmul.f32 v12, v18;
	v12 =	vmul.f32 v14, v21;
	v14 =	vld.idx.msk [tilespmem:v30+s22+$0x0], $0xffff  }
0x4e5: {  	v13 =	vunpack.i.u.bf16.f32 v47;
	v8 =	vunpack.i.l.bf16.f32 v47;
	v7 =	vadd.f32 v7, v10  }
0x4e6: {  	v8 =	vmul.f32 v8, v63;
	v10 =	vadd.f32 v50, v12;
	v12 =	vmul.f32 v13, v17;
	v13 =	vld.idx.msk [tilespmem:v31+s22+$0x0], $0xffff  }
0x4e7: {  	v43 =	vadd.f32 v6, v52;
	v42 =	vunpack.i.u.bf16.f32 v15;
	v51 =	vadd.f32 v7, v45  }
0x4e8: {  	v2 =	vld.idx.msk [tilespmem:v29+s23+$0x0], $0xffff;
	v52 =	vadd.f32 v10, v11;
	v0 =	vadd.f32 v8, v12;
	v8 =	vmul.f32 v1, v16  }
0x4e9: {  	v49 =	vld.idx.msk [tilespmem:v28+s23+$0x0], $0xffff;
	v11 =	vmul.f32 v42, v9;
	v12 =	vunpack.i.l.bf16.f32 v14;
	v14 =	vunpack.i.u.bf16.f32 v14  }
0x4ea: {  	v4 =	vadd.f32 v44, v43;
	v43 =	vld.idx.msk [tilespmem:v35+s23+$0x0], $0xffff;
	v12 =	vmul.f32 v12, v19;
	v14 =	vmul.f32 v14, v20  }
0x4eb: {  	v5 =	vadd.f32 v52, v51;
	v52 =	vld.idx.msk [tilespmem:v30+s23+$0x0], $0xffff;
	v15 =	vunpack.i.u.bf16.f32 v13;
	v13 =	vunpack.i.l.bf16.f32 v13  }
0x4ec: {  	v51 =	vld.idx.msk [tilespmem:v34+s23+$0x0], $0xffff;
	v44 =	vmul.f32 v13, v18;
	v13 =	vmul.f32 v15, v21  }
0x4ed: {  	v10 =	vunpack.i.l.bf16.f32 v2;
	v8 =	vadd.f32 v8, v11;
	v15 =	vld.idx.msk [tilespmem:v32+s23+$0x0], $0xffff  }
0x4ee: {  	v42 =	vld [tilespmem:$0x1FB70];
	v12 =	vadd.f32 v12, v14;
	v14 =	vunpack.i.u.bf16.f32 v2;
	v11 =	vadd.f32 v44, v13  }
0x4ef: {  	v48 =	vunpack.i.l.bf16.f32 v43;
	v10 =	vmul.f32 v10, v63;
	v13 =	vmul.f32 v14, v17;
	v14 =	vld.idx.msk [tilespmem:v33+s23+$0x0], $0xffff  }
0x4f0: {  	v45 =	vadd.f32 v8, v0;
	v39 =	vunpack.i.u.bf16.f32 v52;
	v46 =	vadd.f32 v11, v12  }
0x4f1: {  	s19 =	sand.u32 $0x3C00, s5;
	v47 =	vadd.f32 v10, v13;
	v12 =	vunpack.i.u.bf16.f32 v43;
	v10 =	vmul.f32 v48, v16  }
0x4f2: {  	[dreg:$0x13] =	wrdreg s5;
	s5 =	sand.u32 $0x40, s0;
	s14 =	sadd.s32 $0xAE10, s19;
	v1 =	vld.idx.msk [tilespmem:v34+s24+$0x0], $0xffff;
	v11 =	vunpack.i.l.bf16.f32 v49;
	v43 =	vunpack.i.l.bf16.f32 v51;
	v13 =	vunpack.i.l.bf16.f32 v15  }
0x4f3: {  	[dreg:$0x12] =	wrdreg s0;
	s0 =	sor.u32 s5, s14;
	v48 =	vld.idx.msk [tilespmem:v35+s24+$0x0], $0xffff;
	v12 =	vmul.f32 v12, v9;
	v15 =	vunpack.i.u.bf16.f32 v15;
	v13 =	vmul.f32 v13, v19  }
0x4f4: {  	[tilespmem:s0+$0x0] =	vst v42;
	v42 =	vld [tilespmem:$0x1FC60];
	v15 =	vmul.f32 v15, v20;
	v50 =	vunpack.i.u.bf16.f32 v14;
	v14 =	vunpack.i.l.bf16.f32 v14  }
0x4f5: {  	v44 =	vld [tilespmem:$0x1FB80];
	v10 =	vadd.f32 v10, v12;
	v12 =	vmul.f32 v14, v18;
	v14 =	vmul.f32 v50, v21  }
0x4f6: {  	v6 =	vadd.f32 v46, v45;
	v45 =	vld [tilespmem:$0x1FB90];
	v13 =	vadd.f32 v13, v15;
	v15 =	vunpack.i.u.bf16.f32 v49  }
0x4f7: {  	v11 =	vmul.f32 v11, v63;
	v12 =	vadd.f32 v12, v14;
	v14 =	vmul.f32 v15, v17;
	v15 =	vld.idx.msk [tilespmem:v31+s23+$0x0], $0xffff  }
0x4f8: {  	v39 =	vmul.f32 v39, v20;
	v46 =	vld [tilespmem:$0x1FBA0];
	v7 =	vadd.f32 v10, v47;
	v0 =	vunpack.i.u.bf16.f32 v48  }
0x4f9: {  	v0 =	vmul.f32 v0, v9;
	v8 =	vadd.f32 v12, v13;
	v10 =	vadd.f32 v11, v14;
	v12 =	vld.idx.msk [tilespmem:v29+s24+$0x0], $0xffff  }
0x4fa: {  	s15 =	sadd.s32 $0xAE90, s19;
	v50 =	vld [tilespmem:$0x1FBB0];
	v13 =	vunpack.i.u.bf16.f32 v51;
	v11 =	vmul.f32 v43, v16;
	v14 =	vunpack.i.l.bf16.f32 v52  }
0x4fb: {  	s8 =	sor.u32 s5, s15;
	v52 =	vld.idx.msk [tilespmem:v33+s24+$0x0], $0xffff;
	v13 =	vmul.f32 v13, v9;
	v14 =	vmul.f32 v14, v19  }
0x4fc: {  	s17 =	sadd.s32 $0xAF10, s19;
	[tilespmem:s8+$0x0] =	vst v44;
	v44 =	vld [tilespmem:$0x1FBC0];
	v7 =	vadd.f32 v8, v7;
	v47 =	vunpack.i.u.bf16.f32 v15;
	v15 =	vunpack.i.l.bf16.f32 v15  }
0x4fd: {  	s31 =	sadd.s32 $0xAF90, s19;
	s9 =	sor.u32 s5, s17;
	v49 =	vld.idx.msk [tilespmem:v32+s24+$0x0], $0xffff;
	v11 =	vadd.f32 v11, v13;
	v13 =	vmul.f32 v15, v18;
	v15 =	vmul.f32 v47, v21  }
0x4fe: {  	s4 =	sadd.s32 $0xB010, s19;
	s10 =	sor.u32 s5, s31;
	[tilespmem:s9+$0x0] =	vst v45;
	v45 =	vld [tilespmem:$0x1FBD0];
	v14 =	vadd.f32 v14, v39;
	v51 =	vunpack.i.u.bf16.f32 v12;
	v12 =	vunpack.i.l.bf16.f32 v12  }
0x4ff: {  	s18 =	sor.u32 s5, s4;
	[tilespmem:s10+$0x0] =	vst v46;
	v43 =	vld [tilespmem:$0x1FC10];
	v13 =	vadd.f32 v13, v15;
	v12 =	vmul.f32 v12, v63;
	v15 =	vmul.f32 v51, v17  }
0x500: {  	[tilespmem:s18+$0x0] =	vst v50;
	v47 =	vld [tilespmem:$0x1FBE0];
	v8 =	vadd.f32 v11, v10;
	v50 =	vunpack.i.u.bf16.f32 v52;
	v39 =	vunpack.i.l.bf16.f32 v52  }
0x501: {  	v10 =	vadd.f32 v13, v14;
	v46 =	vadd.f32 v12, v15;
	v12 =	vunpack.i.l.bf16.f32 v48;
	v13 =	vld.idx.msk [tilespmem:v28+s24+$0x0], $0xffff  }
0x502: {  	v52 =	vld.idx.msk [tilespmem:v30+s24+$0x0], $0xffff;
	v14 =	vunpack.i.l.bf16.f32 v49;
	v15 =	vunpack.i.u.bf16.f32 v49;
	v12 =	vmul.f32 v12, v16  }
0x503: {  	s1 =	sadd.s32 $0xB090, s19;
	v48 =	vld [tilespmem:$0x1FBF0];
	v14 =	vmul.f32 v14, v19;
	v15 =	vmul.f32 v15, v20  }
0x504: {  	s2 =	sadd.s32 $0xB110, s19;
	s20 =	sor.u32 s5, s1;
	v51 =	vmul.f32 v50, v21;
	v49 =	vld [tilespmem:$0x1FC00];
	v0 =	vadd.f32 v12, v0;
	v12 =	vmul.f32 v39, v18  }
0x505: {  	s3 =	sadd.s32 $0xB190, s19;
	s29 =	sor.u32 s5, s2;
	[tilespmem:s20+$0x0] =	vst v44;
	v44 =	vld.idx.msk [tilespmem:v31+s24+$0x0], $0xffff;
	v14 =	vadd.f32 v14, v15  }
0x506: {  	s30 =	sor.u32 s5, s3;
	[tilespmem:s29+$0x0] =	vst v45;
	s29 =	sadd.s32 $0xD610, s19;
	v45 =	vld [tilespmem:$0x1FC20];
	v15 =	vunpack.i.u.bf16.f32 v13;
	v13 =	vunpack.i.l.bf16.f32 v13;
	v12 =	vadd.f32 v12, v51  }
0x507: {  	s7 =	sor.u32 s5, s29;
	[tilespmem:s30+$0x0] =	vst v47;
	s30 =	sadd.s32 $0xD690, s19;
	v47 =	vld [tilespmem:$0x1FC30];
	v8 =	vadd.f32 v10, v8;
	v13 =	vmul.f32 v13, v63;
	v15 =	vmul.f32 v15, v17  }
0x508: {  	v50 =	vld [tilespmem:$0x1FC40];
	s8 =	sor.u32 s5, s30;
	[tilespmem:s7+$0x0] =	vst v48;
	s7 =	sadd.s32 $0xD710, s19;
	v46 =	vadd.f32 v0, v46;
	v48 =	vadd.f32 v12, v14;
	v12 =	vunpack.i.l.bf16.f32 v1  }
0x509: {  	v51 =	vld [tilespmem:$0x1FC50];
	[tilespmem:s8+$0x0] =	vst v49;
	s9 =	sor.u32 s5, s7;
	s8 =	sadd.s32 $0xD790, s19;
	v49 =	vadd.f32 v13, v15;
	v13 =	vunpack.i.l.bf16.f32 v52;
	v15 =	vunpack.i.u.bf16.f32 v52  }
0x50a: {  	s20 =	sadd.s32 $0xD810, s19;
	[tilespmem:s9+$0x0] =	vst v43;
	s10 =	sor.u32 s5, s8;
	v1 =	vunpack.i.u.bf16.f32 v1;
	v14 =	vld.idx.msk [tilespmem:v29+s25+$0x0], $0xffff;
	v13 =	vmul.f32 v13, v19;
	v15 =	vmul.f32 v15, v20  }
0x50b: {  	s0 =	sadd.s32 $0xD890, s19;
	v39 =	vunpack.i.l.bf16.f32 v44;
	s9 =	sor.u32 s5, s20;
	[tilespmem:s10+$0x0] =	vst v45;
	v12 =	vmul.f32 v12, v16;
	v1 =	vmul.f32 v1, v9;
	v45 =	vld [tilespmem:$0x1FC70]  }
0x50c: {  	v43 =	vunpack.i.u.bf16.f32 v44;
	s10 =	sor.u32 s5, s0;
	[tilespmem:s9+$0x0] =	vst v47;
	s9 =	sadd.s32 $0xD910, s19;
	v10 =	vadd.f32 v48, v46;
	v46 =	vadd.f32 v13, v15;
	v13 =	vld [tilespmem:$0x1FC80]  }
0x50d: {  	v0 =	vmul.f32 v43, v21;
	s19 =	sadd.s32 $0xD990, s19;
	[tilespmem:s10+$0x0] =	vst v50;
	s18 =	sor.u32 s5, s9;
	v1 =	vadd.f32 v12, v1;
	v12 =	vmul.f32 v39, v18  }
0x50e: {  	v52 =	vld.idx.msk [tilespmem:v35+s25+$0x0], $0xffff;
	s10 =	sor.u32 $0x10, s5;
	[tilespmem:s18+$0x0] =	vst v51;
	s18 =	sor.u32 s5, s19  }
0x50f: {  	[tilespmem:s18+$0x0] =	vst v42;
	s18 =	sadd.s32 s10, s14;
	v0 =	vadd.f32 v12, v0;
	v12 =	vld.idx.msk [tilespmem:v33+s25+$0x0], $0xffff  }
0x510: {  	v40 =	vld [tilespmem:$0x1FCA0];
	[tilespmem:s18+$0x0] =	vst v45;
	s18 =	sadd.s32 s10, s15  }
0x511: {  	[tilespmem:s18+$0x0] =	vst v13;
	v13 =	vld [tilespmem:$0x1FC90]  }
0x512: {  	v44 =	vld.idx.msk [tilespmem:v32+s25+$0x0], $0xffff;
	v47 =	vunpack.i.l.bf16.f32 v14  }
0x513: {  	v43 =	vld [tilespmem:$0x1FCB0];
	v11 =	vmul.f32 v47, v63;
	v15 =	vunpack.i.u.bf16.f32 v52  }
0x514: {  	v50 =	vld.idx.msk [tilespmem:v28+s25+$0x0], $0xffff;
	v15 =	vmul.f32 v15, v9;
	v41 =	vunpack.i.u.bf16.f32 v12;
	v12 =	vunpack.i.l.bf16.f32 v12  }
0x515: {  	v45 =	vld [tilespmem:$0x1FCC0];
	s18 =	sadd.s32 s10, s17;
	v12 =	vmul.f32 v12, v18;
	v42 =	vmul.f32 v41, v21  }
0x516: {  	v0 =	vadd.f32 v0, v46;
	v41 =	vld.idx.msk [tilespmem:v35+s26+$0x0], $0xffff;
	[tilespmem:s18+$0x0] =	vst v13;
	s18 =	sadd.s32 s10, s31;
	v13 =	vunpack.i.u.bf16.f32 v14;
	v14 =	vunpack.i.l.bf16.f32 v52  }
0x517: {  	v46 =	vadd.f32 v12, v42;
	v42 =	vld [tilespmem:$0x1FCE0];
	[tilespmem:s18+$0x0] =	vst v27;
	s18 =	sadd.s32 s10, s4;
	v13 =	vmul.f32 v13, v17;
	v14 =	vmul.f32 v14, v16  }
0x518: {  	v52 =	vld.idx.msk [tilespmem:v34+s25+$0x0], $0xffff;
	[tilespmem:s18+$0x0] =	vst v26;
	s18 =	sadd.s32 s10, s1  }
0x519: {  	[tilespmem:s18+$0x0] =	vst v40;
	v13 =	vadd.f32 v11, v13;
	s18 =	sadd.s32 s10, s2;
	v14 =	vadd.f32 v14, v15;
	v15 =	vld.idx.msk [tilespmem:v30+s25+$0x0], $0xffff  }
0x51a: {  	v1 =	vadd.f32 v1, v49;
	v49 =	vunpack.i.l.bf16.f32 v44;
	[tilespmem:s18+$0x0] =	vst v43;
	v43 =	vld.idx.msk [tilespmem:v32+s26+$0x0], $0xffff  }
0x51b: {  	v48 =	vunpack.i.u.bf16.f32 v44;
	v51 =	vmul.f32 v49, v19;
	v47 =	vadd.f32 v14, v13;
	v13 =	vld.idx.msk [tilespmem:v31+s25+$0x0], $0xffff  }
0x51c: {  	v12 =	vunpack.i.l.bf16.f32 v50;
	v26 =	vmul.f32 v48, v20;
	v14 =	vunpack.i.u.bf16.f32 v50;
	v50 =	vld [tilespmem:$0x1FCD0]  }
0x51d: {  	s18 =	sadd.s32 s10, s3;
	v48 =	vunpack.i.l.bf16.f32 v52;
	v49 =	vunpack.i.u.bf16.f32 v52;
	v52 =	vld.idx.msk [tilespmem:v29+s26+$0x0], $0xffff  }
0x51e: {  	v44 =	vadd.f32 v51, v26;
	[tilespmem:s18+$0x0] =	vst v45;
	v45 =	vld [tilespmem:$0x1FD00]  }
0x51f: {  	v12 =	vmul.f32 v12, v63;
	v11 =	vadd.f32 v0, v1;
	s18 =	sadd.s32 s10, s29;
	v29 =	vld.idx.msk [tilespmem:v29+s28+$0x0], $0xffff  }
0x520: {  	[tilespmem:s18+$0x0] =	vst v24;
	s18 =	sadd.s32 s10, s30;
	v14 =	vmul.f32 v14, v17;
	v24 =	vmul.f32 v48, v16;
	v0 =	vadd.f32 v46, v44;
	v44 =	vld [tilespmem:$0x1FCF0]  }
0x521: {  	v48 =	vld [tilespmem:$0x1FD20];
	[tilespmem:s18+$0x0] =	vst v25;
	v25 =	vmul.f32 v49, v9;
	v51 =	vunpack.i.u.bf16.f32 v15;
	v15 =	vunpack.i.l.bf16.f32 v15  }
0x522: {  	s18 =	sadd.s32 s10, s7;
	v49 =	vld.idx.msk [tilespmem:v28+s26+$0x0], $0xffff;
	v12 =	vadd.f32 v12, v14;
	v40 =	vmul.f32 v15, v19;
	v15 =	vmul.f32 v51, v20  }
0x523: {  	v0 =	vadd.f32 v0, v47;
	v24 =	vadd.f32 v24, v25;
	[tilespmem:s18+$0x0] =	vst v50;
	v50 =	vld [tilespmem:$0x1FD30]  }
0x524: {  	v47 =	vunpack.i.l.bf16.f32 v41;
	s18 =	sadd.s32 s10, s8;
	v14 =	vunpack.i.u.bf16.f32 v13;
	v1 =	vadd.f32 v40, v15;
	v15 =	vld [tilespmem:$0x1FD10]  }
0x525: {  	v13 =	vunpack.i.l.bf16.f32 v13;
	[tilespmem:s18+$0x0] =	vst v42;
	s18 =	sadd.s32 s10, s20;
	v12 =	vadd.f32 v24, v12;
	v24 =	vmul.f32 v47, v16;
	v47 =	vld [tilespmem:$0x1FD50]  }
0x526: {  	v13 =	vmul.f32 v13, v18;
	v14 =	vmul.f32 v14, v21;
	[tilespmem:s18+$0x0] =	vst v44;
	v44 =	vld.idx.msk [tilespmem:v30+s26+$0x0], $0xffff  }
0x527: {  	v30 =	vld.idx.msk [tilespmem:v30+s28+$0x0], $0xffff  }
0x528: {  	v51 =	vunpack.i.u.bf16.f32 v43;
	s18 =	sadd.s32 s10, s0;
	v46 =	vadd.f32 v13, v14;
	v14 =	vld.idx.msk [tilespmem:v33+s26+$0x0], $0xffff  }
0x529: {  	v26 =	vunpack.i.u.bf16.f32 v41;
	v25 =	vunpack.i.l.bf16.f32 v43;
	v43 =	vmul.f32 v51, v20;
	[tilespmem:s18+$0x0] =	vst v45;
	s18 =	sadd.s32 s10, s9;
	v45 =	vld [tilespmem:$0x1FD40]  }
0x52a: {  	v42 =	vmul.f32 v25, v19;
	v13 =	vunpack.i.l.bf16.f32 v52;
	[tilespmem:s18+$0x0] =	vst v15;
	s18 =	sadd.s32 s10, s19;
	v15 =	vunpack.i.u.bf16.f32 v52;
	v52 =	vld.idx.msk [tilespmem:v34+s26+$0x0], $0xffff  }
0x52b: {  	v26 =	vmul.f32 v26, v9;
	v27 =	vunpack.i.l.bf16.f32 v49;
	s10 =	sor.u32 $0x20, s5;
	[tilespmem:s18+$0x0] =	vst v48;
	v48 =	vunpack.i.u.bf16.f32 v49;
	v49 =	vld [tilespmem:$0x1FD60]  }
0x52c: {  	v2 =	vadd.f32 v42, v43;
	v42 =	vld.idx.msk [tilespmem:v35+s28+$0x0], $0xffff;
	v13 =	vmul.f32 v13, v63;
	s18 =	sor.u32 s10, s14;
	v15 =	vmul.f32 v15, v17  }
0x52d: {  	v24 =	vadd.f32 v24, v26;
	v1 =	vadd.f32 v46, v1;
	v46 =	vld.idx.msk [tilespmem:v31+s26+$0x0], $0xffff;
	v51 =	vunpack.i.l.bf16.f32 v44;
	[tilespmem:s18+$0x0] =	vst v50;
	s18 =	sor.u32 s10, s15  }
0x52e: {  	v31 =	vld.idx.msk [tilespmem:v31+s28+$0x0], $0xffff;
	[tilespmem:s18+$0x0] =	vst v45;
	v13 =	vadd.f32 v13, v15;
	v15 =	vunpack.i.u.bf16.f32 v14;
	v14 =	vunpack.i.l.bf16.f32 v14;
	s18 =	sor.u32 s10, s17  }
0x52f: {  	v36 =	vunpack.i.u.bf16.f32 v44;
	v44 =	vld.idx.msk [tilespmem:v33+s28+$0x0], $0xffff;
	v14 =	vmul.f32 v14, v18;
	v15 =	vmul.f32 v15, v21;
	[tilespmem:s18+$0x0] =	vst v47;
	s18 =	sor.u32 s10, s31  }
0x530: {  	v27 =	vmul.f32 v27, v63;
	v50 =	vunpack.i.l.bf16.f32 v52;
	v37 =	vunpack.i.u.bf16.f32 v52;
	v52 =	vld [tilespmem:$0x1FD70];
	[tilespmem:s18+$0x0] =	vst v49;
	s18 =	sor.u32 s10, s4  }
0x531: {  	s5 =	sor.u32 $0x30, s5;
	v1 =	vadd.f32 v1, v12;
	v45 =	vld.idx.msk [tilespmem:v28+s28+$0x0], $0xffff;
	v14 =	vadd.f32 v14, v15;
	[tilespmem:s18+$0x0] =	vst v54;
	s18 =	sor.u32 s10, s1  }
0x532: {  	s14 =	sadd.s32 s5, s14;
	v25 =	vmul.f32 v48, v17;
	v40 =	vmul.f32 v51, v19;
	v47 =	vld.idx.msk [tilespmem:v34+s28+$0x0], $0xffff;
	[tilespmem:s18+$0x0] =	vst v53  }
0x533: {  	v12 =	vunpack.i.l.bf16.f32 v29;
	v36 =	vmul.f32 v36, v20;
	s15 =	sadd.s32 s5, s15;
	v2 =	vadd.f32 v14, v2;
	v14 =	vld.idx.msk [tilespmem:v32+s28+$0x0], $0xffff;
	[tilespmem:s14+$0x0] =	vst v23  }
0x534: {  	v12 =	vmul.f32 v12, v63;
	v25 =	vadd.f32 v27, v25;
	s18 =	sor.u32 s10, s2;
	[tilespmem:s15+$0x0] =	vst v22  }
0x535: {  	v26 =	vunpack.i.l.bf16.f32 v46;
	v36 =	vadd.f32 v40, v36;
	v13 =	vadd.f32 v24, v13;
	[tilespmem:s18+$0x0] =	vst v52;
	s18 =	sor.u32 s10, s3  }
0x536: {  	v39 =	vmul.f32 v50, v16;
	v37 =	vmul.f32 v37, v9;
	v53 =	vunpack.i.u.bf16.f32 v46;
	[tilespmem:s18+$0x0] =	vst v55;
	s18 =	sor.u32 s10, s29  }
0x537: {  	v15 =	vmul.f32 v26, v18;
	v26 =	vunpack.i.l.bf16.f32 v42;
	v54 =	vmul.f32 v53, v21;
	[tilespmem:s18+$0x0] =	vst v56;
	s18 =	sor.u32 s10, s30  }
0x538: {  	v49 =	vunpack.i.l.bf16.f32 v44;
	v50 =	vunpack.i.u.bf16.f32 v44;
	v55 =	vadd.f32 v39, v37;
	[tilespmem:s18+$0x0] =	vst v57;
	s18 =	sor.u32 s10, s7  }
0x539: {  	v26 =	vmul.f32 v26, v16;
	v46 =	vunpack.i.u.bf16.f32 v42;
	v15 =	vadd.f32 v15, v54;
	[tilespmem:s18+$0x0] =	vst v58;
	s18 =	sor.u32 s10, s8  }
0x53a: {  	v51 =	vmul.f32 v49, v18;
	v27 =	vmul.f32 v46, v9;
	v43 =	vadd.f32 v55, v25;
	[tilespmem:s18+$0x0] =	vst v59;
	s18 =	sor.u32 s10, s20  }
0x53b: {  	v15 =	vadd.f32 v15, v36;
	v48 =	vunpack.i.l.bf16.f32 v14;
	v14 =	vunpack.i.u.bf16.f32 v14;
	[tilespmem:s18+$0x0] =	vst v62;
	s18 =	sor.u32 s10, s0  }
0x53c: {  	v2 =	vadd.f32 v2, v13;
	v54 =	vunpack.i.l.bf16.f32 v45;
	v14 =	vmul.f32 v14, v20;
	[tilespmem:s18+$0x0] =	vst v61;
	s18 =	sor.u32 s10, s9  }
0x53d: {  	v13 =	vadd.f32 v15, v43;
	v15 =	vunpack.i.u.bf16.f32 v29;
	v29 =	vmul.f32 v48, v19;
	s10 =	sor.u32 s10, s19;
	[tilespmem:s18+$0x0] =	vst v60  }
0x53e: {  	v52 =	vmul.f32 v50, v21;
	v56 =	vunpack.i.u.bf16.f32 v47;
	v55 =	vmul.f32 v54, v63;
	s18 =	sadd.s32 s5, s17;
	[tilespmem:s10+$0x0] =	vst v38  }
0x53f: {  	s31 =	sadd.s32 s5, s31;
	v57 =	vunpack.i.u.bf16.f32 v30;
	v53 =	vadd.f32 v29, v14;
	v14 =	vunpack.i.u.bf16.f32 v45;
	[tilespmem:s18+$0x0] =	vst v3  }
0x540: {  	s4 =	sadd.s32 s5, s4;
	v15 =	vmul.f32 v15, v17;
	v14 =	vmul.f32 v14, v17;
	v17 =	vunpack.i.l.bf16.f32 v47;
	[tilespmem:s31+$0x0] =	vst v4  }
0x541: {  	s1 =	sadd.s32 s5, s1;
	v59 =	vunpack.i.u.bf16.f32 v31;
	v16 =	vmul.f32 v17, v16;
	v17 =	vunpack.i.l.bf16.f32 v30;
	[tilespmem:s4+$0x0] =	vst v5  }
0x542: {  	s2 =	sadd.s32 s5, s2;
	v12 =	vadd.f32 v12, v15;
	v58 =	vmul.f32 v17, v19;
	v17 =	vunpack.i.l.bf16.f32 v31;
	[tilespmem:s1+$0x0] =	vst v6  }
0x543: {  	v15 =	vadd.f32 v26, v27;
	v5 =	vmul.f32 v56, v9;
	s4 =	sadd.s32 s5, s3;
	v17 =	vmul.f32 v17, v18;
	[tilespmem:s2+$0x0] =	vst v7  }
0x544: {  	v60 =	vadd.f32 v51, v52;
	s10 =	sadd.s32 s5, s29;
	v6 =	vmul.f32 v57, v20;
	v7 =	vmul.f32 v59, v21;
	[tilespmem:s4+$0x0] =	vst v8  }
0x545: {  	s14 =	sadd.s32 s5, s30;
	v4 =	vadd.f32 v55, v14;
	v5 =	vadd.f32 v16, v5;
	[tilespmem:s10+$0x0] =	vst v10  }
0x546: {  	s6 =	sadd.s32 $0x4, s6;
	s15 =	sadd.s32 s5, s7;
	v6 =	vadd.f32 v58, v6;
	v7 =	vadd.f32 v17, v7;
	[tilespmem:s14+$0x0] =	vst v11  }
0x547: {  	p0 =	slt.u32 s6, $0x4C;
	s17 =	sadd.s32 s5, s8;
	v61 =	vadd.f32 v15, v12;
	v3 =	vadd.f32 v60, v53;
	[tilespmem:s15+$0x0] =	vst v0  }
.Ltmp8:
0x548: {  	s18 =	sadd.s32 s5, s20;
	v62 =	vadd.f32 v5, v4;
	v63 =	vadd.f32 v7, v6;
	[tilespmem:s17+$0x0] =	vst v1;
	(pc) =	sbr.rel @p0 .LBB2_9-.Ltmp8, $4  }
0x549: {  	s0 =	sadd.s32 s5, s0;
	v0 =	vadd.f32 v3, v61;
	[tilespmem:s18+$0x0] =	vst v2  }
0x54a: {  	s11 =	sadd.s32 $0x40, s11;
	s30 =	rddreg [dreg:$0x13];
	s20 =	sadd.s32 s5, s9;
	v1 =	vadd.f32 v63, v62;
	[tilespmem:s0+$0x0] =	vst v13  }
0x54b: {  	s12 =	sadd.s32 $0x40, s12;
	v40 =	vld [tilespmem:$0x1FF10];
	s29 =	sadd.s32 s5, s19;
	s31 =	rddreg [dreg:$0x12];
	[tilespmem:s20+$0x0] =	vst v0  }
0x54c: {  	s13 =	sadd.s32 $0x40, s13;
	v15 =	vld [tilespmem:$0x1FF00];
	s5 =	sadd.s32 $0x200, s30;
	s0 =	sadd.s32 $0x40, s31;
	[tilespmem:s29+$0x0] =	vst v1  }
.Ltmp9:
0x54d: {  	_ = 	snop;
	(pc) =	sbr.rel .LBB2_10-.Ltmp9, $1  }
0x54e: {  	_ =	sdelay $0x3  }
.LBB2_13:
0x54f: {  	_ =	sfence.sel $0x180000  }
0x550: {  	[bflag:$0x0] =	sbarrier.arrive $0xFFFF  }
0x551: {  	_ =	strace $0x90000047  }
0x552: {  	s0 =	stileid.u32;
	[bflag:$0x2] =	sbarrier.arrive $0xFFFF  }
0x553: {  	p0 =	sne.s32 s0, $0x0;
	s0 =	rddreg [dreg:$0x5]  }
0x554: {  	s0 =	sadd.s32 @!p0 $0x100000, s0  }
0x555: {  	[sflag:s0] =	ssyncadd.tile.s32 @!p0 $0x1;
	_ =	shalt  }
.Lfunc_end2:
_tile_overlayer_lowered:
.L_overlay_start_2:
0x556: {  	(tag) =	ssettag $0x2  }
0x557: {  	s0 =	rddreg [dreg:$0x0];
	s2 =	stileid.u32  }
0x558: {  	s1 =	rddreg [dreg:$0x1];
	p0 =	sne.s32 s2, $0x0  }
0x559: {  	s3 =	rddreg [dreg:$0x2];
	[bflag:$0x3] =	sbarrier.arrive $0xFFFF;
	s2 =	simm.s32 @!p0 $0x1C05  }
0x55a: {  	[timem:s3], [sflag:s2] =	dma.local @!p0 [hbm:s0], s1  }
0x55b: {  	s0 =	simm.s32 @!p0 $0x5  }
0x55c: {  	_ =	swait.ge @!p0 [sflag:s0], s1  }
0x55d: {  	s1 =	ssub.s32 @!p0 $0x0, s1;
	[sflag:s0] =	ssyncset.done @!p0 $0x0  }
0x55e: {  	[sflag:s0] =	ssyncadd.s32 @!p0 s1  }
0x55f: {  	[bflag:$0x3] =	sbarrier.arrive $0xFFFF  }
0x560: {  	_ =	shalt  }

</sc_bundles>
